<compile_context>
chip_gen: v7x
topology: tpu7x:2x2x1
jax: 0.10.2.dev20260603
libtpu: 0.0.44.dev20260713+nightly
codegen_flags: <defaults>
</compile_context>

<pallas_src>
import jax
import jax.numpy as jnp
from jax import lax
from jax.experimental import pallas as pl
from jax.experimental.pallas import tpu as pltpu
from jax.experimental.pallas import tpu_sc as plsc

H = W = 512
N = 2 * H * W
NC = N - N // 8
NQ = 8 * 3 * H * W
NW = 32
QPW = NQ // NW
CHUNK = 4096
NCHUNK = QPW // CHUNK
NVREG = CHUNK // 16
PRE = N // 8


def _comp(i):
    return i - (i >> 3) - jnp.int32(1)


def _bucketize_body(q_hbm, bndc_hbm, pre_hbm, res_hbm,
                    pre_v, qbuf, lbuf, midb, idx2b, cmpb, cmp2b, sbnd,
                    semA, semB):
    cid = lax.axis_index("c")
    sid = lax.axis_index("s")
    wid = sid * 2 + cid

    pltpu.sync_copy(pre_hbm, pre_v)

    @pl.when(sid == 0)
    def _stage():
        pltpu.sync_copy(bndc_hbm, sbnd)

    plsc.subcore_barrier()

    HC = CHUNK // 2
    HV = HC // 16
    sems = [semA, semB]

    def half(ref, h):
        return ref.at[pl.ds(pl.multiple_of(h * HC, HC), HC)]

    def fire(h, pairs):
        return [pltpu.async_copy(table.at[half(idx, h)], half(dst, h), sems[h])
                for table, idx, dst in pairs]

    def _hoist(idx):
        return plsc.load_gather(pre_v, [jnp.full((16,), idx, jnp.int32)])

    I0 = 1 << 15
    t_l0 = _hoist(I0)
    t_l1 = [_hoist(I0 + s1 * (1 << 14)) for s1 in (-1, 1)]
    t_l2 = [[_hoist(I0 + s1 * (1 << 14) + s2 * (1 << 13)) for s2 in (-1, 1)]
            for s1 in (-1, 1)]

    def pass_prefix(j):
        off = pl.multiple_of(j * 16, 16)
        q = qbuf[pl.ds(off, 16)]
        c0 = q > t_l0
        i = jnp.full((16,), I0, jnp.int32)
        i = i + jnp.where(c0, jnp.int32(1 << 14), jnp.int32(-(1 << 14)))
        c1 = q > jnp.where(c0, t_l1[1], t_l1[0])
        i = i + jnp.where(c1, jnp.int32(1 << 13), jnp.int32(-(1 << 13)))
        t2 = jnp.where(c0, jnp.where(c1, t_l2[1][1], t_l2[1][0]),
                       jnp.where(c1, t_l2[0][1], t_l2[0][0]))
        c2 = q > t2
        i = i + jnp.where(c2, jnp.int32(1 << 12), jnp.int32(-(1 << 12)))
        for d in range(3, 15):
            t = plsc.load_gather(pre_v, [i])
            c = q > t
            a = jnp.int32(1 << (14 - d))
            i = i + jnp.where(c, a, -a)
        t = plsc.load_gather(pre_v, [i])
        c = q > t
        p = i + jnp.where(c, jnp.int32(0), jnp.int32(-1))
        lbuf[pl.ds(off, 16)] = p << 3
        midb[pl.ds(off, 16)] = p * jnp.int32(7) + jnp.int32(3)

    def pass_d16(j):
        off = pl.multiple_of(j * 16, 16)
        q = qbuf[pl.ds(off, 16)]
        l = lbuf[pl.ds(off, 16)]
        t = cmpb[pl.ds(off, 16)]
        l = l + jnp.where(q > t, jnp.int32(4), jnp.int32(0))
        lbuf[pl.ds(off, 16)] = l
        midb[pl.ds(off, 16)] = _comp(l + jnp.int32(2))

    def pass_d17(j):
        off = pl.multiple_of(j * 16, 16)
        q = qbuf[pl.ds(off, 16)]
        l = lbuf[pl.ds(off, 16)]
        t = cmpb[pl.ds(off, 16)]
        l = l + jnp.where(q > t, jnp.int32(2), jnp.int32(0))
        lbuf[pl.ds(off, 16)] = l
        midb[pl.ds(off, 16)] = _comp(l + jnp.int32(1))
        m8 = (l & jnp.int32(7)) == jnp.int32(0)
        idx2b[pl.ds(off, 16)] = jnp.where(m8, jnp.int32(0), _comp(l))

    def pass_final(j):
        off = pl.multiple_of(j * 16, 16)
        q = qbuf[pl.ds(off, 16)]
        l = lbuf[pl.ds(off, 16)]
        t1 = cmpb[pl.ds(off, 16)]
        t0g = cmp2b[pl.ds(off, 16)]
        m8 = (l & jnp.int32(7)) == jnp.int32(0)
        t_pre = plsc.load_gather(pre_v, [l >> 3])
        t0 = jnp.where(m8, t_pre, t0g)
        c = q > t1
        l = l + c.astype(jnp.int32)
        tf = jnp.where(c, t1, t0)
        res = l + (q > tf).astype(jnp.int32)
        midb[pl.ds(off, 16)] = jnp.minimum(res, jnp.int32(N - 1))

    R1 = [(sbnd, midb, cmpb)]
    R2 = [(sbnd, midb, cmpb)]
    R3 = [(sbnd, midb, cmpb),
          (sbnd, idx2b, cmp2b)]

    def run(h, pass_fn, unroll=8):
        plsc.parallel_loop(h * HV, (h + 1) * HV, unroll=unroll)(pass_fn)

    def drain(cps):
        for cp in cps:
            cp.wait()

    def chunk_body(ch, _):
        base = pl.multiple_of(wid * QPW + ch * CHUNK, CHUNK)
        pltpu.sync_copy(q_hbm.at[pl.ds(base, CHUNK)], qbuf)
        run(0, pass_prefix, 16)
        a = fire(0, R1)
        run(1, pass_prefix, 16)
        b = fire(1, R1)
        drain(a)
        run(0, pass_d16)
        a = fire(0, R2)
        drain(b)
        run(1, pass_d16)
        b = fire(1, R2)
        drain(a)
        run(0, pass_d17)
        a = fire(0, R3)
        drain(b)
        run(1, pass_d17)
        b = fire(1, R3)
        drain(a)
        run(0, pass_final)
        drain(b)
        run(1, pass_final)
        pltpu.sync_copy(midb, res_hbm.at[pl.ds(base, CHUNK)])
        return 0

    lax.fori_loop(0, NCHUNK, chunk_body, 0)


def _values_body(res_hbm, val_hbm, out_hbm, rbuf, obuf, sval, sem):
    cid = lax.axis_index("c")
    sid = lax.axis_index("s")
    wid = sid * 2 + cid

    @pl.when(sid == 0)
    def _stage():
        pltpu.sync_copy(val_hbm, sval)

    plsc.subcore_barrier()

    def chunk_body(ch, _):
        base = pl.multiple_of(wid * QPW + ch * CHUNK, CHUNK)
        pltpu.sync_copy(res_hbm.at[pl.ds(base, CHUNK)], rbuf)
        pltpu.async_copy(sval.at[rbuf], obuf, sem).wait()
        pltpu.sync_copy(obuf, out_hbm.at[pl.ds(base, CHUNK)])
        return 0

    lax.fori_loop(0, NCHUNK, chunk_body, 0)


@jax.jit
def kernel(image, yx_res):
    b, c, h, w = yx_res.shape
    xs = (jnp.arange(w, dtype=jnp.float32) / (w - 1)) * 2.0 - 1.0
    ys = (jnp.arange(h, dtype=jnp.float32) / (h - 1)) * 2.0 - 1.0
    xm = jnp.broadcast_to(xs[None, :], (h, w))
    ym = jnp.broadcast_to(ys[:, None], (h, w))
    bnd = jnp.stack([xm + yx_res[0, 0], ym + yx_res[0, 1]], axis=-1).ravel()
    val = jnp.stack([xm + yx_res[1, 0], ym + yx_res[1, 1]], axis=-1).ravel()
    bnd8 = bnd.reshape(PRE, 8)
    pre = bnd8[:, 0]
    bndc = bnd8[:, 1:].reshape(NC)
    qflat = image.ravel()

    mesh = plsc.VectorSubcoreMesh(core_axis_name="c", subcore_axis_name="s")
    res = pl.kernel(
        _bucketize_body,
        out_type=jax.ShapeDtypeStruct((NQ,), jnp.int32),
        mesh=mesh,
        compiler_params=pltpu.CompilerParams(needs_layout_passes=False),
        scratch_types=[
            pltpu.VMEM((PRE,), jnp.float32),
            pltpu.VMEM((CHUNK,), jnp.float32),
            pltpu.VMEM((CHUNK,), jnp.int32),
            pltpu.VMEM((CHUNK,), jnp.int32),
            pltpu.VMEM((CHUNK,), jnp.int32),
            pltpu.VMEM((CHUNK,), jnp.float32),
            pltpu.VMEM((CHUNK,), jnp.float32),
            pltpu.VMEM_SHARED((NC,), jnp.float32),
            pltpu.SemaphoreType.DMA,
            pltpu.SemaphoreType.DMA,
        ],
    )(qflat, bndc, pre)

    out = pl.kernel(
        _values_body,
        out_type=jax.ShapeDtypeStruct((NQ,), jnp.float32),
        mesh=mesh,
        compiler_params=pltpu.CompilerParams(needs_layout_passes=False),
        scratch_types=[
            pltpu.VMEM((CHUNK,), jnp.int32),
            pltpu.VMEM((CHUNK,), jnp.float32),
            pltpu.VMEM_SHARED((N,), jnp.float32),
            pltpu.SemaphoreType.DMA,
        ],
    )(res, val)
    return out.reshape(image.shape)

# --- scband reference (transcript-rebuilt; emitter-appended) ---
"""Pipeline reference for scband-remap-70669391888609 (READ-ONLY COPY).

The authoritative reference and input builder live on the scoring server;
editing this copy changes nothing except your own understanding.
"""

import jax, jax.numpy as jnp
import numpy as np


def setup_inputs(seed: int = 0) -> dict:
    key = jax.random.key(seed)
    k1, k2 = jax.random.split(key)
    image = jax.random.normal(k1, (8, 3, 512, 512), dtype=jnp.float32)
    yx_res = jax.random.normal(k2, (8, 2, 512, 512), dtype=jnp.float32)
    return {"image": image, "yx_res": yx_res}


def _create_std(b, h, w):
    ys = (jnp.arange(h, dtype=jnp.float32) / (h - 1)) * 2.0 - 1.0
    xs = (jnp.arange(w, dtype=jnp.float32) / (w - 1)) * 2.0 - 1.0
    y_map, x_map = jnp.meshgrid(ys, xs, indexing='ij')
    std = jnp.concatenate([x_map[None, :, :, None], y_map[None, :, :, None]], axis=-1)  # [1,h,w,2]
    std_map = jnp.tile(std, (b, 1, 1, 1))  # [b,h,w,2]
    return std_map


def reference(image, yx_res):
    # Faithful translation of Remap.forward:
    #   std_map = normalized meshgrid in [-1,1], shape [b,h,w,2] (x,y channel order)
    #   indxe_map = std_map + yx_res.permute(0,2,3,1)
    #   remap_values: bucketize image values against indxe_map[0] (flattened, treated
    #   as the 1-D boundary sequence torch.bucketize requires), then gather from
    #   indxe_map[1] (flattened) and reshape to image's shape.
    b, _, h, w = yx_res.shape
    std_map = _create_std(b, h, w)
    indxe_map = std_map + jnp.transpose(yx_res, (0, 2, 3, 1))  # [b,h,w,2]
    boundaries = indxe_map[0].ravel()  # [h*w*2]
    values = indxe_map[1].ravel()      # [h*w*2]
    # torch.bucketize(x, boundaries) with right=False == searchsorted side='left'
    idx = jnp.searchsorted(boundaries, image.ravel(), side='left')
    idx = jnp.clip(idx, 0, values.shape[0] - 1)
    out = values[idx].reshape(image.shape)
    return out

if __name__ == "__main__":
    import jax
    _d = setup_inputs()
    print(jax.jit(kernel)(*tuple(_d.values())))

</pallas_src>

<mosaic_0001>
#map = affine_map<(d0, d1) -> (0)>
module attributes {stable_mosaic.version = 14 : i64} {
  func.func @_bucketize_body(%arg0: i32, %arg1: i32, %arg2: memref<6291456xf32, #tpu.memory_space<hbm>>, %arg3: memref<458752xf32, #tpu.memory_space<hbm>>, %arg4: memref<65536xf32, #tpu.memory_space<hbm>>, %arg5: memref<6291456xi32, #tpu.memory_space<hbm>>, %arg6: memref<65536xf32, #tpu.memory_space<vmem>>, %arg7: memref<4096xf32, #tpu.memory_space<vmem>>, %arg8: memref<4096xi32, #tpu.memory_space<vmem>>, %arg9: memref<4096xi32, #tpu.memory_space<vmem>>, %arg10: memref<4096xi32, #tpu.memory_space<vmem>>, %arg11: memref<4096xf32, #tpu.memory_space<vmem>>, %arg12: memref<4096xf32, #tpu.memory_space<vmem>>, %arg13: memref<458752xf32, #tpu.memory_space<vmem_shared>>, %arg14: memref<!tpu.dma_semaphore, #tpu.memory_space<semaphore_mem>>, %arg15: memref<!tpu.dma_semaphore, #tpu.memory_space<semaphore_mem>>) attributes {dimension_semantics = [#tpu.dimension_semantics<core_parallel>, #tpu.dimension_semantics<subcore_parallel>], iteration_bounds = array<i64: 2, 16>, scalar_prefetch = 0 : i64, scratch_operands = 10 : i64, tpu.core_type = #tpu.core_type<sc_vector_subcore>, window_params = [{transform_indices = #map}, {transform_indices = #map}, {transform_indices = #map}, {transform_indices = #map}]} {
    %mul3A = arith.constant 2 : i32
    %mul3A_0 = arith.muli %arg1, %mul3A : i32
    %add3A = arith.addi %mul3A_0, %arg0 : i32
    "tpu.region"() ({
      %run_scoped3A = tpu.sem_alloc : memref<!tpu.dma_semaphore, #tpu.memory_space<semaphore_mem>>
      tpu.enqueue_dma source(%arg4 : memref<65536xf32, #tpu.memory_space<hbm>>) target(%arg6 : memref<65536xf32, #tpu.memory_space<vmem>>) target_semaphore(%run_scoped3A : memref<!tpu.dma_semaphore, #tpu.memory_space<semaphore_mem>>)
      tpu.wait_dma2 semaphore(%run_scoped3A : memref<!tpu.dma_semaphore, #tpu.memory_space<semaphore_mem>>) src(%arg4 : memref<65536xf32, #tpu.memory_space<hbm>>) dst(%arg6 : memref<65536xf32, #tpu.memory_space<vmem>>)
      tpu.yield
    }) : () -> ()
    %eq3A = arith.constant 0 : i32
    %eq3A_1 = arith.cmpi eq, %arg1, %eq3A : i32
    %convert_element_type3A = arith.extui %eq3A_1 : i1 to i32
    %cond3A = arith.constant 0 : i32
    %cond3A_2 = arith.cmpi ne, %convert_element_type3A, %cond3A : i32
    scf.if %cond3A_2 {
      "tpu.region"() ({
        %run_scoped3A = tpu.sem_alloc : memref<!tpu.dma_semaphore, #tpu.memory_space<semaphore_mem>>
        tpu.enqueue_dma source(%arg3 : memref<458752xf32, #tpu.memory_space<hbm>>) target(%arg13 : memref<458752xf32, #tpu.memory_space<vmem_shared>>) target_semaphore(%run_scoped3A : memref<!tpu.dma_semaphore, #tpu.memory_space<semaphore_mem>>)
        tpu.wait_dma2 semaphore(%run_scoped3A : memref<!tpu.dma_semaphore, #tpu.memory_space<semaphore_mem>>) src(%arg3 : memref<458752xf32, #tpu.memory_space<hbm>>) dst(%arg13 : memref<458752xf32, #tpu.memory_space<vmem_shared>>)
        tpu.yield
      }) : () -> ()
    } else {
    }
    %barrier3A = arith.constant 0 : index
    tpu.barrier barrier_id(%barrier3A)
    %broadcast_in_dim3A = arith.constant 32768 : i32
    %broadcast_in_dim3A_3 = vector.broadcast %broadcast_in_dim3A : i32 to vector<16xi32>
    %gather3A = tpu.vector_load_idx %arg6[%broadcast_in_dim3A_3] : memref<65536xf32, #tpu.memory_space<vmem>>[vector<16xi32>], vector<16xf32>,
    %broadcast_in_dim3A_4 = arith.constant 16384 : i32
    %broadcast_in_dim3A_5 = vector.broadcast %broadcast_in_dim3A_4 : i32 to vector<16xi32>
    %gather3A_6 = tpu.vector_load_idx %arg6[%broadcast_in_dim3A_5] : memref<65536xf32, #tpu.memory_space<vmem>>[vector<16xi32>], vector<16xf32>,
    %broadcast_in_dim3A_7 = arith.constant 49152 : i32
    %broadcast_in_dim3A_8 = vector.broadcast %broadcast_in_dim3A_7 : i32 to vector<16xi32>
    %gather3A_9 = tpu.vector_load_idx %arg6[%broadcast_in_dim3A_8] : memref<65536xf32, #tpu.memory_space<vmem>>[vector<16xi32>], vector<16xf32>,
    %broadcast_in_dim3A_10 = arith.constant 8192 : i32
    %broadcast_in_dim3A_11 = vector.broadcast %broadcast_in_dim3A_10 : i32 to vector<16xi32>
    %gather3A_12 = tpu.vector_load_idx %arg6[%broadcast_in_dim3A_11] : memref<65536xf32, #tpu.memory_space<vmem>>[vector<16xi32>], vector<16xf32>,
    %broadcast_in_dim3A_13 = arith.constant 24576 : i32
    %broadcast_in_dim3A_14 = vector.broadcast %broadcast_in_dim3A_13 : i32 to vector<16xi32>
    %gather3A_15 = tpu.vector_load_idx %arg6[%broadcast_in_dim3A_14] : memref<65536xf32, #tpu.memory_space<vmem>>[vector<16xi32>], vector<16xf32>,
    %broadcast_in_dim3A_16 = arith.constant 40960 : i32
    %broadcast_in_dim3A_17 = vector.broadcast %broadcast_in_dim3A_16 : i32 to vector<16xi32>
    %gather3A_18 = tpu.vector_load_idx %arg6[%broadcast_in_dim3A_17] : memref<65536xf32, #tpu.memory_space<vmem>>[vector<16xi32>], vector<16xf32>,
    %broadcast_in_dim3A_19 = arith.constant 57344 : i32
    %broadcast_in_dim3A_20 = vector.broadcast %broadcast_in_dim3A_19 : i32 to vector<16xi32>
    %gather3A_21 = tpu.vector_load_idx %arg6[%broadcast_in_dim3A_20] : memref<65536xf32, #tpu.memory_space<vmem>>[vector<16xi32>], vector<16xf32>,
    %scan3A = arith.constant 0 : i32
    %scan3A_22 = arith.constant 0 : i32
    %scan3A_23 = arith.constant 48 : i32
    %scan3A_24 = arith.addi %scan3A_22, %scan3A_23 : i32
    %scan3A_25 = arith.constant 1 : i32
    %scan3A_26 = scf.for %scan3A_28 = %scan3A_22 to %scan3A_24 step %scan3A_25 iter_args(%scan3A_29 = %scan3A) -> (i32)  : i32 {
      %mul3A_30 = arith.constant 196608 : i32
      %mul3A_31 = arith.muli %add3A, %mul3A_30 : i32
      %mul3A_32 = arith.constant 4096 : i32
      %mul3A_33 = arith.muli %scan3A_28, %mul3A_32 : i32
      %add3A_34 = arith.addi %mul3A_31, %mul3A_33 : i32
      %multiple_of3A = tpu.assume_multiple %add3A_34, 4096 : i32
      "tpu.region"() ({
        %run_scoped3A = tpu.sem_alloc : memref<!tpu.dma_semaphore, #tpu.memory_space<semaphore_mem>>
        %dma_start3A_153 = tpu.memref_slice %arg2[%multiple_of3A] : memref<6291456xf32, #tpu.memory_space<hbm>> -> memref<4096xf32, #tpu.memory_space<hbm>>
        %dma_start3A_154 = tpu.memref_slice %arg2[%multiple_of3A] : memref<6291456xf32, #tpu.memory_space<hbm>> -> memref<4096xf32, #tpu.memory_space<hbm>>
        tpu.enqueue_dma source(%dma_start3A_154 : memref<4096xf32, #tpu.memory_space<hbm>>) target(%arg7 : memref<4096xf32, #tpu.memory_space<vmem>>) target_semaphore(%run_scoped3A : memref<!tpu.dma_semaphore, #tpu.memory_space<semaphore_mem>>)
        %dma_wait3A_155 = tpu.memref_slice %arg2[%multiple_of3A] : memref<6291456xf32, #tpu.memory_space<hbm>> -> memref<4096xf32, #tpu.memory_space<hbm>>
        %dma_wait3A_156 = tpu.memref_slice %arg2[%multiple_of3A] : memref<6291456xf32, #tpu.memory_space<hbm>> -> memref<4096xf32, #tpu.memory_space<hbm>>
        tpu.wait_dma2 semaphore(%run_scoped3A : memref<!tpu.dma_semaphore, #tpu.memory_space<semaphore_mem>>) src(%dma_wait3A_156 : memref<4096xf32, #tpu.memory_space<hbm>>) dst(%arg7 : memref<4096xf32, #tpu.memory_space<vmem>>)
        tpu.yield
      }) : () -> ()
      %parallel_loop3A = arith.constant 0 : i32
      %parallel_loop3A_35 = arith.constant 128 : i32
      %parallel_loop3A_36 = arith.constant 1 : i32
      scf.for %parallel_loop3A_153 = %parallel_loop3A to %parallel_loop3A_35 step %parallel_loop3A_36  : i32 {
        %parallel_loop3A_154 = arith.constant 16 : i32
        %parallel_loop3A_155 = arith.muli %parallel_loop3A_153, %parallel_loop3A_154 : i32
        %parallel_loop3A_156 = tpu.assume_multiple %parallel_loop3A_155, 16 : i32
        %parallel_loop3A_157 = arith.index_cast %parallel_loop3A_156 : i32 to index
        %parallel_loop3A_158 = tpu.vector_load %arg7[%parallel_loop3A_157] {strides = array<i32>} : memref<4096xf32, #tpu.memory_space<vmem>>, vector<16xf32>,
        %parallel_loop3A_159 = arith.cmpf ogt, %parallel_loop3A_158, %gather3A : vector<16xf32>
        %parallel_loop3A_160 = arith.constant 32768 : i32
        %parallel_loop3A_161 = vector.broadcast %parallel_loop3A_160 : i32 to vector<16xi32>
        %parallel_loop3A_162 = arith.constant 16384 : i32
        %parallel_loop3A_163 = arith.constant -16384 : i32
        %parallel_loop3A_164 = vector.broadcast %parallel_loop3A_162 : i32 to vector<16xi32>
        %parallel_loop3A_165 = vector.broadcast %parallel_loop3A_163 : i32 to vector<16xi32>
        %parallel_loop3A_166 = arith.select %parallel_loop3A_159, %parallel_loop3A_164, %parallel_loop3A_165 : vector<16xi1>, vector<16xi32>
        %parallel_loop3A_167 = arith.addi %parallel_loop3A_161, %parallel_loop3A_166 : vector<16xi32>
        %parallel_loop3A_168 = arith.select %parallel_loop3A_159, %gather3A_9, %gather3A_6 : vector<16xi1>, vector<16xf32>
        %parallel_loop3A_169 = arith.cmpf ogt, %parallel_loop3A_158, %parallel_loop3A_168 : vector<16xf32>
        %parallel_loop3A_170 = arith.constant 8192 : i32
        %parallel_loop3A_171 = arith.constant -8192 : i32
        %parallel_loop3A_172 = vector.broadcast %parallel_loop3A_170 : i32 to vector<16xi32>
        %parallel_loop3A_173 = vector.broadcast %parallel_loop3A_171 : i32 to vector<16xi32>
        %parallel_loop3A_174 = arith.select %parallel_loop3A_169, %parallel_loop3A_172, %parallel_loop3A_173 : vector<16xi1>, vector<16xi32>
        %parallel_loop3A_175 = arith.addi %parallel_loop3A_167, %parallel_loop3A_174 : vector<16xi32>
        %parallel_loop3A_176 = arith.select %parallel_loop3A_169, %gather3A_21, %gather3A_18 : vector<16xi1>, vector<16xf32>
        %parallel_loop3A_177 = arith.select %parallel_loop3A_169, %gather3A_15, %gather3A_12 : vector<16xi1>, vector<16xf32>
        %parallel_loop3A_178 = arith.select %parallel_loop3A_159, %parallel_loop3A_176, %parallel_loop3A_177 : vector<16xi1>, vector<16xf32>
        %parallel_loop3A_179 = arith.cmpf ogt, %parallel_loop3A_158, %parallel_loop3A_178 : vector<16xf32>
        %parallel_loop3A_180 = arith.constant 4096 : i32
        %parallel_loop3A_181 = arith.constant -4096 : i32
        %parallel_loop3A_182 = vector.broadcast %parallel_loop3A_180 : i32 to vector<16xi32>
        %parallel_loop3A_183 = vector.broadcast %parallel_loop3A_181 : i32 to vector<16xi32>
        %parallel_loop3A_184 = arith.select %parallel_loop3A_179, %parallel_loop3A_182, %parallel_loop3A_183 : vector<16xi1>, vector<16xi32>
        %parallel_loop3A_185 = arith.addi %parallel_loop3A_175, %parallel_loop3A_184 : vector<16xi32>
        %parallel_loop3A_186 = tpu.vector_load_idx %arg6[%parallel_loop3A_185] : memref<65536xf32, #tpu.memory_space<vmem>>[vector<16xi32>], vector<16xf32>,
        %parallel_loop3A_187 = arith.cmpf ogt, %parallel_loop3A_158, %parallel_loop3A_186 : vector<16xf32>
        %parallel_loop3A_188 = arith.constant 0 : i32
        %parallel_loop3A_189 = arith.constant 2048 : i32
        %parallel_loop3A_190 = arith.subi %parallel_loop3A_188, %parallel_loop3A_189 : i32
        %parallel_loop3A_191 = arith.constant 2048 : i32
        %parallel_loop3A_192 = vector.broadcast %parallel_loop3A_191 : i32 to vector<16xi32>
        %parallel_loop3A_193 = vector.broadcast %parallel_loop3A_190 : i32 to vector<16xi32>
        %parallel_loop3A_194 = arith.select %parallel_loop3A_187, %parallel_loop3A_192, %parallel_loop3A_193 : vector<16xi1>, vector<16xi32>
        %parallel_loop3A_195 = arith.addi %parallel_loop3A_185, %parallel_loop3A_194 : vector<16xi32>
        %parallel_loop3A_196 = tpu.vector_load_idx %arg6[%parallel_loop3A_195] : memref<65536xf32, #tpu.memory_space<vmem>>[vector<16xi32>], vector<16xf32>,
        %parallel_loop3A_197 = arith.cmpf ogt, %parallel_loop3A_158, %parallel_loop3A_196 : vector<16xf32>
        %parallel_loop3A_198 = arith.constant 0 : i32
        %parallel_loop3A_199 = arith.constant 1024 : i32
        %parallel_loop3A_200 = arith.subi %parallel_loop3A_198, %parallel_loop3A_199 : i32
        %parallel_loop3A_201 = arith.constant 1024 : i32
        %parallel_loop3A_202 = vector.broadcast %parallel_loop3A_201 : i32 to vector<16xi32>
        %parallel_loop3A_203 = vector.broadcast %parallel_loop3A_200 : i32 to vector<16xi32>
        %parallel_loop3A_204 = arith.select %parallel_loop3A_197, %parallel_loop3A_202, %parallel_loop3A_203 : vector<16xi1>, vector<16xi32>
        %parallel_loop3A_205 = arith.addi %parallel_loop3A_195, %parallel_loop3A_204 : vector<16xi32>
        %parallel_loop3A_206 = tpu.vector_load_idx %arg6[%parallel_loop3A_205] : memref<65536xf32, #tpu.memory_space<vmem>>[vector<16xi32>], vector<16xf32>,
        %parallel_loop3A_207 = arith.cmpf ogt, %parallel_loop3A_158, %parallel_loop3A_206 : vector<16xf32>
        %parallel_loop3A_208 = arith.constant 0 : i32
        %parallel_loop3A_209 = arith.constant 512 : i32
        %parallel_loop3A_210 = arith.subi %parallel_loop3A_208, %parallel_loop3A_209 : i32
        %parallel_loop3A_211 = arith.constant 512 : i32
        %parallel_loop3A_212 = vector.broadcast %parallel_loop3A_211 : i32 to vector<16xi32>
        %parallel_loop3A_213 = vector.broadcast %parallel_loop3A_210 : i32 to vector<16xi32>
        %parallel_loop3A_214 = arith.select %parallel_loop3A_207, %parallel_loop3A_212, %parallel_loop3A_213 : vector<16xi1>, vector<16xi32>
        %parallel_loop3A_215 = arith.addi %parallel_loop3A_205, %parallel_loop3A_214 : vector<16xi32>
        %parallel_loop3A_216 = tpu.vector_load_idx %arg6[%parallel_loop3A_215] : memref<65536xf32, #tpu.memory_space<vmem>>[vector<16xi32>], vector<16xf32>,
        %parallel_loop3A_217 = arith.cmpf ogt, %parallel_loop3A_158, %parallel_loop3A_216 : vector<16xf32>
        %parallel_loop3A_218 = arith.constant 0 : i32
        %parallel_loop3A_219 = arith.constant 256 : i32
        %parallel_loop3A_220 = arith.subi %parallel_loop3A_218, %parallel_loop3A_219 : i32
        %parallel_loop3A_221 = arith.constant 256 : i32
        %parallel_loop3A_222 = vector.broadcast %parallel_loop3A_221 : i32 to vector<16xi32>
        %parallel_loop3A_223 = vector.broadcast %parallel_loop3A_220 : i32 to vector<16xi32>
        %parallel_loop3A_224 = arith.select %parallel_loop3A_217, %parallel_loop3A_222, %parallel_loop3A_223 : vector<16xi1>, vector<16xi32>
        %parallel_loop3A_225 = arith.addi %parallel_loop3A_215, %parallel_loop3A_224 : vector<16xi32>
        %parallel_loop3A_226 = tpu.vector_load_idx %arg6[%parallel_loop3A_225] : memref<65536xf32, #tpu.memory_space<vmem>>[vector<16xi32>], vector<16xf32>,
        %parallel_loop3A_227 = arith.cmpf ogt, %parallel_loop3A_158, %parallel_loop3A_226 : vector<16xf32>
        %parallel_loop3A_228 = arith.constant 0 : i32
        %parallel_loop3A_229 = arith.constant 128 : i32
        %parallel_loop3A_230 = arith.subi %parallel_loop3A_228, %parallel_loop3A_229 : i32
        %parallel_loop3A_231 = arith.constant 128 : i32
        %parallel_loop3A_232 = vector.broadcast %parallel_loop3A_231 : i32 to vector<16xi32>
        %parallel_loop3A_233 = vector.broadcast %parallel_loop3A_230 : i32 to vector<16xi32>
        %parallel_loop3A_234 = arith.select %parallel_loop3A_227, %parallel_loop3A_232, %parallel_loop3A_233 : vector<16xi1>, vector<16xi32>
        %parallel_loop3A_235 = arith.addi %parallel_loop3A_225, %parallel_loop3A_234 : vector<16xi32>
        %parallel_loop3A_236 = tpu.vector_load_idx %arg6[%parallel_loop3A_235] : memref<65536xf32, #tpu.memory_space<vmem>>[vector<16xi32>], vector<16xf32>,
        %parallel_loop3A_237 = arith.cmpf ogt, %parallel_loop3A_158, %parallel_loop3A_236 : vector<16xf32>
        %parallel_loop3A_238 = arith.constant 0 : i32
        %parallel_loop3A_239 = arith.constant 64 : i32
        %parallel_loop3A_240 = arith.subi %parallel_loop3A_238, %parallel_loop3A_239 : i32
        %parallel_loop3A_241 = arith.constant 64 : i32
        %parallel_loop3A_242 = vector.broadcast %parallel_loop3A_241 : i32 to vector<16xi32>
        %parallel_loop3A_243 = vector.broadcast %parallel_loop3A_240 : i32 to vector<16xi32>
        %parallel_loop3A_244 = arith.select %parallel_loop3A_237, %parallel_loop3A_242, %parallel_loop3A_243 : vector<16xi1>, vector<16xi32>
        %parallel_loop3A_245 = arith.addi %parallel_loop3A_235, %parallel_loop3A_244 : vector<16xi32>
        %parallel_loop3A_246 = tpu.vector_load_idx %arg6[%parallel_loop3A_245] : memref<65536xf32, #tpu.memory_space<vmem>>[vector<16xi32>], vector<16xf32>,
        %parallel_loop3A_247 = arith.cmpf ogt, %parallel_loop3A_158, %parallel_loop3A_246 : vector<16xf32>
        %parallel_loop3A_248 = arith.constant 0 : i32
        %parallel_loop3A_249 = arith.constant 32 : i32
        %parallel_loop3A_250 = arith.subi %parallel_loop3A_248, %parallel_loop3A_249 : i32
        %parallel_loop3A_251 = arith.constant 32 : i32
        %parallel_loop3A_252 = vector.broadcast %parallel_loop3A_251 : i32 to vector<16xi32>
        %parallel_loop3A_253 = vector.broadcast %parallel_loop3A_250 : i32 to vector<16xi32>
        %parallel_loop3A_254 = arith.select %parallel_loop3A_247, %parallel_loop3A_252, %parallel_loop3A_253 : vector<16xi1>, vector<16xi32>
        %parallel_loop3A_255 = arith.addi %parallel_loop3A_245, %parallel_loop3A_254 : vector<16xi32>
        %parallel_loop3A_256 = tpu.vector_load_idx %arg6[%parallel_loop3A_255] : memref<65536xf32, #tpu.memory_space<vmem>>[vector<16xi32>], vector<16xf32>,
        %parallel_loop3A_257 = arith.cmpf ogt, %parallel_loop3A_158, %parallel_loop3A_256 : vector<16xf32>
        %parallel_loop3A_258 = arith.constant 0 : i32
        %parallel_loop3A_259 = arith.constant 16 : i32
        %parallel_loop3A_260 = arith.subi %parallel_loop3A_258, %parallel_loop3A_259 : i32
        %parallel_loop3A_261 = arith.constant 16 : i32
        %parallel_loop3A_262 = vector.broadcast %parallel_loop3A_261 : i32 to vector<16xi32>
        %parallel_loop3A_263 = vector.broadcast %parallel_loop3A_260 : i32 to vector<16xi32>
        %parallel_loop3A_264 = arith.select %parallel_loop3A_257, %parallel_loop3A_262, %parallel_loop3A_263 : vector<16xi1>, vector<16xi32>
        %parallel_loop3A_265 = arith.addi %parallel_loop3A_255, %parallel_loop3A_264 : vector<16xi32>
        %parallel_loop3A_266 = tpu.vector_load_idx %arg6[%parallel_loop3A_265] : memref<65536xf32, #tpu.memory_space<vmem>>[vector<16xi32>], vector<16xf32>,
        %parallel_loop3A_267 = arith.cmpf ogt, %parallel_loop3A_158, %parallel_loop3A_266 : vector<16xf32>
        %parallel_loop3A_268 = arith.constant 0 : i32
        %parallel_loop3A_269 = arith.constant 8 : i32
        %parallel_loop3A_270 = arith.subi %parallel_loop3A_268, %parallel_loop3A_269 : i32
        %parallel_loop3A_271 = arith.constant 8 : i32
        %parallel_loop3A_272 = vector.broadcast %parallel_loop3A_271 : i32 to vector<16xi32>
        %parallel_loop3A_273 = vector.broadcast %parallel_loop3A_270 : i32 to vector<16xi32>
        %parallel_loop3A_274 = arith.select %parallel_loop3A_267, %parallel_loop3A_272, %parallel_loop3A_273 : vector<16xi1>, vector<16xi32>
        %parallel_loop3A_275 = arith.addi %parallel_loop3A_265, %parallel_loop3A_274 : vector<16xi32>
        %parallel_loop3A_276 = tpu.vector_load_idx %arg6[%parallel_loop3A_275] : memref<65536xf32, #tpu.memory_space<vmem>>[vector<16xi32>], vector<16xf32>,
        %parallel_loop3A_277 = arith.cmpf ogt, %parallel_loop3A_158, %parallel_loop3A_276 : vector<16xf32>
        %parallel_loop3A_278 = arith.constant 0 : i32
        %parallel_loop3A_279 = arith.constant 4 : i32
        %parallel_loop3A_280 = arith.subi %parallel_loop3A_278, %parallel_loop3A_279 : i32
        %parallel_loop3A_281 = arith.constant 4 : i32
        %parallel_loop3A_282 = vector.broadcast %parallel_loop3A_281 : i32 to vector<16xi32>
        %parallel_loop3A_283 = vector.broadcast %parallel_loop3A_280 : i32 to vector<16xi32>
        %parallel_loop3A_284 = arith.select %parallel_loop3A_277, %parallel_loop3A_282, %parallel_loop3A_283 : vector<16xi1>, vector<16xi32>
        %parallel_loop3A_285 = arith.addi %parallel_loop3A_275, %parallel_loop3A_284 : vector<16xi32>
        %parallel_loop3A_286 = tpu.vector_load_idx %arg6[%parallel_loop3A_285] : memref<65536xf32, #tpu.memory_space<vmem>>[vector<16xi32>], vector<16xf32>,
        %parallel_loop3A_287 = arith.cmpf ogt, %parallel_loop3A_158, %parallel_loop3A_286 : vector<16xf32>
        %parallel_loop3A_288 = arith.constant 0 : i32
        %parallel_loop3A_289 = arith.constant 2 : i32
        %parallel_loop3A_290 = arith.subi %parallel_loop3A_288, %parallel_loop3A_289 : i32
        %parallel_loop3A_291 = arith.constant 2 : i32
        %parallel_loop3A_292 = vector.broadcast %parallel_loop3A_291 : i32 to vector<16xi32>
        %parallel_loop3A_293 = vector.broadcast %parallel_loop3A_290 : i32 to vector<16xi32>
        %parallel_loop3A_294 = arith.select %parallel_loop3A_287, %parallel_loop3A_292, %parallel_loop3A_293 : vector<16xi1>, vector<16xi32>
        %parallel_loop3A_295 = arith.addi %parallel_loop3A_285, %parallel_loop3A_294 : vector<16xi32>
        %parallel_loop3A_296 = tpu.vector_load_idx %arg6[%parallel_loop3A_295] : memref<65536xf32, #tpu.memory_space<vmem>>[vector<16xi32>], vector<16xf32>,
        %parallel_loop3A_297 = arith.cmpf ogt, %parallel_loop3A_158, %parallel_loop3A_296 : vector<16xf32>
        %parallel_loop3A_298 = arith.constant 0 : i32
        %parallel_loop3A_299 = arith.constant 1 : i32
        %parallel_loop3A_300 = arith.subi %parallel_loop3A_298, %parallel_loop3A_299 : i32
        %parallel_loop3A_301 = arith.constant 1 : i32
        %parallel_loop3A_302 = vector.broadcast %parallel_loop3A_301 : i32 to vector<16xi32>
        %parallel_loop3A_303 = vector.broadcast %parallel_loop3A_300 : i32 to vector<16xi32>
        %parallel_loop3A_304 = arith.select %parallel_loop3A_297, %parallel_loop3A_302, %parallel_loop3A_303 : vector<16xi1>, vector<16xi32>
        %parallel_loop3A_305 = arith.addi %parallel_loop3A_295, %parallel_loop3A_304 : vector<16xi32>
        %parallel_loop3A_306 = tpu.vector_load_idx %arg6[%parallel_loop3A_305] : memref<65536xf32, #tpu.memory_space<vmem>>[vector<16xi32>], vector<16xf32>,
        %parallel_loop3A_307 = arith.cmpf ogt, %parallel_loop3A_158, %parallel_loop3A_306 : vector<16xf32>
        %parallel_loop3A_308 = arith.constant 0 : i32
        %parallel_loop3A_309 = arith.constant -1 : i32
        %parallel_loop3A_310 = vector.broadcast %parallel_loop3A_308 : i32 to vector<16xi32>
        %parallel_loop3A_311 = vector.broadcast %parallel_loop3A_309 : i32 to vector<16xi32>
        %parallel_loop3A_312 = arith.select %parallel_loop3A_307, %parallel_loop3A_310, %parallel_loop3A_311 : vector<16xi1>, vector<16xi32>
        %parallel_loop3A_313 = arith.addi %parallel_loop3A_305, %parallel_loop3A_312 : vector<16xi32>
        %parallel_loop3A_314 = arith.constant 3 : i32
        %parallel_loop3A_315 = vector.broadcast %parallel_loop3A_314 : i32 to vector<16xi32>
        %parallel_loop3A_316 = arith.shli %parallel_loop3A_313, %parallel_loop3A_315 : vector<16xi32>
        %parallel_loop3A_317 = arith.index_cast %parallel_loop3A_156 : i32 to index
        %parallel_loop3A_318 = tpu.vector_load %arg8[%parallel_loop3A_317] {strides = array<i32>} : memref<4096xi32, #tpu.memory_space<vmem>>, vector<16xi32>,
        tpu.vector_store %arg8[%parallel_loop3A_317], %parallel_loop3A_316 {strides = array<i32>} : memref<4096xi32, #tpu.memory_space<vmem>>, vector<16xi32>,
        %parallel_loop3A_319 = arith.constant 7 : i32
        %parallel_loop3A_320 = vector.broadcast %parallel_loop3A_319 : i32 to vector<16xi32>
        %parallel_loop3A_321 = arith.muli %parallel_loop3A_313, %parallel_loop3A_320 : vector<16xi32>
        %parallel_loop3A_322 = arith.constant 3 : i32
        %parallel_loop3A_323 = vector.broadcast %parallel_loop3A_322 : i32 to vector<16xi32>
        %parallel_loop3A_324 = arith.addi %parallel_loop3A_321, %parallel_loop3A_323 : vector<16xi32>
        %parallel_loop3A_325 = arith.index_cast %parallel_loop3A_156 : i32 to index
        %parallel_loop3A_326 = tpu.vector_load %arg9[%parallel_loop3A_325] {strides = array<i32>} : memref<4096xi32, #tpu.memory_space<vmem>>, vector<16xi32>,
        tpu.vector_store %arg9[%parallel_loop3A_325], %parallel_loop3A_324 {strides = array<i32>} : memref<4096xi32, #tpu.memory_space<vmem>>, vector<16xi32>,
      } {sc.loop_unroll_factor = 16 : i64, sc.parallel_access}
      %multiple_of3A_37 = arith.constant 0 : i32
      %multiple_of3A_38 = tpu.assume_multiple %multiple_of3A_37, 2048 : i32
      %multiple_of3A_39 = arith.constant 0 : i32
      %multiple_of3A_40 = tpu.assume_multiple %multiple_of3A_39, 2048 : i32
      %dma_start3A = tpu.memref_slice %arg11[%multiple_of3A_40] : memref<4096xf32, #tpu.memory_space<vmem>> -> memref<2048xf32, #tpu.memory_space<vmem>>
      %dma_start3A_41 = tpu.memref_slice %arg9[%multiple_of3A_38] : memref<4096xi32, #tpu.memory_space<vmem>> -> memref<2048xi32, #tpu.memory_space<vmem>>
      %dma_start3A_42 = arith.constant 0 : i32
      %dma_start3A_43 = tpu.memref_slice %arg13[%dma_start3A_42] : memref<458752xf32, #tpu.memory_space<vmem_shared>> -> memref<458752xf32, #tpu.memory_space<vmem_shared>>
      tpu.enqueue_indirect_dma source(%dma_start3A_43 : memref<458752xf32, #tpu.memory_space<vmem_shared>>) target(%dma_start3A : memref<2048xf32, #tpu.memory_space<vmem>>) offsets(%dma_start3A_41 : memref<2048xi32, #tpu.memory_space<vmem>>) semaphore(%arg14 : memref<!tpu.dma_semaphore, #tpu.memory_space<semaphore_mem>>)
      %parallel_loop3A_44 = arith.constant 128 : i32
      %parallel_loop3A_45 = arith.constant 256 : i32
      %parallel_loop3A_46 = arith.constant 1 : i32
      scf.for %parallel_loop3A_153 = %parallel_loop3A_44 to %parallel_loop3A_45 step %parallel_loop3A_46  : i32 {
        %parallel_loop3A_154 = arith.constant 16 : i32
        %parallel_loop3A_155 = arith.muli %parallel_loop3A_153, %parallel_loop3A_154 : i32
        %parallel_loop3A_156 = tpu.assume_multiple %parallel_loop3A_155, 16 : i32
        %parallel_loop3A_157 = arith.index_cast %parallel_loop3A_156 : i32 to index
        %parallel_loop3A_158 = tpu.vector_load %arg7[%parallel_loop3A_157] {strides = array<i32>} : memref<4096xf32, #tpu.memory_space<vmem>>, vector<16xf32>,
        %parallel_loop3A_159 = arith.cmpf ogt, %parallel_loop3A_158, %gather3A : vector<16xf32>
        %parallel_loop3A_160 = arith.constant 32768 : i32
        %parallel_loop3A_161 = vector.broadcast %parallel_loop3A_160 : i32 to vector<16xi32>
        %parallel_loop3A_162 = arith.constant 16384 : i32
        %parallel_loop3A_163 = arith.constant -16384 : i32
        %parallel_loop3A_164 = vector.broadcast %parallel_loop3A_162 : i32 to vector<16xi32>
        %parallel_loop3A_165 = vector.broadcast %parallel_loop3A_163 : i32 to vector<16xi32>
        %parallel_loop3A_166 = arith.select %parallel_loop3A_159, %parallel_loop3A_164, %parallel_loop3A_165 : vector<16xi1>, vector<16xi32>
        %parallel_loop3A_167 = arith.addi %parallel_loop3A_161, %parallel_loop3A_166 : vector<16xi32>
        %parallel_loop3A_168 = arith.select %parallel_loop3A_159, %gather3A_9, %gather3A_6 : vector<16xi1>, vector<16xf32>
        %parallel_loop3A_169 = arith.cmpf ogt, %parallel_loop3A_158, %parallel_loop3A_168 : vector<16xf32>
        %parallel_loop3A_170 = arith.constant 8192 : i32
        %parallel_loop3A_171 = arith.constant -8192 : i32
        %parallel_loop3A_172 = vector.broadcast %parallel_loop3A_170 : i32 to vector<16xi32>
        %parallel_loop3A_173 = vector.broadcast %parallel_loop3A_171 : i32 to vector<16xi32>
        %parallel_loop3A_174 = arith.select %parallel_loop3A_169, %parallel_loop3A_172, %parallel_loop3A_173 : vector<16xi1>, vector<16xi32>
        %parallel_loop3A_175 = arith.addi %parallel_loop3A_167, %parallel_loop3A_174 : vector<16xi32>
        %parallel_loop3A_176 = arith.select %parallel_loop3A_169, %gather3A_21, %gather3A_18 : vector<16xi1>, vector<16xf32>
        %parallel_loop3A_177 = arith.select %parallel_loop3A_169, %gather3A_15, %gather3A_12 : vector<16xi1>, vector<16xf32>
        %parallel_loop3A_178 = arith.select %parallel_loop3A_159, %parallel_loop3A_176, %parallel_loop3A_177 : vector<16xi1>, vector<16xf32>
        %parallel_loop3A_179 = arith.cmpf ogt, %parallel_loop3A_158, %parallel_loop3A_178 : vector<16xf32>
        %parallel_loop3A_180 = arith.constant 4096 : i32
        %parallel_loop3A_181 = arith.constant -4096 : i32
        %parallel_loop3A_182 = vector.broadcast %parallel_loop3A_180 : i32 to vector<16xi32>
        %parallel_loop3A_183 = vector.broadcast %parallel_loop3A_181 : i32 to vector<16xi32>
        %parallel_loop3A_184 = arith.select %parallel_loop3A_179, %parallel_loop3A_182, %parallel_loop3A_183 : vector<16xi1>, vector<16xi32>
        %parallel_loop3A_185 = arith.addi %parallel_loop3A_175, %parallel_loop3A_184 : vector<16xi32>
        %parallel_loop3A_186 = tpu.vector_load_idx %arg6[%parallel_loop3A_185] : memref<65536xf32, #tpu.memory_space<vmem>>[vector<16xi32>], vector<16xf32>,
        %parallel_loop3A_187 = arith.cmpf ogt, %parallel_loop3A_158, %parallel_loop3A_186 : vector<16xf32>
        %parallel_loop3A_188 = arith.constant 0 : i32
        %parallel_loop3A_189 = arith.constant 2048 : i32
        %parallel_loop3A_190 = arith.subi %parallel_loop3A_188, %parallel_loop3A_189 : i32
        %parallel_loop3A_191 = arith.constant 2048 : i32
        %parallel_loop3A_192 = vector.broadcast %parallel_loop3A_191 : i32 to vector<16xi32>
        %parallel_loop3A_193 = vector.broadcast %parallel_loop3A_190 : i32 to vector<16xi32>
        %parallel_loop3A_194 = arith.select %parallel_loop3A_187, %parallel_loop3A_192, %parallel_loop3A_193 : vector<16xi1>, vector<16xi32>
        %parallel_loop3A_195 = arith.addi %parallel_loop3A_185, %parallel_loop3A_194 : vector<16xi32>
        %parallel_loop3A_196 = tpu.vector_load_idx %arg6[%parallel_loop3A_195] : memref<65536xf32, #tpu.memory_space<vmem>>[vector<16xi32>], vector<16xf32>,
        %parallel_loop3A_197 = arith.cmpf ogt, %parallel_loop3A_158, %parallel_loop3A_196 : vector<16xf32>
        %parallel_loop3A_198 = arith.constant 0 : i32
        %parallel_loop3A_199 = arith.constant 1024 : i32
        %parallel_loop3A_200 = arith.subi %parallel_loop3A_198, %parallel_loop3A_199 : i32
        %parallel_loop3A_201 = arith.constant 1024 : i32
        %parallel_loop3A_202 = vector.broadcast %parallel_loop3A_201 : i32 to vector<16xi32>
        %parallel_loop3A_203 = vector.broadcast %parallel_loop3A_200 : i32 to vector<16xi32>
        %parallel_loop3A_204 = arith.select %parallel_loop3A_197, %parallel_loop3A_202, %parallel_loop3A_203 : vector<16xi1>, vector<16xi32>
        %parallel_loop3A_205 = arith.addi %parallel_loop3A_195, %parallel_loop3A_204 : vector<16xi32>
        %parallel_loop3A_206 = tpu.vector_load_idx %arg6[%parallel_loop3A_205] : memref<65536xf32, #tpu.memory_space<vmem>>[vector<16xi32>], vector<16xf32>,
        %parallel_loop3A_207 = arith.cmpf ogt, %parallel_loop3A_158, %parallel_loop3A_206 : vector<16xf32>
        %parallel_loop3A_208 = arith.constant 0 : i32
        %parallel_loop3A_209 = arith.constant 512 : i32
        %parallel_loop3A_210 = arith.subi %parallel_loop3A_208, %parallel_loop3A_209 : i32
        %parallel_loop3A_211 = arith.constant 512 : i32
        %parallel_loop3A_212 = vector.broadcast %parallel_loop3A_211 : i32 to vector<16xi32>
        %parallel_loop3A_213 = vector.broadcast %parallel_loop3A_210 : i32 to vector<16xi32>
        %parallel_loop3A_214 = arith.select %parallel_loop3A_207, %parallel_loop3A_212, %parallel_loop3A_213 : vector<16xi1>, vector<16xi32>
        %parallel_loop3A_215 = arith.addi %parallel_loop3A_205, %parallel_loop3A_214 : vector<16xi32>
        %parallel_loop3A_216 = tpu.vector_load_idx %arg6[%parallel_loop3A_215] : memref<65536xf32, #tpu.memory_space<vmem>>[vector<16xi32>], vector<16xf32>,
        %parallel_loop3A_217 = arith.cmpf ogt, %parallel_loop3A_158, %parallel_loop3A_216 : vector<16xf32>
        %parallel_loop3A_218 = arith.constant 0 : i32
        %parallel_loop3A_219 = arith.constant 256 : i32
        %parallel_loop3A_220 = arith.subi %parallel_loop3A_218, %parallel_loop3A_219 : i32
        %parallel_loop3A_221 = arith.constant 256 : i32
        %parallel_loop3A_222 = vector.broadcast %parallel_loop3A_221 : i32 to vector<16xi32>
        %parallel_loop3A_223 = vector.broadcast %parallel_loop3A_220 : i32 to vector<16xi32>
        %parallel_loop3A_224 = arith.select %parallel_loop3A_217, %parallel_loop3A_222, %parallel_loop3A_223 : vector<16xi1>, vector<16xi32>
        %parallel_loop3A_225 = arith.addi %parallel_loop3A_215, %parallel_loop3A_224 : vector<16xi32>
        %parallel_loop3A_226 = tpu.vector_load_idx %arg6[%parallel_loop3A_225] : memref<65536xf32, #tpu.memory_space<vmem>>[vector<16xi32>], vector<16xf32>,
        %parallel_loop3A_227 = arith.cmpf ogt, %parallel_loop3A_158, %parallel_loop3A_226 : vector<16xf32>
        %parallel_loop3A_228 = arith.constant 0 : i32
        %parallel_loop3A_229 = arith.constant 128 : i32
        %parallel_loop3A_230 = arith.subi %parallel_loop3A_228, %parallel_loop3A_229 : i32
        %parallel_loop3A_231 = arith.constant 128 : i32
        %parallel_loop3A_232 = vector.broadcast %parallel_loop3A_231 : i32 to vector<16xi32>
        %parallel_loop3A_233 = vector.broadcast %parallel_loop3A_230 : i32 to vector<16xi32>
        %parallel_loop3A_234 = arith.select %parallel_loop3A_227, %parallel_loop3A_232, %parallel_loop3A_233 : vector<16xi1>, vector<16xi32>
        %parallel_loop3A_235 = arith.addi %parallel_loop3A_225, %parallel_loop3A_234 : vector<16xi32>
        %parallel_loop3A_236 = tpu.vector_load_idx %arg6[%parallel_loop3A_235] : memref<65536xf32, #tpu.memory_space<vmem>>[vector<16xi32>], vector<16xf32>,
        %parallel_loop3A_237 = arith.cmpf ogt, %parallel_loop3A_158, %parallel_loop3A_236 : vector<16xf32>
        %parallel_loop3A_238 = arith.constant 0 : i32
        %parallel_loop3A_239 = arith.constant 64 : i32
        %parallel_loop3A_240 = arith.subi %parallel_loop3A_238, %parallel_loop3A_239 : i32
        %parallel_loop3A_241 = arith.constant 64 : i32
        %parallel_loop3A_242 = vector.broadcast %parallel_loop3A_241 : i32 to vector<16xi32>
        %parallel_loop3A_243 = vector.broadcast %parallel_loop3A_240 : i32 to vector<16xi32>
        %parallel_loop3A_244 = arith.select %parallel_loop3A_237, %parallel_loop3A_242, %parallel_loop3A_243 : vector<16xi1>, vector<16xi32>
        %parallel_loop3A_245 = arith.addi %parallel_loop3A_235, %parallel_loop3A_244 : vector<16xi32>
        %parallel_loop3A_246 = tpu.vector_load_idx %arg6[%parallel_loop3A_245] : memref<65536xf32, #tpu.memory_space<vmem>>[vector<16xi32>], vector<16xf32>,
        %parallel_loop3A_247 = arith.cmpf ogt, %parallel_loop3A_158, %parallel_loop3A_246 : vector<16xf32>
        %parallel_loop3A_248 = arith.constant 0 : i32
        %parallel_loop3A_249 = arith.constant 32 : i32
        %parallel_loop3A_250 = arith.subi %parallel_loop3A_248, %parallel_loop3A_249 : i32
        %parallel_loop3A_251 = arith.constant 32 : i32
        %parallel_loop3A_252 = vector.broadcast %parallel_loop3A_251 : i32 to vector<16xi32>
        %parallel_loop3A_253 = vector.broadcast %parallel_loop3A_250 : i32 to vector<16xi32>
        %parallel_loop3A_254 = arith.select %parallel_loop3A_247, %parallel_loop3A_252, %parallel_loop3A_253 : vector<16xi1>, vector<16xi32>
        %parallel_loop3A_255 = arith.addi %parallel_loop3A_245, %parallel_loop3A_254 : vector<16xi32>
        %parallel_loop3A_256 = tpu.vector_load_idx %arg6[%parallel_loop3A_255] : memref<65536xf32, #tpu.memory_space<vmem>>[vector<16xi32>], vector<16xf32>,
        %parallel_loop3A_257 = arith.cmpf ogt, %parallel_loop3A_158, %parallel_loop3A_256 : vector<16xf32>
        %parallel_loop3A_258 = arith.constant 0 : i32
        %parallel_loop3A_259 = arith.constant 16 : i32
        %parallel_loop3A_260 = arith.subi %parallel_loop3A_258, %parallel_loop3A_259 : i32
        %parallel_loop3A_261 = arith.constant 16 : i32
        %parallel_loop3A_262 = vector.broadcast %parallel_loop3A_261 : i32 to vector<16xi32>
        %parallel_loop3A_263 = vector.broadcast %parallel_loop3A_260 : i32 to vector<16xi32>
        %parallel_loop3A_264 = arith.select %parallel_loop3A_257, %parallel_loop3A_262, %parallel_loop3A_263 : vector<16xi1>, vector<16xi32>
        %parallel_loop3A_265 = arith.addi %parallel_loop3A_255, %parallel_loop3A_264 : vector<16xi32>
        %parallel_loop3A_266 = tpu.vector_load_idx %arg6[%parallel_loop3A_265] : memref<65536xf32, #tpu.memory_space<vmem>>[vector<16xi32>], vector<16xf32>,
        %parallel_loop3A_267 = arith.cmpf ogt, %parallel_loop3A_158, %parallel_loop3A_266 : vector<16xf32>
        %parallel_loop3A_268 = arith.constant 0 : i32
        %parallel_loop3A_269 = arith.constant 8 : i32
        %parallel_loop3A_270 = arith.subi %parallel_loop3A_268, %parallel_loop3A_269 : i32
        %parallel_loop3A_271 = arith.constant 8 : i32
        %parallel_loop3A_272 = vector.broadcast %parallel_loop3A_271 : i32 to vector<16xi32>
        %parallel_loop3A_273 = vector.broadcast %parallel_loop3A_270 : i32 to vector<16xi32>
        %parallel_loop3A_274 = arith.select %parallel_loop3A_267, %parallel_loop3A_272, %parallel_loop3A_273 : vector<16xi1>, vector<16xi32>
        %parallel_loop3A_275 = arith.addi %parallel_loop3A_265, %parallel_loop3A_274 : vector<16xi32>
        %parallel_loop3A_276 = tpu.vector_load_idx %arg6[%parallel_loop3A_275] : memref<65536xf32, #tpu.memory_space<vmem>>[vector<16xi32>], vector<16xf32>,
        %parallel_loop3A_277 = arith.cmpf ogt, %parallel_loop3A_158, %parallel_loop3A_276 : vector<16xf32>
        %parallel_loop3A_278 = arith.constant 0 : i32
        %parallel_loop3A_279 = arith.constant 4 : i32
        %parallel_loop3A_280 = arith.subi %parallel_loop3A_278, %parallel_loop3A_279 : i32
        %parallel_loop3A_281 = arith.constant 4 : i32
        %parallel_loop3A_282 = vector.broadcast %parallel_loop3A_281 : i32 to vector<16xi32>
        %parallel_loop3A_283 = vector.broadcast %parallel_loop3A_280 : i32 to vector<16xi32>
        %parallel_loop3A_284 = arith.select %parallel_loop3A_277, %parallel_loop3A_282, %parallel_loop3A_283 : vector<16xi1>, vector<16xi32>
        %parallel_loop3A_285 = arith.addi %parallel_loop3A_275, %parallel_loop3A_284 : vector<16xi32>
        %parallel_loop3A_286 = tpu.vector_load_idx %arg6[%parallel_loop3A_285] : memref<65536xf32, #tpu.memory_space<vmem>>[vector<16xi32>], vector<16xf32>,
        %parallel_loop3A_287 = arith.cmpf ogt, %parallel_loop3A_158, %parallel_loop3A_286 : vector<16xf32>
        %parallel_loop3A_288 = arith.constant 0 : i32
        %parallel_loop3A_289 = arith.constant 2 : i32
        %parallel_loop3A_290 = arith.subi %parallel_loop3A_288, %parallel_loop3A_289 : i32
        %parallel_loop3A_291 = arith.constant 2 : i32
        %parallel_loop3A_292 = vector.broadcast %parallel_loop3A_291 : i32 to vector<16xi32>
        %parallel_loop3A_293 = vector.broadcast %parallel_loop3A_290 : i32 to vector<16xi32>
        %parallel_loop3A_294 = arith.select %parallel_loop3A_287, %parallel_loop3A_292, %parallel_loop3A_293 : vector<16xi1>, vector<16xi32>
        %parallel_loop3A_295 = arith.addi %parallel_loop3A_285, %parallel_loop3A_294 : vector<16xi32>
        %parallel_loop3A_296 = tpu.vector_load_idx %arg6[%parallel_loop3A_295] : memref<65536xf32, #tpu.memory_space<vmem>>[vector<16xi32>], vector<16xf32>,
        %parallel_loop3A_297 = arith.cmpf ogt, %parallel_loop3A_158, %parallel_loop3A_296 : vector<16xf32>
        %parallel_loop3A_298 = arith.constant 0 : i32
        %parallel_loop3A_299 = arith.constant 1 : i32
        %parallel_loop3A_300 = arith.subi %parallel_loop3A_298, %parallel_loop3A_299 : i32
        %parallel_loop3A_301 = arith.constant 1 : i32
        %parallel_loop3A_302 = vector.broadcast %parallel_loop3A_301 : i32 to vector<16xi32>
        %parallel_loop3A_303 = vector.broadcast %parallel_loop3A_300 : i32 to vector<16xi32>
        %parallel_loop3A_304 = arith.select %parallel_loop3A_297, %parallel_loop3A_302, %parallel_loop3A_303 : vector<16xi1>, vector<16xi32>
        %parallel_loop3A_305 = arith.addi %parallel_loop3A_295, %parallel_loop3A_304 : vector<16xi32>
        %parallel_loop3A_306 = tpu.vector_load_idx %arg6[%parallel_loop3A_305] : memref<65536xf32, #tpu.memory_space<vmem>>[vector<16xi32>], vector<16xf32>,
        %parallel_loop3A_307 = arith.cmpf ogt, %parallel_loop3A_158, %parallel_loop3A_306 : vector<16xf32>
        %parallel_loop3A_308 = arith.constant 0 : i32
        %parallel_loop3A_309 = arith.constant -1 : i32
        %parallel_loop3A_310 = vector.broadcast %parallel_loop3A_308 : i32 to vector<16xi32>
        %parallel_loop3A_311 = vector.broadcast %parallel_loop3A_309 : i32 to vector<16xi32>
        %parallel_loop3A_312 = arith.select %parallel_loop3A_307, %parallel_loop3A_310, %parallel_loop3A_311 : vector<16xi1>, vector<16xi32>
        %parallel_loop3A_313 = arith.addi %parallel_loop3A_305, %parallel_loop3A_312 : vector<16xi32>
        %parallel_loop3A_314 = arith.constant 3 : i32
        %parallel_loop3A_315 = vector.broadcast %parallel_loop3A_314 : i32 to vector<16xi32>
        %parallel_loop3A_316 = arith.shli %parallel_loop3A_313, %parallel_loop3A_315 : vector<16xi32>
        %parallel_loop3A_317 = arith.index_cast %parallel_loop3A_156 : i32 to index
        %parallel_loop3A_318 = tpu.vector_load %arg8[%parallel_loop3A_317] {strides = array<i32>} : memref<4096xi32, #tpu.memory_space<vmem>>, vector<16xi32>,
        tpu.vector_store %arg8[%parallel_loop3A_317], %parallel_loop3A_316 {strides = array<i32>} : memref<4096xi32, #tpu.memory_space<vmem>>, vector<16xi32>,
        %parallel_loop3A_319 = arith.constant 7 : i32
        %parallel_loop3A_320 = vector.broadcast %parallel_loop3A_319 : i32 to vector<16xi32>
        %parallel_loop3A_321 = arith.muli %parallel_loop3A_313, %parallel_loop3A_320 : vector<16xi32>
        %parallel_loop3A_322 = arith.constant 3 : i32
        %parallel_loop3A_323 = vector.broadcast %parallel_loop3A_322 : i32 to vector<16xi32>
        %parallel_loop3A_324 = arith.addi %parallel_loop3A_321, %parallel_loop3A_323 : vector<16xi32>
        %parallel_loop3A_325 = arith.index_cast %parallel_loop3A_156 : i32 to index
        %parallel_loop3A_326 = tpu.vector_load %arg9[%parallel_loop3A_325] {strides = array<i32>} : memref<4096xi32, #tpu.memory_space<vmem>>, vector<16xi32>,
        tpu.vector_store %arg9[%parallel_loop3A_325], %parallel_loop3A_324 {strides = array<i32>} : memref<4096xi32, #tpu.memory_space<vmem>>, vector<16xi32>,
      } {sc.loop_unroll_factor = 16 : i64, sc.parallel_access}
      %multiple_of3A_47 = arith.constant 2048 : i32
      %multiple_of3A_48 = tpu.assume_multiple %multiple_of3A_47, 2048 : i32
      %multiple_of3A_49 = arith.constant 2048 : i32
      %multiple_of3A_50 = tpu.assume_multiple %multiple_of3A_49, 2048 : i32
      %dma_start3A_51 = tpu.memref_slice %arg11[%multiple_of3A_50] : memref<4096xf32, #tpu.memory_space<vmem>> -> memref<2048xf32, #tpu.memory_space<vmem>>
      %dma_start3A_52 = tpu.memref_slice %arg9[%multiple_of3A_48] : memref<4096xi32, #tpu.memory_space<vmem>> -> memref<2048xi32, #tpu.memory_space<vmem>>
      %dma_start3A_53 = arith.constant 0 : i32
      %dma_start3A_54 = tpu.memref_slice %arg13[%dma_start3A_53] : memref<458752xf32, #tpu.memory_space<vmem_shared>> -> memref<458752xf32, #tpu.memory_space<vmem_shared>>
      tpu.enqueue_indirect_dma source(%dma_start3A_54 : memref<458752xf32, #tpu.memory_space<vmem_shared>>) target(%dma_start3A_51 : memref<2048xf32, #tpu.memory_space<vmem>>) offsets(%dma_start3A_52 : memref<2048xi32, #tpu.memory_space<vmem>>) semaphore(%arg15 : memref<!tpu.dma_semaphore, #tpu.memory_space<semaphore_mem>>)
      %dma_wait3A = tpu.memref_slice %arg11[%multiple_of3A_40] : memref<4096xf32, #tpu.memory_space<vmem>> -> memref<2048xf32, #tpu.memory_space<vmem>>
      %dma_wait3A_55 = tpu.memref_slice %arg9[%multiple_of3A_38] : memref<4096xi32, #tpu.memory_space<vmem>> -> memref<2048xi32, #tpu.memory_space<vmem>>
      %dma_wait3A_56 = arith.constant 0 : i32
      %dma_wait3A_57 = tpu.memref_slice %arg13[%dma_wait3A_56] : memref<458752xf32, #tpu.memory_space<vmem_shared>> -> memref<458752xf32, #tpu.memory_space<vmem_shared>>
      tpu.wait_indirect_dma semaphore(%arg14 : memref<!tpu.dma_semaphore, #tpu.memory_space<semaphore_mem>>) src(%dma_wait3A_57 : memref<458752xf32, #tpu.memory_space<vmem_shared>>) dst(%dma_wait3A : memref<2048xf32, #tpu.memory_space<vmem>>)
      %parallel_loop3A_58 = arith.constant 0 : i32
      %parallel_loop3A_59 = arith.constant 128 : i32
      %parallel_loop3A_60 = arith.constant 1 : i32
      scf.for %parallel_loop3A_153 = %parallel_loop3A_58 to %parallel_loop3A_59 step %parallel_loop3A_60  : i32 {
        %parallel_loop3A_154 = arith.constant 16 : i32
        %parallel_loop3A_155 = arith.muli %parallel_loop3A_153, %parallel_loop3A_154 : i32
        %parallel_loop3A_156 = tpu.assume_multiple %parallel_loop3A_155, 16 : i32
        %parallel_loop3A_157 = arith.index_cast %parallel_loop3A_156 : i32 to index
        %parallel_loop3A_158 = tpu.vector_load %arg7[%parallel_loop3A_157] {strides = array<i32>} : memref<4096xf32, #tpu.memory_space<vmem>>, vector<16xf32>,
        %parallel_loop3A_159 = arith.index_cast %parallel_loop3A_156 : i32 to index
        %parallel_loop3A_160 = tpu.vector_load %arg8[%parallel_loop3A_159] {strides = array<i32>} : memref<4096xi32, #tpu.memory_space<vmem>>, vector<16xi32>,
        %parallel_loop3A_161 = arith.index_cast %parallel_loop3A_156 : i32 to index
        %parallel_loop3A_162 = tpu.vector_load %arg11[%parallel_loop3A_161] {strides = array<i32>} : memref<4096xf32, #tpu.memory_space<vmem>>, vector<16xf32>,
        %parallel_loop3A_163 = arith.cmpf ogt, %parallel_loop3A_158, %parallel_loop3A_162 : vector<16xf32>
        %parallel_loop3A_164 = arith.constant 4 : i32
        %parallel_loop3A_165 = arith.constant 0 : i32
        %parallel_loop3A_166 = vector.broadcast %parallel_loop3A_164 : i32 to vector<16xi32>
        %parallel_loop3A_167 = vector.broadcast %parallel_loop3A_165 : i32 to vector<16xi32>
        %parallel_loop3A_168 = arith.select %parallel_loop3A_163, %parallel_loop3A_166, %parallel_loop3A_167 : vector<16xi1>, vector<16xi32>
        %parallel_loop3A_169 = arith.addi %parallel_loop3A_160, %parallel_loop3A_168 : vector<16xi32>
        %parallel_loop3A_170 = arith.index_cast %parallel_loop3A_156 : i32 to index
        %parallel_loop3A_171 = tpu.vector_load %arg8[%parallel_loop3A_170] {strides = array<i32>} : memref<4096xi32, #tpu.memory_space<vmem>>, vector<16xi32>,
        tpu.vector_store %arg8[%parallel_loop3A_170], %parallel_loop3A_169 {strides = array<i32>} : memref<4096xi32, #tpu.memory_space<vmem>>, vector<16xi32>,
        %parallel_loop3A_172 = arith.constant 2 : i32
        %parallel_loop3A_173 = vector.broadcast %parallel_loop3A_172 : i32 to vector<16xi32>
        %parallel_loop3A_174 = arith.addi %parallel_loop3A_169, %parallel_loop3A_173 : vector<16xi32>
        %parallel_loop3A_175 = arith.constant 3 : i32
        %parallel_loop3A_176 = vector.broadcast %parallel_loop3A_175 : i32 to vector<16xi32>
        %parallel_loop3A_177 = arith.shrsi %parallel_loop3A_174, %parallel_loop3A_176 : vector<16xi32>
        %parallel_loop3A_178 = arith.subi %parallel_loop3A_174, %parallel_loop3A_177 : vector<16xi32>
        %parallel_loop3A_179 = arith.constant 1 : i32
        %parallel_loop3A_180 = vector.broadcast %parallel_loop3A_179 : i32 to vector<16xi32>
        %parallel_loop3A_181 = arith.subi %parallel_loop3A_178, %parallel_loop3A_180 : vector<16xi32>
        %parallel_loop3A_182 = arith.index_cast %parallel_loop3A_156 : i32 to index
        %parallel_loop3A_183 = tpu.vector_load %arg9[%parallel_loop3A_182] {strides = array<i32>} : memref<4096xi32, #tpu.memory_space<vmem>>, vector<16xi32>,
        tpu.vector_store %arg9[%parallel_loop3A_182], %parallel_loop3A_181 {strides = array<i32>} : memref<4096xi32, #tpu.memory_space<vmem>>, vector<16xi32>,
      } {sc.loop_unroll_factor = 8 : i64, sc.parallel_access}
      %multiple_of3A_61 = arith.constant 0 : i32
      %multiple_of3A_62 = tpu.assume_multiple %multiple_of3A_61, 2048 : i32
      %multiple_of3A_63 = arith.constant 0 : i32
      %multiple_of3A_64 = tpu.assume_multiple %multiple_of3A_63, 2048 : i32
      %dma_start3A_65 = tpu.memref_slice %arg11[%multiple_of3A_64] : memref<4096xf32, #tpu.memory_space<vmem>> -> memref<2048xf32, #tpu.memory_space<vmem>>
      %dma_start3A_66 = tpu.memref_slice %arg9[%multiple_of3A_62] : memref<4096xi32, #tpu.memory_space<vmem>> -> memref<2048xi32, #tpu.memory_space<vmem>>
      %dma_start3A_67 = arith.constant 0 : i32
      %dma_start3A_68 = tpu.memref_slice %arg13[%dma_start3A_67] : memref<458752xf32, #tpu.memory_space<vmem_shared>> -> memref<458752xf32, #tpu.memory_space<vmem_shared>>
      tpu.enqueue_indirect_dma source(%dma_start3A_68 : memref<458752xf32, #tpu.memory_space<vmem_shared>>) target(%dma_start3A_65 : memref<2048xf32, #tpu.memory_space<vmem>>) offsets(%dma_start3A_66 : memref<2048xi32, #tpu.memory_space<vmem>>) semaphore(%arg14 : memref<!tpu.dma_semaphore, #tpu.memory_space<semaphore_mem>>)
      %dma_wait3A_69 = tpu.memref_slice %arg11[%multiple_of3A_50] : memref<4096xf32, #tpu.memory_space<vmem>> -> memref<2048xf32, #tpu.memory_space<vmem>>
      %dma_wait3A_70 = tpu.memref_slice %arg9[%multiple_of3A_48] : memref<4096xi32, #tpu.memory_space<vmem>> -> memref<2048xi32, #tpu.memory_space<vmem>>
      %dma_wait3A_71 = arith.constant 0 : i32
      %dma_wait3A_72 = tpu.memref_slice %arg13[%dma_wait3A_71] : memref<458752xf32, #tpu.memory_space<vmem_shared>> -> memref<458752xf32, #tpu.memory_space<vmem_shared>>
      tpu.wait_indirect_dma semaphore(%arg15 : memref<!tpu.dma_semaphore, #tpu.memory_space<semaphore_mem>>) src(%dma_wait3A_72 : memref<458752xf32, #tpu.memory_space<vmem_shared>>) dst(%dma_wait3A_69 : memref<2048xf32, #tpu.memory_space<vmem>>)
      %parallel_loop3A_73 = arith.constant 128 : i32
      %parallel_loop3A_74 = arith.constant 256 : i32
      %parallel_loop3A_75 = arith.constant 1 : i32
      scf.for %parallel_loop3A_153 = %parallel_loop3A_73 to %parallel_loop3A_74 step %parallel_loop3A_75  : i32 {
        %parallel_loop3A_154 = arith.constant 16 : i32
        %parallel_loop3A_155 = arith.muli %parallel_loop3A_153, %parallel_loop3A_154 : i32
        %parallel_loop3A_156 = tpu.assume_multiple %parallel_loop3A_155, 16 : i32
        %parallel_loop3A_157 = arith.index_cast %parallel_loop3A_156 : i32 to index
        %parallel_loop3A_158 = tpu.vector_load %arg7[%parallel_loop3A_157] {strides = array<i32>} : memref<4096xf32, #tpu.memory_space<vmem>>, vector<16xf32>,
        %parallel_loop3A_159 = arith.index_cast %parallel_loop3A_156 : i32 to index
        %parallel_loop3A_160 = tpu.vector_load %arg8[%parallel_loop3A_159] {strides = array<i32>} : memref<4096xi32, #tpu.memory_space<vmem>>, vector<16xi32>,
        %parallel_loop3A_161 = arith.index_cast %parallel_loop3A_156 : i32 to index
        %parallel_loop3A_162 = tpu.vector_load %arg11[%parallel_loop3A_161] {strides = array<i32>} : memref<4096xf32, #tpu.memory_space<vmem>>, vector<16xf32>,
        %parallel_loop3A_163 = arith.cmpf ogt, %parallel_loop3A_158, %parallel_loop3A_162 : vector<16xf32>
        %parallel_loop3A_164 = arith.constant 4 : i32
        %parallel_loop3A_165 = arith.constant 0 : i32
        %parallel_loop3A_166 = vector.broadcast %parallel_loop3A_164 : i32 to vector<16xi32>
        %parallel_loop3A_167 = vector.broadcast %parallel_loop3A_165 : i32 to vector<16xi32>
        %parallel_loop3A_168 = arith.select %parallel_loop3A_163, %parallel_loop3A_166, %parallel_loop3A_167 : vector<16xi1>, vector<16xi32>
        %parallel_loop3A_169 = arith.addi %parallel_loop3A_160, %parallel_loop3A_168 : vector<16xi32>
        %parallel_loop3A_170 = arith.index_cast %parallel_loop3A_156 : i32 to index
        %parallel_loop3A_171 = tpu.vector_load %arg8[%parallel_loop3A_170] {strides = array<i32>} : memref<4096xi32, #tpu.memory_space<vmem>>, vector<16xi32>,
        tpu.vector_store %arg8[%parallel_loop3A_170], %parallel_loop3A_169 {strides = array<i32>} : memref<4096xi32, #tpu.memory_space<vmem>>, vector<16xi32>,
        %parallel_loop3A_172 = arith.constant 2 : i32
        %parallel_loop3A_173 = vector.broadcast %parallel_loop3A_172 : i32 to vector<16xi32>
        %parallel_loop3A_174 = arith.addi %parallel_loop3A_169, %parallel_loop3A_173 : vector<16xi32>
        %parallel_loop3A_175 = arith.constant 3 : i32
        %parallel_loop3A_176 = vector.broadcast %parallel_loop3A_175 : i32 to vector<16xi32>
        %parallel_loop3A_177 = arith.shrsi %parallel_loop3A_174, %parallel_loop3A_176 : vector<16xi32>
        %parallel_loop3A_178 = arith.subi %parallel_loop3A_174, %parallel_loop3A_177 : vector<16xi32>
        %parallel_loop3A_179 = arith.constant 1 : i32
        %parallel_loop3A_180 = vector.broadcast %parallel_loop3A_179 : i32 to vector<16xi32>
        %parallel_loop3A_181 = arith.subi %parallel_loop3A_178, %parallel_loop3A_180 : vector<16xi32>
        %parallel_loop3A_182 = arith.index_cast %parallel_loop3A_156 : i32 to index
        %parallel_loop3A_183 = tpu.vector_load %arg9[%parallel_loop3A_182] {strides = array<i32>} : memref<4096xi32, #tpu.memory_space<vmem>>, vector<16xi32>,
        tpu.vector_store %arg9[%parallel_loop3A_182], %parallel_loop3A_181 {strides = array<i32>} : memref<4096xi32, #tpu.memory_space<vmem>>, vector<16xi32>,
      } {sc.loop_unroll_factor = 8 : i64, sc.parallel_access}
      %multiple_of3A_76 = arith.constant 2048 : i32
      %multiple_of3A_77 = tpu.assume_multiple %multiple_of3A_76, 2048 : i32
      %multiple_of3A_78 = arith.constant 2048 : i32
      %multiple_of3A_79 = tpu.assume_multiple %multiple_of3A_78, 2048 : i32
      %dma_start3A_80 = tpu.memref_slice %arg11[%multiple_of3A_79] : memref<4096xf32, #tpu.memory_space<vmem>> -> memref<2048xf32, #tpu.memory_space<vmem>>
      %dma_start3A_81 = tpu.memref_slice %arg9[%multiple_of3A_77] : memref<4096xi32, #tpu.memory_space<vmem>> -> memref<2048xi32, #tpu.memory_space<vmem>>
      %dma_start3A_82 = arith.constant 0 : i32
      %dma_start3A_83 = tpu.memref_slice %arg13[%dma_start3A_82] : memref<458752xf32, #tpu.memory_space<vmem_shared>> -> memref<458752xf32, #tpu.memory_space<vmem_shared>>
      tpu.enqueue_indirect_dma source(%dma_start3A_83 : memref<458752xf32, #tpu.memory_space<vmem_shared>>) target(%dma_start3A_80 : memref<2048xf32, #tpu.memory_space<vmem>>) offsets(%dma_start3A_81 : memref<2048xi32, #tpu.memory_space<vmem>>) semaphore(%arg15 : memref<!tpu.dma_semaphore, #tpu.memory_space<semaphore_mem>>)
      %dma_wait3A_84 = tpu.memref_slice %arg11[%multiple_of3A_64] : memref<4096xf32, #tpu.memory_space<vmem>> -> memref<2048xf32, #tpu.memory_space<vmem>>
      %dma_wait3A_85 = tpu.memref_slice %arg9[%multiple_of3A_62] : memref<4096xi32, #tpu.memory_space<vmem>> -> memref<2048xi32, #tpu.memory_space<vmem>>
      %dma_wait3A_86 = arith.constant 0 : i32
      %dma_wait3A_87 = tpu.memref_slice %arg13[%dma_wait3A_86] : memref<458752xf32, #tpu.memory_space<vmem_shared>> -> memref<458752xf32, #tpu.memory_space<vmem_shared>>
      tpu.wait_indirect_dma semaphore(%arg14 : memref<!tpu.dma_semaphore, #tpu.memory_space<semaphore_mem>>) src(%dma_wait3A_87 : memref<458752xf32, #tpu.memory_space<vmem_shared>>) dst(%dma_wait3A_84 : memref<2048xf32, #tpu.memory_space<vmem>>)
      %parallel_loop3A_88 = arith.constant 0 : i32
      %parallel_loop3A_89 = arith.constant 128 : i32
      %parallel_loop3A_90 = arith.constant 1 : i32
      scf.for %parallel_loop3A_153 = %parallel_loop3A_88 to %parallel_loop3A_89 step %parallel_loop3A_90  : i32 {
        %parallel_loop3A_154 = arith.constant 16 : i32
        %parallel_loop3A_155 = arith.muli %parallel_loop3A_153, %parallel_loop3A_154 : i32
        %parallel_loop3A_156 = tpu.assume_multiple %parallel_loop3A_155, 16 : i32
        %parallel_loop3A_157 = arith.index_cast %parallel_loop3A_156 : i32 to index
        %parallel_loop3A_158 = tpu.vector_load %arg7[%parallel_loop3A_157] {strides = array<i32>} : memref<4096xf32, #tpu.memory_space<vmem>>, vector<16xf32>,
        %parallel_loop3A_159 = arith.index_cast %parallel_loop3A_156 : i32 to index
        %parallel_loop3A_160 = tpu.vector_load %arg8[%parallel_loop3A_159] {strides = array<i32>} : memref<4096xi32, #tpu.memory_space<vmem>>, vector<16xi32>,
        %parallel_loop3A_161 = arith.index_cast %parallel_loop3A_156 : i32 to index
        %parallel_loop3A_162 = tpu.vector_load %arg11[%parallel_loop3A_161] {strides = array<i32>} : memref<4096xf32, #tpu.memory_space<vmem>>, vector<16xf32>,
        %parallel_loop3A_163 = arith.cmpf ogt, %parallel_loop3A_158, %parallel_loop3A_162 : vector<16xf32>
        %parallel_loop3A_164 = arith.constant 2 : i32
        %parallel_loop3A_165 = arith.constant 0 : i32
        %parallel_loop3A_166 = vector.broadcast %parallel_loop3A_164 : i32 to vector<16xi32>
        %parallel_loop3A_167 = vector.broadcast %parallel_loop3A_165 : i32 to vector<16xi32>
        %parallel_loop3A_168 = arith.select %parallel_loop3A_163, %parallel_loop3A_166, %parallel_loop3A_167 : vector<16xi1>, vector<16xi32>
        %parallel_loop3A_169 = arith.addi %parallel_loop3A_160, %parallel_loop3A_168 : vector<16xi32>
        %parallel_loop3A_170 = arith.index_cast %parallel_loop3A_156 : i32 to index
        %parallel_loop3A_171 = tpu.vector_load %arg8[%parallel_loop3A_170] {strides = array<i32>} : memref<4096xi32, #tpu.memory_space<vmem>>, vector<16xi32>,
        tpu.vector_store %arg8[%parallel_loop3A_170], %parallel_loop3A_169 {strides = array<i32>} : memref<4096xi32, #tpu.memory_space<vmem>>, vector<16xi32>,
        %parallel_loop3A_172 = arith.constant 1 : i32
        %parallel_loop3A_173 = vector.broadcast %parallel_loop3A_172 : i32 to vector<16xi32>
        %parallel_loop3A_174 = arith.addi %parallel_loop3A_169, %parallel_loop3A_173 : vector<16xi32>
        %parallel_loop3A_175 = arith.constant 3 : i32
        %parallel_loop3A_176 = vector.broadcast %parallel_loop3A_175 : i32 to vector<16xi32>
        %parallel_loop3A_177 = arith.shrsi %parallel_loop3A_174, %parallel_loop3A_176 : vector<16xi32>
        %parallel_loop3A_178 = arith.subi %parallel_loop3A_174, %parallel_loop3A_177 : vector<16xi32>
        %parallel_loop3A_179 = arith.constant 1 : i32
        %parallel_loop3A_180 = vector.broadcast %parallel_loop3A_179 : i32 to vector<16xi32>
        %parallel_loop3A_181 = arith.subi %parallel_loop3A_178, %parallel_loop3A_180 : vector<16xi32>
        %parallel_loop3A_182 = arith.index_cast %parallel_loop3A_156 : i32 to index
        %parallel_loop3A_183 = tpu.vector_load %arg9[%parallel_loop3A_182] {strides = array<i32>} : memref<4096xi32, #tpu.memory_space<vmem>>, vector<16xi32>,
        tpu.vector_store %arg9[%parallel_loop3A_182], %parallel_loop3A_181 {strides = array<i32>} : memref<4096xi32, #tpu.memory_space<vmem>>, vector<16xi32>,
        %parallel_loop3A_184 = arith.constant 7 : i32
        %parallel_loop3A_185 = vector.broadcast %parallel_loop3A_184 : i32 to vector<16xi32>
        %parallel_loop3A_186 = arith.andi %parallel_loop3A_169, %parallel_loop3A_185 : vector<16xi32>
        %parallel_loop3A_187 = arith.constant 0 : i32
        %parallel_loop3A_188 = vector.broadcast %parallel_loop3A_187 : i32 to vector<16xi32>
        %parallel_loop3A_189 = arith.cmpi eq, %parallel_loop3A_186, %parallel_loop3A_188 : vector<16xi32>
        %parallel_loop3A_190 = arith.constant 3 : i32
        %parallel_loop3A_191 = vector.broadcast %parallel_loop3A_190 : i32 to vector<16xi32>
        %parallel_loop3A_192 = arith.shrsi %parallel_loop3A_169, %parallel_loop3A_191 : vector<16xi32>
        %parallel_loop3A_193 = arith.subi %parallel_loop3A_169, %parallel_loop3A_192 : vector<16xi32>
        %parallel_loop3A_194 = arith.constant 1 : i32
        %parallel_loop3A_195 = vector.broadcast %parallel_loop3A_194 : i32 to vector<16xi32>
        %parallel_loop3A_196 = arith.subi %parallel_loop3A_193, %parallel_loop3A_195 : vector<16xi32>
        %parallel_loop3A_197 = arith.constant 0 : i32
        %parallel_loop3A_198 = vector.broadcast %parallel_loop3A_197 : i32 to vector<16xi32>
        %parallel_loop3A_199 = arith.select %parallel_loop3A_189, %parallel_loop3A_198, %parallel_loop3A_196 : vector<16xi1>, vector<16xi32>
        %parallel_loop3A_200 = arith.index_cast %parallel_loop3A_156 : i32 to index
        %parallel_loop3A_201 = tpu.vector_load %arg10[%parallel_loop3A_200] {strides = array<i32>} : memref<4096xi32, #tpu.memory_space<vmem>>, vector<16xi32>,
        tpu.vector_store %arg10[%parallel_loop3A_200], %parallel_loop3A_199 {strides = array<i32>} : memref<4096xi32, #tpu.memory_space<vmem>>, vector<16xi32>,
      } {sc.loop_unroll_factor = 8 : i64, sc.parallel_access}
      %multiple_of3A_91 = arith.constant 0 : i32
      %multiple_of3A_92 = tpu.assume_multiple %multiple_of3A_91, 2048 : i32
      %multiple_of3A_93 = arith.constant 0 : i32
      %multiple_of3A_94 = tpu.assume_multiple %multiple_of3A_93, 2048 : i32
      %dma_start3A_95 = tpu.memref_slice %arg11[%multiple_of3A_94] : memref<4096xf32, #tpu.memory_space<vmem>> -> memref<2048xf32, #tpu.memory_space<vmem>>
      %dma_start3A_96 = tpu.memref_slice %arg9[%multiple_of3A_92] : memref<4096xi32, #tpu.memory_space<vmem>> -> memref<2048xi32, #tpu.memory_space<vmem>>
      %dma_start3A_97 = arith.constant 0 : i32
      %dma_start3A_98 = tpu.memref_slice %arg13[%dma_start3A_97] : memref<458752xf32, #tpu.memory_space<vmem_shared>> -> memref<458752xf32, #tpu.memory_space<vmem_shared>>
      tpu.enqueue_indirect_dma source(%dma_start3A_98 : memref<458752xf32, #tpu.memory_space<vmem_shared>>) target(%dma_start3A_95 : memref<2048xf32, #tpu.memory_space<vmem>>) offsets(%dma_start3A_96 : memref<2048xi32, #tpu.memory_space<vmem>>) semaphore(%arg14 : memref<!tpu.dma_semaphore, #tpu.memory_space<semaphore_mem>>)
      %multiple_of3A_99 = arith.constant 0 : i32
      %multiple_of3A_100 = tpu.assume_multiple %multiple_of3A_99, 2048 : i32
      %multiple_of3A_101 = arith.constant 0 : i32
      %multiple_of3A_102 = tpu.assume_multiple %multiple_of3A_101, 2048 : i32
      %dma_start3A_103 = tpu.memref_slice %arg12[%multiple_of3A_102] : memref<4096xf32, #tpu.memory_space<vmem>> -> memref<2048xf32, #tpu.memory_space<vmem>>
      %dma_start3A_104 = tpu.memref_slice %arg10[%multiple_of3A_100] : memref<4096xi32, #tpu.memory_space<vmem>> -> memref<2048xi32, #tpu.memory_space<vmem>>
      %dma_start3A_105 = arith.constant 0 : i32
      %dma_start3A_106 = tpu.memref_slice %arg13[%dma_start3A_105] : memref<458752xf32, #tpu.memory_space<vmem_shared>> -> memref<458752xf32, #tpu.memory_space<vmem_shared>>
      tpu.enqueue_indirect_dma source(%dma_start3A_106 : memref<458752xf32, #tpu.memory_space<vmem_shared>>) target(%dma_start3A_103 : memref<2048xf32, #tpu.memory_space<vmem>>) offsets(%dma_start3A_104 : memref<2048xi32, #tpu.memory_space<vmem>>) semaphore(%arg14 : memref<!tpu.dma_semaphore, #tpu.memory_space<semaphore_mem>>)
      %dma_wait3A_107 = tpu.memref_slice %arg11[%multiple_of3A_79] : memref<4096xf32, #tpu.memory_space<vmem>> -> memref<2048xf32, #tpu.memory_space<vmem>>
      %dma_wait3A_108 = tpu.memref_slice %arg9[%multiple_of3A_77] : memref<4096xi32, #tpu.memory_space<vmem>> -> memref<2048xi32, #tpu.memory_space<vmem>>
      %dma_wait3A_109 = arith.constant 0 : i32
      %dma_wait3A_110 = tpu.memref_slice %arg13[%dma_wait3A_109] : memref<458752xf32, #tpu.memory_space<vmem_shared>> -> memref<458752xf32, #tpu.memory_space<vmem_shared>>
      tpu.wait_indirect_dma semaphore(%arg15 : memref<!tpu.dma_semaphore, #tpu.memory_space<semaphore_mem>>) src(%dma_wait3A_110 : memref<458752xf32, #tpu.memory_space<vmem_shared>>) dst(%dma_wait3A_107 : memref<2048xf32, #tpu.memory_space<vmem>>)
      %parallel_loop3A_111 = arith.constant 128 : i32
      %parallel_loop3A_112 = arith.constant 256 : i32
      %parallel_loop3A_113 = arith.constant 1 : i32
      scf.for %parallel_loop3A_153 = %parallel_loop3A_111 to %parallel_loop3A_112 step %parallel_loop3A_113  : i32 {
        %parallel_loop3A_154 = arith.constant 16 : i32
        %parallel_loop3A_155 = arith.muli %parallel_loop3A_153, %parallel_loop3A_154 : i32
        %parallel_loop3A_156 = tpu.assume_multiple %parallel_loop3A_155, 16 : i32
        %parallel_loop3A_157 = arith.index_cast %parallel_loop3A_156 : i32 to index
        %parallel_loop3A_158 = tpu.vector_load %arg7[%parallel_loop3A_157] {strides = array<i32>} : memref<4096xf32, #tpu.memory_space<vmem>>, vector<16xf32>,
        %parallel_loop3A_159 = arith.index_cast %parallel_loop3A_156 : i32 to index
        %parallel_loop3A_160 = tpu.vector_load %arg8[%parallel_loop3A_159] {strides = array<i32>} : memref<4096xi32, #tpu.memory_space<vmem>>, vector<16xi32>,
        %parallel_loop3A_161 = arith.index_cast %parallel_loop3A_156 : i32 to index
        %parallel_loop3A_162 = tpu.vector_load %arg11[%parallel_loop3A_161] {strides = array<i32>} : memref<4096xf32, #tpu.memory_space<vmem>>, vector<16xf32>,
        %parallel_loop3A_163 = arith.cmpf ogt, %parallel_loop3A_158, %parallel_loop3A_162 : vector<16xf32>
        %parallel_loop3A_164 = arith.constant 2 : i32
        %parallel_loop3A_165 = arith.constant 0 : i32
        %parallel_loop3A_166 = vector.broadcast %parallel_loop3A_164 : i32 to vector<16xi32>
        %parallel_loop3A_167 = vector.broadcast %parallel_loop3A_165 : i32 to vector<16xi32>
        %parallel_loop3A_168 = arith.select %parallel_loop3A_163, %parallel_loop3A_166, %parallel_loop3A_167 : vector<16xi1>, vector<16xi32>
        %parallel_loop3A_169 = arith.addi %parallel_loop3A_160, %parallel_loop3A_168 : vector<16xi32>
        %parallel_loop3A_170 = arith.index_cast %parallel_loop3A_156 : i32 to index
        %parallel_loop3A_171 = tpu.vector_load %arg8[%parallel_loop3A_170] {strides = array<i32>} : memref<4096xi32, #tpu.memory_space<vmem>>, vector<16xi32>,
        tpu.vector_store %arg8[%parallel_loop3A_170], %parallel_loop3A_169 {strides = array<i32>} : memref<4096xi32, #tpu.memory_space<vmem>>, vector<16xi32>,
        %parallel_loop3A_172 = arith.constant 1 : i32
        %parallel_loop3A_173 = vector.broadcast %parallel_loop3A_172 : i32 to vector<16xi32>
        %parallel_loop3A_174 = arith.addi %parallel_loop3A_169, %parallel_loop3A_173 : vector<16xi32>
        %parallel_loop3A_175 = arith.constant 3 : i32
        %parallel_loop3A_176 = vector.broadcast %parallel_loop3A_175 : i32 to vector<16xi32>
        %parallel_loop3A_177 = arith.shrsi %parallel_loop3A_174, %parallel_loop3A_176 : vector<16xi32>
        %parallel_loop3A_178 = arith.subi %parallel_loop3A_174, %parallel_loop3A_177 : vector<16xi32>
        %parallel_loop3A_179 = arith.constant 1 : i32
        %parallel_loop3A_180 = vector.broadcast %parallel_loop3A_179 : i32 to vector<16xi32>
        %parallel_loop3A_181 = arith.subi %parallel_loop3A_178, %parallel_loop3A_180 : vector<16xi32>
        %parallel_loop3A_182 = arith.index_cast %parallel_loop3A_156 : i32 to index
        %parallel_loop3A_183 = tpu.vector_load %arg9[%parallel_loop3A_182] {strides = array<i32>} : memref<4096xi32, #tpu.memory_space<vmem>>, vector<16xi32>,
        tpu.vector_store %arg9[%parallel_loop3A_182], %parallel_loop3A_181 {strides = array<i32>} : memref<4096xi32, #tpu.memory_space<vmem>>, vector<16xi32>,
        %parallel_loop3A_184 = arith.constant 7 : i32
        %parallel_loop3A_185 = vector.broadcast %parallel_loop3A_184 : i32 to vector<16xi32>
        %parallel_loop3A_186 = arith.andi %parallel_loop3A_169, %parallel_loop3A_185 : vector<16xi32>
        %parallel_loop3A_187 = arith.constant 0 : i32
        %parallel_loop3A_188 = vector.broadcast %parallel_loop3A_187 : i32 to vector<16xi32>
        %parallel_loop3A_189 = arith.cmpi eq, %parallel_loop3A_186, %parallel_loop3A_188 : vector<16xi32>
        %parallel_loop3A_190 = arith.constant 3 : i32
        %parallel_loop3A_191 = vector.broadcast %parallel_loop3A_190 : i32 to vector<16xi32>
        %parallel_loop3A_192 = arith.shrsi %parallel_loop3A_169, %parallel_loop3A_191 : vector<16xi32>
        %parallel_loop3A_193 = arith.subi %parallel_loop3A_169, %parallel_loop3A_192 : vector<16xi32>
        %parallel_loop3A_194 = arith.constant 1 : i32
        %parallel_loop3A_195 = vector.broadcast %parallel_loop3A_194 : i32 to vector<16xi32>
        %parallel_loop3A_196 = arith.subi %parallel_loop3A_193, %parallel_loop3A_195 : vector<16xi32>
        %parallel_loop3A_197 = arith.constant 0 : i32
        %parallel_loop3A_198 = vector.broadcast %parallel_loop3A_197 : i32 to vector<16xi32>
        %parallel_loop3A_199 = arith.select %parallel_loop3A_189, %parallel_loop3A_198, %parallel_loop3A_196 : vector<16xi1>, vector<16xi32>
        %parallel_loop3A_200 = arith.index_cast %parallel_loop3A_156 : i32 to index
        %parallel_loop3A_201 = tpu.vector_load %arg10[%parallel_loop3A_200] {strides = array<i32>} : memref<4096xi32, #tpu.memory_space<vmem>>, vector<16xi32>,
        tpu.vector_store %arg10[%parallel_loop3A_200], %parallel_loop3A_199 {strides = array<i32>} : memref<4096xi32, #tpu.memory_space<vmem>>, vector<16xi32>,
      } {sc.loop_unroll_factor = 8 : i64, sc.parallel_access}
      %multiple_of3A_114 = arith.constant 2048 : i32
      %multiple_of3A_115 = tpu.assume_multiple %multiple_of3A_114, 2048 : i32
      %multiple_of3A_116 = arith.constant 2048 : i32
      %multiple_of3A_117 = tpu.assume_multiple %multiple_of3A_116, 2048 : i32
      %dma_start3A_118 = tpu.memref_slice %arg11[%multiple_of3A_117] : memref<4096xf32, #tpu.memory_space<vmem>> -> memref<2048xf32, #tpu.memory_space<vmem>>
      %dma_start3A_119 = tpu.memref_slice %arg9[%multiple_of3A_115] : memref<4096xi32, #tpu.memory_space<vmem>> -> memref<2048xi32, #tpu.memory_space<vmem>>
      %dma_start3A_120 = arith.constant 0 : i32
      %dma_start3A_121 = tpu.memref_slice %arg13[%dma_start3A_120] : memref<458752xf32, #tpu.memory_space<vmem_shared>> -> memref<458752xf32, #tpu.memory_space<vmem_shared>>
      tpu.enqueue_indirect_dma source(%dma_start3A_121 : memref<458752xf32, #tpu.memory_space<vmem_shared>>) target(%dma_start3A_118 : memref<2048xf32, #tpu.memory_space<vmem>>) offsets(%dma_start3A_119 : memref<2048xi32, #tpu.memory_space<vmem>>) semaphore(%arg15 : memref<!tpu.dma_semaphore, #tpu.memory_space<semaphore_mem>>)
      %multiple_of3A_122 = arith.constant 2048 : i32
      %multiple_of3A_123 = tpu.assume_multiple %multiple_of3A_122, 2048 : i32
      %multiple_of3A_124 = arith.constant 2048 : i32
      %multiple_of3A_125 = tpu.assume_multiple %multiple_of3A_124, 2048 : i32
      %dma_start3A_126 = tpu.memref_slice %arg12[%multiple_of3A_125] : memref<4096xf32, #tpu.memory_space<vmem>> -> memref<2048xf32, #tpu.memory_space<vmem>>
      %dma_start3A_127 = tpu.memref_slice %arg10[%multiple_of3A_123] : memref<4096xi32, #tpu.memory_space<vmem>> -> memref<2048xi32, #tpu.memory_space<vmem>>
      %dma_start3A_128 = arith.constant 0 : i32
      %dma_start3A_129 = tpu.memref_slice %arg13[%dma_start3A_128] : memref<458752xf32, #tpu.memory_space<vmem_shared>> -> memref<458752xf32, #tpu.memory_space<vmem_shared>>
      tpu.enqueue_indirect_dma source(%dma_start3A_129 : memref<458752xf32, #tpu.memory_space<vmem_shared>>) target(%dma_start3A_126 : memref<2048xf32, #tpu.memory_space<vmem>>) offsets(%dma_start3A_127 : memref<2048xi32, #tpu.memory_space<vmem>>) semaphore(%arg15 : memref<!tpu.dma_semaphore, #tpu.memory_space<semaphore_mem>>)
      %dma_wait3A_130 = tpu.memref_slice %arg11[%multiple_of3A_94] : memref<4096xf32, #tpu.memory_space<vmem>> -> memref<2048xf32, #tpu.memory_space<vmem>>
      %dma_wait3A_131 = tpu.memref_slice %arg9[%multiple_of3A_92] : memref<4096xi32, #tpu.memory_space<vmem>> -> memref<2048xi32, #tpu.memory_space<vmem>>
      %dma_wait3A_132 = arith.constant 0 : i32
      %dma_wait3A_133 = tpu.memref_slice %arg13[%dma_wait3A_132] : memref<458752xf32, #tpu.memory_space<vmem_shared>> -> memref<458752xf32, #tpu.memory_space<vmem_shared>>
      tpu.wait_indirect_dma semaphore(%arg14 : memref<!tpu.dma_semaphore, #tpu.memory_space<semaphore_mem>>) src(%dma_wait3A_133 : memref<458752xf32, #tpu.memory_space<vmem_shared>>) dst(%dma_wait3A_130 : memref<2048xf32, #tpu.memory_space<vmem>>)
      %dma_wait3A_134 = tpu.memref_slice %arg12[%multiple_of3A_102] : memref<4096xf32, #tpu.memory_space<vmem>> -> memref<2048xf32, #tpu.memory_space<vmem>>
      %dma_wait3A_135 = tpu.memref_slice %arg10[%multiple_of3A_100] : memref<4096xi32, #tpu.memory_space<vmem>> -> memref<2048xi32, #tpu.memory_space<vmem>>
      %dma_wait3A_136 = arith.constant 0 : i32
      %dma_wait3A_137 = tpu.memref_slice %arg13[%dma_wait3A_136] : memref<458752xf32, #tpu.memory_space<vmem_shared>> -> memref<458752xf32, #tpu.memory_space<vmem_shared>>
      tpu.wait_indirect_dma semaphore(%arg14 : memref<!tpu.dma_semaphore, #tpu.memory_space<semaphore_mem>>) src(%dma_wait3A_137 : memref<458752xf32, #tpu.memory_space<vmem_shared>>) dst(%dma_wait3A_134 : memref<2048xf32, #tpu.memory_space<vmem>>)
      %parallel_loop3A_138 = arith.constant 0 : i32
      %parallel_loop3A_139 = arith.constant 128 : i32
      %parallel_loop3A_140 = arith.constant 1 : i32
      scf.for %parallel_loop3A_153 = %parallel_loop3A_138 to %parallel_loop3A_139 step %parallel_loop3A_140  : i32 {
        %parallel_loop3A_154 = arith.constant 16 : i32
        %parallel_loop3A_155 = arith.muli %parallel_loop3A_153, %parallel_loop3A_154 : i32
        %parallel_loop3A_156 = tpu.assume_multiple %parallel_loop3A_155, 16 : i32
        %parallel_loop3A_157 = arith.index_cast %parallel_loop3A_156 : i32 to index
        %parallel_loop3A_158 = tpu.vector_load %arg7[%parallel_loop3A_157] {strides = array<i32>} : memref<4096xf32, #tpu.memory_space<vmem>>, vector<16xf32>,
        %parallel_loop3A_159 = arith.index_cast %parallel_loop3A_156 : i32 to index
        %parallel_loop3A_160 = tpu.vector_load %arg8[%parallel_loop3A_159] {strides = array<i32>} : memref<4096xi32, #tpu.memory_space<vmem>>, vector<16xi32>,
        %parallel_loop3A_161 = arith.index_cast %parallel_loop3A_156 : i32 to index
        %parallel_loop3A_162 = tpu.vector_load %arg11[%parallel_loop3A_161] {strides = array<i32>} : memref<4096xf32, #tpu.memory_space<vmem>>, vector<16xf32>,
        %parallel_loop3A_163 = arith.index_cast %parallel_loop3A_156 : i32 to index
        %parallel_loop3A_164 = tpu.vector_load %arg12[%parallel_loop3A_163] {strides = array<i32>} : memref<4096xf32, #tpu.memory_space<vmem>>, vector<16xf32>,
        %parallel_loop3A_165 = arith.constant 7 : i32
        %parallel_loop3A_166 = vector.broadcast %parallel_loop3A_165 : i32 to vector<16xi32>
        %parallel_loop3A_167 = arith.andi %parallel_loop3A_160, %parallel_loop3A_166 : vector<16xi32>
        %parallel_loop3A_168 = arith.constant 0 : i32
        %parallel_loop3A_169 = vector.broadcast %parallel_loop3A_168 : i32 to vector<16xi32>
        %parallel_loop3A_170 = arith.cmpi eq, %parallel_loop3A_167, %parallel_loop3A_169 : vector<16xi32>
        %parallel_loop3A_171 = arith.constant 3 : i32
        %parallel_loop3A_172 = vector.broadcast %parallel_loop3A_171 : i32 to vector<16xi32>
        %parallel_loop3A_173 = arith.shrsi %parallel_loop3A_160, %parallel_loop3A_172 : vector<16xi32>
        %parallel_loop3A_174 = tpu.vector_load_idx %arg6[%parallel_loop3A_173] : memref<65536xf32, #tpu.memory_space<vmem>>[vector<16xi32>], vector<16xf32>,
        %parallel_loop3A_175 = arith.select %parallel_loop3A_170, %parallel_loop3A_174, %parallel_loop3A_164 : vector<16xi1>, vector<16xf32>
        %parallel_loop3A_176 = arith.cmpf ogt, %parallel_loop3A_158, %parallel_loop3A_162 : vector<16xf32>
        %parallel_loop3A_177 = arith.extui %parallel_loop3A_176 : vector<16xi1> to vector<16xi32>
        %parallel_loop3A_178 = arith.addi %parallel_loop3A_160, %parallel_loop3A_177 : vector<16xi32>
        %parallel_loop3A_179 = arith.select %parallel_loop3A_176, %parallel_loop3A_162, %parallel_loop3A_175 : vector<16xi1>, vector<16xf32>
        %parallel_loop3A_180 = arith.cmpf ogt, %parallel_loop3A_158, %parallel_loop3A_179 : vector<16xf32>
        %parallel_loop3A_181 = arith.extui %parallel_loop3A_180 : vector<16xi1> to vector<16xi32>
        %parallel_loop3A_182 = arith.addi %parallel_loop3A_178, %parallel_loop3A_181 : vector<16xi32>
        %parallel_loop3A_183 = arith.constant 524287 : i32
        %parallel_loop3A_184 = vector.broadcast %parallel_loop3A_183 : i32 to vector<16xi32>
        %parallel_loop3A_185 = arith.minsi %parallel_loop3A_182, %parallel_loop3A_184 : vector<16xi32>
        %parallel_loop3A_186 = arith.index_cast %parallel_loop3A_156 : i32 to index
        %parallel_loop3A_187 = tpu.vector_load %arg9[%parallel_loop3A_186] {strides = array<i32>} : memref<4096xi32, #tpu.memory_space<vmem>>, vector<16xi32>,
        tpu.vector_store %arg9[%parallel_loop3A_186], %parallel_loop3A_185 {strides = array<i32>} : memref<4096xi32, #tpu.memory_space<vmem>>, vector<16xi32>,
      } {sc.loop_unroll_factor = 8 : i64, sc.parallel_access}
      %dma_wait3A_141 = tpu.memref_slice %arg11[%multiple_of3A_117] : memref<4096xf32, #tpu.memory_space<vmem>> -> memref<2048xf32, #tpu.memory_space<vmem>>
      %dma_wait3A_142 = tpu.memref_slice %arg9[%multiple_of3A_115] : memref<4096xi32, #tpu.memory_space<vmem>> -> memref<2048xi32, #tpu.memory_space<vmem>>
      %dma_wait3A_143 = arith.constant 0 : i32
      %dma_wait3A_144 = tpu.memref_slice %arg13[%dma_wait3A_143] : memref<458752xf32, #tpu.memory_space<vmem_shared>> -> memref<458752xf32, #tpu.memory_space<vmem_shared>>
      tpu.wait_indirect_dma semaphore(%arg15 : memref<!tpu.dma_semaphore, #tpu.memory_space<semaphore_mem>>) src(%dma_wait3A_144 : memref<458752xf32, #tpu.memory_space<vmem_shared>>) dst(%dma_wait3A_141 : memref<2048xf32, #tpu.memory_space<vmem>>)
      %dma_wait3A_145 = tpu.memref_slice %arg12[%multiple_of3A_125] : memref<4096xf32, #tpu.memory_space<vmem>> -> memref<2048xf32, #tpu.memory_space<vmem>>
      %dma_wait3A_146 = tpu.memref_slice %arg10[%multiple_of3A_123] : memref<4096xi32, #tpu.memory_space<vmem>> -> memref<2048xi32, #tpu.memory_space<vmem>>
      %dma_wait3A_147 = arith.constant 0 : i32
      %dma_wait3A_148 = tpu.memref_slice %arg13[%dma_wait3A_147] : memref<458752xf32, #tpu.memory_space<vmem_shared>> -> memref<458752xf32, #tpu.memory_space<vmem_shared>>
      tpu.wait_indirect_dma semaphore(%arg15 : memref<!tpu.dma_semaphore, #tpu.memory_space<semaphore_mem>>) src(%dma_wait3A_148 : memref<458752xf32, #tpu.memory_space<vmem_shared>>) dst(%dma_wait3A_145 : memref<2048xf32, #tpu.memory_space<vmem>>)
      %parallel_loop3A_149 = arith.constant 128 : i32
      %parallel_loop3A_150 = arith.constant 256 : i32
      %parallel_loop3A_151 = arith.constant 1 : i32
      scf.for %parallel_loop3A_153 = %parallel_loop3A_149 to %parallel_loop3A_150 step %parallel_loop3A_151  : i32 {
        %parallel_loop3A_154 = arith.constant 16 : i32
        %parallel_loop3A_155 = arith.muli %parallel_loop3A_153, %parallel_loop3A_154 : i32
        %parallel_loop3A_156 = tpu.assume_multiple %parallel_loop3A_155, 16 : i32
        %parallel_loop3A_157 = arith.index_cast %parallel_loop3A_156 : i32 to index
        %parallel_loop3A_158 = tpu.vector_load %arg7[%parallel_loop3A_157] {strides = array<i32>} : memref<4096xf32, #tpu.memory_space<vmem>>, vector<16xf32>,
        %parallel_loop3A_159 = arith.index_cast %parallel_loop3A_156 : i32 to index
        %parallel_loop3A_160 = tpu.vector_load %arg8[%parallel_loop3A_159] {strides = array<i32>} : memref<4096xi32, #tpu.memory_space<vmem>>, vector<16xi32>,
        %parallel_loop3A_161 = arith.index_cast %parallel_loop3A_156 : i32 to index
        %parallel_loop3A_162 = tpu.vector_load %arg11[%parallel_loop3A_161] {strides = array<i32>} : memref<4096xf32, #tpu.memory_space<vmem>>, vector<16xf32>,
        %parallel_loop3A_163 = arith.index_cast %parallel_loop3A_156 : i32 to index
        %parallel_loop3A_164 = tpu.vector_load %arg12[%parallel_loop3A_163] {strides = array<i32>} : memref<4096xf32, #tpu.memory_space<vmem>>, vector<16xf32>,
        %parallel_loop3A_165 = arith.constant 7 : i32
        %parallel_loop3A_166 = vector.broadcast %parallel_loop3A_165 : i32 to vector<16xi32>
        %parallel_loop3A_167 = arith.andi %parallel_loop3A_160, %parallel_loop3A_166 : vector<16xi32>
        %parallel_loop3A_168 = arith.constant 0 : i32
        %parallel_loop3A_169 = vector.broadcast %parallel_loop3A_168 : i32 to vector<16xi32>
        %parallel_loop3A_170 = arith.cmpi eq, %parallel_loop3A_167, %parallel_loop3A_169 : vector<16xi32>
        %parallel_loop3A_171 = arith.constant 3 : i32
        %parallel_loop3A_172 = vector.broadcast %parallel_loop3A_171 : i32 to vector<16xi32>
        %parallel_loop3A_173 = arith.shrsi %parallel_loop3A_160, %parallel_loop3A_172 : vector<16xi32>
        %parallel_loop3A_174 = tpu.vector_load_idx %arg6[%parallel_loop3A_173] : memref<65536xf32, #tpu.memory_space<vmem>>[vector<16xi32>], vector<16xf32>,
        %parallel_loop3A_175 = arith.select %parallel_loop3A_170, %parallel_loop3A_174, %parallel_loop3A_164 : vector<16xi1>, vector<16xf32>
        %parallel_loop3A_176 = arith.cmpf ogt, %parallel_loop3A_158, %parallel_loop3A_162 : vector<16xf32>
        %parallel_loop3A_177 = arith.extui %parallel_loop3A_176 : vector<16xi1> to vector<16xi32>
        %parallel_loop3A_178 = arith.addi %parallel_loop3A_160, %parallel_loop3A_177 : vector<16xi32>
        %parallel_loop3A_179 = arith.select %parallel_loop3A_176, %parallel_loop3A_162, %parallel_loop3A_175 : vector<16xi1>, vector<16xf32>
        %parallel_loop3A_180 = arith.cmpf ogt, %parallel_loop3A_158, %parallel_loop3A_179 : vector<16xf32>
        %parallel_loop3A_181 = arith.extui %parallel_loop3A_180 : vector<16xi1> to vector<16xi32>
        %parallel_loop3A_182 = arith.addi %parallel_loop3A_178, %parallel_loop3A_181 : vector<16xi32>
        %parallel_loop3A_183 = arith.constant 524287 : i32
        %parallel_loop3A_184 = vector.broadcast %parallel_loop3A_183 : i32 to vector<16xi32>
        %parallel_loop3A_185 = arith.minsi %parallel_loop3A_182, %parallel_loop3A_184 : vector<16xi32>
        %parallel_loop3A_186 = arith.index_cast %parallel_loop3A_156 : i32 to index
        %parallel_loop3A_187 = tpu.vector_load %arg9[%parallel_loop3A_186] {strides = array<i32>} : memref<4096xi32, #tpu.memory_space<vmem>>, vector<16xi32>,
        tpu.vector_store %arg9[%parallel_loop3A_186], %parallel_loop3A_185 {strides = array<i32>} : memref<4096xi32, #tpu.memory_space<vmem>>, vector<16xi32>,
      } {sc.loop_unroll_factor = 8 : i64, sc.parallel_access}
      "tpu.region"() ({
        %run_scoped3A = tpu.sem_alloc : memref<!tpu.dma_semaphore, #tpu.memory_space<semaphore_mem>>
        %dma_start3A_153 = tpu.memref_slice %arg5[%multiple_of3A] : memref<6291456xi32, #tpu.memory_space<hbm>> -> memref<4096xi32, #tpu.memory_space<hbm>>
        %dma_start3A_154 = tpu.memref_slice %arg5[%multiple_of3A] : memref<6291456xi32, #tpu.memory_space<hbm>> -> memref<4096xi32, #tpu.memory_space<hbm>>
        tpu.enqueue_dma source(%arg9 : memref<4096xi32, #tpu.memory_space<vmem>>) target(%dma_start3A_154 : memref<4096xi32, #tpu.memory_space<hbm>>) target_semaphore(%run_scoped3A : memref<!tpu.dma_semaphore, #tpu.memory_space<semaphore_mem>>)
        %dma_wait3A_155 = tpu.memref_slice %arg5[%multiple_of3A] : memref<6291456xi32, #tpu.memory_space<hbm>> -> memref<4096xi32, #tpu.memory_space<hbm>>
        %dma_wait3A_156 = tpu.memref_slice %arg5[%multiple_of3A] : memref<6291456xi32, #tpu.memory_space<hbm>> -> memref<4096xi32, #tpu.memory_space<hbm>>
        tpu.wait_dma2 semaphore(%run_scoped3A : memref<!tpu.dma_semaphore, #tpu.memory_space<semaphore_mem>>) src(%arg9 : memref<4096xi32, #tpu.memory_space<vmem>>) dst(%dma_wait3A_156 : memref<4096xi32, #tpu.memory_space<hbm>>)
        tpu.yield
      }) : () -> ()
      %scan3A_152 = arith.constant 0 : i32
      scf.yield %scan3A_152 : i32
    }
    %scan3A_27 = arith.constant 48 : i32
    return
  }
}

#map = affine_map<(d0, d1) -> (0)>
module attributes {stable_mosaic.version = 14 : i64} {
  func.func @_values_body(%arg0: i32, %arg1: i32, %arg2: memref<6291456xi32, #tpu.memory_space<hbm>>, %arg3: memref<524288xf32, #tpu.memory_space<hbm>>, %arg4: memref<6291456xf32, #tpu.memory_space<hbm>>, %arg5: memref<4096xi32, #tpu.memory_space<vmem>>, %arg6: memref<4096xf32, #tpu.memory_space<vmem>>, %arg7: memref<524288xf32, #tpu.memory_space<vmem_shared>>, %arg8: memref<!tpu.dma_semaphore, #tpu.memory_space<semaphore_mem>>) attributes {dimension_semantics = [#tpu.dimension_semantics<core_parallel>, #tpu.dimension_semantics<subcore_parallel>], iteration_bounds = array<i64: 2, 16>, scalar_prefetch = 0 : i64, scratch_operands = 4 : i64, tpu.core_type = #tpu.core_type<sc_vector_subcore>, window_params = [{transform_indices = #map}, {transform_indices = #map}, {transform_indices = #map}]} {
    %mul3A = arith.constant 2 : i32
    %mul3A_0 = arith.muli %arg1, %mul3A : i32
    %add3A = arith.addi %mul3A_0, %arg0 : i32
    %eq3A = arith.constant 0 : i32
    %eq3A_1 = arith.cmpi eq, %arg1, %eq3A : i32
    %convert_element_type3A = arith.extui %eq3A_1 : i1 to i32
    %cond3A = arith.constant 0 : i32
    %cond3A_2 = arith.cmpi ne, %convert_element_type3A, %cond3A : i32
    scf.if %cond3A_2 {
      "tpu.region"() ({
        %run_scoped3A = tpu.sem_alloc : memref<!tpu.dma_semaphore, #tpu.memory_space<semaphore_mem>>
        tpu.enqueue_dma source(%arg3 : memref<524288xf32, #tpu.memory_space<hbm>>) target(%arg7 : memref<524288xf32, #tpu.memory_space<vmem_shared>>) target_semaphore(%run_scoped3A : memref<!tpu.dma_semaphore, #tpu.memory_space<semaphore_mem>>)
        tpu.wait_dma2 semaphore(%run_scoped3A : memref<!tpu.dma_semaphore, #tpu.memory_space<semaphore_mem>>) src(%arg3 : memref<524288xf32, #tpu.memory_space<hbm>>) dst(%arg7 : memref<524288xf32, #tpu.memory_space<vmem_shared>>)
        tpu.yield
      }) : () -> ()
    } else {
    }
    %barrier3A = arith.constant 0 : index
    tpu.barrier barrier_id(%barrier3A)
    %scan3A = arith.constant 0 : i32
    %scan3A_3 = arith.constant 0 : i32
    %scan3A_4 = arith.constant 48 : i32
    %scan3A_5 = arith.addi %scan3A_3, %scan3A_4 : i32
    %scan3A_6 = arith.constant 1 : i32
    %scan3A_7 = scf.for %scan3A_9 = %scan3A_3 to %scan3A_5 step %scan3A_6 iter_args(%scan3A_10 = %scan3A) -> (i32)  : i32 {
      %mul3A_11 = arith.constant 196608 : i32
      %mul3A_12 = arith.muli %add3A, %mul3A_11 : i32
      %mul3A_13 = arith.constant 4096 : i32
      %mul3A_14 = arith.muli %scan3A_9, %mul3A_13 : i32
      %add3A_15 = arith.addi %mul3A_12, %mul3A_14 : i32
      %multiple_of3A = tpu.assume_multiple %add3A_15, 4096 : i32
      "tpu.region"() ({
        %run_scoped3A = tpu.sem_alloc : memref<!tpu.dma_semaphore, #tpu.memory_space<semaphore_mem>>
        %dma_start3A_19 = tpu.memref_slice %arg2[%multiple_of3A] : memref<6291456xi32, #tpu.memory_space<hbm>> -> memref<4096xi32, #tpu.memory_space<hbm>>
        %dma_start3A_20 = tpu.memref_slice %arg2[%multiple_of3A] : memref<6291456xi32, #tpu.memory_space<hbm>> -> memref<4096xi32, #tpu.memory_space<hbm>>
        tpu.enqueue_dma source(%dma_start3A_20 : memref<4096xi32, #tpu.memory_space<hbm>>) target(%arg5 : memref<4096xi32, #tpu.memory_space<vmem>>) target_semaphore(%run_scoped3A : memref<!tpu.dma_semaphore, #tpu.memory_space<semaphore_mem>>)
        %dma_wait3A_21 = tpu.memref_slice %arg2[%multiple_of3A] : memref<6291456xi32, #tpu.memory_space<hbm>> -> memref<4096xi32, #tpu.memory_space<hbm>>
        %dma_wait3A_22 = tpu.memref_slice %arg2[%multiple_of3A] : memref<6291456xi32, #tpu.memory_space<hbm>> -> memref<4096xi32, #tpu.memory_space<hbm>>
        tpu.wait_dma2 semaphore(%run_scoped3A : memref<!tpu.dma_semaphore, #tpu.memory_space<semaphore_mem>>) src(%dma_wait3A_22 : memref<4096xi32, #tpu.memory_space<hbm>>) dst(%arg5 : memref<4096xi32, #tpu.memory_space<vmem>>)
        tpu.yield
      }) : () -> ()
      %dma_start3A = arith.constant 0 : i32
      %dma_start3A_16 = tpu.memref_slice %arg7[%dma_start3A] : memref<524288xf32, #tpu.memory_space<vmem_shared>> -> memref<524288xf32, #tpu.memory_space<vmem_shared>>
      tpu.enqueue_indirect_dma source(%dma_start3A_16 : memref<524288xf32, #tpu.memory_space<vmem_shared>>) target(%arg6 : memref<4096xf32, #tpu.memory_space<vmem>>) offsets(%arg5 : memref<4096xi32, #tpu.memory_space<vmem>>) semaphore(%arg8 : memref<!tpu.dma_semaphore, #tpu.memory_space<semaphore_mem>>)
      %dma_wait3A = arith.constant 0 : i32
      %dma_wait3A_17 = tpu.memref_slice %arg7[%dma_wait3A] : memref<524288xf32, #tpu.memory_space<vmem_shared>> -> memref<524288xf32, #tpu.memory_space<vmem_shared>>
      tpu.wait_indirect_dma semaphore(%arg8 : memref<!tpu.dma_semaphore, #tpu.memory_space<semaphore_mem>>) src(%dma_wait3A_17 : memref<524288xf32, #tpu.memory_space<vmem_shared>>) dst(%arg6 : memref<4096xf32, #tpu.memory_space<vmem>>)
      "tpu.region"() ({
        %run_scoped3A = tpu.sem_alloc : memref<!tpu.dma_semaphore, #tpu.memory_space<semaphore_mem>>
        %dma_start3A_19 = tpu.memref_slice %arg4[%multiple_of3A] : memref<6291456xf32, #tpu.memory_space<hbm>> -> memref<4096xf32, #tpu.memory_space<hbm>>
        %dma_start3A_20 = tpu.memref_slice %arg4[%multiple_of3A] : memref<6291456xf32, #tpu.memory_space<hbm>> -> memref<4096xf32, #tpu.memory_space<hbm>>
        tpu.enqueue_dma source(%arg6 : memref<4096xf32, #tpu.memory_space<vmem>>) target(%dma_start3A_20 : memref<4096xf32, #tpu.memory_space<hbm>>) target_semaphore(%run_scoped3A : memref<!tpu.dma_semaphore, #tpu.memory_space<semaphore_mem>>)
        %dma_wait3A_21 = tpu.memref_slice %arg4[%multiple_of3A] : memref<6291456xf32, #tpu.memory_space<hbm>> -> memref<4096xf32, #tpu.memory_space<hbm>>
        %dma_wait3A_22 = tpu.memref_slice %arg4[%multiple_of3A] : memref<6291456xf32, #tpu.memory_space<hbm>> -> memref<4096xf32, #tpu.memory_space<hbm>>
        tpu.wait_dma2 semaphore(%run_scoped3A : memref<!tpu.dma_semaphore, #tpu.memory_space<semaphore_mem>>) src(%arg6 : memref<4096xf32, #tpu.memory_space<vmem>>) dst(%dma_wait3A_22 : memref<4096xf32, #tpu.memory_space<hbm>>)
        tpu.yield
      }) : () -> ()
      %scan3A_18 = arith.constant 0 : i32
      scf.yield %scan3A_18 : i32
    }
    %scan3A_8 = arith.constant 48 : i32
    return
  }
}

</mosaic_0001>

<sc_bundles>
// kernel: kernel.4.cloned.1.call-start
scs
__scs_entry_jumppad:
0x0: {  	(pc) =	sbr.rel $0x88, $3  }
0x1: {  	(tag) =	ssettag $0x0;
	lr =	simm.s32 $0x1  }
0x2: {  	[smem:$0x3F9F] =	sst lr;
	_ =	strace $0xD0000000  }
0x3: {  	_ = 	snop  }
0x4: {  	_ = 	snop  }
0x5: {  	_ = 	snop  }
0x6: {  	_ = 	snop  }
0x7: {  	_ = 	snop  }
__scs_overlays_trampoline_lowered:
0x8: {  	[smem:$0x3FAE] =	sst s0  }
0x9: {  	[smem:$0x3FAF] =	sst s1  }
0xa: {  	[smem:$0x3FB0] =	sst s2  }
0xb: {  	[smem:$0x3FB1] =	sst s3  }
0xc: {  	[smem:$0x3FB2] =	sst s4  }
0xd: {  	[smem:$0x3FB3] =	sst s5  }
0xe: {  	[smem:$0x3FB4] =	sst s6  }
0xf: {  	[smem:$0x3FB5] =	sst s7  }
0x10: {  	[smem:$0x3FB6] =	sst s8  }
0x11: {  	[smem:$0x3FB7] =	sst s9;
	s0 =	simm.s32 @!p0 $0x0  }
0x12: {  	s1 =	sld [smem:$0x3F9D];
	s0 =	simm.s32 @p0 $0x1  }
0x13: {  	[smem:$0x3FB8] =	sst s0;
	s0 =	simm.s32 @!p1 $0x0  }
0x14: {  	s2 =	sld [smem:$0x3F9C];
	s0 =	simm.s32 @p1 $0x1  }
0x15: {  	[smem:$0x3FB9] =	sst s0;
	s0 =	simm.s32 @!p2 $0x0  }
0x16: {  	s3 =	sld [smem:$0x3FDB];
	s0 =	simm.s32 @p2 $0x1  }
0x17: {  	s4 =	simm.s32 $0x1BF5;
	[smem:$0x3FBB] =	sst s0  }
0x18: {  	s0 =	sld [smem:$0x3F9E];
	_ =	swait.ge [sflag:s4], $0x0  }
0x19: {  	s7 =	sld [smem:$0x3F9F]  }
0x1a: {  	s8 =	sadd.s32 $0xFFFFE003, lr  }
0x1b: {  	s9 =	sadd.s32 $0xFFFFFEF7, lr;
	s5 =	simm.s32 $0xFFFFFFFF;
	p2 =	slt.u32 s8, $0xFFFFF086  }
0x1c: {  	p1 =	slt.u32 s9, $0xF7A;
	s5 =	simm.s32 @!p2 $0x0  }
0x1d: {  	s5 =	simm.s32 @p1 $0x1;
	p0 =	seq.s32 s7, s2  }
0x1e: {  	s7 =	smul.u32 @!p0 $0xF7A, s2;
	p2 =	seq.s32 @!p0 s5, $0x0  }
0x1f: {  	s9 =	smul.u32 $0xF7A, s1;
	s8 =	simm.s32 @!p0 $0x1BF5;
	p2 =	por !p2, p0  }
0x20: {  	[sflag:s8] =	ssyncset.s32 @!p0 $0xFFFFF086;
	s6 =	sadd.s32 @!p0 s3, s7;
	s7 =	simm.s32 @!p0 $0x108  }
0x21: {  	s3 =	sadd.s32 s3, s9;
	s6 =	sadd.s32 @!p0 $0x88, s6;
	s7 =	simm.s32 @p2 $0x1082  }
0x22: {  	[simem:s7], [sflag:s8] =	dma.local @!p0 [hbm:s6], $0xF7A  }
0x23: {  	s9 =	sor.u32 $0xD0000000, s2;
	s6 =	simm.s32 $0x108;
	_ =	swait.ge @!p0 [sflag:s8], $0x0  }
0x24: {  	s3 =	sadd.s32 $0x88, s3;
	s6 =	simm.s32 @!p1 $0x1082;
	[sflag:s4] =	ssyncset.s32 $0xFFFFF086  }
0x25: {  	[simem:s6], [sflag:s4] =	dma.local [hbm:s3], $0xF7A  }
0x26: {  	[smem:$0x3F9F] =	sst s1;
	(tag) =	ssettag s2;
	_ =	strace s9  }
0x27: {  	s1 =	sld [smem:$0x3FAF]  }
0x28: {  	s2 =	sld [smem:$0x3FB0]  }
0x29: {  	s4 =	sld [smem:$0x3FB2]  }
0x2a: {  	p0 =	seq.s32 s5, $0x0;
	s5 =	sld [smem:$0x3FB3]  }
0x2b: {  	s6 =	sld [smem:$0x3FB4]  }
0x2c: {  	s7 =	sld [smem:$0x3FB5]  }
0x2d: {  	s3 =	simm.s32 $0x108;
	s8 =	sld [smem:$0x3FB6]  }
0x2e: {  	s3 =	simm.s32 @!p0 $0x1082;
	s9 =	sld [smem:$0x3FB7]  }
0x2f: {  	lr =	sadd.s32 s0, s3;
	s0 =	sld [smem:$0x3FAE]  }
0x30: {  	s3 =	sld [smem:$0x3FB1]  }
0x31: {  	[smem:$0x3FBA] =	sst s10  }
0x32: {  	s10 =	sld [smem:$0x3FB8];
	_ =	sdelay $0x3  }
0x33: {  	p0 =	seq.s32 s10, $0x1;
	s10 =	sld [smem:$0x3FBA];
	_ =	sdelay $0x3  }
0x34: {  	[smem:$0x3FBA] =	sst s10  }
0x35: {  	s10 =	sld [smem:$0x3FB9];
	_ =	sdelay $0x3  }
0x36: {  	p1 =	seq.s32 s10, $0x1;
	s10 =	sld [smem:$0x3FBA];
	_ =	sdelay $0x3  }
0x37: {  	[smem:$0x3FBA] =	sst s10  }
0x38: {  	s10 =	sld [smem:$0x3FBB]  }
0x39: {  	_ = 	snop;
	(pc) =	sbr.ind lr, $3  }
0x3a: {  	_ = 	snop  }
0x3b: {  	_ = 	snop  }
0x3c: {  	p2 =	seq.s32 s10, $0x1;
	s10 =	sld [smem:$0x3FBA]  }
0x3d: {  	_ =	shalt  }
0x3e: {  	_ =	shalt  }
0x3f: {  	_ =	shalt  }
0x40: {  	_ =	shalt  }
0x41: {  	_ =	shalt  }
0x42: {  	_ =	shalt  }
0x43: {  	_ =	shalt  }
0x44: {  	_ =	shalt  }
0x45: {  	_ =	shalt  }
0x46: {  	_ =	shalt  }
0x47: {  	_ =	shalt  }
0x48: {  	_ =	shalt  }
0x49: {  	_ =	shalt  }
0x4a: {  	_ =	shalt  }
0x4b: {  	_ =	shalt  }
0x4c: {  	_ =	shalt  }
0x4d: {  	_ =	shalt  }
0x4e: {  	_ =	shalt  }
0x4f: {  	_ =	shalt  }
0x50: {  	_ =	shalt  }
0x51: {  	_ =	shalt  }
0x52: {  	_ =	shalt  }
0x53: {  	_ =	shalt  }
0x54: {  	_ =	shalt  }
0x55: {  	_ =	shalt  }
0x56: {  	_ =	shalt  }
0x57: {  	_ =	shalt  }
0x58: {  	_ =	shalt  }
0x59: {  	_ =	shalt  }
0x5a: {  	_ =	shalt  }
0x5b: {  	_ =	shalt  }
0x5c: {  	_ =	shalt  }
0x5d: {  	_ =	shalt  }
0x5e: {  	_ =	shalt  }
0x5f: {  	_ =	shalt  }
0x60: {  	_ =	shalt  }
0x61: {  	_ =	shalt  }
0x62: {  	_ =	shalt  }
0x63: {  	_ =	shalt  }
0x64: {  	_ =	shalt  }
0x65: {  	_ =	shalt  }
0x66: {  	_ =	shalt  }
0x67: {  	_ =	shalt  }
0x68: {  	_ =	shalt  }
0x69: {  	_ =	shalt  }
0x6a: {  	_ =	shalt  }
0x6b: {  	_ =	shalt  }
0x6c: {  	_ =	shalt  }
0x6d: {  	_ =	shalt  }
0x6e: {  	_ =	shalt  }
0x6f: {  	_ =	shalt  }
0x70: {  	_ =	shalt  }
0x71: {  	_ =	shalt  }
0x72: {  	_ =	shalt  }
0x73: {  	_ =	shalt  }
0x74: {  	_ =	shalt  }
0x75: {  	_ =	shalt  }
0x76: {  	_ =	shalt  }
0x77: {  	_ =	shalt  }
0x78: {  	_ =	shalt  }
0x79: {  	_ =	shalt  }
0x7a: {  	_ =	shalt  }
0x7b: {  	_ =	shalt  }
0x7c: {  	_ =	shalt  }
0x7d: {  	_ =	shalt  }
0x7e: {  	_ =	shalt  }
0x7f: {  	_ =	shalt  }
0x80: {  	_ =	shalt  }
0x81: {  	_ =	shalt  }
0x82: {  	_ =	shalt  }
0x83: {  	_ =	shalt  }
0x84: {  	_ =	shalt  }
0x85: {  	_ =	shalt  }
0x86: {  	_ =	shalt  }
0x87: {  	_ =	shalt  }
.Lfunc_end0:
.L_simem_size_0:
called_computation_lowered:
.L_overlay_start_0:
0x88: {  	s2 =	sld [smem:$0x3FD9]  }
0x89: {  	s3 =	sld [smem:$0x3FFE];
	_ =	sdelay $0x1  }
0x8a: {  	s1 =	srdreg.scid  }
0x8b: {  	s0 =	sand.u32 $0x1, s1  }
0x8c: {  	s17 =	sshll.u32 s0, $0xA;
	s2 =	sadd.s32 s3, s2  }
0x8d: {  	s2 =	sadd.s32 s2, s17  }
0x8e: {  	[smem:$0x3FC6] =	sst s2  }
0x8f: {  	_ = 	snop  }
0x90: {  	s2 =	sld [smem:$0x3FD0];
	(tm) =	ssettm $0x1  }
0x91: {  	s18 =	sld [smem:$0x3FFB];
	_ =	sdelay $0x3  }
0x92: {  	_ =	strace s18  }
0x93: {  	s3 =	sld [smem:$0x3FFC];
	_ =	sdelay $0x3  }
0x94: {  	_ =	strace s3  }
0x95: {  	s3 =	sld [smem:$0x3FFD];
	_ =	sdelay $0x3  }
0x96: {  	_ =	strace s3  }
0x97: {  	_ =	strace $0x8FFFFFFF  }
0x98: {  	s19 =	sld [smem:$0x3FDB];
	_ =	sdelay $0x1  }
0x99: {  	s4 =	simm.s32 $_scs_section_size  }
0x9a: {  	s5 =	simm.s32 $_size__tile_overlayer_lowered;
	s6 =	simm.s32 $_tile_overlayer_lowered  }
0x9b: {  	s22 =	simm.s32 $0x1BFF;
	s21 =	sshll.u32 s6, $0x1;
	s3 =	sadd.s32 s4, s19  }
0x9c: {  	s7 =	simm.s32 $0x0;
	s20 =	sshll.u32 s5, $0x1;
	s5 =	sadd.s32 s21, s3  }
0x9d: {  	[timem:s7], [sflag:s22] =	dma.local [hbm:s5], s20  }
0x9e: {  	_ =	swait.ge [sflag:s22], s20  }
0x9f: {  	s4 =	ssub.s32 $0x0, s20;
	[sflag:s22] =	ssyncset.done $0x0  }
0xa0: {  	[sflag:s22] =	ssyncadd.s32 s4;
	_ =	sdelay $0x1  }
0xa1: {  	s23 =	simm.s32 $0x1B8B  }
0xa2: {  	_ =	swait.ge [sflag:s23], $0x1  }
0xa3: {  	[sflag:s23] =	ssyncset.done $0x0  }
0xa4: {  	s25 =	simm.s32 $0x1B8E;
	s24 =	sld [smem:$0x3FFE];
	[sflag:s23] =	ssyncadd.s32 $0xFFFFFFFF  }
0xa5: {  	s26 =	simm.s32 $execute0_lowered;
	[smem:$0x3FD2] =	sst s25  }
0xa6: {  	s5 =	sshll.u32 s26, $0x1;
	_ =	strace $0x80000046;
	[dreg:$0x1] =	wrdreg $0xFFFFFFFF  }
0xa7: {  	s28 =	simm.s32 $_size_execute0_lowered;
	s3 =	sadd.s32 s3, s5;
	[dreg:$0x0] =	wrdreg $0x0  }
0xa8: {  	s5 =	sshll.u32 s28, $0x1;
	[dreg:$0x2] =	wrdreg s3  }
0xa9: {  	[dreg:$0x3] =	wrdreg s5  }
0xaa: {  	[dreg:$0x4] =	wrdreg $0xC0  }
0xab: {  	_ =	task [dreg:s7], $0x5FFFF  }
0xac: {  	[dreg:$0x1] =	wrdreg $0xFFFFFFFF  }
0xad: {  	[dreg:$0x0] =	wrdreg $0x60  }
0xae: {  	[dreg:$0x2] =	wrdreg s2  }
0xaf: {  	[dreg:$0x3] =	wrdreg s24  }
0xb0: {  	[dreg:$0x4] =	wrdreg $0x160000  }
0xb1: {  	[dreg:$0x5] =	wrdreg $0x9  }
0xb2: {  	_ =	task.clear_ibuf [dreg:s7], $0x6FFFF;
	_ =	strace $0x90000046  }
0xb3: {  	s29 =	simm.s32 $0x9;
	_ =	strace $0x80000048  }
0xb4: {  	_ =	swait.ge [sflag:s29], $0x1  }
0xb5: {  	[sflag:s29] =	ssyncadd.s32 $0xFFFFFFFF  }
0xb6: {  	_ =	strace $0x90000048  }
0xb7: {  	_ =	sfence  }
0xb8: {  	s30 =	sld [smem:$0x0];
	_ =	sdelay $0x2  }
0xb9: {  	s31 =	sshll.u32 s1, $0xD;
	s1 =	sshrl.u32 s1, $0x2  }
0xba: {  	s3 =	sand.u32 $0x4000, s31;
	s1 =	sadd.s32 s1, s30  }
0xbb: {  	s0 =	sor.u32 s3, s0;
	s1 =	sshll.u32 s1, $0x11  }
0xbc: {  	s0 =	sor.u32 s1, s0  }
0xbd: {  	s0 =	sadd.s32 $0x8F2B, s0  }
0xbe: {  	[sflag:s0] =	ssyncadd.remote.s32 $0x1  }
0xbf: {  	_ =	sfence.sel $0xFFFF  }
0xc0: {  	[dreg:$0x0] =	wrdreg $0xFFFFFFFF;
	(pc) =	sbr.abs _section_cstart, $3  }
0xc1: {  	[dreg:$0x1] =	wrdreg $0xFFFFFFFF  }
0xc2: {  	_ =	task.clear_ibuf [dreg:s7], $0x2FFFF;
	_ =	strace $0x9FFFFFFF  }
0xc3: {  	(tm) =	ssettm $0x7FFFFFFF  }
tec
execute0_lowered:
.L_overlay_start_1:
0x0: {  	(tag) =	ssettag $0x1  }
0x1: {  	s1 =	rddreg [dreg:$0x0]  }
0x2: {  	s0 =	rddreg [dreg:$0x1]  }
0x3: {  	s2 =	rddreg [dreg:$0x2];
	s3 =	simm.s32 $0x0;
	s4 =	srdreg.scid  }
0x4: {  	s30 =	stileid.u32;
	s11 =	simm.s32 $0x10000;
	s12 =	simm.s32 $0x800  }
0x5: {  	s13 =	simm.s32 $0x12000;
	s14 =	simm.s32 $0x14000;
	s15 =	simm.s32 $0x12800  }
0x6: {  	s16 =	simm.s32 $0x14800;
	s17 =	simm.s32 $0x1;
	s18 =	simm.s32 $0x2  }
0x7: {  	s19 =	simm.s32 $0x13000;
	s20 =	simm.s32 $0x15000;
	s21 =	simm.s32 $0x13800  }
0x8: {  	s22 =	simm.s32 $0x15800;
	s23 =	simm.s32 $0x0;
	[smem:$0x7FF] =	sst s3  }
0x9: {  	s4 =	sand.u32 $0x1, s4;
	s5 =	sadd.s32 $0x112C00, s0;
	s6 =	sadd.s32 $0x110C00, s0  }
0xa: {  	v1 =	vimm.s32 $0x4000;
	v60 =	vimm.s32 $0xFFFFFF80;
	v16 =	vimm.s32 $0xFFFFFFC0;
	s9 =	sshll.u32 s30, $0x1;
	p0 =	sne.s32 s30, $0x0;
	s7 =	ssub.s32 $0x2, s4  }
0xb: {  	v17 =	vimm.s32 $0xFFFFFFE0;
	v18 =	vimm.s32 $0xFFFFFFF0;
	v19 =	vimm.s32 $0xFFFFFFF8;
	_ =	strace $0x80000047;
	[dreg:$0x4] =	wrdreg s5;
	s8 =	sshrl.u32 s7, $0x1  }
0xc: {  	v53 =	vimm.s32 $0xFFFFFFFC;
	v20 =	vimm.s32 $0xFFFFFFFE;
	v56 =	vimm.s32 $0xFFFFFFFF;
	[dreg:$0x5] =	wrdreg s6;
	s6 =	sadd.s32 $0x10C00, s0;
	s31 =	ssub.s32 s7, s8  }
0xd: {  	v21 =	vimm.s32 $0x0;
	v11 =	vimm.s32 $0xFFFFF000;
	v12 =	vimm.s32 $0xFFFFF800;
	s4 =	sor.u32 s4, s9;
	s9 =	simm.s32 $0x3;
	s0 =	smax.u32 s31, $0x1  }
0xe: {  	v13 =	vimm.s32 $0xFFFFFC00;
	v14 =	vimm.s32 $0xFFFFFE00;
	v15 =	vimm.s32 $0xFFFFFF00;
	s10 =	sshrl.u32 @!p0 s2, $0x3;
	s7 =	smul.u32 $0x30000, s4;
	[dreg:$0x6] =	wrdreg s0  }
.LBB2_1:
0xf: {  	s0 =	rddreg [dreg:$0x5]  }
0x10: {  	[tilespmem:s3], [sflag:$0x3] =	stream.linear.gather [hbm4b:s0+s3], $0x10000, $0x38;
	[tilespmem:$0x1D000] =	vst v63  }
0x11: {  	_ =	swait.ge [sflag:s9], $0x10000  }
0x12: {  	[sflag:s9] =	ssyncset.done $0x0  }
0x13: {  	s0 =	simm.s32 @!p0 $0x1C03;
	s4 =	rddreg [dreg:$0x4];
	[sflag:s9] =	ssyncadd.s32 $0xFFFF0000  }
0x14: {  	[spmem:s10], [sflag:s0] =	dma.local @!p0 [hbm:s4], $0xE000  }
0x15: {  	v0 =	vimm.s32 $0x8000;
	s0 =	simm.s32 @!p0 $0x3  }
0x16: {  	_ =	swait.ge @!p0 [sflag:s0], $0xE000  }
0x17: {  	v58 =	vimm.s32 $0xC000;
	[sflag:s0] =	ssyncset.done @!p0 $0x0  }
0x18: {  	v59 =	vimm.s32 $0x2000;
	[sflag:s0] =	ssyncadd.s32 @!p0 $0xFFFF2000  }
0x19: {  	v61 =	vimm.s32 $0x6000;
	[bflag:$0x0] =	sbarrier.arrive $0xFFFF  }
0x1a: {  	v62 =	vimm.s32 $0xA000;
	v22 =	vld.idx.msk [tilespmem:v0+s3+$0x0], $0xffff  }
0x1b: {  	v63 =	vimm.s32 $0xE000;
	v23 =	vld.idx.msk [tilespmem:v1+s3+$0x0], $0xffff  }
0x1c: {  	v24 =	vld.idx.msk [tilespmem:v58+s3+$0x0], $0xffff  }
0x1d: {  	v25 =	vld.idx.msk [tilespmem:v59+s3+$0x0], $0xffff  }
0x1e: {  	v26 =	vld.idx.msk [tilespmem:v61+s3+$0x0], $0xffff  }
0x1f: {  	v27 =	vld.idx.msk [tilespmem:v62+s3+$0x0], $0xffff  }
0x20: {  	s24 =	simm.s32 $0x0;
	v28 =	vld.idx.msk [tilespmem:v63+s3+$0x0], $0xffff  }
.LBB2_2:
0x21: {  	s0 =	sshll.u32 s24, $0xC  }
0x22: {  	s0 =	sadd.s32 s7, s0  }
0x23: {  	s25 =	sshrl.u32 s0, $0x3  }
0x24: {  	s0 =	sadd.s32 s1, s25  }
0x25: {  	[tilespmem:s11], [sflag:$0x3] =	stream.linear.gather [hbm4b:s0+s3], $0x1000, $0x38;
	[tilespmem:$0x1D000] =	vst v63  }
0x26: {  	_ =	swait.ge [sflag:s9], $0x1000  }
0x27: {  	s26 =	simm.s32 $0xFFFFFFF0;
	s28 =	simm.s32 $0x12080;
	[sflag:s9] =	ssyncset.done $0x0  }
0x28: {  	s29 =	simm.s32 $0x11080;
	s30 =	simm.s32 $0x10080;
	v7 =	vimm.s32 $0xFFFFE000;
	v6 =	vimm.s32 $0x4000;
	[sflag:s9] =	ssyncadd.s32 $0xFFFFF000  }
.LBB2_3:
0x29: {  	v39 =	vld [tilespmem:s30+$0xFFFFFF80];
	_ =	sdelay $0x4  }
0x2a: {  	vm0 =	vgt.f32 v39, v22  }
0x2b: {  	v29 =	vsel vm0, v24, v23  }
0x2c: {  	vm1 =	vgt.f32 v39, v29  }
0x2d: {  	v29 =	vsel vm1, v28, v27;
	v30 =	vsel vm1, v26, v25  }
0x2e: {  	v29 =	vsel vm0, v29, v30  }
0x2f: {  	v31 =	vsel vm1, $0x2000, v7;
	v30 =	vsel vm0, $0xC000, v6;
	vm14 =	vgt.f32 v39, v29  }
0x30: {  	v29 =	vadd.s32 v30, v31;
	v30 =	vsel vm14, $0x1000, v11  }
0x31: {  	v29 =	vadd.s32 v30, v29;
	_ =	sdelay $0x1  }
0x32: {  	v38 =	vld [tilespmem:s30+$0xFFFFFF90]  }
0x33: {  	v35 =	vld [tilespmem:s30+$0xFFFFFFA0];
	_ =	sdelay $0x1  }
0x34: {  	v30 =	vld.idx.msk [tilespmem:v29+s3+$0x0], $0xffff;
	_ =	sdelay $0x2  }
0x35: {  	vm15 =	vgt.f32 v38, v22;
	vm2 =	vgt.f32 v35, v22  }
0x36: {  	v32 =	vsel vm15, $0xC000, v6;
	v50 =	vsel vm2, v24, v23;
	v52 =	vsel vm2, $0xC000, v6  }
0x37: {  	vm6 =	vgt.f32 v35, v50;
	vm4 =	vgt.f32 v39, v30;
	v30 =	vsel vm15, v24, v23  }
0x38: {  	v51 =	vsel vm6, v26, v25;
	v54 =	vsel vm6, $0x2000, v7;
	vm5 =	vgt.f32 v38, v30  }
0x39: {  	v31 =	vsel vm4, $0x800, v12;
	v30 =	vsel vm5, v28, v27;
	v33 =	vsel vm5, v26, v25  }
0x3a: {  	v34 =	vsel vm5, $0x2000, v7;
	v30 =	vsel vm15, v30, v33;
	v33 =	vsel vm6, v28, v27  }
0x3b: {  	v29 =	vadd.s32 v31, v29;
	vm0 =	vgt.f32 v38, v30;
	v31 =	vsel vm2, v33, v51  }
0x3c: {  	v32 =	vadd.s32 v32, v34;
	v30 =	vsel vm0, $0x1000, v11;
	vm7 =	vgt.f32 v35, v31  }
0x3d: {  	v31 =	vadd.s32 v52, v54;
	v30 =	vadd.s32 v30, v32;
	v55 =	vsel vm7, $0x1000, v11  }
0x3e: {  	v31 =	vadd.s32 v55, v31  }
0x3f: {  	v36 =	vld [tilespmem:s30+$0xFFFFFFB0]  }
0x40: {  	v57 =	vld.idx.msk [tilespmem:v29+s3+$0x0], $0xffff;
	_ =	sdelay $0x1  }
0x41: {  	v58 =	vld.idx.msk [tilespmem:v30+s3+$0x0], $0xffff  }
0x42: {  	v59 =	vld.idx.msk [tilespmem:v31+s3+$0x0], $0xffff;
	_ =	sdelay $0x1  }
0x43: {  	vm9 =	vgt.f32 v36, v22;
	vm8 =	vgt.f32 v39, v57  }
0x44: {  	v61 =	vsel vm9, v24, v23;
	v32 =	vsel vm8, $0x400, v13  }
0x45: {  	vm12 =	vgt.f32 v36, v61;
	v29 =	vadd.s32 v32, v29;
	vm10 =	vgt.f32 v38, v58  }
0x46: {  	v62 =	vsel vm12, v26, v25;
	vm11 =	vgt.f32 v35, v59;
	v33 =	vsel vm10, $0x800, v12  }
0x47: {  	v32 =	vsel vm12, v28, v27;
	v34 =	vsel vm11, $0x800, v12;
	v30 =	vadd.s32 v33, v30  }
0x48: {  	v32 =	vsel vm9, v32, v62;
	v31 =	vadd.s32 v34, v31  }
0x49: {  	v63 =	vsel vm9, $0xC000, v6;
	v0 =	vsel vm12, $0x2000, v7;
	vm13 =	vgt.f32 v36, v32  }
0x4a: {  	v2 =	vsel vm13, $0x1000, v11;
	v33 =	vadd.s32 v63, v0;
	v1 =	vld.idx.msk [tilespmem:v29+s3+$0x0], $0xffff  }
0x4b: {  	v33 =	vadd.s32 v2, v33  }
0x4c: {  	v3 =	vld.idx.msk [tilespmem:v30+s3+$0x0], $0xffff  }
0x4d: {  	v37 =	vld.idx.msk [tilespmem:v31+s3+$0x0], $0xffff;
	_ =	sdelay $0x1  }
0x4e: {  	vm14 =	vgt.f32 v39, v1  }
0x4f: {  	v40 =	vld.idx.msk [tilespmem:v33+s3+$0x0], $0xffff;
	v32 =	vsel vm14, $0x200, v14  }
0x50: {  	v29 =	vadd.s32 v32, v29;
	vm15 =	vgt.f32 v38, v3  }
0x51: {  	v43 =	vsel vm15, $0x400, v13;
	vm4 =	vgt.f32 v35, v37  }
0x52: {  	v30 =	vadd.s32 v43, v30;
	v44 =	vsel vm4, $0x400, v13  }
0x53: {  	v31 =	vadd.s32 v44, v31  }
0x54: {  	vm5 =	vgt.f32 v36, v40  }
0x55: {  	v46 =	vsel vm5, $0x800, v12;
	v45 =	vld.idx.msk [tilespmem:v29+s3+$0x0], $0xffff  }
0x56: {  	v33 =	vadd.s32 v46, v33  }
0x57: {  	v47 =	vld.idx.msk [tilespmem:v30+s3+$0x0], $0xffff  }
0x58: {  	v48 =	vld.idx.msk [tilespmem:v31+s3+$0x0], $0xffff;
	_ =	sdelay $0x1  }
0x59: {  	vm6 =	vgt.f32 v39, v45  }
0x5a: {  	v49 =	vld.idx.msk [tilespmem:v33+s3+$0x0], $0xffff;
	v32 =	vsel vm6, $0x100, v15  }
0x5b: {  	v29 =	vadd.s32 v32, v29;
	vm7 =	vgt.f32 v38, v47  }
0x5c: {  	v32 =	vand.u32 $0xFFFFFF80, v29;
	v34 =	vsel vm7, $0x200, v14;
	vm8 =	vgt.f32 v35, v48  }
0x5d: {  	v30 =	vadd.s32 v34, v30;
	v50 =	vsel vm8, $0x200, v14  }
0x5e: {  	v31 =	vadd.s32 v50, v31  }
0x5f: {  	vm9 =	vgt.f32 v36, v49  }
0x60: {  	v51 =	vsel vm9, $0x400, v13  }
0x61: {  	v33 =	vadd.s32 v51, v33;
	v32 =	vld.idx.msk [tilespmem:v32+s3+$0x0], $0xffff  }
0x62: {  	v52 =	vld.idx.msk [tilespmem:v30+s3+$0x0], $0xffff  }
0x63: {  	v54 =	vld.idx.msk [tilespmem:v31+s3+$0x0], $0xffff;
	_ =	sdelay $0x2  }
0x64: {  	v55 =	vld.idx.msk [tilespmem:v33+s3+$0x0], $0xffff;
	vm10 =	vgt.f32 v39, v32  }
0x65: {  	v57 =	vsel vm10, $0x80, v60;
	vm11 =	vgt.f32 v38, v52  }
0x66: {  	v29 =	vadd.s32 v57, v29;
	v34 =	vsel vm11, $0x100, v15;
	vm12 =	vgt.f32 v35, v54  }
0x67: {  	v58 =	vand.u32 $0xFFFFFF80, v29;
	v30 =	vadd.s32 v34, v30;
	v59 =	vsel vm12, $0x100, v15  }
0x68: {  	v61 =	vand.u32 $0xFFFFFF80, v30;
	v31 =	vadd.s32 v59, v31  }
0x69: {  	vm13 =	vgt.f32 v36, v55;
	v34 =	vand.u32 $0xFFFFFF80, v31  }
0x6a: {  	v32 =	vsel vm13, $0x200, v14  }
0x6b: {  	v32 =	vadd.s32 v32, v33  }
0x6c: {  	v62 =	vld.idx.msk [tilespmem:v58+s3+$0x0], $0xffff  }
0x6d: {  	v63 =	vld.idx.msk [tilespmem:v61+s3+$0x0], $0xffff  }
0x6e: {  	v34 =	vld.idx.msk [tilespmem:v34+s3+$0x0], $0xffff;
	_ =	sdelay $0x1  }
0x6f: {  	v0 =	vld.idx.msk [tilespmem:v32+s3+$0x0], $0xffff;
	_ =	sdelay $0x1  }
0x70: {  	vm14 =	vgt.f32 v39, v62;
	vm15 =	vgt.f32 v38, v63  }
0x71: {  	v33 =	vsel vm14, $0x40, v16;
	v37 =	vsel vm15, $0x80, v60;
	vm4 =	vgt.f32 v35, v34  }
0x72: {  	v33 =	vadd.s32 v33, v29;
	v30 =	vadd.s32 v37, v30;
	v29 =	vsel vm4, $0x80, v60  }
0x73: {  	vm5 =	vgt.f32 v36, v0;
	v1 =	vand.u32 $0xFFFFFF80, v30;
	v31 =	vadd.s32 v29, v31  }
0x74: {  	v2 =	vsel vm5, $0x100, v15;
	v29 =	vand.u32 $0xFFFFFF80, v31  }
0x75: {  	v32 =	vadd.s32 v2, v32  }
0x76: {  	v37 =	vand.u32 $0xFFFFFF80, v32  }
0x77: {  	v3 =	vld.idx.msk [tilespmem:v33+s3+$0x0], $0xffff  }
0x78: {  	v34 =	vld.idx.msk [tilespmem:v1+s3+$0x0], $0xffff  }
0x79: {  	v41 =	vld.idx.msk [tilespmem:v29+s3+$0x0], $0xffff  }
0x7a: {  	v29 =	vld [tilespmem:s30+$0xFFFFFFC0]  }
0x7b: {  	v37 =	vld.idx.msk [tilespmem:v37+s3+$0x0], $0xffff  }
0x7c: {  	vm6 =	vgt.f32 v39, v3  }
0x7d: {  	v40 =	vsel vm6, $0x20, v17;
	vm7 =	vgt.f32 v38, v34  }
0x7e: {  	v33 =	vadd.s32 v40, v33;
	v34 =	vsel vm7, $0x40, v16;
	vm8 =	vgt.f32 v35, v41  }
0x7f: {  	vm9 =	vgt.f32 v29, v22;
	v44 =	vsel vm8, $0x40, v16;
	v34 =	vadd.s32 v34, v30  }
0x80: {  	vm10 =	vgt.f32 v36, v37;
	v45 =	vsel vm9, v24, v23;
	v31 =	vadd.s32 v44, v31  }
0x81: {  	v30 =	vsel vm10, $0x80, v60;
	vm11 =	vgt.f32 v29, v45  }
0x82: {  	v32 =	vadd.s32 v30, v32;
	v30 =	vsel vm11, v28, v27;
	v37 =	vsel vm11, v26, v25  }
0x83: {  	v50 =	vld.idx.msk [tilespmem:v33+s3+$0x0], $0xffff;
	v46 =	vand.u32 $0xFFFFFF80, v32;
	v30 =	vsel vm9, v30, v37  }
0x84: {  	v47 =	vsel vm9, $0xC000, v6;
	v48 =	vsel vm11, $0x2000, v7;
	vm12 =	vgt.f32 v29, v30;
	v42 =	vld.idx.msk [tilespmem:v34+s3+$0x0], $0xffff  }
0x85: {  	v30 =	vadd.s32 v47, v48;
	v49 =	vsel vm12, $0x1000, v11;
	v43 =	vld.idx.msk [tilespmem:v31+s3+$0x0], $0xffff  }
0x86: {  	v37 =	vadd.s32 v49, v30;
	v30 =	vld [tilespmem:s30+$0xFFFFFFD0];
	_ =	sdelay $0x1  }
0x87: {  	vm13 =	vgt.f32 v39, v50;
	v40 =	vld.idx.msk [tilespmem:v46+s3+$0x0], $0xffff  }
0x88: {  	v41 =	vsel vm13, $0x10, v18  }
0x89: {  	v33 =	vadd.s32 v41, v33;
	vm14 =	vgt.f32 v38, v42  }
0x8a: {  	v44 =	vld.idx.msk [tilespmem:v37+s3+$0x0], $0xffff;
	v51 =	vsel vm14, $0x20, v17;
	vm15 =	vgt.f32 v35, v43;
	vm5 =	vgt.f32 v30, v22  }
0x8b: {  	v52 =	vsel vm15, $0x20, v17;
	v54 =	vsel vm5, v24, v23;
	v34 =	vadd.s32 v51, v34  }
0x8c: {  	vm4 =	vgt.f32 v36, v40;
	vm7 =	vgt.f32 v30, v54;
	v42 =	vadd.s32 v52, v31  }
0x8d: {  	v40 =	vsel vm4, $0x40, v16;
	v31 =	vsel vm7, v28, v27;
	v43 =	vsel vm7, v26, v25  }
0x8e: {  	v40 =	vadd.s32 v40, v32;
	v31 =	vsel vm5, v31, v43  }
0x8f: {  	vm6 =	vgt.f32 v29, v44;
	vm8 =	vgt.f32 v30, v31;
	v31 =	vld.idx.msk [tilespmem:v33+s3+$0x0], $0xffff  }
0x90: {  	v57 =	vsel vm5, $0xC000, v6;
	v58 =	vsel vm7, $0x2000, v7;
	v55 =	vsel vm6, $0x800, v12;
	v61 =	vld.idx.msk [tilespmem:v34+s3+$0x0], $0xffff  }
0x91: {  	v32 =	vadd.s32 v57, v58;
	v59 =	vsel vm8, $0x1000, v11;
	v37 =	vadd.s32 v55, v37;
	v62 =	vld.idx.msk [tilespmem:v42+s3+$0x0], $0xffff  }
0x92: {  	v41 =	vadd.s32 v59, v32;
	v32 =	vld [tilespmem:s30+$0xFFFFFFE0]  }
0x93: {  	v45 =	vld.idx.msk [tilespmem:v40+s3+$0x0], $0xffff  }
0x94: {  	vm9 =	vgt.f32 v39, v31  }
0x95: {  	v31 =	vsel vm9, $0x8, v19;
	vm10 =	vgt.f32 v38, v61  }
0x96: {  	v46 =	vld.idx.msk [tilespmem:v37+s3+$0x0], $0xffff;
	v43 =	vadd.s32 v31, v33;
	v31 =	vsel vm10, $0x10, v18;
	vm11 =	vgt.f32 v35, v62  }
0x97: {  	v47 =	vld.idx.msk [tilespmem:v41+s3+$0x0], $0xffff;
	vm14 =	vgt.f32 v32, v22;
	v34 =	vadd.s32 v31, v34;
	v63 =	vsel vm11, $0x10, v18  }
0x98: {  	vm12 =	vgt.f32 v36, v45;
	v31 =	vld [tilespmem:s30+$0xFFFFFFF0];
	v2 =	vsel vm14, v24, v23;
	v50 =	vsel vm14, $0xC000, v6  }
0x99: {  	v0 =	vsel vm12, $0x20, v17;
	v42 =	vadd.s32 v63, v42;
	vm4 =	vgt.f32 v32, v2  }
0x9a: {  	v40 =	vadd.s32 v0, v40;
	v49 =	vsel vm4, v28, v27;
	v51 =	vsel vm4, $0x2000, v7  }
0x9b: {  	v55 =	vadd.s32 v50, v51;
	vm13 =	vgt.f32 v29, v46;
	v46 =	vsel vm4, v26, v25  }
0x9c: {  	vm15 =	vgt.f32 v30, v47;
	v48 =	vld.idx.msk [tilespmem:v43+s3+$0x0], $0xffff;
	v1 =	vsel vm13, $0x400, v13;
	v44 =	vsel vm14, v49, v46  }
0x9d: {  	v3 =	vsel vm15, $0x800, v12;
	vm5 =	vgt.f32 v31, v22;
	vm6 =	vgt.f32 v32, v44  }
0x9e: {  	v61 =	vld.idx.msk [tilespmem:v34+s3+$0x0], $0xffff;
	v52 =	vsel vm5, v24, v23;
	v37 =	vadd.s32 v1, v37;
	v41 =	vadd.s32 v3, v41  }
0x9f: {  	v62 =	vsel vm5, $0xC000, v6;
	v54 =	vsel vm6, $0x1000, v11;
	vm7 =	vgt.f32 v31, v52  }
0xa0: {  	v33 =	vld [tilespmem:s30+$0x0];
	v57 =	vsel vm7, v28, v27;
	v58 =	vsel vm7, v26, v25;
	v44 =	vadd.s32 v54, v55  }
0xa1: {  	v49 =	vld.idx.msk [tilespmem:v42+s3+$0x0], $0xffff;
	v63 =	vsel vm7, $0x2000, v7;
	v59 =	vsel vm5, v57, v58;
	vm9 =	vgt.f32 v39, v48  }
0xa2: {  	v2 =	vld.idx.msk [tilespmem:v40+s3+$0x0], $0xffff;
	v0 =	vadd.s32 v62, v63;
	vm8 =	vgt.f32 v31, v59;
	v52 =	vsel vm9, $0x4, v53  }
0xa3: {  	vm10 =	vgt.f32 v38, v61;
	v1 =	vsel vm8, $0x1000, v11;
	v51 =	vld.idx.msk [tilespmem:v41+s3+$0x0], $0xffff;
	v43 =	vadd.s32 v52, v43  }
0xa4: {  	v50 =	vld.idx.msk [tilespmem:v37+s3+$0x0], $0xffff;
	v45 =	vsel vm10, $0x8, v19;
	v46 =	vadd.s32 v1, v0  }
0xa5: {  	v34 =	vadd.s32 v45, v34;
	v3 =	vld.idx.msk [tilespmem:v44+s3+$0x0], $0xffff  }
0xa6: {  	vm4 =	vgt.f32 v33, v22;
	vm11 =	vgt.f32 v35, v49  }
0xa7: {  	v63 =	vsel vm4, v24, v23;
	v58 =	vsel vm11, $0x8, v19;
	vm12 =	vgt.f32 v36, v2  }
0xa8: {  	v42 =	vadd.s32 v58, v42;
	v59 =	vsel vm12, $0x10, v18;
	vm14 =	vgt.f32 v30, v51;
	v49 =	vld.idx.msk [tilespmem:v43+s3+$0x0], $0xffff  }
0xa9: {  	v40 =	vadd.s32 v59, v40;
	vm13 =	vgt.f32 v29, v50;
	v57 =	vld.idx.msk [tilespmem:v46+s3+$0x0], $0xffff;
	v62 =	vsel vm14, $0x400, v13  }
0xaa: {  	v61 =	vsel vm13, $0x200, v14;
	vm15 =	vgt.f32 v32, v3;
	v41 =	vadd.s32 v62, v41;
	v3 =	vld.idx.msk [tilespmem:v34+s3+$0x0], $0xffff  }
0xab: {  	vm6 =	vgt.f32 v33, v63;
	v37 =	vadd.s32 v61, v37;
	v48 =	vsel vm15, $0x800, v12  }
0xac: {  	v59 =	vsel vm4, $0xC000, v6;
	v61 =	vsel vm6, $0x2000, v7;
	v44 =	vadd.s32 v48, v44  }
0xad: {  	v1 =	vsel vm6, v28, v27;
	v2 =	vsel vm6, v26, v25;
	v58 =	vld.idx.msk [tilespmem:v42+s3+$0x0], $0xffff;
	v48 =	vadd.s32 v59, v61  }
0xae: {  	v62 =	vld.idx.msk [tilespmem:v40+s3+$0x0], $0xffff;
	vm8 =	vgt.f32 v39, v49;
	vm5 =	vgt.f32 v31, v57;
	v57 =	vsel vm4, v1, v2  }
0xaf: {  	v0 =	vsel vm5, $0x800, v12;
	vm7 =	vgt.f32 v33, v57;
	v1 =	vld.idx.msk [tilespmem:v41+s3+$0x0], $0xffff;
	vm9 =	vgt.f32 v38, v3  }
0xb0: {  	v3 =	vsel vm8, $0x2, v20;
	v20 =	vimm.s32 $0xFFFFFFFC;
	v45 =	vadd.s32 v0, v46;
	v0 =	vld.idx.msk [tilespmem:v37+s3+$0x0], $0xffff  }
0xb1: {  	v63 =	vsel vm7, $0x1000, v11;
	v57 =	vsel vm9, $0x4, v20;
	v43 =	vadd.s32 v3, v43;
	v2 =	vld.idx.msk [tilespmem:v44+s3+$0x0], $0xffff  }
0xb2: {  	vm10 =	vgt.f32 v35, v58;
	v48 =	vadd.s32 v63, v48;
	v51 =	vadd.s32 v57, v34;
	v34 =	vld [tilespmem:s30+$0x10]  }
0xb3: {  	v47 =	vsel vm10, $0x4, v20  }
0xb4: {  	v10 =	vimm.s32 $0xFFFFFFFE;
	vm11 =	vgt.f32 v36, v62;
	v42 =	vadd.s32 v47, v42  }
0xb5: {  	v59 =	vsel vm11, $0x8, v19;
	vm13 =	vgt.f32 v30, v1;
	v54 =	vld.idx.msk [tilespmem:v45+s3+$0x0], $0xffff;
	vm12 =	vgt.f32 v29, v0  }
0xb6: {  	v40 =	vadd.s32 v59, v40;
	v50 =	vsel vm13, $0x200, v14;
	v63 =	vld.idx.msk [tilespmem:v43+s3+$0x0], $0xffff;
	v52 =	vsel vm12, $0x100, v15  }
0xb7: {  	v58 =	vld.idx.msk [tilespmem:v48+s3+$0x0], $0xffff;
	vm14 =	vgt.f32 v32, v2;
	vm4 =	vgt.f32 v34, v22;
	v41 =	vadd.s32 v50, v41  }
0xb8: {  	v47 =	vadd.s32 v52, v37;
	v49 =	vsel vm14, $0x400, v13;
	v62 =	vsel vm4, v24, v23  }
0xb9: {  	v37 =	vand.u32 $0xFFFFFF80, v47;
	vm6 =	vgt.f32 v34, v62;
	v49 =	vadd.s32 v49, v44  }
0xba: {  	v55 =	vld.idx.msk [tilespmem:v42+s3+$0x0], $0xffff;
	v2 =	vsel vm6, v28, v27;
	v3 =	vsel vm6, v26, v25;
	vm15 =	vgt.f32 v31, v54  }
0xbb: {  	v44 =	vsel vm4, v2, v3;
	vm8 =	vgt.f32 v39, v63;
	v61 =	vsel vm15, $0x400, v13  }
0xbc: {  	v1 =	vld.idx.msk [tilespmem:v51+s3+$0x0], $0xffff;
	vm5 =	vgt.f32 v33, v58;
	v63 =	vsel vm8, $0x1, v56;
	v45 =	vadd.s32 v61, v45  }
0xbd: {  	v50 =	vld.idx.msk [tilespmem:v40+s3+$0x0], $0xffff;
	vm7 =	vgt.f32 v34, v44;
	v0 =	vsel vm5, $0x800, v12;
	v44 =	vadd.s32 v63, v43  }
0xbe: {  	v57 =	vsel vm4, $0xC000, v6;
	v58 =	vsel vm6, $0x2000, v7;
	v62 =	vld.idx.msk [tilespmem:v41+s3+$0x0], $0xffff;
	v48 =	vadd.s32 v0, v48  }
0xbf: {  	vm10 =	vgt.f32 v35, v55;
	v59 =	vadd.s32 v57, v58;
	v61 =	vsel vm7, $0x1000, v11;
	v37 =	vld.idx.msk [tilespmem:v37+s3+$0x0], $0xffff  }
0xc0: {  	v2 =	vsel vm10, $0x2, v10;
	v52 =	vadd.s32 v61, v59;
	v46 =	vld.idx.msk [tilespmem:v49+s3+$0x0], $0xffff  }
0xc1: {  	vm9 =	vgt.f32 v38, v1;
	v42 =	vadd.s32 v2, v42;
	v1 =	vld.idx.msk [tilespmem:v45+s3+$0x0], $0xffff  }
0xc2: {  	vm11 =	vgt.f32 v36, v50;
	v0 =	vsel vm9, $0x2, v10;
	v53 =	vld.idx.msk [tilespmem:v44+s3+$0x0], $0xffff  }
0xc3: {  	v9 =	vimm.s32 $0xFFFFFFFF;
	v50 =	vsel vm11, $0x4, v20;
	v43 =	vadd.s32 v0, v51;
	v3 =	vld.idx.msk [tilespmem:v48+s3+$0x0], $0xffff  }
0xc4: {  	v40 =	vadd.s32 v50, v40;
	vm13 =	vgt.f32 v30, v62;
	vm12 =	vgt.f32 v29, v37;
	v37 =	vld [tilespmem:s30+$0x20]  }
0xc5: {  	v16 =	vimm.s32 $0xFFFFFF80;
	v17 =	vimm.s32 $0xFFFFFFC0;
	v62 =	vsel vm13, $0x100, v15;
	v61 =	vld.idx.msk [tilespmem:v52+s3+$0x0], $0xffff  }
0xc6: {  	v18 =	vimm.s32 $0xFFFFFFE0;
	v56 =	vadd.s32 v62, v41;
	vm14 =	vgt.f32 v32, v46;
	v54 =	vld.idx.msk [tilespmem:v42+s3+$0x0], $0xffff  }
0xc7: {  	v60 =	vsel vm12, $0x80, v60;
	v41 =	vand.u32 $0xFFFFFF80, v56;
	v46 =	vsel vm14, $0x200, v14  }
0xc8: {  	v57 =	vld.idx.msk [tilespmem:v43+s3+$0x0], $0xffff;
	v50 =	vadd.s32 v60, v47;
	v58 =	vadd.s32 v46, v49;
	vm15 =	vgt.f32 v31, v1  }
0xc9: {  	v59 =	vld.idx.msk [tilespmem:v40+s3+$0x0], $0xffff;
	v51 =	vand.u32 $0xFFFFFF80, v50;
	vm9 =	vgt.f32 v39, v53;
	v63 =	vsel vm15, $0x200, v14  }
0xca: {  	vm4 =	vgt.f32 v33, v3;
	vm5 =	vgt.f32 v37, v22;
	vm6 =	vgt.f32 v34, v61  }
0xcb: {  	vm0 =	vmneg vm9;
	vm11 =	vgt.f32 v35, v54;
	v0 =	vsel vm4, $0x400, v13  }
0xcc: {  	v1 =	vsel vm5, v24, v23;
	v2 =	vsel vm6, $0x800, v12;
	v49 =	vadd.s32 v63, v45  }
0xcd: {  	v39 =	vld [tilespmem:s30+$0x30];
	v61 =	vsel vm5, $0xC000, v6;
	vm10 =	vgt.f32 v38, v57;
	v54 =	vsel vm11, $0x1, v9  }
0xce: {  	v41 =	vld.idx.msk [tilespmem:v41+s3+$0x0], $0xffff;
	vm12 =	vgt.f32 v36, v59;
	vm7 =	vgt.f32 v37, v1;
	v55 =	vadd.s32 v0, v48  }
0xcf: {  	v52 =	vadd.s32 v2, v52;
	v1 =	vsel vm10, $0x1, v9;
	v3 =	vsel vm7, v28, v27  }
0xd0: {  	v60 =	vsel vm7, v26, v25;
	v47 =	vld.idx.msk [tilespmem:v51+s3+$0x0], $0xffff;
	v62 =	vsel vm7, $0x2000, v7;
	v46 =	vadd.s32 v1, v43  }
0xd1: {  	v51 =	vld.idx.msk [tilespmem:v58+s3+$0x0], $0xffff;
	v45 =	vsel vm5, v3, v60;
	v63 =	vadd.s32 v61, v62;
	v61 =	vsel vm12, $0x2, v10  }
0xd2: {  	vm7 =	vgt.f32 v39, v22;
	vm8 =	vgt.f32 v37, v45;
	v48 =	vadd.s32 v61, v40;
	v40 =	vld [tilespmem:s30+$0x50]  }
0xd3: {  	v1 =	vsel vm7, v24, v23;
	v0 =	vsel vm8, $0x1000, v11;
	v53 =	vld.idx.msk [tilespmem:v49+s3+$0x0], $0xffff;
	vm14 =	vgt.f32 v30, v41  }
0xd4: {  	v41 =	vld [tilespmem:s30+$0x40];
	vm9 =	vgt.f32 v39, v1;
	v60 =	vadd.s32 v0, v63;
	v0 =	vsel vm14, $0x80, v16  }
0xd5: {  	v2 =	vld.idx.msk [tilespmem:v55+s3+$0x0], $0xffff;
	v61 =	vsel vm9, v26, v25;
	vm13 =	vgt.f32 v29, v47;
	v47 =	vadd.s32 v54, v42  }
0xd6: {  	v3 =	vld.idx.msk [tilespmem:v52+s3+$0x0], $0xffff;
	vm15 =	vgt.f32 v32, v51;
	v56 =	vadd.s32 v0, v56;
	v42 =	vsel vm9, v28, v27  }
0xd7: {  	v62 =	vsel vm13, $0x40, v17;
	v51 =	vsel vm15, $0x100, v15;
	v59 =	vand.u32 $0xFFFFFF80, v56  }
0xd8: {  	v42 =	vsel vm7, v42, v61;
	v50 =	vadd.s32 v62, v50;
	v62 =	vsel vm7, $0xC000, v6  }
0xd9: {  	vm11 =	vgt.f32 v39, v42;
	vm13 =	vgt.f32 v40, v22;
	v51 =	vadd.s32 v51, v58;
	v63 =	vld.idx.msk [tilespmem:v60+s3+$0x0], $0xffff  }
0xda: {  	vm4 =	vgt.f32 v31, v53;
	vm10 =	vgt.f32 v41, v22;
	v43 =	vsel vm11, $0x1000, v11  }
0xdb: {  	v53 =	vsel vm4, $0x100, v15;
	vm5 =	vgt.f32 v33, v2;
	vm6 =	vgt.f32 v34, v3  }
0xdc: {  	v3 =	vsel vm9, $0x2000, v7;
	v0 =	vsel vm10, v24, v23;
	v54 =	vsel vm5, $0x200, v14  }
0xdd: {  	v57 =	vsel vm6, $0x400, v13;
	vm12 =	vgt.f32 v41, v0;
	v61 =	vadd.s32 v62, v3  }
0xde: {  	v42 =	vld [tilespmem:s30+$0x60];
	v62 =	vsel vm12, v28, v27;
	vm8 =	vgt.f32 v37, v63;
	v63 =	vsel vm12, v26, v25  }
0xdf: {  	v0 =	vsel vm10, $0xC000, v6;
	v61 =	vadd.s32 v43, v61;
	v62 =	vsel vm10, v62, v63  }
0xe0: {  	v2 =	vsel vm8, $0x800, v12;
	vm14 =	vgt.f32 v41, v62;
	v62 =	vsel vm13, v24, v23  }
0xe1: {  	v54 =	vadd.s32 v54, v55;
	v60 =	vadd.s32 v2, v60;
	vm15 =	vgt.f32 v40, v62  }
0xe2: {  	v63 =	vsel vm12, $0x2000, v7;
	v1 =	vsel vm15, v28, v27;
	v3 =	vsel vm15, v26, v25  }
0xe3: {  	vm4 =	vgt.f32 v42, v22;
	v0 =	vadd.s32 v0, v63;
	v43 =	vsel vm13, v1, v3  }
0xe4: {  	v4 =	vld.idx.msk [tilespmem:v61+s3+$0x0], $0xffff;
	v2 =	vsel vm14, $0x1000, v11;
	vm5 =	vgt.f32 v40, v43;
	v43 =	vsel vm4, v24, v23  }
0xe5: {  	v62 =	vsel vm13, $0xC000, v6;
	v0 =	vadd.s32 v2, v0;
	vm6 =	vgt.f32 v42, v43;
	v43 =	vld [tilespmem:s30+$0x70]  }
0xe6: {  	v3 =	vsel vm15, $0x2000, v7;
	v58 =	vld.idx.msk [tilespmem:v60+s3+$0x0], $0xffff;
	v2 =	vsel vm6, v28, v27;
	v5 =	vsel vm6, v26, v25  }
0xe7: {  	v3 =	vadd.s32 v62, v3;
	v63 =	vsel vm5, $0x1000, v11;
	v2 =	vsel vm4, v2, v5  }
0xe8: {  	v62 =	vsel vm6, $0x2000, v7;
	v5 =	vsel vm4, $0xC000, v6;
	vm7 =	vgt.f32 v42, v2  }
0xe9: {  	v2 =	vadd.s32 v63, v3;
	v62 =	vadd.s32 v5, v62;
	v5 =	vsel vm7, $0x1000, v11  }
0xea: {  	vm10 =	vgt.f32 v39, v4;
	v4 =	vld.idx.msk [tilespmem:v0+s3+$0x0], $0xffff;
	v3 =	vadd.s32 v5, v62;
	vm9 =	vgt.f32 v43, v22  }
0xeb: {  	v52 =	vadd.s32 v57, v52;
	vm8 =	vgt.f32 v37, v58;
	v58 =	vld.idx.msk [tilespmem:v50+s3+$0x0], $0xffff;
	v63 =	vsel vm9, v24, v23  }
0xec: {  	v57 =	vsel vm10, $0x800, v12;
	v5 =	vsel vm8, $0x400, v13;
	vm11 =	vgt.f32 v43, v63  }
0xed: {  	v55 =	vld.idx.msk [tilespmem:v54+s3+$0x0], $0xffff;
	v5 =	vadd.s32 v5, v60;
	v60 =	vsel vm11, v28, v27;
	v1 =	vsel vm11, v26, v25  }
0xee: {  	v57 =	vadd.s32 v57, v61;
	v61 =	vld.idx.msk [tilespmem:v2+s3+$0x0], $0xffff;
	v60 =	vsel vm9, v60, v1;
	v1 =	vimm.s32 $0x4000  }
0xef: {  	v63 =	vand.u32 $0xFFFFFF80, v51;
	vm13 =	vgt.f32 v41, v4;
	v62 =	vld.idx.msk [tilespmem:v3+s3+$0x0], $0xffff;
	v6 =	vsel vm9, $0xC000, v1  }
0xf0: {  	v1 =	vsel vm11, $0x2000, v7;
	vm12 =	vgt.f32 v43, v60;
	v60 =	vld.idx.msk [tilespmem:v48+s3+$0x0], $0xffff;
	vm14 =	vgt.f32 v29, v58  }
0xf1: {  	v58 =	vsel vm13, $0x800, v12;
	v1 =	vadd.s32 v6, v1;
	v4 =	vsel vm12, $0x1000, v11;
	v6 =	vld.idx.msk [tilespmem:v52+s3+$0x0], $0xffff  }
0xf2: {  	vm15 =	vgt.f32 v33, v55;
	v0 =	vadd.s32 v58, v0;
	v58 =	vld.idx.msk [tilespmem:v59+s3+$0x0], $0xffff;
	v1 =	vadd.s32 v4, v1  }
0xf3: {  	v45 =	vsel vm0, $0xFFFFFFFF, v21;
	v49 =	vadd.s32 v53, v49;
	v55 =	vsel vm15, $0x100, v15;
	v53 =	vld.idx.msk [tilespmem:v5+s3+$0x0], $0xffff  }
0xf4: {  	v54 =	vadd.s32 v55, v54;
	v59 =	vand.u32 $0xFFFFFF80, v49;
	vm4 =	vgt.f32 v40, v61;
	v61 =	vld.idx.msk [tilespmem:v57+s3+$0x0], $0xffff  }
0xf5: {  	v4 =	vsel vm14, $0x20, v18;
	v7 =	vsel vm4, $0x800, v12;
	vm5 =	vgt.f32 v42, v62  }
0xf6: {  	vm0 =	vgt.f32 v36, v60;
	v60 =	vld.idx.msk [tilespmem:v63+s3+$0x0], $0xffff;
	v2 =	vadd.s32 v7, v2;
	v7 =	vsel vm5, $0x800, v12  }
0xf7: {  	vm6 =	vgt.f32 v34, v6;
	vm8 =	vgt.f32 v30, v58;
	v3 =	vadd.s32 v7, v3;
	v6 =	vld.idx.msk [tilespmem:v1+s3+$0x0], $0xffff  }
0xf8: {  	v7 =	vand.u32 $0xFFFFFF80, v54;
	v55 =	vsel vm6, $0x200, v14;
	vm7 =	vgt.f32 v37, v53;
	v53 =	vld.idx.msk [tilespmem:v0+s3+$0x0], $0xffff  }
0xf9: {  	v58 =	vld.idx.msk [tilespmem:v59+s3+$0x0], $0xffff;
	v62 =	vsel vm7, $0x200, v14;
	v52 =	vadd.s32 v55, v52;
	vm9 =	vgt.f32 v39, v61  }
0xfa: {  	v4 =	vadd.s32 v4, v50;
	v5 =	vadd.s32 v62, v5;
	v50 =	vsel vm9, $0x400, v13  }
0xfb: {  	vm10 =	vgt.f32 v32, v60;
	v59 =	vld.idx.msk [tilespmem:v2+s3+$0x0], $0xffff;
	v50 =	vadd.s32 v50, v57  }
0xfc: {  	v55 =	vsel vm8, $0x40, v17;
	v60 =	vsel vm10, $0x80, v16;
	v57 =	vld.idx.msk [tilespmem:v3+s3+$0x0], $0xffff;
	vm11 =	vgt.f32 v43, v6  }
0xfd: {  	v6 =	vadd.s32 v55, v56;
	v7 =	vld.idx.msk [tilespmem:v7+s3+$0x0], $0xffff;
	vm12 =	vgt.f32 v41, v53;
	v63 =	vsel vm11, $0x800, v12  }
0xfe: {  	vm13 =	vgt.f32 v31, v58;
	v53 =	vsel vm12, $0x400, v13;
	v56 =	vld.idx.msk [tilespmem:v52+s3+$0x0], $0xffff;
	v1 =	vadd.s32 v63, v1  }
0xff: {  	v51 =	vadd.s32 v60, v51;
	v60 =	vsel vm13, $0x80, v16;
	v58 =	vld.idx.msk [tilespmem:v5+s3+$0x0], $0xffff;
	v0 =	vadd.s32 v53, v0  }
0x100: {  	v49 =	vadd.s32 v60, v49;
	v53 =	vand.u32 $0xFFFFFF80, v51;
	vm14 =	vgt.f32 v40, v59;
	v59 =	vld.idx.msk [tilespmem:v50+s3+$0x0], $0xffff  }
0x101: {  	v55 =	vand.u32 $0xFFFFFF80, v49;
	v60 =	vsel vm14, $0x400, v13;
	vm15 =	vgt.f32 v42, v57;
	v57 =	vld.idx.msk [tilespmem:v4+s3+$0x0], $0xffff  }
0x102: {  	v2 =	vadd.s32 v60, v2;
	v60 =	vld.idx.msk [tilespmem:v6+s3+$0x0], $0xffff  }
0x103: {  	v19 =	vimm.s32 $0xFFFFFFF0;
	vm4 =	vgt.f32 v33, v7;
	vm5 =	vgt.f32 v34, v56;
	v56 =	vld.idx.msk [tilespmem:v1+s3+$0x0], $0xffff  }
0x104: {  	v61 =	vsel vm15, $0x400, v13;
	v7 =	vsel vm4, $0x80, v16;
	vm6 =	vgt.f32 v37, v58;
	v58 =	vld.idx.msk [tilespmem:v0+s3+$0x0], $0xffff  }
0x105: {  	v3 =	vadd.s32 v61, v3;
	v7 =	vadd.s32 v7, v54;
	v54 =	vsel vm5, $0x100, v15;
	v53 =	vld.idx.msk [tilespmem:v53+s3+$0x0], $0xffff  }
0x106: {  	v55 =	vld.idx.msk [tilespmem:v55+s3+$0x0], $0xffff;
	v61 =	vand.u32 $0xFFFFFF80, v7;
	v52 =	vadd.s32 v54, v52;
	v54 =	vsel vm6, $0x100, v15  }
0x107: {  	vm7 =	vgt.f32 v39, v59;
	v62 =	vand.u32 $0xFFFFFF80, v52;
	v5 =	vadd.s32 v54, v5  }
0x108: {  	v54 =	vsel vm7, $0x200, v14;
	vm8 =	vgt.f32 v29, v57;
	v57 =	vand.u32 $0xFFFFFF80, v5;
	v59 =	vld.idx.msk [tilespmem:v2+s3+$0x0], $0xffff  }
0x109: {  	v50 =	vadd.s32 v54, v50;
	vm11 =	vgt.f32 v30, v60;
	v63 =	vsel vm8, $0x10, v19  }
0x10a: {  	v54 =	vld.idx.msk [tilespmem:v3+s3+$0x0], $0xffff;
	vm9 =	vgt.f32 v43, v56;
	v4 =	vadd.s32 v63, v4;
	vm10 =	vgt.f32 v41, v58  }
0x10b: {  	vm12 =	vgt.f32 v32, v53;
	vm15 =	vgt.f32 v31, v55;
	v56 =	vsel vm9, $0x400, v13;
	v60 =	vld.idx.msk [tilespmem:v61+s3+$0x0], $0xffff  }
0x10c: {  	v58 =	vsel vm10, $0x200, v14;
	v61 =	vsel vm11, $0x20, v18;
	v1 =	vadd.s32 v56, v1;
	v53 =	vld.idx.msk [tilespmem:v62+s3+$0x0], $0xffff  }
0x10d: {  	v63 =	vsel vm12, $0x40, v17;
	v0 =	vadd.s32 v58, v0;
	v57 =	vld.idx.msk [tilespmem:v57+s3+$0x0], $0xffff;
	vm13 =	vgt.f32 v40, v59  }
0x10e: {  	v6 =	vadd.s32 v61, v6;
	v51 =	vadd.s32 v63, v51;
	v56 =	vld.idx.msk [tilespmem:v50+s3+$0x0], $0xffff;
	v61 =	vsel vm13, $0x200, v14  }
0x10f: {  	v55 =	vsel vm15, $0x40, v17;
	vm14 =	vgt.f32 v42, v54;
	v2 =	vadd.s32 v61, v2  }
0x110: {  	v49 =	vadd.s32 v55, v49;
	v59 =	vld.idx.msk [tilespmem:v4+s3+$0x0], $0xffff;
	v62 =	vsel vm14, $0x200, v14;
	vm4 =	vgt.f32 v33, v60  }
0x111: {  	v3 =	vadd.s32 v62, v3;
	v58 =	vld.idx.msk [tilespmem:v1+s3+$0x0], $0xffff;
	v63 =	vsel vm4, $0x40, v17;
	vm5 =	vgt.f32 v34, v53  }
0x112: {  	v53 =	vld.idx.msk [tilespmem:v0+s3+$0x0], $0xffff;
	v7 =	vadd.s32 v63, v7;
	v60 =	vsel vm5, $0x80, v16  }
0x113: {  	vm6 =	vgt.f32 v37, v57;
	v57 =	vld.idx.msk [tilespmem:v51+s3+$0x0], $0xffff;
	vm7 =	vgt.f32 v39, v56;
	v52 =	vadd.s32 v60, v52  }
0x114: {  	v61 =	vsel vm6, $0x80, v16;
	v55 =	vsel vm7, $0x100, v15;
	v56 =	vand.u32 $0xFFFFFF80, v52;
	v60 =	vld.idx.msk [tilespmem:v2+s3+$0x0], $0xffff  }
0x115: {  	v5 =	vadd.s32 v61, v5;
	v50 =	vadd.s32 v55, v50;
	vm10 =	vgt.f32 v29, v59;
	v59 =	vld.idx.msk [tilespmem:v49+s3+$0x0], $0xffff  }
0x116: {  	v8 =	vimm.s32 $0xFFFFFFF8;
	v61 =	vand.u32 $0xFFFFFF80, v5;
	v62 =	vand.u32 $0xFFFFFF80, v50;
	v55 =	vld.idx.msk [tilespmem:v3+s3+$0x0], $0xffff  }
0x117: {  	v8 =	vsel vm10, $0x8, v8;
	vm8 =	vgt.f32 v43, v58;
	v58 =	vld.idx.msk [tilespmem:v6+s3+$0x0], $0xffff;
	vm9 =	vgt.f32 v41, v53  }
0x118: {  	v54 =	vld.idx.msk [tilespmem:v46+s3+$0x0], $0xffff;
	v4 =	vadd.s32 v8, v4;
	v63 =	vsel vm8, $0x200, v14;
	v53 =	vsel vm9, $0x100, v15  }
0x119: {  	vm11 =	vgt.f32 v32, v57;
	v1 =	vadd.s32 v63, v1;
	v0 =	vadd.s32 v53, v0;
	v53 =	vld.idx.msk [tilespmem:v7+s3+$0x0], $0xffff  }
0x11a: {  	v56 =	vld.idx.msk [tilespmem:v56+s3+$0x0], $0xffff;
	v57 =	vand.u32 $0xFFFFFF80, v0;
	vm12 =	vgt.f32 v40, v60;
	v60 =	vsel vm11, $0x20, v18  }
0x11b: {  	v51 =	vadd.s32 v60, v51;
	v60 =	vld.idx.msk [tilespmem:v62+s3+$0x0], $0xffff;
	vm13 =	vgt.f32 v42, v55;
	v55 =	vsel vm12, $0x100, v15  }
0x11c: {  	vm14 =	vgt.f32 v31, v59;
	vm15 =	vgt.f32 v30, v58;
	v2 =	vadd.s32 v55, v2  }
0x11d: {  	v58 =	vsel vm14, $0x20, v18;
	v62 =	vsel vm13, $0x100, v15;
	v59 =	vand.u32 $0xFFFFFF80, v2  }
0x11e: {  	vm8 =	vgt.f32 v38, v54;
	v61 =	vld.idx.msk [tilespmem:v61+s3+$0x0], $0xffff;
	v49 =	vadd.s32 v58, v49;
	v3 =	vadd.s32 v62, v3  }
0x11f: {  	v63 =	vsel vm0, $0x1, v9;
	vm0 =	vmneg vm8;
	v55 =	vld.idx.msk [tilespmem:v1+s3+$0x0], $0xffff;
	v62 =	vand.u32 $0xFFFFFF80, v3  }
0x120: {  	vm4 =	vgt.f32 v33, v53;
	vm5 =	vgt.f32 v34, v56;
	v56 =	vld.idx.msk [tilespmem:v51+s3+$0x0], $0xffff;
	vm7 =	vgt.f32 v39, v60  }
0x121: {  	v58 =	vsel vm15, $0x10, v19;
	v53 =	vld.idx.msk [tilespmem:v57+s3+$0x0], $0xffff;
	v57 =	vsel vm4, $0x20, v18;
	v38 =	vsel vm7, $0x80, v16  }
0x122: {  	v19 =	vimm.s32 $0xFFFFFFF8;
	v7 =	vadd.s32 v57, v7;
	v50 =	vadd.s32 v38, v50;
	v54 =	vld.idx.msk [tilespmem:v59+s3+$0x0], $0xffff  }
0x123: {  	v18 =	vimm.s32 $0xFFFFFFF0;
	vm6 =	vgt.f32 v37, v61;
	v57 =	vld.idx.msk [tilespmem:v49+s3+$0x0], $0xffff;
	v59 =	vand.u32 $0xFFFFFF80, v50  }
0x124: {  	v61 =	vsel vm5, $0x40, v17;
	v60 =	vsel vm6, $0x40, v17;
	vm9 =	vgt.f32 v43, v55;
	v55 =	vld.idx.msk [tilespmem:v62+s3+$0x0], $0xffff  }
0x125: {  	v38 =	vadd.s32 v63, v48;
	v62 =	vsel vm9, $0x100, v15;
	vm11 =	vgt.f32 v32, v56;
	v56 =	vld.idx.msk [tilespmem:v47+s3+$0x0], $0xffff  }
0x126: {  	v52 =	vadd.s32 v61, v52;
	vm10 =	vgt.f32 v41, v53;
	v1 =	vadd.s32 v62, v1  }
0x127: {  	v48 =	vsel vm10, $0x80, v16;
	v53 =	vand.u32 $0xFFFFFF80, v1;
	vm12 =	vgt.f32 v40, v54;
	v54 =	vld.idx.msk [tilespmem:v7+s3+$0x0], $0xffff  }
0x128: {  	v5 =	vadd.s32 v60, v5;
	v0 =	vadd.s32 v48, v0;
	vm14 =	vgt.f32 v31, v57;
	v57 =	vld.idx.msk [tilespmem:v59+s3+$0x0], $0xffff  }
0x129: {  	v60 =	vsel vm11, $0x10, v18;
	vm13 =	vgt.f32 v42, v55;
	v55 =	vand.u32 $0xFFFFFF80, v0  }
0x12a: {  	v51 =	vadd.s32 v60, v51;
	v61 =	vsel vm12, $0x80, v16;
	vm15 =	vgt.f32 v35, v56;
	v56 =	vld.idx.msk [tilespmem:v38+s3+$0x0], $0xffff  }
0x12b: {  	v6 =	vadd.s32 v58, v6;
	v58 =	vld.idx.msk [tilespmem:v52+s3+$0x0], $0xffff;
	v2 =	vadd.s32 v61, v2;
	v62 =	vsel vm13, $0x80, v16  }
0x12c: {  	v16 =	vimm.s32 $0xFFFFFFC0;
	v3 =	vadd.s32 v62, v3;
	v61 =	vand.u32 $0xFFFFFF80, v2;
	v53 =	vld.idx.msk [tilespmem:v53+s3+$0x0], $0xffff  }
0x12d: {  	v8 =	vand.u32 $0xFFFFFF80, v3;
	vm5 =	vgt.f32 v33, v54;
	v54 =	vld.idx.msk [tilespmem:v5+s3+$0x0], $0xffff;
	vm6 =	vgt.f32 v39, v57  }
0x12e: {  	v17 =	vimm.s32 $0xFFFFFFE0;
	v59 =	vsel vm14, $0x10, v18;
	v55 =	vld.idx.msk [tilespmem:v55+s3+$0x0], $0xffff;
	v63 =	vsel vm6, $0x40, v16  }
0x12f: {  	v35 =	vsel vm0, $0xFFFFFFFF, v21;
	vm0 =	vgt.f32 v36, v56;
	v36 =	vadd.s32 v63, v50;
	v50 =	vld.idx.msk [tilespmem:v51+s3+$0x0], $0xffff  }
0x130: {  	v60 =	vimm.s32 $0xFFFFFF80;
	v49 =	vadd.s32 v59, v49;
	vm4 =	vmneg vm15;
	v56 =	vld.idx.msk [tilespmem:v4+s3+$0x0], $0xffff  }
0x131: {  	vm8 =	vgt.f32 v34, v58;
	v57 =	vsel vm5, $0x10, v18;
	vm7 =	vgt.f32 v43, v53;
	v59 =	vld.idx.msk [tilespmem:v61+s3+$0x0], $0xffff  }
0x132: {  	v48 =	vsel vm4, $0xFFFFFFFF, v21;
	v7 =	vadd.s32 v57, v7;
	v8 =	vld.idx.msk [tilespmem:v8+s3+$0x0], $0xffff;
	v62 =	vsel vm7, $0x80, v60  }
0x133: {  	v63 =	vsel vm8, $0x20, v17;
	v53 =	vld.idx.msk [tilespmem:v6+s3+$0x0], $0xffff;
	v1 =	vadd.s32 v62, v1;
	vm10 =	vgt.f32 v37, v54  }
0x134: {  	vm9 =	vgt.f32 v41, v55;
	v55 =	vand.u32 $0xFFFFFF80, v1;
	v62 =	vsel vm10, $0x20, v17  }
0x135: {  	v52 =	vadd.s32 v63, v52;
	v54 =	vld.idx.msk [tilespmem:v49+s3+$0x0], $0xffff;
	v61 =	vsel vm9, $0x40, v16;
	v5 =	vadd.s32 v62, v5  }
0x136: {  	vm14 =	vgt.f32 v32, v50;
	vm15 =	vgt.f32 v29, v56;
	vm11 =	vgt.f32 v40, v59  }
0x137: {  	v57 =	vld.idx.msk [tilespmem:v36+s3+$0x0], $0xffff;
	v0 =	vadd.s32 v61, v0;
	v63 =	vsel vm11, $0x40, v16;
	vm12 =	vgt.f32 v42, v8  }
0x138: {  	vm13 =	vgt.f32 v30, v53;
	v53 =	vld.idx.msk [tilespmem:v7+s3+$0x0], $0xffff;
	v8 =	vsel vm12, $0x40, v16;
	v2 =	vadd.s32 v63, v2  }
0x139: {  	v61 =	vsel vm14, $0x8, v19;
	v3 =	vadd.s32 v8, v3;
	v8 =	vsel vm13, $0x8, v19;
	v50 =	vld.idx.msk [tilespmem:v55+s3+$0x0], $0xffff  }
0x13a: {  	v56 =	vsel vm15, $0x4, v20;
	vm4 =	vgt.f32 v31, v54;
	v6 =	vadd.s32 v8, v6;
	v8 =	vld.idx.msk [tilespmem:v52+s3+$0x0], $0xffff  }
0x13b: {  	v51 =	vadd.s32 v61, v51;
	v4 =	vadd.s32 v56, v4;
	v62 =	vsel vm4, $0x8, v19;
	v56 =	vld.idx.msk [tilespmem:v5+s3+$0x0], $0xffff  }
0x13c: {  	v49 =	vadd.s32 v62, v49;
	v54 =	vld.idx.msk [tilespmem:v0+s3+$0x0], $0xffff  }
0x13d: {  	vm5 =	vgt.f32 v39, v57;
	vm6 =	vgt.f32 v33, v53;
	v53 =	vld.idx.msk [tilespmem:v2+s3+$0x0], $0xffff  }
0x13e: {  	v63 =	vsel vm5, $0x20, v17;
	v61 =	vsel vm6, $0x8, v19;
	v55 =	vld.idx.msk [tilespmem:v3+s3+$0x0], $0xffff  }
0x13f: {  	v36 =	vadd.s32 v63, v36;
	v7 =	vadd.s32 v61, v7;
	vm7 =	vgt.f32 v43, v50;
	v50 =	vld.idx.msk [tilespmem:v6+s3+$0x0], $0xffff  }
0x140: {  	v62 =	vsel vm7, $0x40, v16;
	vm8 =	vgt.f32 v34, v8;
	v8 =	vld.idx.msk [tilespmem:v51+s3+$0x0], $0xffff;
	vm10 =	vgt.f32 v37, v56  }
0x141: {  	v56 =	vld.idx.msk [tilespmem:v49+s3+$0x0], $0xffff;
	v1 =	vadd.s32 v62, v1;
	v63 =	vsel vm8, $0x10, v18;
	vm9 =	vgt.f32 v41, v54  }
0x142: {  	v54 =	vld.idx.msk [tilespmem:v4+s3+$0x0], $0xffff;
	v62 =	vsel vm10, $0x10, v18;
	v52 =	vadd.s32 v63, v52;
	v61 =	vsel vm9, $0x20, v17  }
0x143: {  	v5 =	vadd.s32 v62, v5;
	vm11 =	vgt.f32 v40, v53;
	vm12 =	vgt.f32 v42, v55  }
0x144: {  	v0 =	vadd.s32 v61, v0;
	v53 =	vld.idx.msk [tilespmem:v36+s3+$0x0], $0xffff;
	v63 =	vsel vm11, $0x20, v17;
	v55 =	vsel vm12, $0x20, v17  }
0x145: {  	vm13 =	vgt.f32 v30, v50;
	v2 =	vadd.s32 v63, v2;
	v50 =	vld.idx.msk [tilespmem:v7+s3+$0x0], $0xffff;
	vm14 =	vgt.f32 v32, v8  }
0x146: {  	vm4 =	vgt.f32 v31, v56;
	v61 =	vsel vm13, $0x4, v20;
	v3 =	vadd.s32 v55, v3;
	v8 =	vld.idx.msk [tilespmem:v1+s3+$0x0], $0xffff  }
0x147: {  	v62 =	vsel vm14, $0x4, v20;
	vm15 =	vgt.f32 v29, v54;
	v6 =	vadd.s32 v61, v6;
	v54 =	vld.idx.msk [tilespmem:v52+s3+$0x0], $0xffff  }
0x148: {  	v56 =	vsel vm4, $0x4, v20;
	v51 =	vadd.s32 v62, v51;
	v57 =	vld.idx.msk [tilespmem:v5+s3+$0x0], $0xffff  }
0x149: {  	v63 =	vsel vm15, $0x2, v10;
	v49 =	vadd.s32 v56, v49;
	v55 =	vld.idx.msk [tilespmem:v0+s3+$0x0], $0xffff;
	vm5 =	vgt.f32 v39, v53  }
0x14a: {  	v4 =	vadd.s32 v63, v4;
	v53 =	vsel vm5, $0x10, v18;
	vm6 =	vgt.f32 v33, v50;
	v50 =	vld.idx.msk [tilespmem:v2+s3+$0x0], $0xffff  }
0x14b: {  	v36 =	vadd.s32 v53, v36;
	v61 =	vsel vm6, $0x4, v20;
	v53 =	vld.idx.msk [tilespmem:v3+s3+$0x0], $0xffff  }
0x14c: {  	vm7 =	vgt.f32 v43, v8;
	v7 =	vadd.s32 v61, v7;
	v8 =	vld.idx.msk [tilespmem:v6+s3+$0x0], $0xffff  }
0x14d: {  	v62 =	vsel vm7, $0x20, v17;
	vm8 =	vgt.f32 v34, v54;
	v54 =	vld.idx.msk [tilespmem:v51+s3+$0x0], $0xffff;
	vm10 =	vgt.f32 v37, v57  }
0x14e: {  	v56 =	vld.idx.msk [tilespmem:v49+s3+$0x0], $0xffff;
	v1 =	vadd.s32 v62, v1;
	v63 =	vsel vm8, $0x8, v19;
	vm9 =	vgt.f32 v41, v55  }
0x14f: {  	v55 =	vld.idx.msk [tilespmem:v4+s3+$0x0], $0xffff;
	v57 =	vsel vm10, $0x8, v19;
	v52 =	vadd.s32 v63, v52;
	v61 =	vsel vm9, $0x10, v18  }
0x150: {  	v5 =	vadd.s32 v57, v5;
	vm11 =	vgt.f32 v40, v50;
	vm12 =	vgt.f32 v42, v53  }
0x151: {  	v0 =	vadd.s32 v61, v0;
	v50 =	vld.idx.msk [tilespmem:v36+s3+$0x0], $0xffff;
	v62 =	vsel vm11, $0x10, v18;
	v53 =	vsel vm12, $0x10, v18  }
0x152: {  	vm13 =	vgt.f32 v30, v8;
	v2 =	vadd.s32 v62, v2;
	v8 =	vld.idx.msk [tilespmem:v7+s3+$0x0], $0xffff;
	vm14 =	vgt.f32 v32, v54  }
0x153: {  	vm4 =	vgt.f32 v31, v56;
	v63 =	vsel vm13, $0x2, v10;
	v3 =	vadd.s32 v53, v3;
	v61 =	vld.idx.msk [tilespmem:v1+s3+$0x0], $0xffff  }
0x154: {  	v54 =	vsel vm14, $0x2, v10;
	vm15 =	vgt.f32 v29, v55;
	v6 =	vadd.s32 v63, v6;
	v55 =	vld.idx.msk [tilespmem:v52+s3+$0x0], $0xffff  }
0x155: {  	v56 =	vsel vm4, $0x2, v10;
	v51 =	vadd.s32 v54, v51;
	v57 =	vld.idx.msk [tilespmem:v5+s3+$0x0], $0xffff  }
0x156: {  	v49 =	vadd.s32 v56, v49;
	v54 =	vld.idx.msk [tilespmem:v0+s3+$0x0], $0xffff;
	vm5 =	vgt.f32 v39, v50  }
0x157: {  	v62 =	vsel vm15, $0x1, v9;
	v50 =	vsel vm5, $0x8, v19;
	vm6 =	vgt.f32 v33, v8;
	v8 =	vld.idx.msk [tilespmem:v2+s3+$0x0], $0xffff  }
0x158: {  	v4 =	vadd.s32 v62, v4;
	v36 =	vadd.s32 v50, v36;
	v50 =	vld.idx.msk [tilespmem:v3+s3+$0x0], $0xffff  }
0x159: {  	v35 =	vadd.s32 v35, v46;
	vm0 =	vmneg vm0;
	vm7 =	vgt.f32 v43, v61;
	v53 =	vld.idx.msk [tilespmem:v6+s3+$0x0], $0xffff  }
0x15a: {  	v63 =	vsel vm6, $0x2, v10;
	v61 =	vsel vm7, $0x10, v18;
	vm8 =	vgt.f32 v34, v55;
	v55 =	vld.idx.msk [tilespmem:v51+s3+$0x0], $0xffff  }
0x15b: {  	v7 =	vadd.s32 v63, v7;
	vm10 =	vgt.f32 v37, v57;
	v56 =	vld.idx.msk [tilespmem:v49+s3+$0x0], $0xffff;
	v1 =	vadd.s32 v61, v1  }
0x15c: {  	v62 =	vsel vm8, $0x4, v20;
	vm9 =	vgt.f32 v41, v54;
	v57 =	vsel vm10, $0x4, v20  }
0x15d: {  	v54 =	vld.idx.msk [tilespmem:v4+s3+$0x0], $0xffff;
	v52 =	vadd.s32 v62, v52;
	v63 =	vsel vm9, $0x8, v19;
	v5 =	vadd.s32 v57, v5  }
0x15e: {  	v0 =	vadd.s32 v63, v0;
	vm11 =	vgt.f32 v40, v8;
	vm12 =	vgt.f32 v42, v50  }
0x15f: {  	v8 =	vld.idx.msk [tilespmem:v36+s3+$0x0], $0xffff;
	v61 =	vsel vm11, $0x8, v19;
	v50 =	vsel vm12, $0x8, v19;
	vm13 =	vgt.f32 v30, v53  }
0x160: {  	v2 =	vadd.s32 v61, v2;
	v53 =	vld.idx.msk [tilespmem:v7+s3+$0x0], $0xffff;
	vm14 =	vgt.f32 v32, v55;
	vm15 =	vgt.f32 v31, v56  }
0x161: {  	v62 =	vsel vm13, $0x1, v9;
	v3 =	vadd.s32 v50, v3;
	v63 =	vld.idx.msk [tilespmem:v1+s3+$0x0], $0xffff;
	v55 =	vsel vm14, $0x1, v9  }
0x162: {  	vm4 =	vgt.f32 v29, v54;
	v29 =	vsel vm15, $0x1, v9;
	v6 =	vadd.s32 v62, v6;
	v57 =	vld.idx.msk [tilespmem:v52+s3+$0x0], $0xffff  }
0x163: {  	v51 =	vadd.s32 v55, v51;
	v55 =	vsel vm0, $0xFFFFFFFF, v21;
	v61 =	vld.idx.msk [tilespmem:v5+s3+$0x0], $0xffff;
	vm1 =	vmneg vm4  }
0x164: {  	v56 =	vld.idx.msk [tilespmem:v0+s3+$0x0], $0xffff;
	vm5 =	vgt.f32 v39, v8;
	v8 =	vadd.s32 v29, v49;
	v54 =	vsel vm1, $0xFFFFFFFF, v21  }
0x165: {  	v38 =	vadd.s32 v55, v38;
	v29 =	vsel vm5, $0x4, v20;
	vm6 =	vgt.f32 v33, v53;
	v49 =	vld.idx.msk [tilespmem:v2+s3+$0x0], $0xffff  }
0x166: {  	v4 =	vadd.s32 v54, v4;
	v29 =	vadd.s32 v29, v36;
	v53 =	vsel vm6, $0x1, v9;
	v62 =	vld.idx.msk [tilespmem:v3+s3+$0x0], $0xffff  }
0x167: {  	vm7 =	vgt.f32 v43, v63;
	v7 =	vadd.s32 v53, v7;
	v50 =	vld.idx.msk [tilespmem:v6+s3+$0x0], $0xffff;
	vm8 =	vgt.f32 v34, v57  }
0x168: {  	v63 =	vsel vm7, $0x8, v19;
	v53 =	vld.idx.msk [tilespmem:v51+s3+$0x0], $0xffff;
	vm10 =	vgt.f32 v37, v61;
	v57 =	vsel vm8, $0x2, v10  }
0x169: {  	vm9 =	vgt.f32 v41, v56;
	v1 =	vadd.s32 v63, v1;
	v61 =	vsel vm10, $0x2, v10  }
0x16a: {  	v52 =	vadd.s32 v57, v52;
	v56 =	vsel vm9, $0x4, v20;
	v5 =	vadd.s32 v61, v5  }
0x16b: {  	v0 =	vadd.s32 v56, v0;
	vm11 =	vgt.f32 v40, v49;
	v56 =	vimm.s32 $0xFFFFFFFF  }
0x16c: {  	v49 =	vld.idx.msk [tilespmem:v29+s3+$0x0], $0xffff;
	vm12 =	vgt.f32 v42, v62;
	v62 =	vsel vm11, $0x4, v20;
	vm13 =	vgt.f32 v30, v50  }
0x16d: {  	v30 =	vld.idx.msk [tilespmem:v8+s3+$0x0], $0xffff;
	v63 =	vsel vm12, $0x4, v20;
	v20 =	vimm.s32 $0xFFFFFFFE;
	vm14 =	vgt.f32 v32, v53  }
0x16e: {  	v53 =	vimm.s32 $0xFFFFFFFC;
	v32 =	vadd.s32 v45, v44;
	v45 =	vadd.s32 v48, v47;
	v44 =	vld.idx.msk [tilespmem:v1+s3+$0x0], $0xffff  }
0x16f: {  	v2 =	vadd.s32 v62, v2;
	vm0 =	vmneg vm13;
	v3 =	vadd.s32 v63, v3;
	v63 =	vld.idx.msk [tilespmem:v7+s3+$0x0], $0xffff  }
0x170: {  	vm1 =	vmneg vm14;
	v57 =	vmul.u32 $0x7, v32;
	v36 =	vld.idx.msk [tilespmem:v52+s3+$0x0], $0xffff;
	v62 =	vsel vm0, $0xFFFFFFFF, v21  }
0x171: {  	v32 =	vshll.u32 v32, $0x3;
	vm15 =	vgt.f32 v39, v49;
	v6 =	vadd.s32 v62, v6  }
0x172: {  	v54 =	vsel vm1, $0xFFFFFFFF, v21;
	v61 =	vld.idx.msk [tilespmem:v0+s3+$0x0], $0xffff;
	v50 =	vsel vm15, $0x2, v20;
	v48 =	vmul.u32 $0x7, v6  }
0x173: {  	v6 =	vshll.u32 v6, $0x3;
	v29 =	vadd.s32 v50, v29;
	vm5 =	vgt.f32 v31, v30  }
0x174: {  	vm4 =	vgt.f32 v43, v44;
	vm8 =	vgt.f32 v33, v63;
	vm1 =	vmneg vm5  }
0x175: {  	v31 =	vld.idx.msk [tilespmem:v2+s3+$0x0], $0xffff;
	v44 =	vadd.s32 v54, v51;
	v30 =	vsel vm4, $0x4, v53;
	vm6 =	vgt.f32 v34, v36  }
0x176: {  	v55 =	vld.idx.msk [tilespmem:v3+s3+$0x0], $0xffff;
	v58 =	vsel vm1, $0xFFFFFFFF, v21;
	vm0 =	vmneg vm8;
	v1 =	vadd.s32 v30, v1  }
0x177: {  	[tilespmem:s29+$0xFFFFFFD0] =	vst v6;
	v6 =	vshll.u32 v44, $0x3;
	v36 =	vsel vm6, $0x1, v56;
	v30 =	vld.idx.msk [tilespmem:v5+s3+$0x0], $0xffff;
	vm7 =	vgt.f32 v41, v61  }
0x178: {  	v8 =	vadd.s32 v58, v8;
	v61 =	vsel vm0, $0xFFFFFFFF, v21;
	v46 =	vsel vm7, $0x2, v20  }
0x179: {  	v33 =	vadd.s32 v36, v52;
	v7 =	vadd.s32 v61, v7;
	v61 =	vmul.u32 $0x7, v38;
	v59 =	vld.idx.msk [tilespmem:v29+s3+$0x0], $0xffff  }
0x17a: {  	[tilespmem:s29+$0xFFFFFF80] =	vst v32;
	v0 =	vadd.s32 v46, v0;
	vm9 =	vgt.f32 v40, v31;
	v46 =	vadd.s32 $0x3, v57  }
0x17b: {  	vm11 =	vgt.f32 v42, v55;
	v55 =	vmul.u32 $0x7, v45;
	[tilespmem:s28+$0xFFFFFF80] =	vst v46;
	v46 =	vshll.u32 v38, $0x3;
	v31 =	vld.idx.msk [tilespmem:v1+s3+$0x0], $0xffff  }
0x17c: {  	v54 =	vsel vm11, $0x2, v20;
	vm10 =	vgt.f32 v37, v30;
	v30 =	vsel vm9, $0x2, v20  }
0x17d: {  	[tilespmem:s29+$0xFFFFFFE0] =	vst v6;
	v3 =	vadd.s32 v54, v3;
	v2 =	vadd.s32 v30, v2;
	v30 =	vmul.u32 $0x7, v35  }
0x17e: {  	[tilespmem:s29+$0xFFFFFFB0] =	vst v46;
	v63 =	vsel vm10, $0x1, v56;
	v35 =	vshll.u32 v35, $0x3;
	vm12 =	vgt.f32 v39, v59  }
0x17f: {  	v62 =	vld.idx.msk [tilespmem:v33+s3+$0x0], $0xffff;
	v5 =	vadd.s32 v63, v5;
	[tilespmem:s29+$0xFFFFFF90] =	vst v35;
	v30 =	vadd.s32 $0x3, v30;
	v57 =	vsel vm12, $0x1, v56  }
0x180: {  	v52 =	vld.idx.msk [tilespmem:v0+s3+$0x0], $0xffff;
	[tilespmem:s28+$0xFFFFFF90] =	vst v30;
	v30 =	vmul.u32 $0x7, v4;
	v4 =	vshll.u32 v4, $0x3;
	vm13 =	vgt.f32 v43, v31  }
0x181: {  	v29 =	vadd.s32 v57, v29;
	v31 =	vshll.u32 v45, $0x3;
	[tilespmem:s29+$0xFFFFFFC0] =	vst v4;
	v59 =	vsel vm13, $0x2, v20  }
0x182: {  	v6 =	vmul.u32 $0x7, v8;
	[tilespmem:s29+$0xFFFFFFA0] =	vst v31;
	v31 =	vadd.s32 $0x3, v55;
	v1 =	vadd.s32 v59, v1  }
0x183: {  	v47 =	vld.idx.msk [tilespmem:v3+s3+$0x0], $0xffff;
	v30 =	vadd.s32 $0x3, v30;
	[tilespmem:s28+$0xFFFFFFA0] =	vst v31  }
0x184: {  	v6 =	vadd.s32 $0x3, v6;
	vm14 =	vgt.f32 v34, v62;
	v58 =	vld.idx.msk [tilespmem:v2+s3+$0x0], $0xffff;
	v31 =	vadd.s32 $0x3, v61;
	[tilespmem:s28+$0xFFFFFFC0] =	vst v30  }
0x185: {  	vm15 =	vgt.f32 v41, v52;
	v62 =	vld.idx.msk [tilespmem:v5+s3+$0x0], $0xffff;
	vm0 =	vmneg vm14;
	v30 =	vadd.s32 $0x3, v48;
	[tilespmem:s28+$0xFFFFFFB0] =	vst v31  }
0x186: {  	v63 =	vsel vm15, $0x1, v56;
	v31 =	vsel vm0, $0xFFFFFFFF, v21;
	[tilespmem:s28+$0xFFFFFFD0] =	vst v30;
	v30 =	vshll.u32 v8, $0x3;
	v50 =	vld.idx.msk [tilespmem:v29+s3+$0x0], $0xffff  }
0x187: {  	v0 =	vadd.s32 v63, v0;
	v4 =	vadd.s32 v31, v33;
	v31 =	vmul.u32 $0x7, v44;
	[tilespmem:s29+$0xFFFFFFF0] =	vst v30;
	v49 =	vld.idx.msk [tilespmem:v1+s3+$0x0], $0xffff  }
0x188: {  	vm6 =	vgt.f32 v42, v47;
	[tilespmem:s28+$0xFFFFFFF0] =	vst v6;
	v6 =	vshll.u32 v7, $0x3  }
0x189: {  	vm4 =	vgt.f32 v40, v58;
	v31 =	vadd.s32 $0x3, v31;
	v51 =	vsel vm6, $0x1, v56  }
0x18a: {  	[tilespmem:s29+$0x0] =	vst v6;
	v6 =	vmul.u32 $0x7, v4;
	v34 =	vsel vm4, $0x1, v56;
	v3 =	vadd.s32 v51, v3  }
0x18b: {  	vm5 =	vgt.f32 v37, v62;
	[tilespmem:s28+$0xFFFFFFE0] =	vst v31;
	v31 =	vmul.u32 $0x7, v7;
	v2 =	vadd.s32 v34, v2  }
0x18c: {  	vm0 =	vmneg vm5;
	v52 =	vld.idx.msk [tilespmem:v0+s3+$0x0], $0xffff;
	vm8 =	vgt.f32 v39, v50;
	vm7 =	vgt.f32 v43, v49  }
0x18d: {  	v8 =	vsel vm0, $0xFFFFFFFF, v21;
	vm0 =	vmneg vm8;
	v54 =	vsel vm7, $0x1, v56  }
0x18e: {  	v4 =	vshll.u32 v4, $0x3;
	v30 =	vsel vm0, $0xFFFFFFFF, v21;
	v1 =	vadd.s32 v54, v1  }
0x18f: {  	[tilespmem:s29+$0x10] =	vst v4;
	v7 =	vadd.s32 $0x3, v31;
	v5 =	vadd.s32 v8, v5;
	v29 =	vadd.s32 v30, v29;
	v30 =	vld.idx.msk [tilespmem:v3+s3+$0x0], $0xffff  }
0x190: {  	v4 =	vadd.s32 $0x3, v6;
	[tilespmem:s28+$0x0] =	vst v7;
	v7 =	vmul.u32 $0x7, v5;
	v8 =	vld.idx.msk [tilespmem:v2+s3+$0x0], $0xffff  }
0x191: {  	[tilespmem:s28+$0x10] =	vst v4;
	v5 =	vshll.u32 v5, $0x3;
	vm9 =	vgt.f32 v41, v52  }
0x192: {  	[tilespmem:s29+$0x20] =	vst v5;
	v4 =	vadd.s32 $0x3, v7;
	v5 =	vmul.u32 $0x7, v29;
	vm10 =	vmneg vm9  }
0x193: {  	[tilespmem:s28+$0x20] =	vst v4;
	v4 =	vshll.u32 v29, $0x3;
	v6 =	vsel vm10, $0xFFFFFFFF, v21;
	v7 =	vld.idx.msk [tilespmem:v1+s3+$0x0], $0xffff  }
0x194: {  	[tilespmem:s29+$0x30] =	vst v4;
	v4 =	vadd.s32 $0x3, v5;
	v0 =	vadd.s32 v6, v0  }
0x195: {  	vm13 =	vgt.f32 v42, v30;
	vm11 =	vgt.f32 v40, v8;
	v6 =	vmul.u32 $0x7, v0  }
0x196: {  	v0 =	vshll.u32 v0, $0x3;
	vm0 =	vmneg vm13;
	vm12 =	vmneg vm11  }
0x197: {  	[tilespmem:s28+$0x30] =	vst v4;
	v5 =	vsel vm0, $0xFFFFFFFF, v21;
	v8 =	vsel vm12, $0xFFFFFFFF, v21;
	v4 =	vadd.s32 $0x3, v6  }
0x198: {  	[tilespmem:s29+$0x40] =	vst v0;
	v3 =	vadd.s32 v5, v3;
	v2 =	vadd.s32 v8, v2;
	vm14 =	vgt.f32 v43, v7  }
0x199: {  	s26 =	sadd.s32 $0x10, s26;
	[tilespmem:s28+$0x40] =	vst v4;
	v57 =	vmul.u32 $0x7, v3;
	v58 =	vshll.u32 v3, $0x3;
	vm15 =	vmneg vm14  }
0x19a: {  	p1 =	slt.u32 s26, $0x70;
	v55 =	vmul.u32 $0x7, v2;
	v2 =	vshll.u32 v2, $0x3;
	[tilespmem:s29+$0x60] =	vst v58;
	v4 =	vsel vm15, $0xFFFFFFFF, v21  }
.Ltmp0:
0x19b: {  	[tilespmem:s29+$0x50] =	vst v2;
	v59 =	vadd.s32 $0x3, v57;
	v1 =	vadd.s32 v4, v1;
	(pc) =	sbr.rel @p1 .LBB2_3-.Ltmp0, $4  }
0x19c: {  	v0 =	vadd.s32 $0x3, v55;
	[tilespmem:s28+$0x60] =	vst v59;
	v61 =	vmul.u32 $0x7, v1  }
0x19d: {  	[tilespmem:s28+$0x50] =	vst v0;
	v62 =	vshll.u32 v1, $0x3  }
0x19e: {  	[tilespmem:s29+$0x70] =	vst v62;
	v63 =	vadd.s32 $0x3, v61  }
0x19f: {  	s30 =	sadd.s32 $0x100, s30;
	v6 =	vimm.s32 $0x4000;
	v7 =	vimm.s32 $0xFFFFE000;
	s29 =	sadd.s32 $0x100, s29;
	[tilespmem:s28+$0x70] =	vst v63;
	s28 =	sadd.s32 $0x100, s28  }
0x1a0: {  	[tilespmem:s14], [sflag:$0x1] =	stream.indirect.gather [spmem:s2], $0x1, s13, s12, $0xb8;
	[tilespmem:$0x1D000] =	vst v63  }
0x1a1: {  	s26 =	simm.s32 $0x70  }
0x1a2: {  	s28 =	simm.s32 $0x128F0;
	s29 =	simm.s32 $0x118F0;
	s30 =	simm.s32 $0x108F0  }
.LBB2_5:
0x1a3: {  	v39 =	vld [tilespmem:s30+$0xFFFFFF10];
	_ =	sdelay $0x4  }
0x1a4: {  	vm0 =	vgt.f32 v39, v22  }
0x1a5: {  	v0 =	vsel vm0, v24, v23  }
0x1a6: {  	vm1 =	vgt.f32 v39, v0  }
0x1a7: {  	v0 =	vsel vm1, v28, v27;
	v1 =	vsel vm1, v26, v25  }
0x1a8: {  	v0 =	vsel vm0, v0, v1  }
0x1a9: {  	v55 =	vsel vm0, $0xC000, v6;
	v2 =	vsel vm1, $0x2000, v7;
	vm14 =	vgt.f32 v39, v0  }
0x1aa: {  	v57 =	vadd.s32 v55, v2;
	v58 =	vsel vm14, $0x1000, v11  }
0x1ab: {  	v0 =	vadd.s32 v58, v57  }
0x1ac: {  	v38 =	vld [tilespmem:s30+$0xFFFFFF20];
	_ =	sdelay $0x2  }
0x1ad: {  	v35 =	vld [tilespmem:s30+$0xFFFFFF30]  }
0x1ae: {  	v1 =	vld.idx.msk [tilespmem:v0+s3+$0x0], $0xffff  }
0x1af: {  	vm15 =	vgt.f32 v38, v22  }
0x1b0: {  	v59 =	vsel vm15, v24, v23  }
0x1b1: {  	vm5 =	vgt.f32 v38, v59  }
0x1b2: {  	vm2 =	vgt.f32 v35, v22;
	v3 =	vsel vm15, $0xC000, v6;
	v4 =	vsel vm5, v26, v25  }
0x1b3: {  	v5 =	vsel vm5, $0x2000, v7;
	vm4 =	vgt.f32 v39, v1;
	v1 =	vsel vm5, v28, v27  }
0x1b4: {  	v3 =	vadd.s32 v3, v5;
	v1 =	vsel vm15, v1, v4;
	v4 =	vsel vm2, v24, v23  }
0x1b5: {  	v61 =	vsel vm4, $0x800, v12;
	vm0 =	vgt.f32 v38, v1;
	vm6 =	vgt.f32 v35, v4  }
0x1b6: {  	v0 =	vadd.s32 v61, v0;
	v4 =	vsel vm6, v28, v27;
	v5 =	vsel vm6, v26, v25  }
0x1b7: {  	v63 =	vsel vm2, $0xC000, v6;
	v1 =	vsel vm0, $0x1000, v11;
	v62 =	vsel vm2, v4, v5  }
0x1b8: {  	v1 =	vadd.s32 v1, v3;
	v4 =	vsel vm6, $0x2000, v7;
	vm7 =	vgt.f32 v35, v62  }
0x1b9: {  	v32 =	vadd.s32 v63, v4;
	v33 =	vsel vm7, $0x1000, v11  }
0x1ba: {  	v36 =	vld [tilespmem:s30+$0xFFFFFF40];
	v2 =	vadd.s32 v33, v32  }
0x1bb: {  	v34 =	vld.idx.msk [tilespmem:v0+s3+$0x0], $0xffff;
	_ =	sdelay $0x1  }
0x1bc: {  	v4 =	vld.idx.msk [tilespmem:v1+s3+$0x0], $0xffff;
	_ =	sdelay $0x1  }
0x1bd: {  	v5 =	vld.idx.msk [tilespmem:v2+s3+$0x0], $0xffff  }
0x1be: {  	vm9 =	vgt.f32 v36, v22;
	vm8 =	vgt.f32 v39, v34  }
0x1bf: {  	v40 =	vsel vm9, v24, v23;
	v3 =	vsel vm8, $0x400, v13  }
0x1c0: {  	vm12 =	vgt.f32 v36, v40;
	v0 =	vadd.s32 v3, v0;
	vm10 =	vgt.f32 v38, v4  }
0x1c1: {  	v3 =	vsel vm12, v28, v27;
	v4 =	vsel vm10, $0x800, v12  }
0x1c2: {  	v1 =	vadd.s32 v4, v1;
	v4 =	vsel vm12, v26, v25;
	vm11 =	vgt.f32 v35, v5  }
0x1c3: {  	v3 =	vsel vm9, v3, v4;
	v4 =	vsel vm9, $0xC000, v6;
	v5 =	vsel vm11, $0x800, v12  }
0x1c4: {  	vm13 =	vgt.f32 v36, v3;
	v2 =	vadd.s32 v5, v2;
	v5 =	vsel vm12, $0x2000, v7  }
0x1c5: {  	v41 =	vld.idx.msk [tilespmem:v0+s3+$0x0], $0xffff;
	v4 =	vadd.s32 v4, v5;
	v5 =	vsel vm13, $0x1000, v11  }
0x1c6: {  	v4 =	vadd.s32 v5, v4  }
0x1c7: {  	v5 =	vld.idx.msk [tilespmem:v1+s3+$0x0], $0xffff;
	_ =	sdelay $0x1  }
0x1c8: {  	v6 =	vld.idx.msk [tilespmem:v2+s3+$0x0], $0xffff  }
0x1c9: {  	vm14 =	vgt.f32 v39, v41  }
0x1ca: {  	v3 =	vsel vm14, $0x200, v14;
	v7 =	vld.idx.msk [tilespmem:v4+s3+$0x0], $0xffff  }
0x1cb: {  	v0 =	vadd.s32 v3, v0;
	vm15 =	vgt.f32 v38, v5  }
0x1cc: {  	v42 =	vsel vm15, $0x400, v13  }
0x1cd: {  	v1 =	vadd.s32 v42, v1;
	vm4 =	vgt.f32 v35, v6  }
0x1ce: {  	v43 =	vsel vm4, $0x400, v13  }
0x1cf: {  	v2 =	vadd.s32 v43, v2;
	vm5 =	vgt.f32 v36, v7  }
0x1d0: {  	v44 =	vld.idx.msk [tilespmem:v0+s3+$0x0], $0xffff;
	v5 =	vsel vm5, $0x800, v12  }
0x1d1: {  	v4 =	vadd.s32 v5, v4  }
0x1d2: {  	v5 =	vld.idx.msk [tilespmem:v1+s3+$0x0], $0xffff;
	_ =	sdelay $0x1  }
0x1d3: {  	v6 =	vld.idx.msk [tilespmem:v2+s3+$0x0], $0xffff  }
0x1d4: {  	vm6 =	vgt.f32 v39, v44  }
0x1d5: {  	v3 =	vsel vm6, $0x100, v15;
	v7 =	vld.idx.msk [tilespmem:v4+s3+$0x0], $0xffff  }
0x1d6: {  	v0 =	vadd.s32 v3, v0;
	vm7 =	vgt.f32 v38, v5  }
0x1d7: {  	v3 =	vand.u32 $0xFFFFFF80, v0;
	v5 =	vsel vm7, $0x200, v14  }
0x1d8: {  	v1 =	vadd.s32 v5, v1;
	vm8 =	vgt.f32 v35, v6  }
0x1d9: {  	v5 =	vsel vm8, $0x200, v14  }
0x1da: {  	v2 =	vadd.s32 v5, v2;
	vm9 =	vgt.f32 v36, v7  }
0x1db: {  	v5 =	vsel vm9, $0x400, v13  }
0x1dc: {  	v3 =	vld.idx.msk [tilespmem:v3+s3+$0x0], $0xffff;
	v4 =	vadd.s32 v5, v4  }
0x1dd: {  	v5 =	vld.idx.msk [tilespmem:v1+s3+$0x0], $0xffff;
	_ =	sdelay $0x1  }
0x1de: {  	v6 =	vld.idx.msk [tilespmem:v2+s3+$0x0], $0xffff;
	_ =	sdelay $0x1  }
0x1df: {  	vm10 =	vgt.f32 v39, v3;
	v45 =	vld.idx.msk [tilespmem:v4+s3+$0x0], $0xffff  }
0x1e0: {  	v7 =	vsel vm10, $0x80, v60;
	vm11 =	vgt.f32 v38, v5  }
0x1e1: {  	v0 =	vadd.s32 v7, v0;
	v5 =	vsel vm11, $0x100, v15  }
0x1e2: {  	v1 =	vadd.s32 v5, v1;
	vm12 =	vgt.f32 v35, v6;
	v6 =	vand.u32 $0xFFFFFF80, v0  }
0x1e3: {  	v7 =	vand.u32 $0xFFFFFF80, v1;
	v5 =	vsel vm12, $0x100, v15  }
0x1e4: {  	v2 =	vadd.s32 v5, v2;
	vm13 =	vgt.f32 v36, v45  }
0x1e5: {  	v5 =	vand.u32 $0xFFFFFF80, v2;
	v3 =	vsel vm13, $0x200, v14  }
0x1e6: {  	v3 =	vadd.s32 v3, v4  }
0x1e7: {  	v4 =	vld.idx.msk [tilespmem:v6+s3+$0x0], $0xffff  }
0x1e8: {  	v6 =	vld.idx.msk [tilespmem:v7+s3+$0x0], $0xffff;
	_ =	sdelay $0x1  }
0x1e9: {  	v5 =	vld.idx.msk [tilespmem:v5+s3+$0x0], $0xffff  }
0x1ea: {  	v7 =	vld.idx.msk [tilespmem:v3+s3+$0x0], $0xffff;
	_ =	sdelay $0x1  }
0x1eb: {  	vm14 =	vgt.f32 v39, v4;
	vm15 =	vgt.f32 v38, v6  }
0x1ec: {  	v4 =	vsel vm14, $0x40, v16;
	v6 =	vsel vm15, $0x80, v60  }
0x1ed: {  	v0 =	vadd.s32 v4, v0;
	v1 =	vadd.s32 v6, v1;
	vm4 =	vgt.f32 v35, v5  }
0x1ee: {  	v5 =	vand.u32 $0xFFFFFF80, v1;
	v4 =	vsel vm4, $0x80, v60;
	vm5 =	vgt.f32 v36, v7  }
0x1ef: {  	v2 =	vadd.s32 v4, v2;
	v6 =	vsel vm5, $0x100, v15  }
0x1f0: {  	v4 =	vand.u32 $0xFFFFFF80, v2;
	v3 =	vadd.s32 v6, v3  }
0x1f1: {  	v6 =	vand.u32 $0xFFFFFF80, v3  }
0x1f2: {  	v7 =	vld.idx.msk [tilespmem:v0+s3+$0x0], $0xffff  }
0x1f3: {  	v5 =	vld.idx.msk [tilespmem:v5+s3+$0x0], $0xffff  }
0x1f4: {  	v29 =	vld [tilespmem:s30+$0xFFFFFF50]  }
0x1f5: {  	v4 =	vld.idx.msk [tilespmem:v4+s3+$0x0], $0xffff  }
0x1f6: {  	v6 =	vld.idx.msk [tilespmem:v6+s3+$0x0], $0xffff;
	_ =	sdelay $0x1  }
0x1f7: {  	vm6 =	vgt.f32 v39, v7;
	vm7 =	vgt.f32 v38, v5  }
0x1f8: {  	v61 =	vimm.s32 $0xFFFFE000;
	v7 =	vsel vm6, $0x20, v17;
	v5 =	vsel vm7, $0x40, v16  }
0x1f9: {  	vm9 =	vgt.f32 v29, v22;
	v0 =	vadd.s32 v7, v0;
	v1 =	vadd.s32 v5, v1  }
0x1fa: {  	vm8 =	vgt.f32 v35, v4;
	vm10 =	vgt.f32 v36, v6;
	v6 =	vsel vm9, v24, v23  }
0x1fb: {  	v4 =	vsel vm8, $0x40, v16;
	v5 =	vsel vm10, $0x80, v60;
	vm11 =	vgt.f32 v29, v6  }
0x1fc: {  	v3 =	vadd.s32 v5, v3;
	v5 =	vsel vm11, v28, v27;
	v6 =	vsel vm11, v26, v25  }
0x1fd: {  	v62 =	vimm.s32 $0x4000;
	v2 =	vadd.s32 v4, v2;
	v5 =	vsel vm9, v5, v6  }
0x1fe: {  	v7 =	vsel vm11, $0x2000, v61;
	v6 =	vsel vm9, $0xC000, v62;
	vm12 =	vgt.f32 v29, v5  }
0x1ff: {  	v30 =	vld [tilespmem:s30+$0xFFFFFF60];
	v4 =	vand.u32 $0xFFFFFF80, v3;
	v5 =	vadd.s32 v6, v7;
	v6 =	vsel vm12, $0x1000, v11  }
0x200: {  	v7 =	vld.idx.msk [tilespmem:v0+s3+$0x0], $0xffff;
	v5 =	vadd.s32 v6, v5  }
0x201: {  	v6 =	vld.idx.msk [tilespmem:v1+s3+$0x0], $0xffff  }
0x202: {  	v8 =	vld.idx.msk [tilespmem:v2+s3+$0x0], $0xffff;
	_ =	sdelay $0x1  }
0x203: {  	v4 =	vld.idx.msk [tilespmem:v4+s3+$0x0], $0xffff  }
0x204: {  	vm13 =	vgt.f32 v39, v7;
	v31 =	vld.idx.msk [tilespmem:v5+s3+$0x0], $0xffff  }
0x205: {  	vm5 =	vgt.f32 v30, v22;
	v7 =	vsel vm13, $0x10, v18  }
0x206: {  	vm14 =	vgt.f32 v38, v6;
	v0 =	vadd.s32 v7, v0;
	vm15 =	vgt.f32 v35, v8  }
0x207: {  	v8 =	vsel vm5, v24, v23;
	v6 =	vsel vm14, $0x20, v17;
	v7 =	vsel vm15, $0x20, v17  }
0x208: {  	vm7 =	vgt.f32 v30, v8;
	vm4 =	vgt.f32 v36, v4;
	v1 =	vadd.s32 v6, v1  }
0x209: {  	v2 =	vadd.s32 v7, v2;
	v7 =	vsel vm7, v28, v27;
	vm6 =	vgt.f32 v29, v31  }
0x20a: {  	v8 =	vsel vm7, v26, v25;
	v4 =	vsel vm4, $0x40, v16;
	v6 =	vsel vm6, $0x800, v12  }
0x20b: {  	v3 =	vadd.s32 v4, v3;
	v4 =	vadd.s32 v6, v5;
	v5 =	vsel vm5, v7, v8  }
0x20c: {  	v6 =	vsel vm5, $0xC000, v62;
	v7 =	vsel vm7, $0x2000, v61;
	vm8 =	vgt.f32 v30, v5  }
0x20d: {  	v32 =	vld [tilespmem:s30+$0xFFFFFF70];
	v6 =	vadd.s32 v6, v7;
	v7 =	vsel vm8, $0x1000, v11  }
0x20e: {  	v5 =	vld.idx.msk [tilespmem:v0+s3+$0x0], $0xffff;
	v6 =	vadd.s32 v7, v6  }
0x20f: {  	v8 =	vld.idx.msk [tilespmem:v1+s3+$0x0], $0xffff;
	_ =	sdelay $0x1  }
0x210: {  	v31 =	vld.idx.msk [tilespmem:v3+s3+$0x0], $0xffff  }
0x211: {  	v7 =	vld.idx.msk [tilespmem:v2+s3+$0x0], $0xffff  }
0x212: {  	vm9 =	vgt.f32 v39, v5;
	v5 =	vld.idx.msk [tilespmem:v6+s3+$0x0], $0xffff  }
0x213: {  	vm14 =	vgt.f32 v32, v22;
	vm10 =	vgt.f32 v38, v8  }
0x214: {  	v46 =	vsel vm14, $0xC000, v62;
	v8 =	vsel vm10, $0x10, v18  }
0x215: {  	v34 =	vsel vm9, $0x8, v19;
	v1 =	vadd.s32 v8, v1;
	vm12 =	vgt.f32 v36, v31;
	v31 =	vld [tilespmem:s30+$0xFFFFFF80]  }
0x216: {  	v33 =	vld.idx.msk [tilespmem:v4+s3+$0x0], $0xffff;
	v0 =	vadd.s32 v34, v0;
	vm11 =	vgt.f32 v35, v7;
	v8 =	vsel vm12, $0x20, v17  }
0x217: {  	v7 =	vsel vm11, $0x10, v18;
	vm15 =	vgt.f32 v30, v5;
	v5 =	vsel vm14, v24, v23  }
0x218: {  	v3 =	vadd.s32 v8, v3;
	v2 =	vadd.s32 v7, v2;
	vm4 =	vgt.f32 v32, v5  }
0x219: {  	v7 =	vsel vm15, $0x800, v12;
	v5 =	vsel vm4, v28, v27;
	v8 =	vsel vm4, v26, v25  }
0x21a: {  	vm5 =	vgt.f32 v31, v22;
	v6 =	vadd.s32 v7, v6;
	v5 =	vsel vm14, v5, v8  }
0x21b: {  	vm13 =	vgt.f32 v29, v33;
	vm6 =	vgt.f32 v32, v5;
	v5 =	vsel vm5, v24, v23  }
0x21c: {  	v33 =	vsel vm13, $0x400, v13;
	v8 =	vsel vm4, $0x2000, v61;
	vm7 =	vgt.f32 v31, v5  }
0x21d: {  	v5 =	vadd.s32 v46, v8;
	v8 =	vsel vm7, v28, v27;
	v48 =	vsel vm7, v26, v25  }
0x21e: {  	v4 =	vadd.s32 v33, v4;
	v7 =	vsel vm5, v8, v48;
	v8 =	vld.idx.msk [tilespmem:v1+s3+$0x0], $0xffff  }
0x21f: {  	v49 =	vsel vm5, $0xC000, v62;
	v42 =	vld.idx.msk [tilespmem:v6+s3+$0x0], $0xffff  }
0x220: {  	v47 =	vsel vm6, $0x1000, v11;
	v50 =	vsel vm7, $0x2000, v61;
	vm8 =	vgt.f32 v31, v7;
	v7 =	vld.idx.msk [tilespmem:v2+s3+$0x0], $0xffff  }
0x221: {  	v37 =	vld.idx.msk [tilespmem:v0+s3+$0x0], $0xffff;
	v5 =	vadd.s32 v47, v5;
	v33 =	vadd.s32 v49, v50;
	v51 =	vsel vm8, $0x1000, v11  }
0x222: {  	v40 =	vld.idx.msk [tilespmem:v3+s3+$0x0], $0xffff;
	v34 =	vadd.s32 v51, v33  }
0x223: {  	v41 =	vld.idx.msk [tilespmem:v4+s3+$0x0], $0xffff;
	vm10 =	vgt.f32 v38, v8  }
0x224: {  	vm14 =	vgt.f32 v30, v42;
	v8 =	vsel vm10, $0x8, v19  }
0x225: {  	v33 =	vld [tilespmem:s30+$0xFFFFFF90];
	vm11 =	vgt.f32 v35, v7;
	v54 =	vsel vm14, $0x400, v13;
	v1 =	vadd.s32 v8, v1  }
0x226: {  	vm9 =	vgt.f32 v39, v37;
	v52 =	vld.idx.msk [tilespmem:v5+s3+$0x0], $0xffff;
	v8 =	vsel vm11, $0x8, v19;
	v6 =	vadd.s32 v54, v6  }
0x227: {  	v43 =	vsel vm9, $0x4, v53;
	vm12 =	vgt.f32 v36, v40;
	v7 =	vld.idx.msk [tilespmem:v34+s3+$0x0], $0xffff;
	v2 =	vadd.s32 v8, v2  }
0x228: {  	v0 =	vadd.s32 v43, v0;
	vm13 =	vgt.f32 v29, v41;
	v8 =	vsel vm12, $0x10, v18  }
0x229: {  	v3 =	vadd.s32 v8, v3;
	v8 =	vsel vm13, $0x200, v14  }
0x22a: {  	v17 =	vimm.s32 $0xFFFFFFC0;
	vm4 =	vgt.f32 v33, v22;
	v4 =	vadd.s32 v8, v4;
	v58 =	vld.idx.msk [tilespmem:v1+s3+$0x0], $0xffff  }
0x22b: {  	v18 =	vimm.s32 $0xFFFFFFE0;
	vm15 =	vgt.f32 v32, v52;
	v46 =	vsel vm4, $0xC000, v62;
	v44 =	vld.idx.msk [tilespmem:v6+s3+$0x0], $0xffff  }
0x22c: {  	v37 =	vsel vm15, $0x800, v12;
	vm5 =	vgt.f32 v31, v7;
	v7 =	vsel vm4, v24, v23;
	v63 =	vld.idx.msk [tilespmem:v2+s3+$0x0], $0xffff  }
0x22d: {  	v5 =	vadd.s32 v37, v5;
	v8 =	vsel vm5, $0x800, v12;
	vm6 =	vgt.f32 v33, v7;
	v7 =	vld.idx.msk [tilespmem:v0+s3+$0x0], $0xffff  }
0x22e: {  	v48 =	vld.idx.msk [tilespmem:v3+s3+$0x0], $0xffff;
	v55 =	vsel vm6, v28, v27;
	v57 =	vsel vm6, v26, v25;
	v47 =	vsel vm6, $0x2000, v61  }
0x22f: {  	v8 =	vadd.s32 v8, v34;
	v51 =	vld.idx.msk [tilespmem:v4+s3+$0x0], $0xffff;
	v59 =	vsel vm4, v55, v57;
	v49 =	vadd.s32 v46, v47  }
0x230: {  	vm7 =	vgt.f32 v33, v59;
	vm9 =	vgt.f32 v38, v58;
	vm13 =	vgt.f32 v30, v44  }
0x231: {  	v34 =	vld [tilespmem:s30+$0xFFFFFFA0];
	v50 =	vsel vm7, $0x1000, v11;
	v42 =	vsel vm9, $0x4, v53;
	vm10 =	vgt.f32 v35, v63  }
0x232: {  	v59 =	vsel vm13, $0x200, v14;
	v40 =	vadd.s32 v50, v49;
	vm8 =	vgt.f32 v39, v7  }
0x233: {  	v7 =	vld.idx.msk [tilespmem:v5+s3+$0x0], $0xffff;
	v1 =	vadd.s32 v42, v1;
	v37 =	vsel vm10, $0x4, v53;
	vm11 =	vgt.f32 v36, v48  }
0x234: {  	v52 =	vsel vm8, $0x2, v20;
	v45 =	vld.idx.msk [tilespmem:v8+s3+$0x0], $0xffff;
	vm12 =	vgt.f32 v29, v51;
	v2 =	vadd.s32 v37, v2  }
0x235: {  	v6 =	vadd.s32 v59, v6;
	v0 =	vadd.s32 v52, v0;
	v57 =	vsel vm12, $0x100, v15  }
0x236: {  	v55 =	vsel vm11, $0x8, v19;
	vm4 =	vgt.f32 v34, v22;
	v37 =	vld [tilespmem:s30+$0xFFFFFFB0];
	v4 =	vadd.s32 v57, v4  }
0x237: {  	v3 =	vadd.s32 v55, v3;
	v48 =	vsel vm4, v24, v23;
	v58 =	vand.u32 $0xFFFFFF80, v4;
	v54 =	vld.idx.msk [tilespmem:v40+s3+$0x0], $0xffff  }
0x238: {  	v55 =	vsel vm4, $0xC000, v62;
	vm6 =	vgt.f32 v34, v48;
	vm14 =	vgt.f32 v32, v7;
	v51 =	vld.idx.msk [tilespmem:v1+s3+$0x0], $0xffff  }
0x239: {  	v52 =	vsel vm6, v26, v25;
	v7 =	vsel vm14, $0x400, v13;
	vm15 =	vgt.f32 v31, v45;
	v46 =	vld.idx.msk [tilespmem:v2+s3+$0x0], $0xffff  }
0x23a: {  	v63 =	vsel vm15, $0x400, v13;
	v49 =	vld.idx.msk [tilespmem:v0+s3+$0x0], $0xffff;
	v5 =	vadd.s32 v7, v5;
	v7 =	vsel vm6, v28, v27  }
0x23b: {  	v57 =	vsel vm6, $0x2000, v61;
	v8 =	vadd.s32 v63, v8;
	v7 =	vsel vm4, v7, v52;
	v63 =	vld.idx.msk [tilespmem:v6+s3+$0x0], $0xffff  }
0x23c: {  	v19 =	vimm.s32 $0xFFFFFFF0;
	vm7 =	vgt.f32 v34, v7;
	v7 =	vld.idx.msk [tilespmem:v58+s3+$0x0], $0xffff;
	v58 =	vadd.s32 v55, v57  }
0x23d: {  	vm5 =	vgt.f32 v33, v54;
	v54 =	vld.idx.msk [tilespmem:v3+s3+$0x0], $0xffff;
	v59 =	vsel vm7, $0x1000, v11;
	vm9 =	vgt.f32 v38, v51  }
0x23e: {  	v50 =	vsel vm5, $0x800, v12;
	v43 =	vadd.s32 v59, v58;
	v47 =	vsel vm9, $0x2, v20  }
0x23f: {  	vm10 =	vgt.f32 v35, v46;
	vm5 =	vgt.f32 v37, v22;
	vm8 =	vgt.f32 v39, v49  }
0x240: {  	v40 =	vadd.s32 v50, v40;
	v48 =	vld.idx.msk [tilespmem:v5+s3+$0x0], $0xffff;
	v51 =	vsel vm10, $0x2, v20;
	v49 =	vsel vm8, $0x1, v56  }
0x241: {  	v58 =	vsel vm5, v24, v23;
	v50 =	vld.idx.msk [tilespmem:v8+s3+$0x0], $0xffff;
	vm13 =	vgt.f32 v30, v63;
	v44 =	vadd.s32 v49, v0  }
0x242: {  	v0 =	vadd.s32 v47, v1;
	vm12 =	vgt.f32 v29, v7;
	vm11 =	vgt.f32 v36, v54  }
0x243: {  	v1 =	vadd.s32 v51, v2;
	v7 =	vsel vm12, $0x80, v60;
	v54 =	vsel vm11, $0x4, v53  }
0x244: {  	v55 =	vld.idx.msk [tilespmem:v43+s3+$0x0], $0xffff;
	v2 =	vadd.s32 v54, v3;
	v3 =	vadd.s32 v7, v4;
	v4 =	vsel vm13, $0x100, v15  }
0x245: {  	v52 =	vld.idx.msk [tilespmem:v40+s3+$0x0], $0xffff;
	vm14 =	vgt.f32 v32, v48;
	v7 =	vand.u32 $0xFFFFFF80, v3;
	v4 =	vadd.s32 v4, v6  }
0x246: {  	v41 =	vsel vm14, $0x200, v14;
	vm15 =	vgt.f32 v31, v50;
	v6 =	vand.u32 $0xFFFFFF80, v4;
	v46 =	vld.idx.msk [tilespmem:v44+s3+$0x0], $0xffff  }
0x247: {  	vm7 =	vgt.f32 v37, v58;
	v57 =	vsel vm15, $0x200, v14;
	v48 =	vld.idx.msk [tilespmem:v0+s3+$0x0], $0xffff;
	v5 =	vadd.s32 v41, v5  }
0x248: {  	v63 =	vsel vm7, v26, v25;
	v58 =	vsel vm7, $0x2000, v61;
	v42 =	vld.idx.msk [tilespmem:v1+s3+$0x0], $0xffff;
	v49 =	vadd.s32 v57, v8  }
0x249: {  	v8 =	vsel vm7, v28, v27;
	v57 =	vsel vm5, $0xC000, v62;
	vm6 =	vgt.f32 v34, v55;
	v50 =	vld.idx.msk [tilespmem:v2+s3+$0x0], $0xffff  }
0x24a: {  	v8 =	vsel vm5, v8, v63;
	vm4 =	vgt.f32 v33, v52;
	v59 =	vsel vm6, $0x800, v12;
	v7 =	vld.idx.msk [tilespmem:v7+s3+$0x0], $0xffff  }
0x24b: {  	vm8 =	vgt.f32 v37, v8;
	v8 =	vadd.s32 v57, v58;
	v47 =	vsel vm4, $0x400, v13;
	v6 =	vld.idx.msk [tilespmem:v6+s3+$0x0], $0xffff  }
0x24c: {  	v52 =	vadd.s32 v59, v43;
	v59 =	vsel vm8, $0x1000, v11;
	v51 =	vadd.s32 v47, v40;
	v41 =	vld.idx.msk [tilespmem:v5+s3+$0x0], $0xffff  }
0x24d: {  	v8 =	vadd.s32 v59, v8;
	vm9 =	vgt.f32 v39, v46;
	vm10 =	vgt.f32 v38, v48;
	v39 =	vld [tilespmem:s30+$0xFFFFFFC0]  }
0x24e: {  	vm11 =	vgt.f32 v35, v42;
	v40 =	vld [tilespmem:s30+$0xFFFFFFE0];
	vm0 =	vmneg vm9;
	v53 =	vsel vm10, $0x1, v56  }
0x24f: {  	v63 =	vld.idx.msk [tilespmem:v49+s3+$0x0], $0xffff;
	v42 =	vsel vm11, $0x1, v56;
	v45 =	vsel vm0, $0xFFFFFFFF, v21;
	vm12 =	vgt.f32 v36, v50  }
0x250: {  	v46 =	vadd.s32 v53, v0;
	vm13 =	vgt.f32 v29, v7;
	v57 =	vsel vm12, $0x2, v20  }
0x251: {  	v47 =	vadd.s32 v42, v1;
	v7 =	vsel vm13, $0x40, v16;
	v48 =	vadd.s32 v57, v2  }
0x252: {  	v55 =	vld.idx.msk [tilespmem:v52+s3+$0x0], $0xffff;
	vm14 =	vgt.f32 v30, v6;
	vm15 =	vgt.f32 v32, v41;
	vm7 =	vgt.f32 v39, v22  }
0x253: {  	v54 =	vld.idx.msk [tilespmem:v51+s3+$0x0], $0xffff;
	vm13 =	vgt.f32 v40, v22;
	v16 =	vimm.s32 $0xFFFFFF80;
	v50 =	vadd.s32 v7, v3  }
0x254: {  	v58 =	vld.idx.msk [tilespmem:v8+s3+$0x0], $0xffff;
	v59 =	vsel vm14, $0x80, v60;
	vm4 =	vgt.f32 v31, v63;
	v2 =	vsel vm15, $0x100, v15  }
0x255: {  	v41 =	vld [tilespmem:s30+$0xFFFFFFD0];
	v7 =	vsel vm7, v24, v23;
	v56 =	vsel vm7, $0xC000, v62;
	v3 =	vsel vm4, $0x100, v15  }
0x256: {  	v1 =	vadd.s32 v59, v4;
	vm9 =	vgt.f32 v39, v7;
	v2 =	vadd.s32 v2, v5  }
0x257: {  	v7 =	vand.u32 $0xFFFFFF80, v1;
	v60 =	vsel vm9, v28, v27;
	v63 =	vsel vm9, v26, v25  }
0x258: {  	v57 =	vsel vm9, $0x2000, v61;
	vm6 =	vgt.f32 v34, v55;
	v42 =	vsel vm7, v60, v63  }
0x259: {  	v43 =	vadd.s32 v56, v57;
	v60 =	vsel vm13, v24, v23;
	vm5 =	vgt.f32 v33, v54  }
0x25a: {  	v0 =	vsel vm6, $0x400, v13;
	vm8 =	vgt.f32 v37, v58;
	vm10 =	vgt.f32 v41, v22  }
0x25b: {  	vm11 =	vgt.f32 v39, v42;
	vm15 =	vgt.f32 v40, v60;
	v60 =	vsel vm13, $0xC000, v62  }
0x25c: {  	v42 =	vld [tilespmem:s30+$0xFFFFFFF0];
	v6 =	vsel vm5, $0x200, v14;
	v4 =	vsel vm8, $0x800, v12;
	v58 =	vsel vm10, v24, v23  }
0x25d: {  	v55 =	vsel vm10, $0xC000, v62;
	v5 =	vsel vm15, v28, v27;
	v4 =	vadd.s32 v4, v8  }
0x25e: {  	v8 =	vsel vm11, $0x1000, v11;
	vm12 =	vgt.f32 v41, v58;
	v58 =	vsel vm15, $0x2000, v61  }
0x25f: {  	v59 =	vsel vm12, v28, v27;
	v54 =	vsel vm12, v26, v25;
	v8 =	vadd.s32 v8, v43  }
0x260: {  	v6 =	vadd.s32 v6, v51;
	v53 =	vsel vm10, v59, v54;
	v59 =	vsel vm15, v26, v25  }
0x261: {  	v54 =	vsel vm12, $0x2000, v61;
	v5 =	vsel vm13, v5, v59;
	vm4 =	vgt.f32 v42, v22  }
0x262: {  	v43 =	vld [tilespmem:s30+$0x0];
	vm14 =	vgt.f32 v41, v53;
	vm5 =	vgt.f32 v40, v5;
	v5 =	vsel vm4, v24, v23  }
0x263: {  	v54 =	vadd.s32 v55, v54;
	v63 =	vsel vm14, $0x1000, v11;
	v57 =	vld.idx.msk [tilespmem:v4+s3+$0x0], $0xffff;
	vm6 =	vgt.f32 v42, v5  }
0x264: {  	v54 =	vadd.s32 v63, v54;
	v5 =	vld.idx.msk [tilespmem:v8+s3+$0x0], $0xffff;
	v63 =	vsel vm6, v28, v27;
	v59 =	vsel vm6, v26, v25  }
0x265: {  	v51 =	vadd.s32 v60, v58;
	v60 =	vsel vm4, $0xC000, v62;
	v53 =	vsel vm4, v63, v59  }
0x266: {  	v55 =	vsel vm5, $0x1000, v11;
	v63 =	vsel vm6, $0x2000, v61;
	vm7 =	vgt.f32 v42, v53  }
0x267: {  	v51 =	vadd.s32 v55, v51;
	v59 =	vadd.s32 v60, v63;
	v60 =	vsel vm7, $0x1000, v11  }
0x268: {  	v0 =	vadd.s32 v0, v52;
	v7 =	vld.idx.msk [tilespmem:v7+s3+$0x0], $0xffff;
	vm9 =	vgt.f32 v43, v22;
	v53 =	vadd.s32 v60, v59  }
0x269: {  	vm8 =	vgt.f32 v37, v57;
	v60 =	vsel vm9, v24, v23;
	vm10 =	vgt.f32 v39, v5;
	v5 =	vld.idx.msk [tilespmem:v54+s3+$0x0], $0xffff  }
0x26a: {  	v57 =	vld.idx.msk [tilespmem:v50+s3+$0x0], $0xffff;
	v63 =	vsel vm8, $0x400, v13;
	vm11 =	vgt.f32 v43, v60;
	v52 =	vsel vm10, $0x800, v12  }
0x26b: {  	v56 =	vld.idx.msk [tilespmem:v6+s3+$0x0], $0xffff;
	v4 =	vadd.s32 v63, v4;
	v63 =	vsel vm11, v28, v27;
	v60 =	vsel vm11, v26, v25  }
0x26c: {  	v59 =	vand.u32 $0xFFFFFF80, v2;
	v8 =	vadd.s32 v52, v8;
	v52 =	vld.idx.msk [tilespmem:v51+s3+$0x0], $0xffff;
	v55 =	vsel vm9, v63, v60  }
0x26d: {  	v61 =	vsel vm11, $0x2000, v61;
	v60 =	vsel vm9, $0xC000, v62;
	vm12 =	vgt.f32 v43, v55;
	v58 =	vld.idx.msk [tilespmem:v53+s3+$0x0], $0xffff  }
0x26e: {  	v55 =	vld.idx.msk [tilespmem:v48+s3+$0x0], $0xffff;
	vm13 =	vgt.f32 v41, v5;
	v5 =	vadd.s32 v60, v61;
	v60 =	vsel vm12, $0x1000, v11  }
0x26f: {  	vm14 =	vgt.f32 v29, v57;
	v57 =	vld.idx.msk [tilespmem:v0+s3+$0x0], $0xffff;
	v61 =	vsel vm13, $0x800, v12;
	v5 =	vadd.s32 v60, v5  }
0x270: {  	v3 =	vadd.s32 v3, v49;
	vm15 =	vgt.f32 v33, v56;
	v49 =	vld.idx.msk [tilespmem:v4+s3+$0x0], $0xffff;
	v54 =	vadd.s32 v61, v54  }
0x271: {  	vm8 =	vgt.f32 v30, v7;
	v61 =	vand.u32 $0xFFFFFF80, v3;
	vm4 =	vgt.f32 v40, v52  }
0x272: {  	v52 =	vsel vm15, $0x100, v15;
	v56 =	vld.idx.msk [tilespmem:v8+s3+$0x0], $0xffff;
	v62 =	vsel vm4, $0x800, v12;
	vm5 =	vgt.f32 v42, v58  }
0x273: {  	vm0 =	vgt.f32 v36, v55;
	v55 =	vld.idx.msk [tilespmem:v59+s3+$0x0], $0xffff;
	v51 =	vadd.s32 v62, v51;
	v58 =	vsel vm5, $0x800, v12  }
0x274: {  	v6 =	vadd.s32 v52, v6;
	vm6 =	vgt.f32 v34, v57;
	v52 =	vadd.s32 v58, v53;
	v53 =	vld.idx.msk [tilespmem:v5+s3+$0x0], $0xffff  }
0x275: {  	v57 =	vand.u32 $0xFFFFFF80, v6;
	v58 =	vsel vm6, $0x200, v14;
	vm7 =	vgt.f32 v37, v49;
	v49 =	vld.idx.msk [tilespmem:v54+s3+$0x0], $0xffff  }
0x276: {  	v60 =	vsel vm14, $0x20, v18;
	v62 =	vsel vm7, $0x200, v14;
	v7 =	vld.idx.msk [tilespmem:v61+s3+$0x0], $0xffff;
	v0 =	vadd.s32 v58, v0  }
0x277: {  	v50 =	vadd.s32 v60, v50;
	vm9 =	vgt.f32 v39, v56;
	v4 =	vadd.s32 v62, v4  }
0x278: {  	v58 =	vsel vm8, $0x40, v17;
	v56 =	vsel vm9, $0x400, v13;
	vm10 =	vgt.f32 v32, v55;
	v55 =	vld.idx.msk [tilespmem:v51+s3+$0x0], $0xffff  }
0x279: {  	v1 =	vadd.s32 v58, v1;
	v61 =	vsel vm10, $0x80, v16;
	v8 =	vadd.s32 v56, v8;
	v62 =	vld.idx.msk [tilespmem:v52+s3+$0x0], $0xffff  }
0x27a: {  	v2 =	vadd.s32 v61, v2;
	vm11 =	vgt.f32 v43, v53;
	v53 =	vld.idx.msk [tilespmem:v57+s3+$0x0], $0xffff;
	vm12 =	vgt.f32 v41, v49  }
0x27b: {  	v60 =	vsel vm11, $0x800, v12;
	vm13 =	vgt.f32 v31, v7;
	v7 =	vld.idx.msk [tilespmem:v0+s3+$0x0], $0xffff;
	v49 =	vsel vm12, $0x400, v13  }
0x27c: {  	v5 =	vadd.s32 v60, v5;
	v61 =	vsel vm13, $0x80, v16;
	v58 =	vld.idx.msk [tilespmem:v4+s3+$0x0], $0xffff;
	v49 =	vadd.s32 v49, v54  }
0x27d: {  	v54 =	vand.u32 $0xFFFFFF80, v2;
	v3 =	vadd.s32 v61, v3;
	vm14 =	vgt.f32 v40, v55  }
0x27e: {  	v57 =	vld.idx.msk [tilespmem:v8+s3+$0x0], $0xffff;
	v55 =	vand.u32 $0xFFFFFF80, v3;
	v59 =	vsel vm14, $0x400, v13;
	vm15 =	vgt.f32 v42, v62  }
0x27f: {  	v56 =	vld.idx.msk [tilespmem:v50+s3+$0x0], $0xffff;
	vm4 =	vgt.f32 v33, v53;
	v51 =	vadd.s32 v59, v51;
	v60 =	vsel vm15, $0x400, v13  }
0x280: {  	v59 =	vld.idx.msk [tilespmem:v1+s3+$0x0], $0xffff;
	v53 =	vsel vm4, $0x80, v16;
	vm5 =	vgt.f32 v34, v7;
	v7 =	vadd.s32 v60, v52  }
0x281: {  	v52 =	vld.idx.msk [tilespmem:v5+s3+$0x0], $0xffff;
	v6 =	vadd.s32 v53, v6;
	v53 =	vsel vm5, $0x100, v15;
	vm6 =	vgt.f32 v37, v58  }
0x282: {  	v58 =	vld.idx.msk [tilespmem:v49+s3+$0x0], $0xffff;
	v60 =	vand.u32 $0xFFFFFF80, v6;
	v0 =	vadd.s32 v53, v0;
	v53 =	vsel vm6, $0x100, v15  }
0x283: {  	v54 =	vld.idx.msk [tilespmem:v54+s3+$0x0], $0xffff;
	vm7 =	vgt.f32 v39, v57;
	v61 =	vand.u32 $0xFFFFFF80, v0;
	v4 =	vadd.s32 v53, v4  }
0x284: {  	vm8 =	vgt.f32 v29, v56;
	v53 =	vsel vm7, $0x200, v14;
	v56 =	vand.u32 $0xFFFFFF80, v4;
	v57 =	vld.idx.msk [tilespmem:v51+s3+$0x0], $0xffff  }
0x285: {  	v9 =	vimm.s32 $0xFFFFFFFF;
	v62 =	vsel vm8, $0x10, v19;
	v8 =	vadd.s32 v53, v8;
	v53 =	vld.idx.msk [tilespmem:v7+s3+$0x0], $0xffff  }
0x286: {  	v20 =	vimm.s32 $0xFFFFFFFC;
	v50 =	vadd.s32 v62, v50;
	vm9 =	vgt.f32 v43, v52;
	v52 =	vld.idx.msk [tilespmem:v55+s3+$0x0], $0xffff  }
0x287: {  	v63 =	vimm.s32 $0xFFFFFFF8;
	vm11 =	vgt.f32 v30, v59;
	v62 =	vsel vm9, $0x400, v13;
	v59 =	vld.idx.msk [tilespmem:v60+s3+$0x0], $0xffff  }
0x288: {  	vm10 =	vgt.f32 v41, v58;
	v60 =	vsel vm11, $0x20, v18;
	vm12 =	vgt.f32 v32, v54;
	v54 =	vld.idx.msk [tilespmem:v61+s3+$0x0], $0xffff  }
0x289: {  	v58 =	vsel vm10, $0x200, v14;
	v5 =	vadd.s32 v62, v5;
	v1 =	vadd.s32 v60, v1;
	v56 =	vld.idx.msk [tilespmem:v56+s3+$0x0], $0xffff  }
0x28a: {  	v62 =	vsel vm12, $0x40, v17;
	v49 =	vadd.s32 v58, v49;
	vm13 =	vgt.f32 v40, v57;
	v55 =	vld.idx.msk [tilespmem:v8+s3+$0x0], $0xffff  }
0x28b: {  	v2 =	vadd.s32 v62, v2;
	v58 =	vld.idx.msk [tilespmem:v50+s3+$0x0], $0xffff;
	v57 =	vsel vm13, $0x200, v14;
	vm14 =	vgt.f32 v42, v53  }
0x28c: {  	vm15 =	vgt.f32 v31, v52;
	v51 =	vadd.s32 v57, v51;
	v60 =	vsel vm14, $0x200, v14  }
0x28d: {  	v53 =	vld.idx.msk [tilespmem:v46+s3+$0x0], $0xffff;
	v52 =	vsel vm15, $0x40, v17;
	vm4 =	vgt.f32 v33, v59;
	v7 =	vadd.s32 v60, v7  }
0x28e: {  	v57 =	vld.idx.msk [tilespmem:v5+s3+$0x0], $0xffff;
	v3 =	vadd.s32 v52, v3;
	v61 =	vsel vm4, $0x40, v17;
	vm5 =	vgt.f32 v34, v54  }
0x28f: {  	v54 =	vld.idx.msk [tilespmem:v49+s3+$0x0], $0xffff;
	v6 =	vadd.s32 v61, v6;
	v62 =	vsel vm5, $0x80, v16;
	vm6 =	vgt.f32 v37, v56  }
0x290: {  	v56 =	vld.idx.msk [tilespmem:v2+s3+$0x0], $0xffff;
	vm7 =	vgt.f32 v39, v55;
	vm10 =	vgt.f32 v29, v58;
	v0 =	vadd.s32 v62, v0  }
0x291: {  	v60 =	vsel vm6, $0x80, v16;
	v52 =	vsel vm7, $0x100, v15;
	v63 =	vsel vm10, $0x8, v63;
	v59 =	vld.idx.msk [tilespmem:v51+s3+$0x0], $0xffff  }
0x292: {  	v55 =	vand.u32 $0xFFFFFF80, v0;
	v4 =	vadd.s32 v60, v4;
	v8 =	vadd.s32 v52, v8;
	v52 =	vld.idx.msk [tilespmem:v7+s3+$0x0], $0xffff  }
0x293: {  	v50 =	vadd.s32 v63, v50;
	v60 =	vand.u32 $0xFFFFFF80, v4;
	vm8 =	vgt.f32 v43, v57;
	v57 =	vld.idx.msk [tilespmem:v1+s3+$0x0], $0xffff  }
0x294: {  	v61 =	vand.u32 $0xFFFFFF80, v8;
	v58 =	vld.idx.msk [tilespmem:v3+s3+$0x0], $0xffff;
	v62 =	vsel vm8, $0x200, v14;
	vm9 =	vgt.f32 v41, v54  }
0x295: {  	vm11 =	vgt.f32 v32, v56;
	v54 =	vsel vm9, $0x100, v15;
	v5 =	vadd.s32 v62, v5  }
0x296: {  	vm8 =	vgt.f32 v38, v53;
	v62 =	vsel vm0, $0x1, v9;
	v49 =	vadd.s32 v54, v49;
	v54 =	vld.idx.msk [tilespmem:v6+s3+$0x0], $0xffff  }
0x297: {  	v55 =	vld.idx.msk [tilespmem:v55+s3+$0x0], $0xffff;
	vm12 =	vgt.f32 v40, v59;
	v59 =	vsel vm11, $0x20, v18;
	v56 =	vand.u32 $0xFFFFFF80, v49  }
0x298: {  	v60 =	vld.idx.msk [tilespmem:v60+s3+$0x0], $0xffff;
	v2 =	vadd.s32 v59, v2;
	vm13 =	vgt.f32 v42, v52;
	v52 =	vsel vm12, $0x100, v15  }
0x299: {  	v59 =	vld.idx.msk [tilespmem:v61+s3+$0x0], $0xffff;
	vm14 =	vgt.f32 v31, v58;
	vm15 =	vgt.f32 v30, v57;
	v51 =	vadd.s32 v52, v51  }
0x29a: {  	v61 =	vsel vm13, $0x100, v15;
	v57 =	vsel vm14, $0x20, v18;
	v58 =	vand.u32 $0xFFFFFF80, v51;
	v52 =	vld.idx.msk [tilespmem:v5+s3+$0x0], $0xffff  }
0x29b: {  	vm0 =	vmneg vm8;
	v7 =	vadd.s32 v61, v7;
	v3 =	vadd.s32 v57, v3  }
0x29c: {  	v57 =	vsel vm15, $0x10, v19;
	v61 =	vand.u32 $0xFFFFFF80, v7;
	vm4 =	vgt.f32 v33, v54;
	v54 =	vld.idx.msk [tilespmem:v56+s3+$0x0], $0xffff  }
0x29d: {  	v19 =	vimm.s32 $0xFFFFFFF8;
	vm5 =	vgt.f32 v34, v55;
	v56 =	vsel vm4, $0x20, v18;
	v55 =	vld.idx.msk [tilespmem:v2+s3+$0x0], $0xffff  }
0x29e: {  	vm6 =	vgt.f32 v37, v60;
	v60 =	vsel vm5, $0x40, v17;
	vm7 =	vgt.f32 v39, v59  }
0x29f: {  	v38 =	vsel vm7, $0x80, v16;
	v0 =	vadd.s32 v60, v0;
	vm9 =	vgt.f32 v43, v52;
	v52 =	vld.idx.msk [tilespmem:v58+s3+$0x0], $0xffff  }
0x2a0: {  	v1 =	vadd.s32 v57, v1;
	v6 =	vadd.s32 v56, v6;
	v8 =	vadd.s32 v38, v8;
	v56 =	vld.idx.msk [tilespmem:v3+s3+$0x0], $0xffff  }
0x2a1: {  	v18 =	vimm.s32 $0xFFFFFFF0;
	v58 =	vand.u32 $0xFFFFFF80, v8;
	v53 =	vld.idx.msk [tilespmem:v61+s3+$0x0], $0xffff;
	v61 =	vsel vm9, $0x100, v15  }
0x2a2: {  	v38 =	vadd.s32 v62, v48;
	v5 =	vadd.s32 v61, v5;
	vm11 =	vgt.f32 v32, v55;
	v55 =	vld.idx.msk [tilespmem:v47+s3+$0x0], $0xffff  }
0x2a3: {  	v59 =	vsel vm6, $0x40, v17;
	vm10 =	vgt.f32 v41, v54;
	v54 =	vand.u32 $0xFFFFFF80, v5  }
0x2a4: {  	v17 =	vimm.s32 $0xFFFFFFE0;
	v4 =	vadd.s32 v59, v4;
	v62 =	vsel vm10, $0x80, v16;
	v57 =	vld.idx.msk [tilespmem:v0+s3+$0x0], $0xffff  }
0x2a5: {  	v49 =	vadd.s32 v62, v49;
	vm12 =	vgt.f32 v40, v52;
	v52 =	vld.idx.msk [tilespmem:v6+s3+$0x0], $0xffff;
	vm14 =	vgt.f32 v31, v56  }
0x2a6: {  	v56 =	vld.idx.msk [tilespmem:v58+s3+$0x0], $0xffff;
	v61 =	vsel vm12, $0x80, v16;
	vm13 =	vgt.f32 v42, v53;
	v53 =	vand.u32 $0xFFFFFF80, v49  }
0x2a7: {  	v51 =	vadd.s32 v61, v51;
	v62 =	vsel vm13, $0x80, v16;
	vm15 =	vgt.f32 v35, v55;
	v55 =	vld.idx.msk [tilespmem:v38+s3+$0x0], $0xffff  }
0x2a8: {  	v59 =	vsel vm11, $0x10, v18;
	v7 =	vadd.s32 v62, v7;
	v60 =	vand.u32 $0xFFFFFF80, v51;
	v54 =	vld.idx.msk [tilespmem:v54+s3+$0x0], $0xffff  }
0x2a9: {  	v2 =	vadd.s32 v59, v2;
	v58 =	vsel vm14, $0x10, v18;
	v61 =	vand.u32 $0xFFFFFF80, v7  }
0x2aa: {  	v16 =	vimm.s32 $0xFFFFFFC0;
	v35 =	vsel vm0, $0xFFFFFFFF, v21;
	vm5 =	vgt.f32 v33, v52;
	v52 =	vld.idx.msk [tilespmem:v4+s3+$0x0], $0xffff  }
0x2ab: {  	v3 =	vadd.s32 v58, v3;
	vm4 =	vmneg vm15;
	vm8 =	vgt.f32 v34, v57;
	v53 =	vld.idx.msk [tilespmem:v53+s3+$0x0], $0xffff  }
0x2ac: {  	v48 =	vsel vm4, $0xFFFFFFFF, v21;
	vm6 =	vgt.f32 v39, v56;
	vm0 =	vgt.f32 v36, v55;
	v55 =	vld.idx.msk [tilespmem:v1+s3+$0x0], $0xffff  }
0x2ad: {  	vm7 =	vgt.f32 v43, v54;
	v54 =	vsel vm6, $0x40, v16;
	v58 =	vld.idx.msk [tilespmem:v60+s3+$0x0], $0xffff;
	v60 =	vimm.s32 $0xFFFFFF80  }
0x2ae: {  	v56 =	vsel vm5, $0x10, v18;
	v8 =	vadd.s32 v54, v8;
	v36 =	vld.idx.msk [tilespmem:v61+s3+$0x0], $0xffff;
	v59 =	vsel vm7, $0x80, v60  }
0x2af: {  	v6 =	vadd.s32 v56, v6;
	v56 =	vld.idx.msk [tilespmem:v50+s3+$0x0], $0xffff;
	v61 =	vsel vm8, $0x20, v17;
	v5 =	vadd.s32 v59, v5  }
0x2b0: {  	v54 =	vld.idx.msk [tilespmem:v2+s3+$0x0], $0xffff;
	vm10 =	vgt.f32 v37, v52;
	vm9 =	vgt.f32 v41, v53;
	v53 =	vand.u32 $0xFFFFFF80, v5  }
0x2b1: {  	v0 =	vadd.s32 v61, v0;
	v63 =	vsel vm10, $0x20, v17;
	v62 =	vsel vm9, $0x40, v16  }
0x2b2: {  	v52 =	vld.idx.msk [tilespmem:v3+s3+$0x0], $0xffff;
	v4 =	vadd.s32 v63, v4;
	vm13 =	vgt.f32 v30, v55;
	vm11 =	vgt.f32 v40, v58  }
0x2b3: {  	v49 =	vadd.s32 v62, v49;
	v61 =	vld.idx.msk [tilespmem:v8+s3+$0x0], $0xffff;
	v58 =	vsel vm11, $0x40, v16;
	vm12 =	vgt.f32 v42, v36  }
0x2b4: {  	v55 =	vld.idx.msk [tilespmem:v6+s3+$0x0], $0xffff;
	vm15 =	vgt.f32 v29, v56;
	v36 =	vsel vm12, $0x40, v16;
	v51 =	vadd.s32 v58, v51  }
0x2b5: {  	v62 =	vsel vm13, $0x8, v19;
	vm14 =	vgt.f32 v32, v54;
	v7 =	vadd.s32 v36, v7;
	v53 =	vld.idx.msk [tilespmem:v53+s3+$0x0], $0xffff  }
0x2b6: {  	v56 =	vsel vm15, $0x4, v20;
	v1 =	vadd.s32 v62, v1;
	v54 =	vsel vm14, $0x8, v19;
	v36 =	vld.idx.msk [tilespmem:v0+s3+$0x0], $0xffff  }
0x2b7: {  	v50 =	vadd.s32 v56, v50;
	vm4 =	vgt.f32 v31, v52;
	v2 =	vadd.s32 v54, v2;
	v56 =	vld.idx.msk [tilespmem:v4+s3+$0x0], $0xffff  }
0x2b8: {  	v10 =	vimm.s32 $0xFFFFFFFE;
	v63 =	vsel vm4, $0x8, v19;
	v52 =	vld.idx.msk [tilespmem:v49+s3+$0x0], $0xffff;
	vm5 =	vgt.f32 v39, v61  }
0x2b9: {  	v3 =	vadd.s32 v63, v3;
	vm6 =	vgt.f32 v33, v55;
	v61 =	vsel vm5, $0x20, v17;
	v55 =	vld.idx.msk [tilespmem:v51+s3+$0x0], $0xffff  }
0x2ba: {  	v62 =	vsel vm6, $0x8, v19;
	v8 =	vadd.s32 v61, v8;
	v54 =	vld.idx.msk [tilespmem:v7+s3+$0x0], $0xffff;
	vm7 =	vgt.f32 v43, v53  }
0x2bb: {  	v6 =	vadd.s32 v62, v6;
	v53 =	vld.idx.msk [tilespmem:v1+s3+$0x0], $0xffff;
	vm8 =	vgt.f32 v34, v36;
	v63 =	vsel vm7, $0x40, v16  }
0x2bc: {  	v36 =	vld.idx.msk [tilespmem:v2+s3+$0x0], $0xffff;
	v61 =	vsel vm8, $0x10, v18;
	vm10 =	vgt.f32 v37, v56;
	v5 =	vadd.s32 v63, v5  }
0x2bd: {  	vm9 =	vgt.f32 v41, v52;
	v0 =	vadd.s32 v61, v0;
	v52 =	vld.idx.msk [tilespmem:v50+s3+$0x0], $0xffff;
	v63 =	vsel vm10, $0x10, v18  }
0x2be: {  	v56 =	vld.idx.msk [tilespmem:v3+s3+$0x0], $0xffff;
	v62 =	vsel vm9, $0x20, v17;
	v4 =	vadd.s32 v63, v4;
	vm11 =	vgt.f32 v40, v55  }
0x2bf: {  	v49 =	vadd.s32 v62, v49;
	v55 =	vld.idx.msk [tilespmem:v8+s3+$0x0], $0xffff;
	v61 =	vsel vm11, $0x20, v17;
	vm12 =	vgt.f32 v42, v54  }
0x2c0: {  	vm13 =	vgt.f32 v30, v53;
	v53 =	vld.idx.msk [tilespmem:v6+s3+$0x0], $0xffff;
	v54 =	vsel vm12, $0x20, v17;
	v51 =	vadd.s32 v61, v51  }
0x2c1: {  	vm14 =	vgt.f32 v32, v36;
	v62 =	vsel vm13, $0x4, v20;
	v7 =	vadd.s32 v54, v7;
	v36 =	vld.idx.msk [tilespmem:v5+s3+$0x0], $0xffff  }
0x2c2: {  	v63 =	vsel vm14, $0x4, v20;
	vm15 =	vgt.f32 v29, v52;
	v1 =	vadd.s32 v62, v1;
	v52 =	vld.idx.msk [tilespmem:v0+s3+$0x0], $0xffff  }
0x2c3: {  	vm4 =	vgt.f32 v31, v56;
	v2 =	vadd.s32 v63, v2;
	v61 =	vsel vm15, $0x2, v10;
	v57 =	vld.idx.msk [tilespmem:v4+s3+$0x0], $0xffff  }
0x2c4: {  	v56 =	vsel vm4, $0x4, v20;
	v54 =	vld.idx.msk [tilespmem:v49+s3+$0x0], $0xffff;
	v50 =	vadd.s32 v61, v50;
	vm5 =	vgt.f32 v39, v55  }
0x2c5: {  	v3 =	vadd.s32 v56, v3;
	vm6 =	vgt.f32 v33, v53;
	v55 =	vsel vm5, $0x10, v18;
	v53 =	vld.idx.msk [tilespmem:v51+s3+$0x0], $0xffff  }
0x2c6: {  	v62 =	vsel vm6, $0x4, v20;
	v8 =	vadd.s32 v55, v8;
	v55 =	vld.idx.msk [tilespmem:v7+s3+$0x0], $0xffff;
	vm7 =	vgt.f32 v43, v36  }
0x2c7: {  	v6 =	vadd.s32 v62, v6;
	v36 =	vld.idx.msk [tilespmem:v1+s3+$0x0], $0xffff;
	vm8 =	vgt.f32 v34, v52;
	v63 =	vsel vm7, $0x20, v17  }
0x2c8: {  	v52 =	vld.idx.msk [tilespmem:v2+s3+$0x0], $0xffff;
	v61 =	vsel vm8, $0x8, v19;
	vm10 =	vgt.f32 v37, v57;
	v5 =	vadd.s32 v63, v5  }
0x2c9: {  	vm9 =	vgt.f32 v41, v54;
	v0 =	vadd.s32 v61, v0;
	v54 =	vld.idx.msk [tilespmem:v50+s3+$0x0], $0xffff;
	v57 =	vsel vm10, $0x8, v19  }
0x2ca: {  	v56 =	vld.idx.msk [tilespmem:v3+s3+$0x0], $0xffff;
	v62 =	vsel vm9, $0x10, v18;
	v4 =	vadd.s32 v57, v4;
	vm11 =	vgt.f32 v40, v53  }
0x2cb: {  	v49 =	vadd.s32 v62, v49;
	v53 =	vld.idx.msk [tilespmem:v8+s3+$0x0], $0xffff;
	v63 =	vsel vm11, $0x10, v18;
	vm12 =	vgt.f32 v42, v55  }
0x2cc: {  	vm13 =	vgt.f32 v30, v36;
	v55 =	vsel vm12, $0x10, v18;
	v36 =	vadd.s32 v63, v51;
	v51 =	vld.idx.msk [tilespmem:v6+s3+$0x0], $0xffff  }
0x2cd: {  	vm14 =	vgt.f32 v32, v52;
	v61 =	vsel vm13, $0x2, v10;
	v7 =	vadd.s32 v55, v7;
	v52 =	vld.idx.msk [tilespmem:v5+s3+$0x0], $0xffff  }
0x2ce: {  	v62 =	vsel vm14, $0x2, v10;
	vm15 =	vgt.f32 v29, v54;
	v1 =	vadd.s32 v61, v1;
	v54 =	vld.idx.msk [tilespmem:v0+s3+$0x0], $0xffff  }
0x2cf: {  	vm4 =	vgt.f32 v31, v56;
	v2 =	vadd.s32 v62, v2;
	v57 =	vld.idx.msk [tilespmem:v4+s3+$0x0], $0xffff  }
0x2d0: {  	v56 =	vsel vm4, $0x2, v10;
	v63 =	vsel vm15, $0x1, v9;
	v55 =	vld.idx.msk [tilespmem:v49+s3+$0x0], $0xffff;
	vm5 =	vgt.f32 v39, v53  }
0x2d1: {  	v3 =	vadd.s32 v56, v3;
	v53 =	vsel vm5, $0x8, v19;
	vm6 =	vgt.f32 v33, v51;
	v51 =	vld.idx.msk [tilespmem:v36+s3+$0x0], $0xffff  }
0x2d2: {  	v50 =	vadd.s32 v63, v50;
	v8 =	vadd.s32 v53, v8;
	v53 =	vld.idx.msk [tilespmem:v7+s3+$0x0], $0xffff  }
0x2d3: {  	vm0 =	vmneg vm0;
	v61 =	vsel vm6, $0x2, v10;
	vm7 =	vgt.f32 v43, v52;
	v52 =	vld.idx.msk [tilespmem:v1+s3+$0x0], $0xffff  }
0x2d4: {  	vm8 =	vgt.f32 v34, v54;
	v54 =	vld.idx.msk [tilespmem:v2+s3+$0x0], $0xffff;
	v6 =	vadd.s32 v61, v6;
	v62 =	vsel vm7, $0x10, v18  }
0x2d5: {  	v63 =	vsel vm8, $0x4, v20;
	vm10 =	vgt.f32 v37, v57;
	v5 =	vadd.s32 v62, v5  }
0x2d6: {  	v56 =	vld.idx.msk [tilespmem:v3+s3+$0x0], $0xffff;
	vm9 =	vgt.f32 v41, v55;
	v0 =	vadd.s32 v63, v0;
	v57 =	vsel vm10, $0x4, v20  }
0x2d7: {  	v55 =	vld.idx.msk [tilespmem:v50+s3+$0x0], $0xffff;
	v61 =	vsel vm9, $0x8, v19;
	v4 =	vadd.s32 v57, v4;
	vm11 =	vgt.f32 v40, v51  }
0x2d8: {  	v49 =	vadd.s32 v61, v49;
	v51 =	vld.idx.msk [tilespmem:v8+s3+$0x0], $0xffff;
	v62 =	vsel vm11, $0x8, v19;
	vm12 =	vgt.f32 v42, v53  }
0x2d9: {  	vm13 =	vgt.f32 v30, v52;
	vm14 =	vgt.f32 v32, v54;
	v53 =	vsel vm12, $0x8, v19;
	v52 =	vld.idx.msk [tilespmem:v6+s3+$0x0], $0xffff  }
0x2da: {  	v36 =	vadd.s32 v62, v36;
	v63 =	vsel vm13, $0x1, v9;
	v7 =	vadd.s32 v53, v7;
	v53 =	vld.idx.msk [tilespmem:v5+s3+$0x0], $0xffff  }
0x2db: {  	v54 =	vsel vm14, $0x1, v9;
	vm15 =	vgt.f32 v31, v56;
	v1 =	vadd.s32 v63, v1;
	v61 =	vld.idx.msk [tilespmem:v0+s3+$0x0], $0xffff  }
0x2dc: {  	v2 =	vadd.s32 v54, v2;
	vm4 =	vgt.f32 v29, v55;
	v29 =	vsel vm15, $0x1, v9;
	v63 =	vld.idx.msk [tilespmem:v4+s3+$0x0], $0xffff  }
0x2dd: {  	v35 =	vadd.s32 v35, v46;
	v54 =	vsel vm0, $0xFFFFFFFF, v21;
	v3 =	vadd.s32 v29, v3;
	v62 =	vld.idx.msk [tilespmem:v49+s3+$0x0], $0xffff  }
0x2de: {  	vm1 =	vmneg vm4;
	vm5 =	vgt.f32 v39, v51;
	vm6 =	vgt.f32 v33, v52  }
0x2df: {  	v38 =	vadd.s32 v54, v38;
	v29 =	vsel vm5, $0x4, v20;
	v51 =	vld.idx.msk [tilespmem:v36+s3+$0x0], $0xffff;
	v52 =	vsel vm6, $0x1, v9  }
0x2e0: {  	v8 =	vadd.s32 v29, v8;
	v29 =	vld.idx.msk [tilespmem:v7+s3+$0x0], $0xffff;
	vm7 =	vgt.f32 v43, v53;
	vm8 =	vgt.f32 v34, v61  }
0x2e1: {  	v61 =	vld.idx.msk [tilespmem:v2+s3+$0x0], $0xffff;
	v6 =	vadd.s32 v52, v6;
	v53 =	vsel vm7, $0x8, v19;
	v57 =	vsel vm8, $0x2, v10  }
0x2e2: {  	v52 =	vld.idx.msk [tilespmem:v1+s3+$0x0], $0xffff;
	vm10 =	vgt.f32 v37, v63;
	vm9 =	vgt.f32 v41, v62;
	v5 =	vadd.s32 v53, v5  }
0x2e3: {  	v0 =	vadd.s32 v57, v0;
	v62 =	vsel vm1, $0xFFFFFFFF, v21;
	v63 =	vsel vm10, $0x2, v10  }
0x2e4: {  	v53 =	vimm.s32 $0xFFFFFFFC;
	v56 =	vsel vm9, $0x4, v20;
	v46 =	vadd.s32 v62, v50  }
0x2e5: {  	v4 =	vadd.s32 v63, v4;
	v49 =	vadd.s32 v56, v49;
	vm11 =	vgt.f32 v40, v51  }
0x2e6: {  	v56 =	vimm.s32 $0xFFFFFFFF;
	v51 =	vld.idx.msk [tilespmem:v8+s3+$0x0], $0xffff;
	vm12 =	vgt.f32 v42, v29;
	v29 =	vsel vm11, $0x4, v20  }
0x2e7: {  	vm14 =	vgt.f32 v32, v61;
	v32 =	vadd.s32 v45, v44;
	vm13 =	vgt.f32 v30, v52;
	v30 =	vld.idx.msk [tilespmem:v3+s3+$0x0], $0xffff  }
0x2e8: {  	v45 =	vadd.s32 v48, v47;
	v52 =	vsel vm12, $0x4, v20;
	v20 =	vimm.s32 $0xFFFFFFFE;
	v44 =	vld.idx.msk [tilespmem:v5+s3+$0x0], $0xffff  }
0x2e9: {  	v29 =	vadd.s32 v29, v36;
	v54 =	vld.idx.msk [tilespmem:v6+s3+$0x0], $0xffff;
	vm1 =	vmneg vm14;
	v59 =	vmul.u32 $0x7, v32  }
0x2ea: {  	v61 =	vld.idx.msk [tilespmem:v0+s3+$0x0], $0xffff;
	vm0 =	vmneg vm13;
	v7 =	vadd.s32 v52, v7;
	v57 =	vsel vm1, $0xFFFFFFFF, v21  }
0x2eb: {  	v32 =	vshll.u32 v32, $0x3;
	v63 =	vsel vm0, $0xFFFFFFFF, v21;
	v2 =	vadd.s32 v57, v2  }
0x2ec: {  	v57 =	vmul.u32 $0x7, v45;
	v62 =	vld.idx.msk [tilespmem:v49+s3+$0x0], $0xffff;
	v1 =	vadd.s32 v63, v1;
	vm15 =	vgt.f32 v39, v51  }
0x2ed: {  	v51 =	vshll.u32 v46, $0x3;
	v55 =	vsel vm15, $0x2, v20;
	vm4 =	vgt.f32 v43, v44  }
0x2ee: {  	vm5 =	vgt.f32 v31, v30;
	v31 =	vld.idx.msk [tilespmem:v29+s3+$0x0], $0xffff;
	v8 =	vadd.s32 v55, v8;
	v30 =	vsel vm4, $0x4, v53  }
0x2ef: {  	vm8 =	vgt.f32 v33, v54;
	vm6 =	vgt.f32 v34, v61;
	v58 =	vld.idx.msk [tilespmem:v7+s3+$0x0], $0xffff;
	v5 =	vadd.s32 v30, v5  }
0x2f0: {  	vm1 =	vmneg vm5;
	vm0 =	vmneg vm8;
	v36 =	vsel vm6, $0x1, v56  }
0x2f1: {  	v61 =	vsel vm1, $0xFFFFFFFF, v21;
	v30 =	vld.idx.msk [tilespmem:v4+s3+$0x0], $0xffff;
	vm7 =	vgt.f32 v41, v62;
	v0 =	vadd.s32 v36, v0  }
0x2f2: {  	v3 =	vadd.s32 v61, v3;
	v62 =	vsel vm0, $0xFFFFFFFF, v21;
	v47 =	vsel vm7, $0x2, v20  }
0x2f3: {  	v6 =	vadd.s32 v62, v6;
	v62 =	vmul.u32 $0x7, v38;
	v36 =	vadd.s32 v47, v49;
	v48 =	vld.idx.msk [tilespmem:v8+s3+$0x0], $0xffff  }
0x2f4: {  	vm9 =	vgt.f32 v40, v31;
	v47 =	vadd.s32 $0x3, v59;
	vm11 =	vgt.f32 v42, v58;
	v31 =	vld.idx.msk [tilespmem:v5+s3+$0x0], $0xffff  }
0x2f5: {  	v49 =	vshll.u32 v38, $0x3;
	v33 =	vshll.u32 v6, $0x3;
	v55 =	vsel vm11, $0x2, v20  }
0x2f6: {  	vm10 =	vgt.f32 v37, v30;
	v30 =	vsel vm9, $0x2, v20;
	v7 =	vadd.s32 v55, v7  }
0x2f7: {  	v63 =	vld.idx.msk [tilespmem:v0+s3+$0x0], $0xffff;
	v52 =	vsel vm10, $0x1, v56;
	v29 =	vadd.s32 v30, v29;
	v30 =	vmul.u32 $0x7, v35  }
0x2f8: {  	[tilespmem:s29+$0xFFFFFF10] =	vst v32;
	v35 =	vshll.u32 v35, $0x3;
	v4 =	vadd.s32 v52, v4;
	vm12 =	vgt.f32 v39, v48  }
0x2f9: {  	[tilespmem:s29+$0xFFFFFF40] =	vst v49;
	v54 =	vld.idx.msk [tilespmem:v36+s3+$0x0], $0xffff;
	v52 =	vmul.u32 $0x7, v1;
	v58 =	vsel vm12, $0x1, v56;
	vm13 =	vgt.f32 v43, v31  }
0x2fa: {  	[tilespmem:s29+$0xFFFFFF20] =	vst v35;
	v30 =	vadd.s32 $0x3, v30;
	v8 =	vadd.s32 v58, v8;
	v61 =	vsel vm13, $0x2, v20  }
0x2fb: {  	[tilespmem:s28+$0xFFFFFF20] =	vst v30;
	v30 =	vmul.u32 $0x7, v46;
	v31 =	vshll.u32 v45, $0x3;
	v50 =	vld.idx.msk [tilespmem:v7+s3+$0x0], $0xffff;
	v5 =	vadd.s32 v61, v5  }
0x2fc: {  	v1 =	vshll.u32 v1, $0x3;
	vm14 =	vgt.f32 v34, v63;
	v59 =	vld.idx.msk [tilespmem:v29+s3+$0x0], $0xffff;
	[tilespmem:s29+$0xFFFFFF30] =	vst v31;
	v31 =	vadd.s32 $0x3, v57  }
0x2fd: {  	v30 =	vadd.s32 $0x3, v30;
	vm0 =	vmneg vm14;
	[tilespmem:s28+$0xFFFFFF30] =	vst v31;
	v31 =	vadd.s32 $0x3, v62  }
0x2fe: {  	v57 =	vshll.u32 v2, $0x3;
	vm15 =	vgt.f32 v41, v54;
	v63 =	vld.idx.msk [tilespmem:v4+s3+$0x0], $0xffff;
	[tilespmem:s28+$0xFFFFFF40] =	vst v31;
	v31 =	vsel vm0, $0xFFFFFFFF, v21  }
0x2ff: {  	[tilespmem:s29+$0xFFFFFF50] =	vst v51;
	v48 =	vsel vm15, $0x1, v56;
	v0 =	vadd.s32 v31, v0;
	v31 =	vmul.u32 $0x7, v2;
	v55 =	vld.idx.msk [tilespmem:v8+s3+$0x0], $0xffff  }
0x300: {  	[tilespmem:s28+$0xFFFFFF50] =	vst v30;
	v30 =	vadd.s32 $0x3, v52;
	v36 =	vadd.s32 v48, v36;
	vm6 =	vgt.f32 v42, v50;
	v54 =	vld.idx.msk [tilespmem:v5+s3+$0x0], $0xffff  }
0x301: {  	[tilespmem:s28+$0xFFFFFF10] =	vst v47;
	vm4 =	vgt.f32 v40, v59;
	v58 =	vadd.s32 $0x3, v31;
	v31 =	vsel vm6, $0x1, v56  }
0x302: {  	[tilespmem:s29+$0xFFFFFF60] =	vst v1;
	v62 =	vmul.u32 $0x7, v6;
	v34 =	vsel vm4, $0x1, v56;
	v7 =	vadd.s32 v31, v7  }
0x303: {  	[tilespmem:s28+$0xFFFFFF60] =	vst v30;
	v30 =	vshll.u32 v3, $0x3;
	vm5 =	vgt.f32 v37, v63;
	v29 =	vadd.s32 v34, v29  }
0x304: {  	[tilespmem:s29+$0xFFFFFF90] =	vst v33;
	v2 =	vadd.s32 $0x3, v62;
	vm0 =	vmneg vm5;
	vm8 =	vgt.f32 v39, v55  }
0x305: {  	[tilespmem:s29+$0xFFFFFF70] =	vst v57;
	v61 =	vsel vm0, $0xFFFFFFFF, v21;
	vm0 =	vmneg vm8;
	vm7 =	vgt.f32 v43, v54  }
0x306: {  	[tilespmem:s29+$0xFFFFFF80] =	vst v30;
	v59 =	vmul.u32 $0x7, v3;
	v31 =	vld.idx.msk [tilespmem:v36+s3+$0x0], $0xffff;
	v6 =	vsel vm0, $0xFFFFFFFF, v21;
	v63 =	vsel vm7, $0x1, v56  }
0x307: {  	v3 =	vadd.s32 v61, v4;
	v6 =	vadd.s32 v6, v8;
	v8 =	vld.idx.msk [tilespmem:v7+s3+$0x0], $0xffff;
	v4 =	vadd.s32 v63, v5  }
0x308: {  	[tilespmem:s28+$0xFFFFFF90] =	vst v2;
	v34 =	vmul.u32 $0x7, v0;
	v5 =	vld.idx.msk [tilespmem:v29+s3+$0x0], $0xffff  }
0x309: {  	[tilespmem:s28+$0xFFFFFF70] =	vst v58;
	v1 =	vadd.s32 $0x3, v59;
	v35 =	vmul.u32 $0x7, v3  }
0x30a: {  	v0 =	vshll.u32 v0, $0x3;
	[tilespmem:s28+$0xFFFFFF80] =	vst v1;
	v37 =	vadd.s32 $0x3, v34  }
0x30b: {  	[tilespmem:s29+$0xFFFFFFA0] =	vst v0;
	v38 =	vshll.u32 v3, $0x3;
	v39 =	vadd.s32 $0x3, v35;
	vm9 =	vgt.f32 v41, v31  }
0x30c: {  	[tilespmem:s28+$0xFFFFFFA0] =	vst v37;
	v45 =	vmul.u32 $0x7, v6;
	v46 =	vshll.u32 v6, $0x3;
	vm10 =	vmneg vm9;
	v41 =	vld.idx.msk [tilespmem:v4+s3+$0x0], $0xffff  }
0x30d: {  	[tilespmem:s29+$0xFFFFFFB0] =	vst v38;
	vm13 =	vgt.f32 v42, v8;
	vm11 =	vgt.f32 v40, v5;
	v40 =	vsel vm10, $0xFFFFFFFF, v21  }
0x30e: {  	[tilespmem:s28+$0xFFFFFFB0] =	vst v39;
	v2 =	vadd.s32 $0x3, v45;
	vm0 =	vmneg vm13;
	v44 =	vadd.s32 v40, v36  }
0x30f: {  	[tilespmem:s29+$0xFFFFFFC0] =	vst v46;
	vm12 =	vmneg vm11;
	v50 =	vsel vm0, $0xFFFFFFFF, v21;
	v5 =	vmul.u32 $0x7, v44  }
0x310: {  	[tilespmem:s28+$0xFFFFFFC0] =	vst v2;
	v6 =	vsel vm12, $0xFFFFFFFF, v21;
	v1 =	vshll.u32 v44, $0x3;
	v51 =	vadd.s32 v50, v7  }
0x311: {  	v47 =	vadd.s32 v6, v29;
	[tilespmem:s29+$0xFFFFFFD0] =	vst v1;
	v57 =	vshll.u32 v51, $0x3;
	vm14 =	vgt.f32 v43, v41  }
0x312: {  	s26 =	sadd.s32 $0x10, s26;
	v54 =	vmul.u32 $0x7, v51;
	v48 =	vadd.s32 $0x3, v5;
	[tilespmem:s29+$0xFFFFFFF0] =	vst v57;
	vm15 =	vmneg vm14  }
0x313: {  	p1 =	slt.u32 s26, $0xF0;
	v49 =	vmul.u32 $0x7, v47;
	v0 =	vshll.u32 v47, $0x3;
	[tilespmem:s28+$0xFFFFFFD0] =	vst v48;
	v55 =	vsel vm15, $0xFFFFFFFF, v21  }
.Ltmp1:
0x314: {  	[tilespmem:s29+$0xFFFFFFE0] =	vst v0;
	v59 =	vadd.s32 $0x3, v54;
	v58 =	vadd.s32 v55, v4;
	(pc) =	sbr.rel @p1 .LBB2_5-.Ltmp1, $4  }
0x315: {  	v52 =	vadd.s32 $0x3, v49;
	[tilespmem:s28+$0xFFFFFFF0] =	vst v59;
	v61 =	vmul.u32 $0x7, v58  }
0x316: {  	[tilespmem:s28+$0xFFFFFFE0] =	vst v52;
	v62 =	vshll.u32 v58, $0x3  }
0x317: {  	[tilespmem:s29+$0x0] =	vst v62;
	v63 =	vadd.s32 $0x3, v61  }
0x318: {  	s30 =	sadd.s32 $0x100, s30;
	v7 =	vimm.s32 $0xFFFFE000;
	v6 =	vimm.s32 $0x4000;
	s29 =	sadd.s32 $0x100, s29;
	[tilespmem:s28+$0x0] =	vst v63;
	s28 =	sadd.s32 $0x100, s28  }
0x319: {  	[tilespmem:s16], [sflag:$0x2] =	stream.indirect.gather [spmem:s2], $0x1, s15, s12, $0xb8;
	[tilespmem:$0x1D000] =	vst v63  }
0x31a: {  	_ =	swait.ge [sflag:s17], $0x800  }
0x31b: {  	[sflag:s17] =	ssyncset.done $0x0  }
0x31c: {  	s5 =	simm.s32 $0x10040;
	[sflag:s17] =	ssyncadd.s32 $0xFFFFF800  }
0x31d: {  	s4 =	simm.s32 $0x14040;
	v0 =	vld [tilespmem:s5+$0x30]  }
0x31e: {  	v1 =	vld [tilespmem:s4+$0x30]  }
0x31f: {  	s0 =	simm.s32 $0x11040;
	v2 =	vld [tilespmem:s4+$0xFFFFFFC0]  }
0x320: {  	v3 =	vld [tilespmem:s0+$0x30]  }
0x321: {  	v4 =	vld [tilespmem:s5+$0xFFFFFFD0]  }
0x322: {  	v5 =	vld [tilespmem:s4+$0xFFFFFFD0]  }
0x323: {  	v6 =	vld [tilespmem:s5+$0xFFFFFFE0]  }
0x324: {  	v7 =	vld [tilespmem:s4+$0xFFFFFFE0]  }
0x325: {  	v8 =	vld [tilespmem:s5+$0xFFFFFFF0]  }
0x326: {  	v29 =	vld [tilespmem:s4+$0xFFFFFFF0]  }
0x327: {  	v30 =	vld [tilespmem:s5+$0x0]  }
0x328: {  	v31 =	vld [tilespmem:s4+$0x0]  }
0x329: {  	v32 =	vld [tilespmem:s5+$0x10]  }
0x32a: {  	v33 =	vld [tilespmem:s4+$0x10]  }
0x32b: {  	v54 =	vld [tilespmem:s5+$0x20]  }
0x32c: {  	v35 =	vld [tilespmem:s4+$0x20]  }
0x32d: {  	v55 =	vld [tilespmem:s5+$0xFFFFFFC0];
	_ =	sdelay $0x1  }
0x32e: {  	vm0 =	vgt.f32 v0, v1;
	vm10 =	vgt.f32 v4, v5  }
0x32f: {  	v58 =	vld [tilespmem:s0+$0xFFFFFFC0];
	vm1 =	vgt.f32 v6, v7;
	vm11 =	vgt.f32 v8, v29;
	v1 =	vsel vm0, $0x4, v21  }
0x330: {  	v61 =	vld [tilespmem:s0+$0xFFFFFFD0];
	vm12 =	vgt.f32 v30, v31;
	vm13 =	vgt.f32 v32, v33;
	v1 =	vadd.s32 v3, v1  }
0x331: {  	v38 =	vld [tilespmem:s0+$0xFFFFFFE0];
	vm14 =	vgt.f32 v55, v2;
	vm15 =	vgt.f32 v54, v35;
	v57 =	vadd.s32 $0x2, v1  }
0x332: {  	v37 =	vld [tilespmem:s0+$0xFFFFFFF0];
	v59 =	vsel vm10, $0x4, v21;
	v29 =	vsel vm1, $0x4, v21;
	v8 =	vshra.s32 v57, $0x3  }
0x333: {  	v34 =	vld [tilespmem:s0+$0x0];
	v30 =	vsel vm11, $0x4, v21;
	v31 =	vsel vm12, $0x4, v21;
	v8 =	vxor.u32 $0xFFFFFFFF, v8  }
0x334: {  	s8 =	simm.s32 $0x12040;
	s28 =	simm.s32 $0x0;
	v35 =	vld [tilespmem:s0+$0x10];
	v32 =	vsel vm13, $0x4, v21;
	v63 =	vsel vm14, $0x4, v21;
	[tilespmem:s0+$0x30] =	vst v1;
	v62 =	vadd.s32 v8, v57  }
0x335: {  	s29 =	simm.s32 $0x100C0;
	s26 =	simm.s32 $0x11040;
	v36 =	vld [tilespmem:s0+$0x20];
	s5 =	simm.s32 $0x12040;
	v33 =	vsel vm15, $0x4, v21;
	v40 =	vadd.s32 v58, v63;
	v39 =	vadd.s32 v61, v59;
	[tilespmem:s8+$0x30] =	vst v62  }
.LBB2_7:
0x336: {  	v0 =	vld [tilespmem:s29+$0x30];
	[tilespmem:s0+$0xFFFFFFC0] =	vst v40;
	v1 =	vadd.s32 $0x2, v40;
	v2 =	vadd.s32 $0x2, v39;
	v3 =	vadd.s32 v38, v29;
	s4 =	sadd.s32 $0x80, s4  }
0x337: {  	s28 =	sadd.s32 $0x8, s28;
	v4 =	vld [tilespmem:s4+$0x30];
	v5 =	vshra.s32 v1, $0x3;
	[tilespmem:s0+$0xFFFFFFD0] =	vst v39;
	v6 =	vadd.s32 $0x2, v3;
	v7 =	vadd.s32 v37, v30  }
0x338: {  	p1 =	slt.u32 s28, $0x78;
	v29 =	vshra.s32 v2, $0x3;
	s0 =	sadd.s32 $0x80, s0;
	v8 =	vld [tilespmem:s4+$0xFFFFFFC0];
	[tilespmem:s26+$0xFFFFFFE0] =	vst v3;
	v3 =	vadd.s32 $0x2, v7;
	v30 =	vadd.s32 v34, v31  }
0x339: {  	v34 =	vshra.s32 v6, $0x3;
	v31 =	vld [tilespmem:s0+$0x30];
	[tilespmem:s26+$0xFFFFFFF0] =	vst v7;
	v7 =	vadd.s32 $0x2, v30;
	v32 =	vadd.s32 v35, v32  }
0x33a: {  	v37 =	vshra.s32 v3, $0x3;
	v35 =	vld [tilespmem:s29+$0xFFFFFFD0];
	[tilespmem:s26+$0x0] =	vst v30;
	v30 =	vadd.s32 $0x2, v32;
	v33 =	vadd.s32 v36, v33  }
0x33b: {  	v38 =	vshra.s32 v7, $0x3;
	v36 =	vld [tilespmem:s4+$0xFFFFFFD0];
	[tilespmem:s26+$0x10] =	vst v32;
	v32 =	vshra.s32 v30, $0x3;
	v39 =	vadd.s32 $0x2, v33  }
0x33c: {  	v40 =	vld [tilespmem:s29+$0xFFFFFFE0];
	vm0 =	vgt.f32 v0, v4;
	v0 =	vxor.u32 $0xFFFFFFFF, v5;
	[tilespmem:s26+$0x20] =	vst v33;
	v4 =	vshra.s32 v39, $0x3;
	s26 =	smov.u32 s0  }
0x33d: {  	v29 =	vxor.u32 $0xFFFFFFFF, v29;
	v34 =	vxor.u32 $0xFFFFFFFF, v34;
	v5 =	vld [tilespmem:s4+$0xFFFFFFE0];
	v33 =	vsel vm0, $0x4, v21  }
0x33e: {  	v41 =	vld [tilespmem:s29+$0xFFFFFFF0];
	v31 =	vadd.s32 v31, v33;
	v33 =	vxor.u32 $0xFFFFFFFF, v37;
	v37 =	vxor.u32 $0xFFFFFFFF, v38  }
0x33f: {  	v32 =	vxor.u32 $0xFFFFFFFF, v32;
	v4 =	vxor.u32 $0xFFFFFFFF, v4;
	v38 =	vld [tilespmem:s4+$0xFFFFFFF0];
	v42 =	vadd.s32 $0x2, v31  }
0x340: {  	v0 =	vadd.s32 v0, v1;
	vm0 =	vgt.f32 v35, v36;
	v35 =	vld [tilespmem:s29+$0x0];
	v36 =	vshra.s32 v42, $0x3  }
0x341: {  	v1 =	vsel vm0, $0x4, v21;
	v43 =	vld [tilespmem:s4+$0x0];
	v36 =	vxor.u32 $0xFFFFFFFF, v36;
	[tilespmem:s8+$0xFFFFFFC0] =	vst v0;
	v0 =	vadd.s32 v29, v2  }
0x342: {  	v6 =	vadd.s32 v34, v6;
	s8 =	sadd.s32 $0x80, s8;
	vm0 =	vgt.f32 v40, v5;
	v2 =	vld [tilespmem:s29+$0x10];
	[tilespmem:s0+$0x30] =	vst v31;
	v5 =	vadd.s32 v36, v42  }
0x343: {  	v3 =	vadd.s32 v33, v3;
	v29 =	vsel vm0, $0x4, v21;
	v34 =	vld [tilespmem:s4+$0x10];
	[tilespmem:s8+$0x30] =	vst v5;
	v5 =	vadd.s32 v37, v7  }
0x344: {  	v4 =	vadd.s32 v4, v39;
	vm0 =	vgt.f32 v41, v38;
	v7 =	vld [tilespmem:s29+$0x20];
	[tilespmem:s5+$0xFFFFFFD0] =	vst v0;
	v0 =	vadd.s32 v32, v30  }
0x345: {  	v30 =	vsel vm0, $0x4, v21;
	v33 =	vld [tilespmem:s4+$0x20];
	[tilespmem:s5+$0xFFFFFFE0] =	vst v6  }
0x346: {  	v6 =	vld [tilespmem:s29+$0xFFFFFFC0];
	vm0 =	vgt.f32 v35, v43;
	[tilespmem:s5+$0xFFFFFFF0] =	vst v3  }
0x347: {  	v3 =	vld [tilespmem:s0+$0xFFFFFFC0];
	v31 =	vsel vm0, $0x4, v21;
	[tilespmem:s5+$0x0] =	vst v5  }
0x348: {  	v5 =	vld [tilespmem:s0+$0xFFFFFFD0];
	vm0 =	vgt.f32 v2, v34;
	[tilespmem:s5+$0x10] =	vst v0  }
.Ltmp2:
0x349: {  	v38 =	vld [tilespmem:s0+$0xFFFFFFE0];
	v32 =	vsel vm0, $0x4, v21;
	[tilespmem:s5+$0x20] =	vst v4;
	s5 =	smov.u32 s8;
	(pc) =	sbr.rel @p1 .LBB2_7-.Ltmp2, $4  }
0x34a: {  	v37 =	vld [tilespmem:s0+$0xFFFFFFF0];
	vm0 =	vgt.f32 v7, v33  }
0x34b: {  	vm1 =	vgt.f32 v6, v8;
	v34 =	vld [tilespmem:s0+$0x0];
	v33 =	vsel vm0, $0x4, v21  }
0x34c: {  	v0 =	vsel vm1, $0x4, v21;
	v35 =	vld [tilespmem:s0+$0x10]  }
0x34d: {  	s29 =	sadd.s32 $0x80, s29;
	v40 =	vadd.s32 v3, v0;
	v39 =	vadd.s32 v5, v1;
	v36 =	vld [tilespmem:s0+$0x20]  }
0x34e: {  	[tilespmem:s0+$0xFFFFFFC0] =	vst v40  }
0x34f: {  	v0 =	vadd.s32 $0x2, v40;
	v1 =	vadd.s32 $0x2, v39;
	v2 =	vadd.s32 v38, v29;
	[tilespmem:s0+$0xFFFFFFD0] =	vst v39  }
0x350: {  	v3 =	vshra.s32 v0, $0x3;
	v4 =	vadd.s32 $0x2, v2;
	v5 =	vadd.s32 v37, v30;
	[tilespmem:s26+$0xFFFFFFE0] =	vst v2  }
0x351: {  	v63 =	vshra.s32 v1, $0x3;
	v6 =	vadd.s32 $0x2, v5;
	v7 =	vadd.s32 v34, v31;
	[tilespmem:s26+$0xFFFFFFF0] =	vst v5  }
0x352: {  	v34 =	vshra.s32 v4, $0x3;
	v3 =	vxor.u32 $0xFFFFFFFF, v3;
	v29 =	vadd.s32 v35, v32;
	[tilespmem:s26+$0x0] =	vst v7  }
0x353: {  	v2 =	vxor.u32 $0xFFFFFFFF, v63;
	v8 =	vadd.s32 $0x2, v7;
	v0 =	vadd.s32 v3, v0;
	[tilespmem:s26+$0x10] =	vst v29  }
0x354: {  	v35 =	vshra.s32 v6, $0x3;
	v5 =	vxor.u32 $0xFFFFFFFF, v34;
	v37 =	vadd.s32 v2, v1;
	[tilespmem:s8+$0xFFFFFFC0] =	vst v0  }
0x355: {  	v30 =	vadd.s32 v36, v33;
	v29 =	vadd.s32 $0x2, v29;
	v36 =	vshra.s32 v8, $0x3;
	[tilespmem:s5+$0xFFFFFFD0] =	vst v37  }
0x356: {  	v39 =	vxor.u32 $0xFFFFFFFF, v35;
	v4 =	vadd.s32 v5, v4;
	[tilespmem:s26+$0x20] =	vst v30;
	v38 =	vshra.s32 v29, $0x3  }
0x357: {  	v40 =	vadd.s32 $0x2, v30;
	v3 =	vxor.u32 $0xFFFFFFFF, v36;
	v2 =	vadd.s32 v39, v6;
	[tilespmem:s5+$0xFFFFFFE0] =	vst v4  }
0x358: {  	v41 =	vshra.s32 v40, $0x3;
	v1 =	vxor.u32 $0xFFFFFFFF, v38;
	v3 =	vadd.s32 v3, v8;
	[tilespmem:s5+$0xFFFFFFF0] =	vst v2  }
0x359: {  	v42 =	vxor.u32 $0xFFFFFFFF, v41;
	v1 =	vadd.s32 v1, v29;
	[tilespmem:s5+$0x0] =	vst v3  }
0x35a: {  	v0 =	vadd.s32 v42, v40;
	[tilespmem:s5+$0x10] =	vst v1  }
0x35b: {  	[tilespmem:s5+$0x20] =	vst v0  }
0x35c: {  	[tilespmem:s14], [sflag:$0x1] =	stream.indirect.gather [spmem:s2], $0x1, s13, s12, $0xb8;
	[tilespmem:$0x1D000] =	vst v63  }
0x35d: {  	_ =	swait.ge [sflag:s18], $0x800  }
0x35e: {  	[sflag:s18] =	ssyncset.done $0x0  }
0x35f: {  	s31 =	simm.s32 $0x10870;
	[sflag:s18] =	ssyncadd.s32 $0xFFFFF800  }
0x360: {  	s4 =	simm.s32 $0x14870;
	v43 =	vld [tilespmem:s31+$0x0]  }
0x361: {  	v44 =	vld [tilespmem:s4+$0x0]  }
0x362: {  	s0 =	simm.s32 $0x11870;
	v45 =	vld [tilespmem:s4+$0xFFFFFF90]  }
0x363: {  	v46 =	vld [tilespmem:s0+$0x0]  }
0x364: {  	v47 =	vld [tilespmem:s31+$0xFFFFFFA0]  }
0x365: {  	v48 =	vld [tilespmem:s4+$0xFFFFFFA0]  }
0x366: {  	v49 =	vld [tilespmem:s31+$0xFFFFFFB0]  }
0x367: {  	v50 =	vld [tilespmem:s4+$0xFFFFFFB0]  }
0x368: {  	v8 =	vld [tilespmem:s31+$0xFFFFFFC0]  }
0x369: {  	v29 =	vld [tilespmem:s4+$0xFFFFFFC0]  }
0x36a: {  	v30 =	vld [tilespmem:s31+$0xFFFFFFD0]  }
0x36b: {  	v31 =	vld [tilespmem:s4+$0xFFFFFFD0]  }
0x36c: {  	v51 =	vld [tilespmem:s31+$0xFFFFFFE0]  }
0x36d: {  	v52 =	vld [tilespmem:s4+$0xFFFFFFE0]  }
0x36e: {  	v54 =	vld [tilespmem:s31+$0xFFFFFFF0]  }
0x36f: {  	v55 =	vld [tilespmem:s4+$0xFFFFFFF0]  }
0x370: {  	v57 =	vld [tilespmem:s31+$0xFFFFFF90];
	_ =	sdelay $0x1  }
0x371: {  	vm0 =	vgt.f32 v43, v44;
	vm10 =	vgt.f32 v47, v48  }
0x372: {  	v59 =	vld [tilespmem:s0+$0xFFFFFF90];
	vm1 =	vgt.f32 v49, v50;
	vm11 =	vgt.f32 v8, v29;
	v1 =	vsel vm0, $0x4, v21  }
0x373: {  	v62 =	vld [tilespmem:s0+$0xFFFFFFA0];
	vm12 =	vgt.f32 v30, v31;
	vm13 =	vgt.f32 v51, v52;
	v1 =	vadd.s32 v46, v1  }
0x374: {  	v38 =	vld [tilespmem:s0+$0xFFFFFFB0];
	vm14 =	vgt.f32 v57, v45;
	vm15 =	vgt.f32 v54, v55;
	v58 =	vadd.s32 $0x2, v1  }
0x375: {  	v37 =	vld [tilespmem:s0+$0xFFFFFFC0];
	v61 =	vsel vm10, $0x4, v21;
	v29 =	vsel vm1, $0x4, v21;
	v8 =	vshra.s32 v58, $0x3  }
0x376: {  	v34 =	vld [tilespmem:s0+$0xFFFFFFD0];
	v30 =	vsel vm11, $0x4, v21;
	v31 =	vsel vm12, $0x4, v21;
	v8 =	vxor.u32 $0xFFFFFFFF, v8  }
0x377: {  	s28 =	simm.s32 $0x80;
	s8 =	simm.s32 $0x12870;
	v35 =	vld [tilespmem:s0+$0xFFFFFFE0];
	v32 =	vsel vm13, $0x4, v21;
	v63 =	vsel vm14, $0x4, v21;
	[tilespmem:s0+$0x0] =	vst v1;
	v4 =	vadd.s32 v8, v58  }
0x378: {  	s29 =	simm.s32 $0x108F0;
	s26 =	simm.s32 $0x11870;
	s5 =	simm.s32 $0x12870;
	v36 =	vld [tilespmem:s0+$0xFFFFFFF0];
	v33 =	vsel vm15, $0x4, v21;
	v40 =	vadd.s32 v59, v63;
	v39 =	vadd.s32 v62, v61;
	[tilespmem:s8+$0x0] =	vst v4  }
.LBB2_9:
0x379: {  	v0 =	vld [tilespmem:s29+$0x0];
	[tilespmem:s0+$0xFFFFFF90] =	vst v40;
	v1 =	vadd.s32 $0x2, v40;
	v2 =	vadd.s32 $0x2, v39;
	v3 =	vadd.s32 v38, v29;
	s4 =	sadd.s32 $0x80, s4  }
0x37a: {  	s28 =	sadd.s32 $0x8, s28;
	v4 =	vld [tilespmem:s4+$0x0];
	v5 =	vshra.s32 v1, $0x3;
	[tilespmem:s0+$0xFFFFFFA0] =	vst v39;
	v6 =	vadd.s32 $0x2, v3;
	v7 =	vadd.s32 v37, v30  }
0x37b: {  	p1 =	slt.u32 s28, $0xF8;
	v29 =	vshra.s32 v2, $0x3;
	s0 =	sadd.s32 $0x80, s0;
	v8 =	vld [tilespmem:s4+$0xFFFFFF90];
	[tilespmem:s26+$0xFFFFFFB0] =	vst v3;
	v3 =	vadd.s32 $0x2, v7;
	v30 =	vadd.s32 v34, v31  }
0x37c: {  	v34 =	vshra.s32 v6, $0x3;
	v31 =	vld [tilespmem:s0+$0x0];
	[tilespmem:s26+$0xFFFFFFC0] =	vst v7;
	v7 =	vadd.s32 $0x2, v30;
	v32 =	vadd.s32 v35, v32  }
0x37d: {  	v37 =	vshra.s32 v3, $0x3;
	v35 =	vld [tilespmem:s29+$0xFFFFFFA0];
	[tilespmem:s26+$0xFFFFFFD0] =	vst v30;
	v30 =	vadd.s32 $0x2, v32;
	v33 =	vadd.s32 v36, v33  }
0x37e: {  	v38 =	vshra.s32 v7, $0x3;
	v36 =	vld [tilespmem:s4+$0xFFFFFFA0];
	[tilespmem:s26+$0xFFFFFFE0] =	vst v32;
	v32 =	vshra.s32 v30, $0x3;
	v39 =	vadd.s32 $0x2, v33  }
0x37f: {  	v40 =	vld [tilespmem:s29+$0xFFFFFFB0];
	vm0 =	vgt.f32 v0, v4;
	v0 =	vxor.u32 $0xFFFFFFFF, v5;
	[tilespmem:s26+$0xFFFFFFF0] =	vst v33;
	v4 =	vshra.s32 v39, $0x3;
	s26 =	smov.u32 s0  }
0x380: {  	v29 =	vxor.u32 $0xFFFFFFFF, v29;
	v34 =	vxor.u32 $0xFFFFFFFF, v34;
	v5 =	vld [tilespmem:s4+$0xFFFFFFB0];
	v33 =	vsel vm0, $0x4, v21  }
0x381: {  	v41 =	vld [tilespmem:s29+$0xFFFFFFC0];
	v31 =	vadd.s32 v31, v33;
	v33 =	vxor.u32 $0xFFFFFFFF, v37;
	v37 =	vxor.u32 $0xFFFFFFFF, v38  }
0x382: {  	v32 =	vxor.u32 $0xFFFFFFFF, v32;
	v4 =	vxor.u32 $0xFFFFFFFF, v4;
	v38 =	vld [tilespmem:s4+$0xFFFFFFC0];
	v42 =	vadd.s32 $0x2, v31  }
0x383: {  	v0 =	vadd.s32 v0, v1;
	vm0 =	vgt.f32 v35, v36;
	v35 =	vld [tilespmem:s29+$0xFFFFFFD0];
	v36 =	vshra.s32 v42, $0x3  }
0x384: {  	v1 =	vsel vm0, $0x4, v21;
	v43 =	vld [tilespmem:s4+$0xFFFFFFD0];
	v36 =	vxor.u32 $0xFFFFFFFF, v36;
	[tilespmem:s8+$0xFFFFFF90] =	vst v0;
	v0 =	vadd.s32 v29, v2  }
0x385: {  	v6 =	vadd.s32 v34, v6;
	s8 =	sadd.s32 $0x80, s8;
	vm0 =	vgt.f32 v40, v5;
	v2 =	vld [tilespmem:s29+$0xFFFFFFE0];
	[tilespmem:s0+$0x0] =	vst v31;
	v5 =	vadd.s32 v36, v42  }
0x386: {  	v3 =	vadd.s32 v33, v3;
	v29 =	vsel vm0, $0x4, v21;
	v34 =	vld [tilespmem:s4+$0xFFFFFFE0];
	[tilespmem:s8+$0x0] =	vst v5;
	v5 =	vadd.s32 v37, v7  }
0x387: {  	v4 =	vadd.s32 v4, v39;
	vm0 =	vgt.f32 v41, v38;
	v7 =	vld [tilespmem:s29+$0xFFFFFFF0];
	[tilespmem:s5+$0xFFFFFFA0] =	vst v0;
	v0 =	vadd.s32 v32, v30  }
0x388: {  	v30 =	vsel vm0, $0x4, v21;
	v33 =	vld [tilespmem:s4+$0xFFFFFFF0];
	[tilespmem:s5+$0xFFFFFFB0] =	vst v6  }
0x389: {  	v6 =	vld [tilespmem:s29+$0xFFFFFF90];
	vm0 =	vgt.f32 v35, v43;
	[tilespmem:s5+$0xFFFFFFC0] =	vst v3  }
0x38a: {  	v3 =	vld [tilespmem:s0+$0xFFFFFF90];
	v31 =	vsel vm0, $0x4, v21;
	[tilespmem:s5+$0xFFFFFFD0] =	vst v5  }
0x38b: {  	v5 =	vld [tilespmem:s0+$0xFFFFFFA0];
	vm0 =	vgt.f32 v2, v34;
	[tilespmem:s5+$0xFFFFFFE0] =	vst v0  }
.Ltmp3:
0x38c: {  	v38 =	vld [tilespmem:s0+$0xFFFFFFB0];
	v32 =	vsel vm0, $0x4, v21;
	[tilespmem:s5+$0xFFFFFFF0] =	vst v4;
	s5 =	smov.u32 s8;
	(pc) =	sbr.rel @p1 .LBB2_9-.Ltmp3, $4  }
0x38d: {  	v37 =	vld [tilespmem:s0+$0xFFFFFFC0];
	vm0 =	vgt.f32 v7, v33  }
0x38e: {  	vm1 =	vgt.f32 v6, v8;
	v34 =	vld [tilespmem:s0+$0xFFFFFFD0];
	v33 =	vsel vm0, $0x4, v21  }
0x38f: {  	v0 =	vsel vm1, $0x4, v21;
	v35 =	vld [tilespmem:s0+$0xFFFFFFE0]  }
0x390: {  	s29 =	sadd.s32 $0x80, s29;
	v40 =	vadd.s32 v3, v0;
	v39 =	vadd.s32 v5, v1;
	v36 =	vld [tilespmem:s0+$0xFFFFFFF0]  }
0x391: {  	[tilespmem:s0+$0xFFFFFF90] =	vst v40  }
0x392: {  	v0 =	vadd.s32 $0x2, v40;
	v1 =	vadd.s32 $0x2, v39;
	v2 =	vadd.s32 v38, v29;
	[tilespmem:s0+$0xFFFFFFA0] =	vst v39  }
0x393: {  	v3 =	vshra.s32 v0, $0x3;
	v4 =	vadd.s32 $0x2, v2;
	v5 =	vadd.s32 v37, v30;
	[tilespmem:s26+$0xFFFFFFB0] =	vst v2  }
0x394: {  	v47 =	vshra.s32 v1, $0x3;
	v6 =	vadd.s32 $0x2, v5;
	v7 =	vadd.s32 v34, v31;
	[tilespmem:s26+$0xFFFFFFC0] =	vst v5  }
0x395: {  	v48 =	vshra.s32 v4, $0x3;
	v3 =	vxor.u32 $0xFFFFFFFF, v3;
	v29 =	vadd.s32 v35, v32;
	[tilespmem:s26+$0xFFFFFFD0] =	vst v7  }
0x396: {  	v2 =	vxor.u32 $0xFFFFFFFF, v47;
	v8 =	vadd.s32 $0x2, v7;
	v0 =	vadd.s32 v3, v0;
	[tilespmem:s26+$0xFFFFFFE0] =	vst v29  }
0x397: {  	v49 =	vshra.s32 v6, $0x3;
	v5 =	vxor.u32 $0xFFFFFFFF, v48;
	v51 =	vadd.s32 v2, v1;
	[tilespmem:s8+$0xFFFFFF90] =	vst v0  }
0x398: {  	v30 =	vadd.s32 v36, v33;
	v29 =	vadd.s32 $0x2, v29;
	v50 =	vshra.s32 v8, $0x3;
	[tilespmem:s5+$0xFFFFFFA0] =	vst v51  }
0x399: {  	v54 =	vxor.u32 $0xFFFFFFFF, v49;
	v4 =	vadd.s32 v5, v4;
	[tilespmem:s26+$0xFFFFFFF0] =	vst v30;
	v52 =	vshra.s32 v29, $0x3  }
0x39a: {  	v55 =	vadd.s32 $0x2, v30;
	v3 =	vxor.u32 $0xFFFFFFFF, v50;
	v2 =	vadd.s32 v54, v6;
	[tilespmem:s5+$0xFFFFFFB0] =	vst v4  }
0x39b: {  	v57 =	vshra.s32 v55, $0x3;
	v1 =	vxor.u32 $0xFFFFFFFF, v52;
	v3 =	vadd.s32 v3, v8;
	[tilespmem:s5+$0xFFFFFFC0] =	vst v2  }
0x39c: {  	v58 =	vxor.u32 $0xFFFFFFFF, v57;
	v1 =	vadd.s32 v1, v29;
	[tilespmem:s5+$0xFFFFFFD0] =	vst v3  }
0x39d: {  	v0 =	vadd.s32 v58, v55;
	[tilespmem:s5+$0xFFFFFFE0] =	vst v1  }
0x39e: {  	[tilespmem:s5+$0xFFFFFFF0] =	vst v0  }
0x39f: {  	[tilespmem:s16], [sflag:$0x2] =	stream.indirect.gather [spmem:s2], $0x1, s15, s12, $0xb8;
	[tilespmem:$0x1D000] =	vst v63  }
0x3a0: {  	_ =	swait.ge [sflag:s17], $0x800  }
0x3a1: {  	[sflag:s17] =	ssyncset.done $0x0  }
0x3a2: {  	s26 =	simm.s32 $0x10040;
	[sflag:s17] =	ssyncadd.s32 $0xFFFFF800  }
0x3a3: {  	s28 =	simm.s32 $0x11040;
	v59 =	vld [tilespmem:s26+$0xFFFFFFE0]  }
0x3a4: {  	v61 =	vld [tilespmem:s28+$0xFFFFFFF0]  }
0x3a5: {  	s4 =	simm.s32 $0x14040;
	v62 =	vld [tilespmem:s28+$0xFFFFFFD0]  }
0x3a6: {  	v41 =	vld [tilespmem:s4+$0xFFFFFFD0]  }
0x3a7: {  	v42 =	vld [tilespmem:s4+$0x20]  }
0x3a8: {  	v43 =	vld [tilespmem:s26+$0xFFFFFFC0]  }
0x3a9: {  	v8 =	vld [tilespmem:s4+$0xFFFFFFF0]  }
0x3aa: {  	v29 =	vld [tilespmem:s26+$0xFFFFFFD0]  }
0x3ab: {  	v30 =	vld [tilespmem:s4+$0xFFFFFFC0]  }
0x3ac: {  	v44 =	vld [tilespmem:s26+$0xFFFFFFF0]  }
0x3ad: {  	v45 =	vld [tilespmem:s26+$0x20]  }
0x3ae: {  	v46 =	vld [tilespmem:s4+$0xFFFFFFE0]  }
0x3af: {  	v49 =	vld [tilespmem:s4+$0x30]  }
0x3b0: {  	v51 =	vld [tilespmem:s26+$0x30]  }
0x3b1: {  	v52 =	vld [tilespmem:s4+$0x10]  }
0x3b2: {  	v55 =	vld [tilespmem:s26+$0x10]  }
0x3b3: {  	v63 =	vld [tilespmem:s28+$0xFFFFFFC0]  }
0x3b4: {  	v40 =	vld [tilespmem:s28+$0xFFFFFFE0]  }
0x3b5: {  	v50 =	vld [tilespmem:s28+$0x20];
	vm0 =	vgt.f32 v29, v41;
	vm1 =	vgt.f32 v43, v30  }
0x3b6: {  	vm11 =	vgt.f32 v44, v8;
	vm12 =	vgt.f32 v59, v46;
	vm2 =	vgt.f32 v45, v42  }
0x3b7: {  	vm14 =	vgt.f32 v51, v49;
	vm15 =	vgt.f32 v55, v52;
	v48 =	vsel vm0, $0x2, v21  }
0x3b8: {  	v29 =	vsel vm1, $0x2, v21;
	v54 =	vsel vm12, $0x2, v21;
	v8 =	vsel vm11, $0x2, v21  }
0x3b9: {  	v47 =	vld [tilespmem:s4+$0x0];
	v57 =	vsel vm2, $0x2, v21;
	v31 =	vadd.s32 v62, v48;
	v29 =	vadd.s32 v63, v29  }
0x3ba: {  	v58 =	vld [tilespmem:s28+$0x30];
	v35 =	vadd.s32 v40, v54;
	v42 =	vadd.s32 v61, v8;
	v43 =	vadd.s32 v50, v57  }
0x3bb: {  	v30 =	vld [tilespmem:s26+$0x0];
	v62 =	vsel vm14, $0x2, v21;
	v50 =	vsel vm15, $0x2, v21;
	v2 =	vadd.s32 $0x1, v31  }
0x3bc: {  	v49 =	vld [tilespmem:s28+$0x0];
	v34 =	vadd.s32 $0x1, v29;
	v33 =	vshra.s32 v29, $0x3;
	v32 =	vand.u32 $0x7, v29  }
0x3bd: {  	v40 =	vld [tilespmem:s28+$0x10];
	v36 =	vshra.s32 v35, $0x3;
	v44 =	vadd.s32 $0x1, v35;
	v45 =	vadd.s32 $0x1, v42  }
0x3be: {  	v59 =	vadd.s32 $0x1, v43;
	[tilespmem:s28+$0xFFFFFFC0] =	vst v29;
	v61 =	vshra.s32 v43, $0x3;
	v48 =	vshra.s32 v42, $0x3  }
0x3bf: {  	s0 =	simm.s32 $0x12040;
	s31 =	simm.s32 $0x100C0;
	[tilespmem:s28+$0xFFFFFFD0] =	vst v31;
	v38 =	vshra.s32 v2, $0x3;
	v46 =	vshra.s32 v59, $0x3;
	v63 =	vxor.u32 $0xFFFFFFFF, v61  }
0x3c0: {  	s30 =	simm.s32 $0x11040;
	s29 =	simm.s32 $0x12040;
	s8 =	simm.s32 $0x130C0;
	[tilespmem:s28+$0xFFFFFFF0] =	vst v42;
	vm13 =	vgt.f32 v30, v47;
	v47 =	vand.u32 $0x7, v31;
	v30 =	vadd.s32 v58, v62  }
0x3c1: {  	s5 =	simm.s32 $0x140C0;
	s4 =	simm.s32 $0x0;
	s26 =	simm.s32 $0x13040;
	v41 =	vadd.s32 v63, v43;
	v39 =	vsel vm13, $0x2, v21;
	[tilespmem:s28+$0x30] =	vst v30;
	v37 =	vadd.s32 $0x1, v30  }
.LBB2_11:
0x3c2: {  	v0 =	vld [tilespmem:s31+$0xFFFFFFE0];
	s4 =	sadd.s32 $0x8, s4;
	v1 =	vadd.s32 v49, v39;
	v39 =	vadd.s32 v40, v50;
	v2 =	vshra.s32 v30, $0x3;
	s28 =	sadd.s32 $0x80, s28;
	s0 =	sadd.s32 $0x80, s0  }
0x3c3: {  	v3 =	vshra.s32 v45, $0x3;
	v40 =	vld [tilespmem:s28+$0xFFFFFFF0];
	p1 =	slt.u32 s4, $0x78;
	[tilespmem:s30+$0xFFFFFFE0] =	vst v35;
	v4 =	vand.u32 $0x7, v1;
	v2 =	vxor.u32 $0xFFFFFFFF, v2  }
0x3c4: {  	vm0 =	veq.s32 v47, $0x0;
	v6 =	vxor.u32 $0xFFFFFFFF, v48;
	v7 =	vand.u32 $0x7, v43;
	v5 =	vld [tilespmem:s28+$0xFFFFFFD0]  }
0x3c5: {  	v45 =	vshra.s32 v1, $0x3;
	v8 =	vld [tilespmem:s28+$0xFFFFFFC0];
	[tilespmem:s30+$0x20] =	vst v43;
	v43 =	vsub.s32 v43, v46;
	v46 =	vand.u32 $0x7, v30  }
0x3c6: {  	v44 =	vshra.s32 v44, $0x3;
	v3 =	vsub.s32 v42, v3;
	v47 =	vld [tilespmem:s28+$0xFFFFFFE0];
	vm1 =	veq.s32 v46, $0x0  }
0x3c7: {  	v48 =	vand.u32 $0x7, v42;
	v44 =	vsub.s32 v35, v44;
	v6 =	vadd.s32 v6, v42;
	v46 =	vld [tilespmem:s5+$0xFFFFFFD0];
	[tilespmem:s29+$0x20] =	vst v43  }
0x3c8: {  	v38 =	vsub.s32 v31, v38;
	vm2 =	veq.s32 v48, $0x0;
	v43 =	vxor.u32 $0xFFFFFFFF, v45;
	v42 =	vld [tilespmem:s5+$0x20];
	[tilespmem:s29+$0xFFFFFFE0] =	vst v44  }
0x3c9: {  	v45 =	vshra.s32 v31, $0x3;
	v44 =	vld [tilespmem:s31+$0xFFFFFFC0];
	[tilespmem:s29+$0xFFFFFFF0] =	vst v3;
	v3 =	vsel vm2, $0x0, v6;
	v6 =	vadd.s32 v43, v1  }
0x3ca: {  	v34 =	vshra.s32 v34, $0x3;
	v33 =	vxor.u32 $0xFFFFFFFF, v33;
	vm2 =	veq.s32 v4, $0x0;
	v48 =	vld [tilespmem:s5+$0x30];
	[tilespmem:s26+$0xFFFFFFF0] =	vst v3  }
0x3cb: {  	v36 =	vxor.u32 $0xFFFFFFFF, v36;
	v4 =	vsub.s32 v29, v34;
	v34 =	vxor.u32 $0xFFFFFFFF, v45;
	v3 =	vld [tilespmem:s5+$0xFFFFFFF0]  }
0x3cc: {  	vm3 =	veq.s32 v7, $0x0;
	v43 =	vld [tilespmem:s31+$0xFFFFFFD0];
	[tilespmem:s29+$0xFFFFFFC0] =	vst v4;
	v4 =	vadd.s32 v34, v31;
	v31 =	vadd.s32 v36, v35  }
0x3cd: {  	v6 =	vsel vm2, $0x0, v6;
	v34 =	vand.u32 $0x7, v35;
	v35 =	vsel vm3, $0x0, v41;
	v7 =	vld [tilespmem:s5+$0xFFFFFFC0];
	[tilespmem:s29+$0xFFFFFFD0] =	vst v38  }
0x3ce: {  	v33 =	vadd.s32 v33, v29;
	v29 =	vadd.s32 $0x1, v1;
	v4 =	vsel vm0, $0x0, v4;
	v36 =	vld [tilespmem:s31+$0xFFFFFFF0]  }
0x3cf: {  	v2 =	vadd.s32 v2, v30;
	vm0 =	veq.s32 v34, $0x0;
	v38 =	vld [tilespmem:s31+$0x20];
	[tilespmem:s26+$0xFFFFFFD0] =	vst v4;
	v4 =	vshra.s32 v29, $0x3  }
0x3d0: {  	v2 =	vsel vm1, $0x0, v2;
	v29 =	vsel vm0, $0x0, v31;
	v41 =	vld [tilespmem:s5+$0x10];
	[tilespmem:s30+$0x0] =	vst v1;
	v1 =	vsub.s32 v1, v4  }
0x3d1: {  	v37 =	vshra.s32 v37, $0x3;
	vm1 =	veq.s32 v32, $0x0;
	vm0 =	vgt.f32 v43, v46;
	v4 =	vld [tilespmem:s5+$0xFFFFFFE0];
	[tilespmem:s26+$0xFFFFFFE0] =	vst v29  }
0x3d2: {  	v43 =	vadd.s32 $0x1, v39;
	vm2 =	vgt.f32 v44, v7;
	v7 =	vsel vm0, $0x2, v21;
	v32 =	vld [tilespmem:s5+$0x0]  }
0x3d3: {  	v29 =	vsel vm2, $0x2, v21;
	v31 =	vadd.s32 v5, v7;
	vm0 =	vgt.f32 v36, v3;
	v3 =	vld [tilespmem:s31+$0x30];
	[tilespmem:s29+$0x0] =	vst v1  }
0x3d4: {  	v7 =	vsel vm1, $0x0, v33;
	v29 =	vadd.s32 v8, v29;
	v1 =	vadd.s32 $0x1, v31;
	v5 =	vld [tilespmem:s31+$0x0];
	[tilespmem:s26+$0x20] =	vst v35  }
0x3d5: {  	v34 =	vadd.s32 $0x1, v29;
	v33 =	vshra.s32 v29, $0x3;
	[tilespmem:s26+$0x0] =	vst v6;
	v6 =	vshra.s32 v43, $0x3  }
0x3d6: {  	vm1 =	vgt.f32 v0, v4;
	v0 =	vld [tilespmem:s28+$0x20];
	[tilespmem:s30+$0x10] =	vst v39;
	v4 =	vsub.s32 v39, v6;
	v6 =	vshra.s32 v39, $0x3;
	s30 =	smov.u32 s28  }
0x3d7: {  	vm2 =	vgt.f32 v38, v42;
	[tilespmem:s26+$0xFFFFFFC0] =	vst v7;
	v7 =	vand.u32 $0x7, v39;
	v6 =	vxor.u32 $0xFFFFFFFF, v6  }
0x3d8: {  	v42 =	vsel vm0, $0x2, v21;
	v8 =	vsel vm1, $0x2, v21;
	[tilespmem:s29+$0x10] =	vst v4;
	vm0 =	veq.s32 v7, $0x0  }
0x3d9: {  	v38 =	vshra.s32 v1, $0x3;
	v35 =	vadd.s32 v47, v8;
	[tilespmem:s28+$0xFFFFFFC0] =	vst v29;
	vm1 =	vgt.f32 v5, v32  }
0x3da: {  	v4 =	vsel vm2, $0x2, v21;
	v32 =	vand.u32 $0x7, v29;
	v36 =	vshra.s32 v35, $0x3;
	[tilespmem:s28+$0xFFFFFFD0] =	vst v31;
	v1 =	vld [tilespmem:s31+$0x10]  }
0x3db: {  	v42 =	vadd.s32 v40, v42;
	v44 =	vadd.s32 $0x1, v35;
	v43 =	vadd.s32 v0, v4;
	v0 =	vld [tilespmem:s28+$0x30]  }
0x3dc: {  	v45 =	vadd.s32 $0x1, v42;
	vm2 =	vgt.f32 v3, v48;
	v3 =	vsub.s32 v30, v37;
	[tilespmem:s28+$0xFFFFFFF0] =	vst v42;
	v40 =	vld [tilespmem:s28+$0x10]  }
.Ltmp4:
0x3dd: {  	v47 =	vand.u32 $0x7, v31;
	v5 =	vadd.s32 v6, v39;
	v4 =	vadd.s32 $0x1, v43;
	v49 =	vld [tilespmem:s28+$0x0];
	[tilespmem:s29+$0x30] =	vst v3;
	s29 =	smov.u32 s0;
	(pc) =	sbr.rel @p1 .LBB2_11-.Ltmp4, $4  }
0x3de: {  	v46 =	vshra.s32 v4, $0x3;
	v3 =	vshra.s32 v43, $0x3;
	v4 =	vsel vm2, $0x2, v21;
	[tilespmem:s26+$0x30] =	vst v2  }
0x3df: {  	v39 =	vsel vm1, $0x2, v21;
	vm1 =	vgt.f32 v1, v41;
	v1 =	vsel vm0, $0x0, v5  }
0x3e0: {  	v48 =	vshra.s32 v42, $0x3;
	v2 =	vxor.u32 $0xFFFFFFFF, v3;
	v30 =	vadd.s32 v0, v4;
	[tilespmem:s26+$0x10] =	vst v1;
	s26 =	smov.u32 s8  }
0x3e1: {  	s5 =	sadd.s32 $0x80, s5;
	s31 =	sadd.s32 $0x80, s31;
	v41 =	vadd.s32 v2, v43;
	v50 =	vsel vm1, $0x2, v21;
	s8 =	sadd.s32 $0x80, s8;
	[tilespmem:s28+$0x30] =	vst v30;
	v37 =	vadd.s32 $0x1, v30  }
0x3e2: {  	v0 =	vadd.s32 v49, v39;
	v1 =	vadd.s32 v40, v50;
	v2 =	vshra.s32 v30, $0x3  }
0x3e3: {  	[tilespmem:s30+$0xFFFFFFE0] =	vst v35;
	v3 =	vshra.s32 v45, $0x3;
	vm0 =	veq.s32 v47, $0x0;
	v5 =	vsub.s32 v43, v46  }
0x3e4: {  	[tilespmem:s30+$0x20] =	vst v43;
	v6 =	vshra.s32 v44, $0x3;
	v7 =	vxor.u32 $0xFFFFFFFF, v48;
	v8 =	vand.u32 $0x7, v42  }
0x3e5: {  	v59 =	vshra.s32 v31, $0x3;
	v62 =	vshra.s32 v34, $0x3;
	v63 =	vand.u32 $0x7, v43;
	[tilespmem:s29+$0x20] =	vst v5  }
0x3e6: {  	v43 =	vxor.u32 $0xFFFFFFFF, v36;
	v44 =	vand.u32 $0x7, v30;
	v47 =	vxor.u32 $0xFFFFFFFF, v33;
	[tilespmem:s30+$0x0] =	vst v0  }
0x3e7: {  	vm7 =	veq.s32 v32, $0x0;
	v52 =	vshra.s32 v37, $0x3;
	v6 =	vsub.s32 v35, v6;
	[tilespmem:s30+$0x10] =	vst v1  }
0x3e8: {  	v4 =	vand.u32 $0x7, v0;
	v2 =	vxor.u32 $0xFFFFFFFF, v2;
	v3 =	vsub.s32 v42, v3;
	[tilespmem:s29+$0xFFFFFFE0] =	vst v6  }
0x3e9: {  	v58 =	vadd.s32 v7, v42;
	vm1 =	veq.s32 v8, $0x0;
	v34 =	vsub.s32 v29, v62;
	[tilespmem:s29+$0xFFFFFFF0] =	vst v3  }
0x3ea: {  	v39 =	vxor.u32 $0xFFFFFFFF, v59;
	v40 =	vshra.s32 v0, $0x3;
	v8 =	vsub.s32 v31, v38;
	[tilespmem:s29+$0xFFFFFFC0] =	vst v34  }
0x3eb: {  	v5 =	vadd.s32 v43, v35;
	vm4 =	veq.s32 v63, $0x0;
	v57 =	vsub.s32 v30, v52;
	[tilespmem:s29+$0xFFFFFFD0] =	vst v8  }
0x3ec: {  	vm6 =	veq.s32 v44, $0x0;
	v48 =	vadd.s32 $0x1, v1;
	v61 =	vsel vm1, $0x0, v58;
	[tilespmem:s29+$0x30] =	vst v57  }
0x3ed: {  	v42 =	vadd.s32 v39, v31;
	v8 =	vand.u32 $0x7, v35;
	v46 =	vsel vm4, $0x0, v41;
	[tilespmem:s26+$0xFFFFFFF0] =	vst v61  }
0x3ee: {  	v31 =	vadd.s32 $0x1, v0;
	v3 =	vsel vm0, $0x0, v42;
	vm15 =	veq.s32 v8, $0x0;
	[tilespmem:s26+$0x20] =	vst v46  }
0x3ef: {  	v6 =	vxor.u32 $0xFFFFFFFF, v40;
	v8 =	vshra.s32 v31, $0x3;
	[tilespmem:s26+$0xFFFFFFD0] =	vst v3;
	v5 =	vsel vm15, $0x0, v5  }
0x3f0: {  	vm5 =	veq.s32 v4, $0x0;
	v45 =	vsub.s32 v0, v8;
	v0 =	vadd.s32 v6, v0;
	[tilespmem:s26+$0xFFFFFFE0] =	vst v5  }
0x3f1: {  	v54 =	vshra.s32 v1, $0x3;
	v3 =	vadd.s32 v47, v29;
	[tilespmem:s29+$0x0] =	vst v45;
	v0 =	vsel vm5, $0x0, v0  }
0x3f2: {  	v55 =	vand.u32 $0x7, v1;
	v51 =	vshra.s32 v48, $0x3;
	v50 =	vsel vm7, $0x0, v3;
	[tilespmem:s26+$0x0] =	vst v0  }
0x3f3: {  	v49 =	vadd.s32 v2, v30;
	v3 =	vsub.s32 v1, v51;
	v5 =	vxor.u32 $0xFFFFFFFF, v54;
	[tilespmem:s26+$0xFFFFFFC0] =	vst v50  }
0x3f4: {  	vm8 =	veq.s32 v55, $0x0;
	[tilespmem:s29+$0x10] =	vst v3;
	v0 =	vsel vm6, $0x0, v49;
	v1 =	vadd.s32 v5, v1  }
0x3f5: {  	[tilespmem:s26+$0x30] =	vst v0;
	v58 =	vsel vm8, $0x0, v1  }
0x3f6: {  	[tilespmem:s26+$0x10] =	vst v58  }
0x3f7: {  	[tilespmem:s14], [sflag:$0x1] =	stream.indirect.gather [spmem:s2], $0x1, s13, s12, $0xb8;
	[tilespmem:$0x1D000] =	vst v63  }
0x3f8: {  	_ = 	snop  }
0x3f9: {  	[tilespmem:s20], [sflag:$0x1] =	stream.indirect.gather [spmem:s2], $0x1, s19, s12, $0xb8;
	[tilespmem:$0x1D000] =	vst v63  }
0x3fa: {  	_ =	swait.ge [sflag:s18], $0x800  }
0x3fb: {  	[sflag:s18] =	ssyncset.done $0x0  }
0x3fc: {  	s0 =	simm.s32 $0x10870;
	[sflag:s18] =	ssyncadd.s32 $0xFFFFF800  }
0x3fd: {  	s28 =	simm.s32 $0x11870;
	v59 =	vld [tilespmem:s0+$0xFFFFFFB0]  }
0x3fe: {  	v61 =	vld [tilespmem:s28+$0xFFFFFFC0]  }
0x3ff: {  	s4 =	simm.s32 $0x14870;
	v62 =	vld [tilespmem:s28+$0xFFFFFFA0]  }
0x400: {  	v41 =	vld [tilespmem:s4+$0xFFFFFFA0]  }
0x401: {  	v42 =	vld [tilespmem:s4+$0xFFFFFFF0]  }
0x402: {  	v43 =	vld [tilespmem:s0+$0xFFFFFF90]  }
0x403: {  	v8 =	vld [tilespmem:s4+$0xFFFFFFC0]  }
0x404: {  	v29 =	vld [tilespmem:s0+$0xFFFFFFA0]  }
0x405: {  	v30 =	vld [tilespmem:s4+$0xFFFFFF90]  }
0x406: {  	v44 =	vld [tilespmem:s0+$0xFFFFFFC0]  }
0x407: {  	v45 =	vld [tilespmem:s0+$0xFFFFFFF0]  }
0x408: {  	v46 =	vld [tilespmem:s4+$0xFFFFFFB0]  }
0x409: {  	v49 =	vld [tilespmem:s4+$0x0]  }
0x40a: {  	v51 =	vld [tilespmem:s0+$0x0]  }
0x40b: {  	v52 =	vld [tilespmem:s4+$0xFFFFFFE0]  }
0x40c: {  	v55 =	vld [tilespmem:s0+$0xFFFFFFE0]  }
0x40d: {  	v63 =	vld [tilespmem:s28+$0xFFFFFF90]  }
0x40e: {  	v40 =	vld [tilespmem:s28+$0xFFFFFFB0]  }
0x40f: {  	v50 =	vld [tilespmem:s28+$0xFFFFFFF0];
	vm9 =	vgt.f32 v29, v41;
	vm10 =	vgt.f32 v43, v30  }
0x410: {  	vm11 =	vgt.f32 v44, v8;
	vm12 =	vgt.f32 v59, v46;
	vm2 =	vgt.f32 v45, v42  }
0x411: {  	vm14 =	vgt.f32 v51, v49;
	vm15 =	vgt.f32 v55, v52;
	v48 =	vsel vm9, $0x2, v21  }
0x412: {  	v29 =	vsel vm10, $0x2, v21;
	v54 =	vsel vm12, $0x2, v21;
	v8 =	vsel vm11, $0x2, v21  }
0x413: {  	v47 =	vld [tilespmem:s4+$0xFFFFFFD0];
	v57 =	vsel vm2, $0x2, v21;
	v31 =	vadd.s32 v62, v48;
	v29 =	vadd.s32 v63, v29  }
0x414: {  	v58 =	vld [tilespmem:s28+$0x0];
	v35 =	vadd.s32 v40, v54;
	v42 =	vadd.s32 v61, v8;
	v43 =	vadd.s32 v50, v57  }
0x415: {  	v30 =	vld [tilespmem:s0+$0xFFFFFFD0];
	v62 =	vsel vm14, $0x2, v21;
	v50 =	vsel vm15, $0x2, v21;
	v2 =	vadd.s32 $0x1, v31  }
0x416: {  	v49 =	vld [tilespmem:s28+$0xFFFFFFD0];
	v34 =	vadd.s32 $0x1, v29;
	v33 =	vshra.s32 v29, $0x3;
	v32 =	vand.u32 $0x7, v29  }
0x417: {  	v40 =	vld [tilespmem:s28+$0xFFFFFFE0];
	v36 =	vshra.s32 v35, $0x3;
	v44 =	vadd.s32 $0x1, v35;
	v45 =	vadd.s32 $0x1, v42  }
0x418: {  	v59 =	vadd.s32 $0x1, v43;
	[tilespmem:s28+$0xFFFFFF90] =	vst v29;
	v61 =	vshra.s32 v43, $0x3;
	v48 =	vshra.s32 v42, $0x3  }
0x419: {  	s31 =	simm.s32 $0x108F0;
	s5 =	simm.s32 $0x148F0;
	[tilespmem:s28+$0xFFFFFFA0] =	vst v31;
	v38 =	vshra.s32 v2, $0x3;
	v46 =	vshra.s32 v59, $0x3;
	v63 =	vxor.u32 $0xFFFFFFFF, v61  }
0x41a: {  	s8 =	simm.s32 $0x138F0;
	s30 =	simm.s32 $0x11870;
	s29 =	simm.s32 $0x12870;
	[tilespmem:s28+$0xFFFFFFC0] =	vst v42;
	vm13 =	vgt.f32 v30, v47;
	v47 =	vand.u32 $0x7, v31;
	v30 =	vadd.s32 v58, v62  }
0x41b: {  	s26 =	simm.s32 $0x13870;
	s4 =	simm.s32 $0x80;
	s0 =	simm.s32 $0x12870;
	v41 =	vadd.s32 v63, v43;
	v39 =	vsel vm13, $0x2, v21;
	[tilespmem:s28+$0x0] =	vst v30;
	v37 =	vadd.s32 $0x1, v30  }
.LBB2_13:
0x41c: {  	v0 =	vld [tilespmem:s31+$0xFFFFFFB0];
	s4 =	sadd.s32 $0x8, s4;
	v1 =	vadd.s32 v49, v39;
	v39 =	vadd.s32 v40, v50;
	v2 =	vshra.s32 v30, $0x3;
	s28 =	sadd.s32 $0x80, s28;
	s0 =	sadd.s32 $0x80, s0  }
0x41d: {  	v3 =	vshra.s32 v45, $0x3;
	v40 =	vld [tilespmem:s28+$0xFFFFFFC0];
	p1 =	slt.u32 s4, $0xF8;
	[tilespmem:s30+$0xFFFFFFB0] =	vst v35;
	v4 =	vand.u32 $0x7, v1;
	v2 =	vxor.u32 $0xFFFFFFFF, v2  }
0x41e: {  	vm0 =	veq.s32 v47, $0x0;
	v6 =	vxor.u32 $0xFFFFFFFF, v48;
	v7 =	vand.u32 $0x7, v43;
	v5 =	vld [tilespmem:s28+$0xFFFFFFA0]  }
0x41f: {  	v45 =	vshra.s32 v1, $0x3;
	v8 =	vld [tilespmem:s28+$0xFFFFFF90];
	[tilespmem:s30+$0xFFFFFFF0] =	vst v43;
	v43 =	vsub.s32 v43, v46;
	v46 =	vand.u32 $0x7, v30  }
0x420: {  	v44 =	vshra.s32 v44, $0x3;
	v3 =	vsub.s32 v42, v3;
	v47 =	vld [tilespmem:s28+$0xFFFFFFB0];
	vm1 =	veq.s32 v46, $0x0  }
0x421: {  	v48 =	vand.u32 $0x7, v42;
	v44 =	vsub.s32 v35, v44;
	v6 =	vadd.s32 v6, v42;
	v46 =	vld [tilespmem:s5+$0xFFFFFFA0];
	[tilespmem:s29+$0xFFFFFFF0] =	vst v43  }
0x422: {  	v38 =	vsub.s32 v31, v38;
	vm2 =	veq.s32 v48, $0x0;
	v43 =	vxor.u32 $0xFFFFFFFF, v45;
	v42 =	vld [tilespmem:s5+$0xFFFFFFF0];
	[tilespmem:s29+$0xFFFFFFB0] =	vst v44  }
0x423: {  	v45 =	vshra.s32 v31, $0x3;
	v44 =	vld [tilespmem:s31+$0xFFFFFF90];
	[tilespmem:s29+$0xFFFFFFC0] =	vst v3;
	v3 =	vsel vm2, $0x0, v6;
	v6 =	vadd.s32 v43, v1  }
0x424: {  	v34 =	vshra.s32 v34, $0x3;
	v33 =	vxor.u32 $0xFFFFFFFF, v33;
	vm2 =	veq.s32 v4, $0x0;
	v48 =	vld [tilespmem:s5+$0x0];
	[tilespmem:s26+$0xFFFFFFC0] =	vst v3  }
0x425: {  	v36 =	vxor.u32 $0xFFFFFFFF, v36;
	v4 =	vsub.s32 v29, v34;
	v34 =	vxor.u32 $0xFFFFFFFF, v45;
	v3 =	vld [tilespmem:s5+$0xFFFFFFC0]  }
0x426: {  	vm3 =	veq.s32 v7, $0x0;
	v43 =	vld [tilespmem:s31+$0xFFFFFFA0];
	[tilespmem:s29+$0xFFFFFF90] =	vst v4;
	v4 =	vadd.s32 v34, v31;
	v31 =	vadd.s32 v36, v35  }
0x427: {  	v6 =	vsel vm2, $0x0, v6;
	v34 =	vand.u32 $0x7, v35;
	v35 =	vsel vm3, $0x0, v41;
	v7 =	vld [tilespmem:s5+$0xFFFFFF90];
	[tilespmem:s29+$0xFFFFFFA0] =	vst v38  }
0x428: {  	v33 =	vadd.s32 v33, v29;
	v29 =	vadd.s32 $0x1, v1;
	v4 =	vsel vm0, $0x0, v4;
	v36 =	vld [tilespmem:s31+$0xFFFFFFC0]  }
0x429: {  	v2 =	vadd.s32 v2, v30;
	vm0 =	veq.s32 v34, $0x0;
	v38 =	vld [tilespmem:s31+$0xFFFFFFF0];
	[tilespmem:s26+$0xFFFFFFA0] =	vst v4;
	v4 =	vshra.s32 v29, $0x3  }
0x42a: {  	v2 =	vsel vm1, $0x0, v2;
	v29 =	vsel vm0, $0x0, v31;
	v41 =	vld [tilespmem:s5+$0xFFFFFFE0];
	[tilespmem:s30+$0xFFFFFFD0] =	vst v1;
	v1 =	vsub.s32 v1, v4  }
0x42b: {  	v37 =	vshra.s32 v37, $0x3;
	vm1 =	veq.s32 v32, $0x0;
	vm0 =	vgt.f32 v43, v46;
	v4 =	vld [tilespmem:s5+$0xFFFFFFB0];
	[tilespmem:s26+$0xFFFFFFB0] =	vst v29  }
0x42c: {  	v43 =	vadd.s32 $0x1, v39;
	vm2 =	vgt.f32 v44, v7;
	v7 =	vsel vm0, $0x2, v21;
	v32 =	vld [tilespmem:s5+$0xFFFFFFD0]  }
0x42d: {  	v29 =	vsel vm2, $0x2, v21;
	v31 =	vadd.s32 v5, v7;
	vm0 =	vgt.f32 v36, v3;
	v3 =	vld [tilespmem:s31+$0x0];
	[tilespmem:s29+$0xFFFFFFD0] =	vst v1  }
0x42e: {  	v7 =	vsel vm1, $0x0, v33;
	v29 =	vadd.s32 v8, v29;
	v1 =	vadd.s32 $0x1, v31;
	v5 =	vld [tilespmem:s31+$0xFFFFFFD0];
	[tilespmem:s26+$0xFFFFFFF0] =	vst v35  }
0x42f: {  	v34 =	vadd.s32 $0x1, v29;
	v33 =	vshra.s32 v29, $0x3;
	[tilespmem:s26+$0xFFFFFFD0] =	vst v6;
	v6 =	vshra.s32 v43, $0x3  }
0x430: {  	vm1 =	vgt.f32 v0, v4;
	v0 =	vld [tilespmem:s28+$0xFFFFFFF0];
	[tilespmem:s30+$0xFFFFFFE0] =	vst v39;
	v4 =	vsub.s32 v39, v6;
	v6 =	vshra.s32 v39, $0x3;
	s30 =	smov.u32 s28  }
0x431: {  	vm2 =	vgt.f32 v38, v42;
	[tilespmem:s26+$0xFFFFFF90] =	vst v7;
	v7 =	vand.u32 $0x7, v39;
	v6 =	vxor.u32 $0xFFFFFFFF, v6  }
0x432: {  	v42 =	vsel vm0, $0x2, v21;
	v8 =	vsel vm1, $0x2, v21;
	[tilespmem:s29+$0xFFFFFFE0] =	vst v4;
	vm0 =	veq.s32 v7, $0x0  }
0x433: {  	v38 =	vshra.s32 v1, $0x3;
	v35 =	vadd.s32 v47, v8;
	[tilespmem:s28+$0xFFFFFF90] =	vst v29;
	vm1 =	vgt.f32 v5, v32  }
0x434: {  	v4 =	vsel vm2, $0x2, v21;
	v32 =	vand.u32 $0x7, v29;
	v36 =	vshra.s32 v35, $0x3;
	[tilespmem:s28+$0xFFFFFFA0] =	vst v31;
	v1 =	vld [tilespmem:s31+$0xFFFFFFE0]  }
0x435: {  	v42 =	vadd.s32 v40, v42;
	v44 =	vadd.s32 $0x1, v35;
	v43 =	vadd.s32 v0, v4;
	v0 =	vld [tilespmem:s28+$0x0]  }
0x436: {  	v45 =	vadd.s32 $0x1, v42;
	vm2 =	vgt.f32 v3, v48;
	v3 =	vsub.s32 v30, v37;
	[tilespmem:s28+$0xFFFFFFC0] =	vst v42;
	v40 =	vld [tilespmem:s28+$0xFFFFFFE0]  }
.Ltmp5:
0x437: {  	v47 =	vand.u32 $0x7, v31;
	v5 =	vadd.s32 v6, v39;
	v4 =	vadd.s32 $0x1, v43;
	v49 =	vld [tilespmem:s28+$0xFFFFFFD0];
	[tilespmem:s29+$0x0] =	vst v3;
	s29 =	smov.u32 s0;
	(pc) =	sbr.rel @p1 .LBB2_13-.Ltmp5, $4  }
0x438: {  	v46 =	vshra.s32 v4, $0x3;
	v3 =	vshra.s32 v43, $0x3;
	v4 =	vsel vm2, $0x2, v21;
	[tilespmem:s26+$0x0] =	vst v2  }
0x439: {  	v39 =	vsel vm1, $0x2, v21;
	vm1 =	vgt.f32 v1, v41;
	v1 =	vsel vm0, $0x0, v5  }
0x43a: {  	v48 =	vshra.s32 v42, $0x3;
	v2 =	vxor.u32 $0xFFFFFFFF, v3;
	v30 =	vadd.s32 v0, v4;
	[tilespmem:s26+$0xFFFFFFE0] =	vst v1;
	s26 =	smov.u32 s8  }
0x43b: {  	s5 =	sadd.s32 $0x80, s5;
	s31 =	sadd.s32 $0x80, s31;
	v41 =	vadd.s32 v2, v43;
	v50 =	vsel vm1, $0x2, v21;
	s8 =	sadd.s32 $0x80, s8;
	[tilespmem:s28+$0x0] =	vst v30;
	v37 =	vadd.s32 $0x1, v30  }
0x43c: {  	v0 =	vadd.s32 v49, v39;
	v1 =	vadd.s32 v40, v50;
	v2 =	vshra.s32 v30, $0x3  }
0x43d: {  	[tilespmem:s30+$0xFFFFFFB0] =	vst v35;
	v3 =	vshra.s32 v45, $0x3;
	vm0 =	veq.s32 v47, $0x0;
	v5 =	vsub.s32 v43, v46  }
0x43e: {  	[tilespmem:s30+$0xFFFFFFF0] =	vst v43;
	v6 =	vshra.s32 v44, $0x3;
	v7 =	vxor.u32 $0xFFFFFFFF, v48;
	v8 =	vand.u32 $0x7, v42  }
0x43f: {  	v55 =	vshra.s32 v31, $0x3;
	v58 =	vshra.s32 v34, $0x3;
	v59 =	vand.u32 $0x7, v43;
	[tilespmem:s29+$0xFFFFFFF0] =	vst v5  }
0x440: {  	v39 =	vand.u32 $0x7, v30;
	v47 =	vshra.s32 v37, $0x3;
	v4 =	vand.u32 $0x7, v0;
	[tilespmem:s30+$0xFFFFFFD0] =	vst v0  }
0x441: {  	v2 =	vxor.u32 $0xFFFFFFFF, v2;
	v6 =	vsub.s32 v35, v6;
	v3 =	vsub.s32 v42, v3;
	[tilespmem:s30+$0xFFFFFFE0] =	vst v1  }
0x442: {  	v54 =	vadd.s32 v7, v42;
	vm1 =	veq.s32 v8, $0x0;
	v61 =	vsub.s32 v29, v58;
	[tilespmem:s29+$0xFFFFFFB0] =	vst v6  }
0x443: {  	v62 =	vxor.u32 $0xFFFFFFFF, v55;
	v63 =	vshra.s32 v0, $0x3;
	v8 =	vsub.s32 v31, v38;
	[tilespmem:s29+$0xFFFFFFC0] =	vst v3  }
0x444: {  	v38 =	vxor.u32 $0xFFFFFFFF, v36;
	v42 =	vxor.u32 $0xFFFFFFFF, v33;
	v43 =	vadd.s32 $0x1, v1;
	[tilespmem:s29+$0xFFFFFF90] =	vst v61  }
0x445: {  	v48 =	vshra.s32 v1, $0x3;
	v50 =	vsub.s32 v30, v47;
	v57 =	vsel vm1, $0x0, v54;
	[tilespmem:s29+$0xFFFFFFA0] =	vst v8  }
0x446: {  	v34 =	vadd.s32 v62, v31;
	v8 =	vand.u32 $0x7, v35;
	v5 =	vadd.s32 v38, v35;
	[tilespmem:s29+$0x0] =	vst v50  }
0x447: {  	v31 =	vadd.s32 $0x1, v0;
	[tilespmem:s26+$0xFFFFFFC0] =	vst v57;
	v3 =	vsel vm0, $0x0, v34;
	vm0 =	veq.s32 v8, $0x0  }
0x448: {  	v49 =	vand.u32 $0x7, v1;
	v8 =	vshra.s32 v31, $0x3;
	[tilespmem:s26+$0xFFFFFFA0] =	vst v3;
	v5 =	vsel vm0, $0x0, v5  }
0x449: {  	v6 =	vxor.u32 $0xFFFFFFFF, v63;
	vm0 =	veq.s32 v59, $0x0;
	v40 =	vsub.s32 v0, v8;
	[tilespmem:s26+$0xFFFFFFB0] =	vst v5  }
0x44a: {  	vm1 =	veq.s32 v4, $0x0;
	v0 =	vadd.s32 v6, v0;
	v41 =	vsel vm0, $0x0, v41;
	[tilespmem:s29+$0xFFFFFFD0] =	vst v40  }
0x44b: {  	v3 =	vadd.s32 v42, v29;
	v0 =	vsel vm1, $0x0, v0;
	vm1 =	veq.s32 v32, $0x0;
	[tilespmem:s26+$0xFFFFFFF0] =	vst v41  }
0x44c: {  	v44 =	vadd.s32 v2, v30;
	v46 =	vshra.s32 v43, $0x3;
	[tilespmem:s26+$0xFFFFFFD0] =	vst v0;
	v45 =	vsel vm1, $0x0, v3  }
0x44d: {  	vm0 =	veq.s32 v39, $0x0;
	v5 =	vxor.u32 $0xFFFFFFFF, v48;
	v3 =	vsub.s32 v1, v46;
	[tilespmem:s26+$0xFFFFFF90] =	vst v45  }
0x44e: {  	v0 =	vsel vm0, $0x0, v44;
	vm0 =	veq.s32 v49, $0x0;
	v1 =	vadd.s32 v5, v1;
	[tilespmem:s29+$0xFFFFFFE0] =	vst v3  }
0x44f: {  	[tilespmem:s26+$0x0] =	vst v0;
	v51 =	vsel vm0, $0x0, v1  }
0x450: {  	[tilespmem:s26+$0xFFFFFFE0] =	vst v51  }
0x451: {  	[tilespmem:s16], [sflag:$0x2] =	stream.indirect.gather [spmem:s2], $0x1, s15, s12, $0xb8;
	[tilespmem:$0x1D000] =	vst v63  }
0x452: {  	_ = 	snop  }
0x453: {  	[tilespmem:s22], [sflag:$0x2] =	stream.indirect.gather [spmem:s2], $0x1, s21, s12, $0xb8;
	[tilespmem:$0x1D000] =	vst v63  }
0x454: {  	_ =	swait.ge [sflag:s17], $0x800  }
0x455: {  	[sflag:s17] =	ssyncset.done $0x0  }
0x456: {  	[sflag:s17] =	ssyncadd.s32 $0xFFFFF800  }
0x457: {  	_ =	swait.ge [sflag:s17], $0x800  }
0x458: {  	[sflag:s17] =	ssyncset.done $0x0  }
0x459: {  	s0 =	simm.s32 $0x11040;
	[sflag:s17] =	ssyncadd.s32 $0xFFFFF800  }
0x45a: {  	v0 =	vld [tilespmem:s0+$0x30]  }
0x45b: {  	v29 =	vld [tilespmem:s0+$0xFFFFFFC0]  }
0x45c: {  	v1 =	vld [tilespmem:s0+$0xFFFFFFD0]  }
0x45d: {  	v2 =	vld [tilespmem:s0+$0xFFFFFFE0]  }
0x45e: {  	v3 =	vld [tilespmem:s0+$0xFFFFFFF0]  }
0x45f: {  	v4 =	vld [tilespmem:s0+$0x0]  }
0x460: {  	v31 =	vld [tilespmem:s0+$0x10]  }
0x461: {  	s26 =	simm.s32 $0x10040;
	v30 =	vld [tilespmem:s0+$0x20]  }
0x462: {  	s28 =	simm.s32 $0x14040;
	v8 =	vld [tilespmem:s26+$0x30]  }
0x463: {  	s29 =	simm.s32 $0x15040;
	v58 =	vld [tilespmem:s28+$0x30];
	v52 =	vshra.s32 v0, $0x3  }
0x464: {  	v62 =	vld [tilespmem:s29+$0x30];
	v54 =	vshra.s32 v29, $0x3  }
0x465: {  	v37 =	vld [tilespmem:s29+$0xFFFFFFC0];
	v55 =	vshra.s32 v1, $0x3  }
0x466: {  	v41 =	vld [tilespmem:s26+$0xFFFFFFD0];
	v57 =	vshra.s32 v2, $0x3;
	v51 =	vand.u32 $0x7, v0  }
0x467: {  	v59 =	vshra.s32 v3, $0x3;
	vm2 =	veq.s32 v51, $0x0;
	v51 =	vld [tilespmem:s29+$0xFFFFFFF0]  }
0x468: {  	v5 =	vld.idx.msk [tilespmem:v52+s3+$0x0], $0xffff  }
0x469: {  	v6 =	vld.idx.msk [tilespmem:v54+s3+$0x0], $0xffff  }
0x46a: {  	v48 =	vshra.s32 v30, $0x3;
	v7 =	vld.idx.msk [tilespmem:v55+s3+$0x0], $0xffff  }
0x46b: {  	v40 =	vld.idx.msk [tilespmem:v57+s3+$0x0], $0xffff  }
0x46c: {  	v42 =	vld.idx.msk [tilespmem:v59+s3+$0x0], $0xffff  }
0x46d: {  	v54 =	vld [tilespmem:s28+$0xFFFFFFD0]  }
0x46e: {  	v61 =	vshra.s32 v4, $0x3;
	v57 =	vld [tilespmem:s29+$0xFFFFFFD0]  }
0x46f: {  	v63 =	vshra.s32 v31, $0x3;
	v49 =	vand.u32 $0x7, v29;
	v50 =	vand.u32 $0x7, v1;
	v32 =	vld.idx.msk [tilespmem:v48+s3+$0x0], $0xffff  }
0x470: {  	vm1 =	veq.s32 v49, $0x0;
	vm0 =	veq.s32 v50, $0x0;
	v52 =	vand.u32 $0x7, v2;
	v48 =	vld [tilespmem:s29+$0xFFFFFFE0]  }
0x471: {  	v55 =	vand.u32 $0x7, v3;
	v59 =	vand.u32 $0x7, v4;
	vm5 =	veq.s32 v52, $0x0  }
0x472: {  	v49 =	vld [tilespmem:s26+$0xFFFFFFF0];
	vm3 =	veq.s32 v55, $0x0;
	vm4 =	veq.s32 v59, $0x0;
	v5 =	vsel vm2, v5, v62  }
0x473: {  	v44 =	vld.idx.msk [tilespmem:v61+s3+$0x0], $0xffff;
	vm2 =	vgt.f32 v8, v58;
	v7 =	vsel vm0, v7, v57;
	vm6 =	vgt.f32 v41, v54  }
0x474: {  	v62 =	vld [tilespmem:s28+$0xFFFFFFE0];
	v39 =	vsel vm1, v6, v37;
	v6 =	vsel vm3, v42, v51;
	v5 =	vsel vm2, v58, v5  }
0x475: {  	v58 =	vld [tilespmem:s26+$0xFFFFFFE0];
	v61 =	vsel vm2, $0x1, v21;
	v7 =	vsel vm6, v54, v7;
	v54 =	vsel vm5, v40, v48  }
0x476: {  	v50 =	vld [tilespmem:s28+$0xFFFFFFF0];
	vm2 =	vgt.f32 v8, v5;
	v8 =	vand.u32 $0x7, v31;
	v0 =	vadd.s32 v61, v0  }
0x477: {  	v34 =	vld.idx.msk [tilespmem:v63+s3+$0x0], $0xffff;
	v63 =	vsel vm2, $0x1, v21;
	vm2 =	veq.s32 v8, $0x0;
	v8 =	vand.u32 $0x7, v30  }
0x478: {  	v52 =	vld [tilespmem:s26+$0x0];
	vm1 =	vgt.f32 v41, v7;
	vm0 =	veq.s32 v8, $0x0;
	v8 =	vsel vm6, $0x1, v21  }
0x479: {  	v57 =	vld [tilespmem:s28+$0x0];
	v0 =	vadd.s32 v63, v0;
	v1 =	vadd.s32 v8, v1;
	v8 =	vsel vm1, $0x1, v21  }
0x47a: {  	v42 =	vld [tilespmem:s28+$0x10];
	vm1 =	vlt.s32 v0, $0x7FFFF;
	vm6 =	vgt.f32 v58, v62;
	v33 =	vadd.s32 v8, v1  }
0x47b: {  	v0 =	vnsel vm1, $0x7FFFF, v0;
	v8 =	vld [tilespmem:s29+$0x0];
	v55 =	vsel vm6, $0x1, v21;
	v5 =	vsel vm6, v62, v54  }
0x47c: {  	v41 =	vld [tilespmem:s26+$0x10];
	vm1 =	vlt.s32 v33, $0x7FFFF;
	vm6 =	vgt.f32 v49, v50;
	v2 =	vadd.s32 v55, v2  }
0x47d: {  	v35 =	vld [tilespmem:s28+$0xFFFFFFC0];
	vm5 =	vgt.f32 v58, v5;
	v58 =	vsel vm6, $0x1, v21;
	v61 =	vsel vm6, v50, v6  }
0x47e: {  	v40 =	vld [tilespmem:s29+$0x10];
	vm6 =	vgt.f32 v52, v57;
	v5 =	vsel vm5, $0x1, v21;
	v59 =	vadd.s32 v58, v3  }
0x47f: {  	v43 =	vld [tilespmem:s26+$0x20];
	vm5 =	vgt.f32 v49, v61;
	v63 =	vsel vm6, $0x1, v21;
	v36 =	vadd.s32 v5, v2  }
0x480: {  	v3 =	vsel vm5, $0x1, v21;
	v46 =	vadd.s32 v63, v4;
	v62 =	vsel vm4, v44, v8;
	v44 =	vld [tilespmem:s28+$0x20]  }
0x481: {  	s31 =	simm.s32 $0x12040;
	v38 =	vld [tilespmem:s29+$0x20];
	vm5 =	vgt.f32 v41, v42;
	v37 =	vadd.s32 v3, v59;
	v1 =	vsel vm6, v57, v62  }
0x482: {  	s4 =	simm.s32 $0x110C0;
	s30 =	simm.s32 $0x12040;
	s0 =	simm.s32 $0x0;
	v45 =	vld [tilespmem:s26+$0xFFFFFFC0];
	[tilespmem:s31+$0x30] =	vst v0;
	vm3 =	vlt.s32 v36, $0x7FFFF;
	vm4 =	vlt.s32 v37, $0x7FFFF;
	vm6 =	vgt.f32 v52, v1  }
.LBB2_15:
0x483: {  	v0 =	vld [tilespmem:s4+$0x30];
	s0 =	sadd.s32 $0x8, s0;
	v1 =	vsel vm6, $0x1, v21;
	v2 =	vsel vm2, v34, v40;
	v3 =	vsel vm5, $0x1, v21  }
0x484: {  	v4 =	vld [tilespmem:s4+$0xFFFFFFC0];
	p1 =	slt.u32 s0, $0x78;
	v1 =	vadd.s32 v1, v46;
	v3 =	vadd.s32 v3, v31;
	v2 =	vsel vm5, v42, v2  }
0x485: {  	v42 =	vld [tilespmem:s4+$0xFFFFFFD0];
	vm8 =	vlt.s32 v1, $0x7FFFF;
	vm2 =	vgt.f32 v41, v2;
	vm5 =	vgt.f32 v43, v44  }
0x486: {  	v41 =	vld [tilespmem:s4+$0xFFFFFFE0];
	v2 =	vsel vm2, $0x1, v21;
	v5 =	vsel vm0, v32, v38;
	v6 =	vsel vm5, $0x1, v21  }
0x487: {  	v40 =	vld [tilespmem:s4+$0xFFFFFFF0];
	vm11 =	vgt.f32 v45, v35;
	v6 =	vadd.s32 v6, v30;
	v5 =	vsel vm5, v44, v5  }
0x488: {  	v38 =	vld [tilespmem:s4+$0x0];
	v7 =	vshra.s32 v0, $0x3;
	v8 =	vsel vm11, v35, v39;
	vm12 =	vgt.f32 v43, v5  }
0x489: {  	v5 =	vand.u32 $0x7, v4;
	v32 =	vshra.s32 v4, $0x3;
	v31 =	vld [tilespmem:s4+$0x10];
	vm13 =	vgt.f32 v45, v8  }
0x48a: {  	s26 =	sadd.s32 $0x80, s26;
	vm10 =	veq.s32 v5, $0x0;
	v5 =	vand.u32 $0x7, v42;
	v8 =	vshra.s32 v42, $0x3;
	v30 =	vld [tilespmem:s4+$0x20]  }
0x48b: {  	s28 =	sadd.s32 $0x80, s28;
	vm9 =	veq.s32 v5, $0x0;
	v5 =	vand.u32 $0x7, v41;
	v34 =	vshra.s32 v41, $0x3;
	v35 =	vld [tilespmem:s26+$0x30]  }
0x48c: {  	vm7 =	veq.s32 v5, $0x0;
	v5 =	vand.u32 $0x7, v40;
	v39 =	vshra.s32 v40, $0x3;
	v43 =	vld [tilespmem:s28+$0x30]  }
0x48d: {  	s29 =	sadd.s32 $0x80, s29;
	vm6 =	veq.s32 v5, $0x0;
	v5 =	vand.u32 $0x7, v38;
	v44 =	vshra.s32 v38, $0x3;
	v7 =	vld.idx.msk [tilespmem:v7+s3+$0x0], $0xffff  }
0x48e: {  	vm5 =	veq.s32 v5, $0x0;
	v5 =	vand.u32 $0x7, v31;
	v45 =	vshra.s32 v31, $0x3;
	v46 =	vld [tilespmem:s29+$0x30]  }
0x48f: {  	v47 =	vld.idx.msk [tilespmem:v32+s3+$0x0], $0xffff;
	vm2 =	veq.s32 v5, $0x0;
	v5 =	vand.u32 $0x7, v30;
	v32 =	vshra.s32 v30, $0x3  }
0x490: {  	v48 =	vsel vm13, $0x1, v21;
	v8 =	vld.idx.msk [tilespmem:v8+s3+$0x0], $0xffff;
	vm0 =	veq.s32 v5, $0x0;
	v5 =	vsel vm11, $0x1, v21  }
0x491: {  	v50 =	vsel vm12, $0x1, v21;
	v49 =	vld.idx.msk [tilespmem:v34+s3+$0x0], $0xffff;
	v34 =	vand.u32 $0x7, v0;
	v5 =	vadd.s32 v5, v29;
	v29 =	vmovc v4  }
0x492: {  	v2 =	vadd.s32 v2, v3;
	v4 =	vld.idx.msk [tilespmem:v39+s3+$0x0], $0xffff;
	vm11 =	veq.s32 v34, $0x0;
	v5 =	vadd.s32 v48, v5  }
0x493: {  	v6 =	vadd.s32 v50, v6;
	v3 =	vld.idx.msk [tilespmem:v44+s3+$0x0], $0xffff;
	v7 =	vsel vm11, v7, v46;
	vm11 =	vgt.f32 v35, v43  }
0x494: {  	vm13 =	vlt.s32 v2, $0x7FFFF;
	vm12 =	vlt.s32 v5, $0x7FFFF;
	v34 =	vld.idx.msk [tilespmem:v45+s3+$0x0], $0xffff;
	v7 =	vsel vm11, v43, v7  }
0x495: {  	vm14 =	vlt.s32 v6, $0x7FFFF;
	v39 =	vsel vm11, $0x1, v21;
	v32 =	vld.idx.msk [tilespmem:v32+s3+$0x0], $0xffff;
	vm11 =	vgt.f32 v35, v7  }
0x496: {  	v5 =	vnsel vm12, $0x7FFFF, v5;
	v0 =	vadd.s32 v39, v0;
	v35 =	vld [tilespmem:s28+$0xFFFFFFC0];
	v7 =	vsel vm11, $0x1, v21  }
0x497: {  	v39 =	vld [tilespmem:s29+$0xFFFFFFC0];
	v0 =	vadd.s32 v7, v0;
	[tilespmem:s31+$0xFFFFFFC0] =	vst v5;
	v5 =	vnsel vm1, $0x7FFFF, v33;
	v7 =	vnsel vm3, $0x7FFFF, v36  }
0x498: {  	v1 =	vnsel vm8, $0x7FFFF, v1;
	v33 =	vld [tilespmem:s26+$0xFFFFFFD0];
	vm1 =	vlt.s32 v0, $0x7FFFF;
	[tilespmem:s31+$0xFFFFFFD0] =	vst v5;
	v5 =	vnsel vm4, $0x7FFFF, v37  }
0x499: {  	v2 =	vnsel vm13, $0x7FFFF, v2;
	v6 =	vnsel vm14, $0x7FFFF, v6;
	s31 =	sadd.s32 $0x80, s31;
	v36 =	vld [tilespmem:s28+$0xFFFFFFD0];
	v0 =	vnsel vm1, $0x7FFFF, v0;
	[tilespmem:s30+$0xFFFFFFE0] =	vst v7  }
0x49a: {  	v7 =	vld [tilespmem:s29+$0xFFFFFFD0];
	[tilespmem:s31+$0x30] =	vst v0  }
0x49b: {  	v0 =	vld [tilespmem:s26+$0xFFFFFFE0];
	[tilespmem:s30+$0xFFFFFFF0] =	vst v5  }
0x49c: {  	v39 =	vsel vm10, v47, v39;
	v5 =	vld [tilespmem:s28+$0xFFFFFFE0];
	[tilespmem:s30+$0x0] =	vst v1  }
0x49d: {  	v1 =	vld [tilespmem:s29+$0xFFFFFFE0];
	[tilespmem:s30+$0x10] =	vst v2  }
0x49e: {  	vm1 =	vgt.f32 v33, v36;
	v2 =	vld [tilespmem:s26+$0xFFFFFFF0];
	[tilespmem:s30+$0x20] =	vst v6;
	s30 =	smov.u32 s31  }
0x49f: {  	v6 =	vsel vm9, v8, v7;
	v7 =	vsel vm1, $0x1, v21;
	v8 =	vld [tilespmem:s28+$0xFFFFFFF0]  }
0x4a0: {  	v7 =	vadd.s32 v7, v42;
	v6 =	vsel vm1, v36, v6;
	v36 =	vld [tilespmem:s29+$0xFFFFFFF0]  }
0x4a1: {  	vm1 =	vgt.f32 v33, v6;
	vm3 =	vgt.f32 v0, v5;
	v6 =	vld [tilespmem:s26+$0x0]  }
0x4a2: {  	v33 =	vsel vm1, $0x1, v21;
	v1 =	vsel vm7, v49, v1;
	v37 =	vsel vm3, $0x1, v21;
	v45 =	vld [tilespmem:s28+$0x0]  }
0x4a3: {  	v33 =	vadd.s32 v33, v7;
	v7 =	vadd.s32 v37, v41;
	v1 =	vsel vm3, v5, v1;
	v5 =	vld [tilespmem:s29+$0x0]  }
0x4a4: {  	vm1 =	vlt.s32 v33, $0x7FFFF;
	vm3 =	vgt.f32 v0, v1;
	vm4 =	vgt.f32 v2, v8;
	v41 =	vld [tilespmem:s26+$0x10]  }
0x4a5: {  	v0 =	vsel vm3, $0x1, v21;
	v1 =	vsel vm6, v4, v36;
	v4 =	vsel vm4, $0x1, v21;
	v42 =	vld [tilespmem:s28+$0x10]  }
.Ltmp6:
0x4a6: {  	v36 =	vadd.s32 v0, v7;
	v0 =	vadd.s32 v4, v40;
	v1 =	vsel vm4, v8, v1;
	v40 =	vld [tilespmem:s29+$0x10];
	(pc) =	sbr.rel @p1 .LBB2_15-.Ltmp6, $4  }
0x4a7: {  	vm3 =	vlt.s32 v36, $0x7FFFF;
	vm4 =	vgt.f32 v2, v1;
	vm6 =	vgt.f32 v6, v45;
	v43 =	vld [tilespmem:s26+$0x20]  }
0x4a8: {  	v1 =	vsel vm4, $0x1, v21;
	v2 =	vsel vm5, v3, v5;
	v3 =	vsel vm6, $0x1, v21;
	v44 =	vld [tilespmem:s28+$0x20]  }
0x4a9: {  	v37 =	vadd.s32 v1, v0;
	v46 =	vadd.s32 v3, v38;
	v0 =	vsel vm6, v45, v2;
	v38 =	vld [tilespmem:s29+$0x20]  }
0x4aa: {  	s4 =	sadd.s32 $0x80, s4;
	v45 =	vld [tilespmem:s26+$0xFFFFFFC0];
	vm4 =	vlt.s32 v37, $0x7FFFF;
	vm6 =	vgt.f32 v6, v0;
	vm5 =	vgt.f32 v41, v42  }
0x4ab: {  	_ = 	snop  }
0x4ac: {  	v0 =	vsel vm6, $0x1, v21;
	v1 =	vsel vm2, v34, v40  }
0x4ad: {  	v2 =	vsel vm5, $0x1, v21;
	v49 =	vnsel vm1, $0x7FFFF, v33;
	v50 =	vnsel vm3, $0x7FFFF, v36  }
0x4ae: {  	v52 =	vnsel vm4, $0x7FFFF, v37;
	v0 =	vadd.s32 v0, v46;
	v1 =	vsel vm5, v42, v1  }
0x4af: {  	v2 =	vadd.s32 v2, v31;
	vm5 =	vgt.f32 v41, v1;
	vm6 =	vgt.f32 v45, v35  }
0x4b0: {  	v1 =	vsel vm5, $0x1, v21;
	v48 =	vsel vm0, v32, v38;
	v3 =	vsel vm6, v35, v39  }
0x4b1: {  	v1 =	vadd.s32 v1, v2;
	v47 =	vsel vm6, $0x1, v21;
	vm2 =	vgt.f32 v45, v3  }
0x4b2: {  	vm6 =	vgt.f32 v43, v44;
	v3 =	vadd.s32 v47, v29;
	v4 =	vsel vm2, $0x1, v21  }
0x4b3: {  	[tilespmem:s31+$0xFFFFFFD0] =	vst v49;
	v5 =	vsel vm6, $0x1, v21;
	v3 =	vadd.s32 v4, v3;
	v4 =	vsel vm6, v44, v48  }
0x4b4: {  	[tilespmem:s30+$0xFFFFFFE0] =	vst v50;
	vm2 =	vlt.s32 v0, $0x7FFFF;
	vm7 =	vlt.s32 v3, $0x7FFFF;
	vm0 =	vgt.f32 v43, v4  }
0x4b5: {  	[tilespmem:s30+$0xFFFFFFF0] =	vst v52;
	v5 =	vadd.s32 v5, v30;
	v3 =	vnsel vm7, $0x7FFFF, v3;
	v51 =	vsel vm0, $0x1, v21  }
0x4b6: {  	v0 =	vnsel vm2, $0x7FFFF, v0;
	vm0 =	vlt.s32 v1, $0x7FFFF;
	[tilespmem:s31+$0xFFFFFFC0] =	vst v3;
	v3 =	vadd.s32 v51, v5  }
0x4b7: {  	[tilespmem:s30+$0x0] =	vst v0;
	v1 =	vnsel vm0, $0x7FFFF, v1;
	vm1 =	vlt.s32 v3, $0x7FFFF  }
0x4b8: {  	[tilespmem:s30+$0x10] =	vst v1;
	v54 =	vnsel vm1, $0x7FFFF, v3  }
0x4b9: {  	[tilespmem:s30+$0x20] =	vst v54  }
0x4ba: {  	_ =	swait.ge [sflag:s18], $0x800  }
0x4bb: {  	[sflag:s18] =	ssyncset.done $0x0  }
0x4bc: {  	[sflag:s18] =	ssyncadd.s32 $0xFFFFF800  }
0x4bd: {  	_ =	swait.ge [sflag:s18], $0x800  }
0x4be: {  	[sflag:s18] =	ssyncset.done $0x0  }
0x4bf: {  	s0 =	simm.s32 $0x11870;
	[sflag:s18] =	ssyncadd.s32 $0xFFFFF800  }
0x4c0: {  	v0 =	vld [tilespmem:s0+$0x0]  }
0x4c1: {  	v29 =	vld [tilespmem:s0+$0xFFFFFF90]  }
0x4c2: {  	v1 =	vld [tilespmem:s0+$0xFFFFFFA0]  }
0x4c3: {  	v2 =	vld [tilespmem:s0+$0xFFFFFFB0]  }
0x4c4: {  	v3 =	vld [tilespmem:s0+$0xFFFFFFC0]  }
0x4c5: {  	v4 =	vld [tilespmem:s0+$0xFFFFFFD0]  }
0x4c6: {  	v31 =	vld [tilespmem:s0+$0xFFFFFFE0]  }
0x4c7: {  	s26 =	simm.s32 $0x10870;
	v30 =	vld [tilespmem:s0+$0xFFFFFFF0]  }
0x4c8: {  	s28 =	simm.s32 $0x14870;
	v8 =	vld [tilespmem:s26+$0x0]  }
0x4c9: {  	s29 =	simm.s32 $0x15870;
	v58 =	vld [tilespmem:s28+$0x0]  }
0x4ca: {  	v62 =	vld [tilespmem:s29+$0x0];
	v55 =	vshra.s32 v0, $0x3  }
0x4cb: {  	v37 =	vld [tilespmem:s29+$0xFFFFFF90];
	v6 =	vshra.s32 v29, $0x3  }
0x4cc: {  	v41 =	vld [tilespmem:s26+$0xFFFFFFA0];
	v7 =	vshra.s32 v1, $0x3  }
0x4cd: {  	v54 =	vld [tilespmem:s28+$0xFFFFFFA0];
	v57 =	vshra.s32 v2, $0x3;
	v51 =	vand.u32 $0x7, v0  }
0x4ce: {  	v59 =	vshra.s32 v3, $0x3;
	vm2 =	veq.s32 v51, $0x0;
	v51 =	vld [tilespmem:s29+$0xFFFFFFC0]  }
0x4cf: {  	v5 =	vld.idx.msk [tilespmem:v55+s3+$0x0], $0xffff  }
0x4d0: {  	v48 =	vshra.s32 v30, $0x3;
	v6 =	vld.idx.msk [tilespmem:v6+s3+$0x0], $0xffff  }
0x4d1: {  	v7 =	vld.idx.msk [tilespmem:v7+s3+$0x0], $0xffff  }
0x4d2: {  	v40 =	vld.idx.msk [tilespmem:v57+s3+$0x0], $0xffff  }
0x4d3: {  	v42 =	vld.idx.msk [tilespmem:v59+s3+$0x0], $0xffff  }
0x4d4: {  	v61 =	vshra.s32 v4, $0x3;
	v57 =	vld [tilespmem:s29+$0xFFFFFFA0]  }
0x4d5: {  	v63 =	vshra.s32 v31, $0x3;
	v49 =	vand.u32 $0x7, v29;
	v50 =	vand.u32 $0x7, v1;
	v32 =	vld.idx.msk [tilespmem:v48+s3+$0x0], $0xffff  }
0x4d6: {  	v52 =	vand.u32 $0x7, v2;
	vm6 =	vgt.f32 v41, v54;
	vm1 =	veq.s32 v49, $0x0;
	v48 =	vld [tilespmem:s29+$0xFFFFFFB0]  }
0x4d7: {  	vm0 =	veq.s32 v50, $0x0;
	v55 =	vand.u32 $0x7, v3;
	v59 =	vand.u32 $0x7, v4  }
0x4d8: {  	vm5 =	veq.s32 v52, $0x0;
	v49 =	vld [tilespmem:s26+$0xFFFFFFC0];
	vm3 =	veq.s32 v55, $0x0;
	vm4 =	veq.s32 v59, $0x0  }
0x4d9: {  	v44 =	vld.idx.msk [tilespmem:v61+s3+$0x0], $0xffff;
	v5 =	vsel vm2, v5, v62;
	vm2 =	vgt.f32 v8, v58;
	v7 =	vsel vm0, v7, v57  }
0x4da: {  	v62 =	vld [tilespmem:s28+$0xFFFFFFB0];
	v39 =	vsel vm1, v6, v37;
	v6 =	vsel vm3, v42, v51;
	v5 =	vsel vm2, v58, v5  }
0x4db: {  	v58 =	vld [tilespmem:s26+$0xFFFFFFB0];
	v61 =	vsel vm2, $0x1, v21;
	v7 =	vsel vm6, v54, v7;
	v54 =	vsel vm5, v40, v48  }
0x4dc: {  	v50 =	vld [tilespmem:s28+$0xFFFFFFC0];
	vm2 =	vgt.f32 v8, v5;
	v8 =	vand.u32 $0x7, v31;
	v0 =	vadd.s32 v61, v0  }
0x4dd: {  	v34 =	vld.idx.msk [tilespmem:v63+s3+$0x0], $0xffff;
	v63 =	vsel vm2, $0x1, v21;
	vm2 =	veq.s32 v8, $0x0;
	v8 =	vand.u32 $0x7, v30  }
0x4de: {  	v52 =	vld [tilespmem:s26+$0xFFFFFFD0];
	vm1 =	vgt.f32 v41, v7;
	vm0 =	veq.s32 v8, $0x0;
	v8 =	vsel vm6, $0x1, v21  }
0x4df: {  	v57 =	vld [tilespmem:s28+$0xFFFFFFD0];
	v0 =	vadd.s32 v63, v0;
	v1 =	vadd.s32 v8, v1;
	v8 =	vsel vm1, $0x1, v21  }
0x4e0: {  	v42 =	vld [tilespmem:s28+$0xFFFFFFE0];
	vm1 =	vlt.s32 v0, $0x7FFFF;
	vm6 =	vgt.f32 v58, v62;
	v33 =	vadd.s32 v8, v1  }
0x4e1: {  	v0 =	vnsel vm1, $0x7FFFF, v0;
	v8 =	vld [tilespmem:s29+$0xFFFFFFD0];
	v55 =	vsel vm6, $0x1, v21;
	v5 =	vsel vm6, v62, v54  }
0x4e2: {  	v41 =	vld [tilespmem:s26+$0xFFFFFFE0];
	vm1 =	vlt.s32 v33, $0x7FFFF;
	vm6 =	vgt.f32 v49, v50;
	v2 =	vadd.s32 v55, v2  }
0x4e3: {  	v35 =	vld [tilespmem:s28+$0xFFFFFF90];
	vm5 =	vgt.f32 v58, v5;
	v58 =	vsel vm6, $0x1, v21;
	v61 =	vsel vm6, v50, v6  }
0x4e4: {  	v40 =	vld [tilespmem:s29+$0xFFFFFFE0];
	vm6 =	vgt.f32 v52, v57;
	v5 =	vsel vm5, $0x1, v21;
	v59 =	vadd.s32 v58, v3  }
0x4e5: {  	v43 =	vld [tilespmem:s26+$0xFFFFFFF0];
	vm5 =	vgt.f32 v49, v61;
	v63 =	vsel vm6, $0x1, v21;
	v36 =	vadd.s32 v5, v2  }
0x4e6: {  	v3 =	vsel vm5, $0x1, v21;
	v46 =	vadd.s32 v63, v4;
	v62 =	vsel vm4, v44, v8;
	v44 =	vld [tilespmem:s28+$0xFFFFFFF0]  }
0x4e7: {  	s31 =	simm.s32 $0x12870;
	v38 =	vld [tilespmem:s29+$0xFFFFFFF0];
	vm5 =	vgt.f32 v41, v42;
	v37 =	vadd.s32 v3, v59;
	v1 =	vsel vm6, v57, v62  }
0x4e8: {  	s4 =	simm.s32 $0x118F0;
	s30 =	simm.s32 $0x12870;
	s0 =	simm.s32 $0x80;
	v45 =	vld [tilespmem:s26+$0xFFFFFF90];
	[tilespmem:s31+$0x0] =	vst v0;
	vm3 =	vlt.s32 v36, $0x7FFFF;
	vm4 =	vlt.s32 v37, $0x7FFFF;
	vm6 =	vgt.f32 v52, v1  }
.LBB2_17:
0x4e9: {  	v0 =	vld [tilespmem:s4+$0x0];
	s0 =	sadd.s32 $0x8, s0;
	v1 =	vsel vm6, $0x1, v21;
	v2 =	vsel vm2, v34, v40;
	v3 =	vsel vm5, $0x1, v21  }
0x4ea: {  	v4 =	vld [tilespmem:s4+$0xFFFFFF90];
	p1 =	slt.u32 s0, $0xF8;
	v1 =	vadd.s32 v1, v46;
	v3 =	vadd.s32 v3, v31;
	v2 =	vsel vm5, v42, v2  }
0x4eb: {  	v42 =	vld [tilespmem:s4+$0xFFFFFFA0];
	vm8 =	vlt.s32 v1, $0x7FFFF;
	vm2 =	vgt.f32 v41, v2;
	vm5 =	vgt.f32 v43, v44  }
0x4ec: {  	v41 =	vld [tilespmem:s4+$0xFFFFFFB0];
	v2 =	vsel vm2, $0x1, v21;
	v5 =	vsel vm0, v32, v38;
	v6 =	vsel vm5, $0x1, v21  }
0x4ed: {  	v40 =	vld [tilespmem:s4+$0xFFFFFFC0];
	vm11 =	vgt.f32 v45, v35;
	v6 =	vadd.s32 v6, v30;
	v5 =	vsel vm5, v44, v5  }
0x4ee: {  	v38 =	vld [tilespmem:s4+$0xFFFFFFD0];
	v7 =	vshra.s32 v0, $0x3;
	v8 =	vsel vm11, v35, v39;
	vm12 =	vgt.f32 v43, v5  }
0x4ef: {  	v5 =	vand.u32 $0x7, v4;
	v32 =	vshra.s32 v4, $0x3;
	v31 =	vld [tilespmem:s4+$0xFFFFFFE0];
	vm13 =	vgt.f32 v45, v8  }
0x4f0: {  	s26 =	sadd.s32 $0x80, s26;
	vm10 =	veq.s32 v5, $0x0;
	v5 =	vand.u32 $0x7, v42;
	v8 =	vshra.s32 v42, $0x3;
	v30 =	vld [tilespmem:s4+$0xFFFFFFF0]  }
0x4f1: {  	s28 =	sadd.s32 $0x80, s28;
	vm9 =	veq.s32 v5, $0x0;
	v5 =	vand.u32 $0x7, v41;
	v34 =	vshra.s32 v41, $0x3;
	v35 =	vld [tilespmem:s26+$0x0]  }
0x4f2: {  	vm7 =	veq.s32 v5, $0x0;
	v5 =	vand.u32 $0x7, v40;
	v39 =	vshra.s32 v40, $0x3;
	v43 =	vld [tilespmem:s28+$0x0]  }
0x4f3: {  	s29 =	sadd.s32 $0x80, s29;
	vm6 =	veq.s32 v5, $0x0;
	v5 =	vand.u32 $0x7, v38;
	v44 =	vshra.s32 v38, $0x3;
	v7 =	vld.idx.msk [tilespmem:v7+s3+$0x0], $0xffff  }
0x4f4: {  	vm5 =	veq.s32 v5, $0x0;
	v5 =	vand.u32 $0x7, v31;
	v45 =	vshra.s32 v31, $0x3;
	v46 =	vld [tilespmem:s29+$0x0]  }
0x4f5: {  	v47 =	vld.idx.msk [tilespmem:v32+s3+$0x0], $0xffff;
	vm2 =	veq.s32 v5, $0x0;
	v5 =	vand.u32 $0x7, v30;
	v32 =	vshra.s32 v30, $0x3  }
0x4f6: {  	v48 =	vsel vm13, $0x1, v21;
	v8 =	vld.idx.msk [tilespmem:v8+s3+$0x0], $0xffff;
	vm0 =	veq.s32 v5, $0x0;
	v5 =	vsel vm11, $0x1, v21  }
0x4f7: {  	v50 =	vsel vm12, $0x1, v21;
	v49 =	vld.idx.msk [tilespmem:v34+s3+$0x0], $0xffff;
	v34 =	vand.u32 $0x7, v0;
	v5 =	vadd.s32 v5, v29;
	v29 =	vmovc v4  }
0x4f8: {  	v2 =	vadd.s32 v2, v3;
	v4 =	vld.idx.msk [tilespmem:v39+s3+$0x0], $0xffff;
	vm11 =	veq.s32 v34, $0x0;
	v5 =	vadd.s32 v48, v5  }
0x4f9: {  	v6 =	vadd.s32 v50, v6;
	v3 =	vld.idx.msk [tilespmem:v44+s3+$0x0], $0xffff;
	v7 =	vsel vm11, v7, v46;
	vm11 =	vgt.f32 v35, v43  }
0x4fa: {  	vm13 =	vlt.s32 v2, $0x7FFFF;
	vm12 =	vlt.s32 v5, $0x7FFFF;
	v34 =	vld.idx.msk [tilespmem:v45+s3+$0x0], $0xffff;
	v7 =	vsel vm11, v43, v7  }
0x4fb: {  	vm14 =	vlt.s32 v6, $0x7FFFF;
	v39 =	vsel vm11, $0x1, v21;
	v32 =	vld.idx.msk [tilespmem:v32+s3+$0x0], $0xffff;
	vm11 =	vgt.f32 v35, v7  }
0x4fc: {  	v5 =	vnsel vm12, $0x7FFFF, v5;
	v0 =	vadd.s32 v39, v0;
	v35 =	vld [tilespmem:s28+$0xFFFFFF90];
	v7 =	vsel vm11, $0x1, v21  }
0x4fd: {  	v39 =	vld [tilespmem:s29+$0xFFFFFF90];
	v0 =	vadd.s32 v7, v0;
	[tilespmem:s31+$0xFFFFFF90] =	vst v5;
	v5 =	vnsel vm1, $0x7FFFF, v33;
	v7 =	vnsel vm3, $0x7FFFF, v36  }
0x4fe: {  	v1 =	vnsel vm8, $0x7FFFF, v1;
	v33 =	vld [tilespmem:s26+$0xFFFFFFA0];
	vm1 =	vlt.s32 v0, $0x7FFFF;
	[tilespmem:s31+$0xFFFFFFA0] =	vst v5;
	v5 =	vnsel vm4, $0x7FFFF, v37  }
0x4ff: {  	v2 =	vnsel vm13, $0x7FFFF, v2;
	v6 =	vnsel vm14, $0x7FFFF, v6;
	s31 =	sadd.s32 $0x80, s31;
	v36 =	vld [tilespmem:s28+$0xFFFFFFA0];
	v0 =	vnsel vm1, $0x7FFFF, v0;
	[tilespmem:s30+$0xFFFFFFB0] =	vst v7  }
0x500: {  	v7 =	vld [tilespmem:s29+$0xFFFFFFA0];
	[tilespmem:s31+$0x0] =	vst v0  }
0x501: {  	v0 =	vld [tilespmem:s26+$0xFFFFFFB0];
	[tilespmem:s30+$0xFFFFFFC0] =	vst v5  }
0x502: {  	v39 =	vsel vm10, v47, v39;
	v5 =	vld [tilespmem:s28+$0xFFFFFFB0];
	[tilespmem:s30+$0xFFFFFFD0] =	vst v1  }
0x503: {  	v1 =	vld [tilespmem:s29+$0xFFFFFFB0];
	[tilespmem:s30+$0xFFFFFFE0] =	vst v2  }
0x504: {  	vm1 =	vgt.f32 v33, v36;
	v2 =	vld [tilespmem:s26+$0xFFFFFFC0];
	[tilespmem:s30+$0xFFFFFFF0] =	vst v6;
	s30 =	smov.u32 s31  }
0x505: {  	v6 =	vsel vm9, v8, v7;
	v7 =	vsel vm1, $0x1, v21;
	v8 =	vld [tilespmem:s28+$0xFFFFFFC0]  }
0x506: {  	v7 =	vadd.s32 v7, v42;
	v6 =	vsel vm1, v36, v6;
	v36 =	vld [tilespmem:s29+$0xFFFFFFC0]  }
0x507: {  	vm1 =	vgt.f32 v33, v6;
	vm3 =	vgt.f32 v0, v5;
	v6 =	vld [tilespmem:s26+$0xFFFFFFD0]  }
0x508: {  	v33 =	vsel vm1, $0x1, v21;
	v1 =	vsel vm7, v49, v1;
	v37 =	vsel vm3, $0x1, v21;
	v45 =	vld [tilespmem:s28+$0xFFFFFFD0]  }
0x509: {  	v33 =	vadd.s32 v33, v7;
	v7 =	vadd.s32 v37, v41;
	v1 =	vsel vm3, v5, v1;
	v5 =	vld [tilespmem:s29+$0xFFFFFFD0]  }
0x50a: {  	vm1 =	vlt.s32 v33, $0x7FFFF;
	vm3 =	vgt.f32 v0, v1;
	vm4 =	vgt.f32 v2, v8;
	v41 =	vld [tilespmem:s26+$0xFFFFFFE0]  }
0x50b: {  	v0 =	vsel vm3, $0x1, v21;
	v1 =	vsel vm6, v4, v36;
	v4 =	vsel vm4, $0x1, v21;
	v42 =	vld [tilespmem:s28+$0xFFFFFFE0]  }
.Ltmp7:
0x50c: {  	v36 =	vadd.s32 v0, v7;
	v0 =	vadd.s32 v4, v40;
	v1 =	vsel vm4, v8, v1;
	v40 =	vld [tilespmem:s29+$0xFFFFFFE0];
	(pc) =	sbr.rel @p1 .LBB2_17-.Ltmp7, $4  }
0x50d: {  	vm3 =	vlt.s32 v36, $0x7FFFF;
	vm4 =	vgt.f32 v2, v1;
	vm6 =	vgt.f32 v6, v45;
	v43 =	vld [tilespmem:s26+$0xFFFFFFF0]  }
0x50e: {  	v1 =	vsel vm4, $0x1, v21;
	v2 =	vsel vm5, v3, v5;
	v3 =	vsel vm6, $0x1, v21;
	v44 =	vld [tilespmem:s28+$0xFFFFFFF0]  }
0x50f: {  	v37 =	vadd.s32 v1, v0;
	v46 =	vadd.s32 v3, v38;
	v0 =	vsel vm6, v45, v2;
	v38 =	vld [tilespmem:s29+$0xFFFFFFF0]  }
0x510: {  	s4 =	sadd.s32 $0x80, s4;
	v45 =	vld [tilespmem:s26+$0xFFFFFF90];
	vm4 =	vlt.s32 v37, $0x7FFFF;
	vm6 =	vgt.f32 v6, v0;
	vm5 =	vgt.f32 v41, v42  }
0x511: {  	_ = 	snop  }
0x512: {  	v0 =	vsel vm2, v34, v40;
	v1 =	vsel vm6, $0x1, v21  }
0x513: {  	v2 =	vsel vm5, $0x1, v21;
	v59 =	vnsel vm1, $0x7FFFF, v33;
	v61 =	vnsel vm3, $0x7FFFF, v36  }
0x514: {  	v63 =	vnsel vm4, $0x7FFFF, v37;
	v1 =	vadd.s32 v1, v46;
	v0 =	vsel vm5, v42, v0  }
0x515: {  	v2 =	vadd.s32 v2, v31;
	vm9 =	vgt.f32 v41, v0;
	vm14 =	vgt.f32 v45, v35  }
0x516: {  	vm10 =	vlt.s32 v1, $0x7FFFF;
	vm12 =	vgt.f32 v43, v44;
	v3 =	vsel vm14, v35, v39  }
0x517: {  	v57 =	vsel vm9, $0x1, v21;
	v54 =	vsel vm14, $0x1, v21;
	vm15 =	vgt.f32 v45, v3  }
0x518: {  	v58 =	vsel vm0, v32, v38;
	v3 =	vadd.s32 v54, v29;
	v4 =	vsel vm15, $0x1, v21  }
0x519: {  	[tilespmem:s31+$0xFFFFFFA0] =	vst v59;
	v5 =	vsel vm12, $0x1, v21;
	v55 =	vadd.s32 v4, v3;
	v4 =	vsel vm12, v44, v58  }
0x51a: {  	[tilespmem:s30+$0xFFFFFFB0] =	vst v61;
	v5 =	vadd.s32 v5, v30;
	vm11 =	vlt.s32 v55, $0x7FFFF;
	vm13 =	vgt.f32 v43, v4  }
0x51b: {  	[tilespmem:s30+$0xFFFFFFC0] =	vst v63;
	v2 =	vadd.s32 v57, v2;
	v0 =	vnsel vm11, $0x7FFFF, v55;
	v62 =	vsel vm13, $0x1, v21  }
0x51c: {  	v1 =	vnsel vm10, $0x7FFFF, v1;
	vm14 =	vlt.s32 v2, $0x7FFFF;
	[tilespmem:s31+$0xFFFFFF90] =	vst v0;
	v0 =	vadd.s32 v62, v5  }
0x51d: {  	s24 =	sadd.s32 $0x1, s24;
	[tilespmem:s30+$0xFFFFFFD0] =	vst v1;
	v2 =	vnsel vm14, $0x7FFFF, v2;
	vm15 =	vlt.s32 v0, $0x7FFFF  }
0x51e: {  	p1 =	sne.s32 s24, $0x30;
	[tilespmem:s30+$0xFFFFFFE0] =	vst v2;
	v0 =	vnsel vm15, $0x7FFFF, v0  }
.Ltmp8:
0x51f: {  	s0 =	sadd.s32 s6, s25;
	[tilespmem:s30+$0xFFFFFFF0] =	vst v0;
	(pc) =	sbr.rel @p1 .LBB2_2-.Ltmp8, $4  }
0x520: {  	[hbm4b:s0+s3] =	stream.linear.scatter [tilespmem:s13], [sflag:$0x3], $0x1000, $0x38;
	[tilespmem:$0x1D000] =	vst v63  }
0x521: {  	_ =	swait.ge [sflag:s9], $0x1000  }
0x522: {  	[sflag:s9] =	ssyncset.done $0x0  }
0x523: {  	[sflag:s9] =	ssyncadd.s32 $0xFFFFF000  }
0x524: {  	s23 =	sadd.s32 $0x1, s23;
	s0 =	rddreg [dreg:$0x6]  }
0x525: {  	p1 =	sne.s32 s23, s0  }
.Ltmp9:
0x526: {  	_ = 	snop;
	(pc) =	sbr.rel @p1 .LBB2_1-.Ltmp9, $2  }
0x527: {  	_ =	sdelay $0x2  }
0x528: {  	v1 =	vimm.s32 $0x4000  }
0x529: {  	_ =	sfence.sel $0x180000  }
0x52a: {  	[bflag:$0x0] =	sbarrier.arrive $0xFFFF  }
0x52b: {  	_ =	strace $0x90000047  }
0x52c: {  	[bflag:$0x2] =	sbarrier.arrive $0xFFFF  }
0x52d: {  	s0 =	rddreg [dreg:$0x3]  }
0x52e: {  	s0 =	sadd.s32 @!p0 $0x100000, s0  }
0x52f: {  	[sflag:s0] =	ssyncadd.tile.s32 @!p0 $0x1;
	_ =	shalt  }
.Lfunc_end2:
_tile_overlayer_lowered:
.L_overlay_start_2:
0x530: {  	(tag) =	ssettag $0x2  }
0x531: {  	s0 =	rddreg [dreg:$0x0];
	s2 =	stileid.u32  }
0x532: {  	s1 =	rddreg [dreg:$0x1];
	p0 =	sne.s32 s2, $0x0  }
0x533: {  	s3 =	rddreg [dreg:$0x2];
	[bflag:$0x3] =	sbarrier.arrive $0xFFFF;
	s2 =	simm.s32 @!p0 $0x1C03  }
0x534: {  	[timem:s3], [sflag:s2] =	dma.local @!p0 [hbm:s0], s1  }
0x535: {  	s0 =	simm.s32 @!p0 $0x3  }
0x536: {  	_ =	swait.ge @!p0 [sflag:s0], s1  }
0x537: {  	s1 =	ssub.s32 @!p0 $0x0, s1;
	[sflag:s0] =	ssyncset.done @!p0 $0x0  }
0x538: {  	[sflag:s0] =	ssyncadd.s32 @!p0 s1  }
0x539: {  	[bflag:$0x3] =	sbarrier.arrive $0xFFFF  }
0x53a: {  	_ =	shalt  }

// kernel: kernel.7.cloned.1.call-start
scs
__scs_entry_jumppad:
0x0: {  	(pc) =	sbr.rel $0x88, $3  }
0x1: {  	(tag) =	ssettag $0x0;
	lr =	simm.s32 $0x1  }
0x2: {  	[smem:$0x3F9F] =	sst lr;
	_ =	strace $0xD0000000  }
0x3: {  	_ = 	snop  }
0x4: {  	_ = 	snop  }
0x5: {  	_ = 	snop  }
0x6: {  	_ = 	snop  }
0x7: {  	_ = 	snop  }
__scs_overlays_trampoline_lowered:
0x8: {  	[smem:$0x3FAE] =	sst s0  }
0x9: {  	[smem:$0x3FAF] =	sst s1  }
0xa: {  	[smem:$0x3FB0] =	sst s2  }
0xb: {  	[smem:$0x3FB1] =	sst s3  }
0xc: {  	[smem:$0x3FB2] =	sst s4  }
0xd: {  	[smem:$0x3FB3] =	sst s5  }
0xe: {  	[smem:$0x3FB4] =	sst s6  }
0xf: {  	[smem:$0x3FB5] =	sst s7  }
0x10: {  	[smem:$0x3FB6] =	sst s8  }
0x11: {  	[smem:$0x3FB7] =	sst s9;
	s0 =	simm.s32 @!p0 $0x0  }
0x12: {  	s1 =	sld [smem:$0x3F9D];
	s0 =	simm.s32 @p0 $0x1  }
0x13: {  	[smem:$0x3FB8] =	sst s0;
	s0 =	simm.s32 @!p1 $0x0  }
0x14: {  	s2 =	sld [smem:$0x3F9C];
	s0 =	simm.s32 @p1 $0x1  }
0x15: {  	[smem:$0x3FB9] =	sst s0;
	s0 =	simm.s32 @!p2 $0x0  }
0x16: {  	s3 =	sld [smem:$0x3FDB];
	s0 =	simm.s32 @p2 $0x1  }
0x17: {  	s4 =	simm.s32 $0x1BF5;
	[smem:$0x3FBB] =	sst s0  }
0x18: {  	s0 =	sld [smem:$0x3F9E];
	_ =	swait.ge [sflag:s4], $0x0  }
0x19: {  	s7 =	sld [smem:$0x3F9F]  }
0x1a: {  	s8 =	sadd.s32 $0xFFFFE003, lr  }
0x1b: {  	s9 =	sadd.s32 $0xFFFFFEF7, lr;
	s5 =	simm.s32 $0xFFFFFFFF;
	p2 =	slt.u32 s8, $0xFFFFF086  }
0x1c: {  	p1 =	slt.u32 s9, $0xF7A;
	s5 =	simm.s32 @!p2 $0x0  }
0x1d: {  	s5 =	simm.s32 @p1 $0x1;
	p0 =	seq.s32 s7, s2  }
0x1e: {  	s7 =	smul.u32 @!p0 $0xF7A, s2;
	p2 =	seq.s32 @!p0 s5, $0x0  }
0x1f: {  	s9 =	smul.u32 $0xF7A, s1;
	s8 =	simm.s32 @!p0 $0x1BF5;
	p2 =	por !p2, p0  }
0x20: {  	[sflag:s8] =	ssyncset.s32 @!p0 $0xFFFFF086;
	s6 =	sadd.s32 @!p0 s3, s7;
	s7 =	simm.s32 @!p0 $0x108  }
0x21: {  	s3 =	sadd.s32 s3, s9;
	s6 =	sadd.s32 @!p0 $0x88, s6;
	s7 =	simm.s32 @p2 $0x1082  }
0x22: {  	[simem:s7], [sflag:s8] =	dma.local @!p0 [hbm:s6], $0xF7A  }
0x23: {  	s9 =	sor.u32 $0xD0000000, s2;
	s6 =	simm.s32 $0x108;
	_ =	swait.ge @!p0 [sflag:s8], $0x0  }
0x24: {  	s3 =	sadd.s32 $0x88, s3;
	s6 =	simm.s32 @!p1 $0x1082;
	[sflag:s4] =	ssyncset.s32 $0xFFFFF086  }
0x25: {  	[simem:s6], [sflag:s4] =	dma.local [hbm:s3], $0xF7A  }
0x26: {  	[smem:$0x3F9F] =	sst s1;
	(tag) =	ssettag s2;
	_ =	strace s9  }
0x27: {  	s1 =	sld [smem:$0x3FAF]  }
0x28: {  	s2 =	sld [smem:$0x3FB0]  }
0x29: {  	s4 =	sld [smem:$0x3FB2]  }
0x2a: {  	p0 =	seq.s32 s5, $0x0;
	s5 =	sld [smem:$0x3FB3]  }
0x2b: {  	s6 =	sld [smem:$0x3FB4]  }
0x2c: {  	s7 =	sld [smem:$0x3FB5]  }
0x2d: {  	s3 =	simm.s32 $0x108;
	s8 =	sld [smem:$0x3FB6]  }
0x2e: {  	s3 =	simm.s32 @!p0 $0x1082;
	s9 =	sld [smem:$0x3FB7]  }
0x2f: {  	lr =	sadd.s32 s0, s3;
	s0 =	sld [smem:$0x3FAE]  }
0x30: {  	s3 =	sld [smem:$0x3FB1]  }
0x31: {  	[smem:$0x3FBA] =	sst s10  }
0x32: {  	s10 =	sld [smem:$0x3FB8];
	_ =	sdelay $0x3  }
0x33: {  	p0 =	seq.s32 s10, $0x1;
	s10 =	sld [smem:$0x3FBA];
	_ =	sdelay $0x3  }
0x34: {  	[smem:$0x3FBA] =	sst s10  }
0x35: {  	s10 =	sld [smem:$0x3FB9];
	_ =	sdelay $0x3  }
0x36: {  	p1 =	seq.s32 s10, $0x1;
	s10 =	sld [smem:$0x3FBA];
	_ =	sdelay $0x3  }
0x37: {  	[smem:$0x3FBA] =	sst s10  }
0x38: {  	s10 =	sld [smem:$0x3FBB]  }
0x39: {  	_ = 	snop;
	(pc) =	sbr.ind lr, $3  }
0x3a: {  	_ = 	snop  }
0x3b: {  	_ = 	snop  }
0x3c: {  	p2 =	seq.s32 s10, $0x1;
	s10 =	sld [smem:$0x3FBA]  }
0x3d: {  	_ =	shalt  }
0x3e: {  	_ =	shalt  }
0x3f: {  	_ =	shalt  }
0x40: {  	_ =	shalt  }
0x41: {  	_ =	shalt  }
0x42: {  	_ =	shalt  }
0x43: {  	_ =	shalt  }
0x44: {  	_ =	shalt  }
0x45: {  	_ =	shalt  }
0x46: {  	_ =	shalt  }
0x47: {  	_ =	shalt  }
0x48: {  	_ =	shalt  }
0x49: {  	_ =	shalt  }
0x4a: {  	_ =	shalt  }
0x4b: {  	_ =	shalt  }
0x4c: {  	_ =	shalt  }
0x4d: {  	_ =	shalt  }
0x4e: {  	_ =	shalt  }
0x4f: {  	_ =	shalt  }
0x50: {  	_ =	shalt  }
0x51: {  	_ =	shalt  }
0x52: {  	_ =	shalt  }
0x53: {  	_ =	shalt  }
0x54: {  	_ =	shalt  }
0x55: {  	_ =	shalt  }
0x56: {  	_ =	shalt  }
0x57: {  	_ =	shalt  }
0x58: {  	_ =	shalt  }
0x59: {  	_ =	shalt  }
0x5a: {  	_ =	shalt  }
0x5b: {  	_ =	shalt  }
0x5c: {  	_ =	shalt  }
0x5d: {  	_ =	shalt  }
0x5e: {  	_ =	shalt  }
0x5f: {  	_ =	shalt  }
0x60: {  	_ =	shalt  }
0x61: {  	_ =	shalt  }
0x62: {  	_ =	shalt  }
0x63: {  	_ =	shalt  }
0x64: {  	_ =	shalt  }
0x65: {  	_ =	shalt  }
0x66: {  	_ =	shalt  }
0x67: {  	_ =	shalt  }
0x68: {  	_ =	shalt  }
0x69: {  	_ =	shalt  }
0x6a: {  	_ =	shalt  }
0x6b: {  	_ =	shalt  }
0x6c: {  	_ =	shalt  }
0x6d: {  	_ =	shalt  }
0x6e: {  	_ =	shalt  }
0x6f: {  	_ =	shalt  }
0x70: {  	_ =	shalt  }
0x71: {  	_ =	shalt  }
0x72: {  	_ =	shalt  }
0x73: {  	_ =	shalt  }
0x74: {  	_ =	shalt  }
0x75: {  	_ =	shalt  }
0x76: {  	_ =	shalt  }
0x77: {  	_ =	shalt  }
0x78: {  	_ =	shalt  }
0x79: {  	_ =	shalt  }
0x7a: {  	_ =	shalt  }
0x7b: {  	_ =	shalt  }
0x7c: {  	_ =	shalt  }
0x7d: {  	_ =	shalt  }
0x7e: {  	_ =	shalt  }
0x7f: {  	_ =	shalt  }
0x80: {  	_ =	shalt  }
0x81: {  	_ =	shalt  }
0x82: {  	_ =	shalt  }
0x83: {  	_ =	shalt  }
0x84: {  	_ =	shalt  }
0x85: {  	_ =	shalt  }
0x86: {  	_ =	shalt  }
0x87: {  	_ =	shalt  }
.Lfunc_end0:
.L_simem_size_0:
called_computation.1_lowered:
.L_overlay_start_0:
0x88: {  	s2 =	sld [smem:$0x3FD9]  }
0x89: {  	s3 =	sld [smem:$0x3FFE];
	_ =	sdelay $0x1  }
0x8a: {  	s1 =	srdreg.scid  }
0x8b: {  	s0 =	sand.u32 $0x1, s1  }
0x8c: {  	s16 =	sshll.u32 s0, $0xA;
	s2 =	sadd.s32 s3, s2  }
0x8d: {  	s2 =	sadd.s32 s2, s16  }
0x8e: {  	[smem:$0x3FC6] =	sst s2  }
0x8f: {  	_ = 	snop  }
0x90: {  	(tm) =	ssettm $0x1  }
0x91: {  	s17 =	sld [smem:$0x3FFB];
	_ =	sdelay $0x3  }
0x92: {  	_ =	strace s17  }
0x93: {  	s2 =	sld [smem:$0x3FFC];
	_ =	sdelay $0x3  }
0x94: {  	_ =	strace s2  }
0x95: {  	s2 =	sld [smem:$0x3FFD];
	_ =	sdelay $0x3  }
0x96: {  	_ =	strace s2  }
0x97: {  	_ =	strace $0x8FFFFFFF  }
0x98: {  	s18 =	sld [smem:$0x3FDB];
	_ =	sdelay $0x1  }
0x99: {  	s19 =	simm.s32 $_scs_section_size  }
0x9a: {  	s4 =	simm.s32 $_size__tile_overlayer_lowered;
	s5 =	simm.s32 $_tile_overlayer_lowered  }
0x9b: {  	s22 =	simm.s32 $0x1BFF;
	s21 =	sshll.u32 s5, $0x1;
	s2 =	sadd.s32 s19, s18  }
0x9c: {  	s6 =	simm.s32 $0x0;
	s20 =	sshll.u32 s4, $0x1;
	s4 =	sadd.s32 s21, s2  }
0x9d: {  	[timem:s6], [sflag:s22] =	dma.local [hbm:s4], s20  }
0x9e: {  	_ =	swait.ge [sflag:s22], s20  }
0x9f: {  	s3 =	ssub.s32 $0x0, s20;
	[sflag:s22] =	ssyncset.done $0x0  }
0xa0: {  	[sflag:s22] =	ssyncadd.s32 s3;
	_ =	sdelay $0x1  }
0xa1: {  	s23 =	simm.s32 $0x1B8B  }
0xa2: {  	_ =	swait.ge [sflag:s23], $0x1  }
0xa3: {  	[sflag:s23] =	ssyncset.done $0x0  }
0xa4: {  	s25 =	simm.s32 $0x1B8E;
	s24 =	sld [smem:$0x3FFE];
	[sflag:s23] =	ssyncadd.s32 $0xFFFFFFFF  }
0xa5: {  	s26 =	simm.s32 $execute0_lowered;
	[smem:$0x3FD2] =	sst s25  }
0xa6: {  	s4 =	sshll.u32 s26, $0x1;
	_ =	strace $0x80000049;
	[dreg:$0x1] =	wrdreg $0xFFFFFFFF  }
0xa7: {  	s28 =	simm.s32 $_size_execute0_lowered;
	s2 =	sadd.s32 s2, s4;
	[dreg:$0x0] =	wrdreg $0x0  }
0xa8: {  	s4 =	sshll.u32 s28, $0x1;
	[dreg:$0x2] =	wrdreg s2  }
0xa9: {  	[dreg:$0x3] =	wrdreg s4  }
0xaa: {  	[dreg:$0x4] =	wrdreg $0xC0  }
0xab: {  	_ =	task [dreg:s6], $0x5FFFF  }
0xac: {  	[dreg:$0x1] =	wrdreg $0xFFFFFFFF  }
0xad: {  	[dreg:$0x0] =	wrdreg $0x60  }
0xae: {  	[dreg:$0x2] =	wrdreg s24  }
0xaf: {  	[dreg:$0x3] =	wrdreg $0x20000  }
0xb0: {  	[dreg:$0x4] =	wrdreg $0x9  }
0xb1: {  	_ =	task.clear_ibuf [dreg:s6], $0x5FFFF;
	_ =	strace $0x90000049  }
0xb2: {  	s29 =	simm.s32 $0x9;
	_ =	strace $0x8000004B  }
0xb3: {  	_ =	swait.ge [sflag:s29], $0x1  }
0xb4: {  	[sflag:s29] =	ssyncadd.s32 $0xFFFFFFFF  }
0xb5: {  	_ =	strace $0x9000004B  }
0xb6: {  	_ =	sfence  }
0xb7: {  	s30 =	sld [smem:$0x0];
	_ =	sdelay $0x2  }
0xb8: {  	s31 =	sshll.u32 s1, $0xD;
	s1 =	sshrl.u32 s1, $0x2  }
0xb9: {  	s3 =	sand.u32 $0x4000, s31;
	s1 =	sadd.s32 s1, s30  }
0xba: {  	s0 =	sor.u32 s3, s0;
	s1 =	sshll.u32 s1, $0x11  }
0xbb: {  	s0 =	sor.u32 s1, s0  }
0xbc: {  	s0 =	sadd.s32 $0x8F2B, s0  }
0xbd: {  	[sflag:s0] =	ssyncadd.remote.s32 $0x1  }
0xbe: {  	_ =	sfence.sel $0xFFFF  }
0xbf: {  	[dreg:$0x0] =	wrdreg $0xFFFFFFFF;
	(pc) =	sbr.abs _section_cstart, $3  }
0xc0: {  	[dreg:$0x1] =	wrdreg $0xFFFFFFFF  }
0xc1: {  	_ =	task.clear_ibuf [dreg:s6], $0x2FFFF;
	_ =	strace $0x9FFFFFFF  }
0xc2: {  	(tm) =	ssettm $0x7FFFFFFF  }
0xc3: {  	_ =	shalt  }
tec
execute0_lowered:
.L_overlay_start_1:
0x0: {  	(tag) =	ssettag $0x1  }
0x1: {  	s0 =	srdreg.scid  }
0x2: {  	s6 =	stileid.u32;
	s3 =	rddreg [dreg:$0x0]  }
0x3: {  	s1 =	rddreg [dreg:$0x1];
	s2 =	simm.s32 $0x0;
	s9 =	simm.s32 $0x1000  }
0x4: {  	s10 =	simm.s32 $0x1;
	s4 =	sand.u32 $0x1, s0;
	s5 =	smul.u32 $0x60000, s6  }
0x5: {  	s11 =	simm.s32 $0x0;
	s0 =	rddreg [dreg:$0x2];
	s7 =	smul.u32 $0x30000, s4  }
0x6: {  	[smem:$0x7FF] =	sst s2;
	p0 =	sne.s32 s6, $0x0;
	s4 =	ssub.s32 $0x2, s4  }
0x7: {  	_ =	strace $0x8000004A;
	s31 =	sshrl.u32 s4, $0x1;
	s5 =	sadd.s32 s7, s5  }
0x8: {  	s4 =	ssub.s32 s4, s31;
	s7 =	sshrl.u32 @!p0 s1, $0x3;
	s5 =	sshrl.u32 s5, $0x3  }
0x9: {  	s4 =	smax.u32 s4, $0x1;
	s8 =	sadd.s32 s5, s3;
	s3 =	sadd.s32 $0xC00, s3  }
0xa: {  	s5 =	sadd.s32 $0xD0C00, s8;
	s6 =	sadd.s32 $0x10C00, s8;
	s8 =	simm.s32 $0x2  }
.LBB2_1:
0xb: {  	s12 =	simm.s32 @!p0 $0x1C02  }
0xc: {  	[spmem:s7], [sflag:s12] =	dma.local @!p0 [hbm:s3], $0x10000  }
0xd: {  	s12 =	simm.s32 @!p0 $0x2  }
0xe: {  	_ =	swait.ge @!p0 [sflag:s12], $0x10000  }
0xf: {  	[sflag:s12] =	ssyncset.done @!p0 $0x0  }
0x10: {  	[sflag:s12] =	ssyncadd.s32 @!p0 $0xFFFF0000  }
0x11: {  	s30 =	sadd.s32 $0x0, s6;
	[bflag:$0x0] =	sbarrier.arrive $0xFFFF  }
0x12: {  	[tilespmem:s2], [sflag:$0x2] =	stream.linear.gather [hbm4b:s30+s2], $0x1000, $0x38;
	[tilespmem:$0xA000] =	vst v63  }
0x13: {  	_ =	swait.ge [sflag:s8], $0x1000  }
0x14: {  	[sflag:s8] =	ssyncset.done $0x0  }
0x15: {  	[sflag:s8] =	ssyncadd.s32 $0xFFFFF000  }
0x16: {  	[tilespmem:s9], [sflag:$0x1] =	stream.indirect.gather [spmem:s1], $0x1, s2, s9, $0xb8;
	[tilespmem:$0xA000] =	vst v63  }
0x17: {  	_ =	swait.ge [sflag:s10], $0x1000  }
0x18: {  	[sflag:s10] =	ssyncset.done $0x0  }
0x19: {  	s31 =	sadd.s32 $0x0, s5;
	[sflag:s10] =	ssyncadd.s32 $0xFFFFF000  }
0x1a: {  	[hbm4b:s31+s2] =	stream.linear.scatter [tilespmem:s9], [sflag:$0x2], $0x1000, $0x38;
	[tilespmem:$0xA000] =	vst v63  }
0x1b: {  	_ =	swait.ge [sflag:s8], $0x1000  }
0x1c: {  	s13 =	simm.s32 $0x400;
	s12 =	simm.s32 $0x200;
	[sflag:s8] =	ssyncset.done $0x0  }
.LBB2_2:
0x1d: {  	s14 =	sadd.s32 s12, s6  }
0x1e: {  	[sflag:s8] =	ssyncadd.s32 $0xFFFFF000;
	s15 =	smov.u32 s13;
	s16 =	sadd.s32 $0x200, s13  }
0x1f: {  	[tilespmem:s2], [sflag:$0x2] =	stream.linear.gather [hbm4b:s14+s2], $0x1000, $0x38;
	[tilespmem:$0xA000] =	vst v63  }
0x20: {  	p1 =	sne.s32 s13, $0x5E00;
	_ =	swait.ge [sflag:s8], $0x1000  }
0x21: {  	[sflag:s8] =	ssyncset.done $0x0  }
0x22: {  	[sflag:s8] =	ssyncadd.s32 $0xFFFFF000  }
0x23: {  	[tilespmem:s9], [sflag:$0x1] =	stream.indirect.gather [spmem:s1], $0x1, s2, s9, $0xb8;
	[tilespmem:$0xA000] =	vst v63  }
0x24: {  	_ =	swait.ge [sflag:s10], $0x1000  }
.Ltmp0:
0x25: {  	[sflag:s10] =	ssyncset.done $0x0;
	(pc) =	sbr.rel @p1 .LBB2_2-.Ltmp0, $4  }
0x26: {  	s13 =	sadd.s32 s12, s5;
	s12 =	smov.u32 s15;
	[sflag:s10] =	ssyncadd.s32 $0xFFFFF000  }
0x27: {  	[hbm4b:s13+s2] =	stream.linear.scatter [tilespmem:s9], [sflag:$0x2], $0x1000, $0x38;
	[tilespmem:$0xA000] =	vst v63  }
0x28: {  	_ =	swait.ge [sflag:s8], $0x1000  }
0x29: {  	s13 =	smov.u32 s16;
	[sflag:s8] =	ssyncset.done $0x0  }
0x2a: {  	s13 =	sadd.s32 s12, s6;
	[sflag:s8] =	ssyncadd.s32 $0xFFFFF000  }
0x2b: {  	[tilespmem:s2], [sflag:$0x2] =	stream.linear.gather [hbm4b:s13+s2], $0x1000, $0x38;
	[tilespmem:$0xA000] =	vst v63  }
0x2c: {  	_ =	swait.ge [sflag:s8], $0x1000  }
0x2d: {  	[sflag:s8] =	ssyncset.done $0x0  }
0x2e: {  	[sflag:s8] =	ssyncadd.s32 $0xFFFFF000  }
0x2f: {  	[tilespmem:s9], [sflag:$0x1] =	stream.indirect.gather [spmem:s1], $0x1, s2, s9, $0xb8;
	[tilespmem:$0xA000] =	vst v63  }
0x30: {  	s11 =	sadd.s32 $0x1, s11;
	_ =	swait.ge [sflag:s10], $0x1000  }
0x31: {  	p1 =	sne.s32 s11, s4;
	[sflag:s10] =	ssyncset.done $0x0  }
.Ltmp1:
0x32: {  	s31 =	sadd.s32 s12, s5;
	[sflag:s10] =	ssyncadd.s32 $0xFFFFF000;
	(pc) =	sbr.rel @p1 .LBB2_1-.Ltmp1, $4  }
0x33: {  	[hbm4b:s31+s2] =	stream.linear.scatter [tilespmem:s9], [sflag:$0x2], $0x1000, $0x38;
	[tilespmem:$0xA000] =	vst v63  }
0x34: {  	_ =	swait.ge [sflag:s8], $0x1000  }
0x35: {  	[sflag:s8] =	ssyncset.done $0x0  }
0x36: {  	[sflag:s8] =	ssyncadd.s32 $0xFFFFF000  }
0x37: {  	_ =	sfence.sel $0x180000  }
0x38: {  	[bflag:$0x0] =	sbarrier.arrive $0xFFFF  }
0x39: {  	_ =	strace $0x9000004A  }
0x3a: {  	s0 =	sadd.s32 @!p0 $0x100000, s0;
	[bflag:$0x2] =	sbarrier.arrive $0xFFFF  }
0x3b: {  	[sflag:s0] =	ssyncadd.tile.s32 @!p0 $0x1;
	_ =	shalt  }
.Lfunc_end2:
_tile_overlayer_lowered:
.L_overlay_start_2:
0x3c: {  	(tag) =	ssettag $0x2  }
0x3d: {  	s0 =	rddreg [dreg:$0x0];
	s2 =	stileid.u32  }
0x3e: {  	s1 =	rddreg [dreg:$0x1];
	p0 =	sne.s32 s2, $0x0  }
0x3f: {  	s3 =	rddreg [dreg:$0x2];
	[bflag:$0x3] =	sbarrier.arrive $0xFFFF;
	s2 =	simm.s32 @!p0 $0x1C02  }
0x40: {  	[timem:s3], [sflag:s2] =	dma.local @!p0 [hbm:s0], s1  }
0x41: {  	s0 =	simm.s32 @!p0 $0x2  }
0x42: {  	_ =	swait.ge @!p0 [sflag:s0], s1  }
0x43: {  	s1 =	ssub.s32 @!p0 $0x0, s1;
	[sflag:s0] =	ssyncset.done @!p0 $0x0  }
0x44: {  	[sflag:s0] =	ssyncadd.s32 @!p0 s1  }
0x45: {  	[bflag:$0x3] =	sbarrier.arrive $0xFFFF  }
0x46: {  	_ =	shalt  }

</sc_bundles>
